<compile_context>
chip_gen: v7x
topology: tpu7x:2x2x1
jax: 0.10.2.dev20260603
libtpu: 0.0.44.dev20260713+nightly
codegen_flags: <defaults>
</compile_context>

<pallas_src>
import jax
import jax.numpy as jnp
from jax import lax
from jax.experimental import pallas as pl
from jax.experimental.pallas import tpu as pltpu
from jax.experimental.pallas import tpu_sc as plsc

B, D, S = 4, 2048, 4096
D_BLK = 128
S_BLK = 128
BG = 2
N_D_CHUNKS = D // D_BLK
N_S_TILES = S // S_BLK // 2
N_VEC = S_BLK // 16
N_ITEMS = N_S_TILES * (B // BG)


def _sc_body(x_hbm, pos_hbm, scale_hbm, out_hbm,
             pos_v0, pos_v1, post_v, x_v0, x_v1, scale_v,
             ldp0, ldp1, ldx0, ldx1, st0, st1):
    pos_bufs = (pos_v0, pos_v1)
    x_bufs = (x_v0, x_v1)
    ldp = (ldp0, ldp1)
    ldx = (ldx0, ldx1)
    st = (st0, st1)

    wid = lax.axis_index("s") * 2 + lax.axis_index("c")
    dchunk = lax.rem(wid, N_D_CHUNKS)
    sgroup = wid // N_D_CHUNKS
    d0 = dchunk * D_BLK
    s_base = sgroup * N_S_TILES * S_BLK
    pltpu.sync_copy(scale_hbm.at[pl.ds(d0, D_BLK)], scale_v)
    iota = lax.iota(jnp.int32, 16)
    c16 = jnp.full((16,), 16, jnp.int32)

    def x_slice(t, g):
        s0 = s_base + t * S_BLK
        return (pl.ds(BG * g, BG), pl.ds(d0, D_BLK), pl.ds(s0, S_BLK))

    def start_loads(t, g, xslot, pslot, with_pos):
        if with_pos:
            s0 = s_base + t * S_BLK
            pltpu.make_async_copy(
                pos_hbm.at[pl.ds(s0, S_BLK), pl.ds(d0, D_BLK)],
                pos_bufs[pslot], ldp[pslot]).start()
        pltpu.make_async_copy(
            x_hbm.at[x_slice(t, g)], x_bufs[xslot], ldx[xslot]).start()

    def wait_loads(t, g, xslot, pslot, with_pos):
        if with_pos:
            s0 = s_base + t * S_BLK
            pltpu.make_async_copy(
                pos_hbm.at[pl.ds(s0, S_BLK), pl.ds(d0, D_BLK)],
                pos_bufs[pslot], ldp[pslot]).wait()
        pltpu.make_async_copy(
            x_hbm.at[x_slice(t, g)], x_bufs[xslot], ldx[xslot]).wait()

    def start_store(t, g, xslot):
        pltpu.make_async_copy(
            x_bufs[xslot], out_hbm.at[x_slice(t, g)], st[xslot]).start()

    def wait_store(t, g, xslot):
        pltpu.make_async_copy(
            x_bufs[xslot], out_hbm.at[x_slice(t, g)], st[xslot]).wait()

    def transpose_pos(pslot):
        pos_ref = pos_bufs[pslot]

        def d16_body(d16, carry):
            base_d = d16 * 16
            scv = scale_v[pl.ds(base_d, 16)]
            dlane = iota + jnp.full((16,), base_d, jnp.int32)

            @plsc.parallel_loop(0, 16, 1, unroll=2)
            def h_body(h):
                rot = lax.rem(iota + jnp.full((16,), h, jnp.int32), c16)
                for j in range(N_VEC):
                    srow = rot + jnp.full((16,), j * 16, jnp.int32)
                    pv = plsc.load_gather(pos_ref, [srow, dlane])
                    plsc.store_scatter(post_v, [dlane, srow], pv * scv)

            return carry

        lax.fori_loop(0, D_BLK // 16, d16_body, 0)

    def add_pass(xslot):
        x_ref = x_bufs[xslot]

        @plsc.parallel_loop(0, D_BLK, 1, unroll=4)
        def d_row(d):
            prow = [post_v[d, pl.ds(16 * j, 16)] for j in range(N_VEC)]
            for bb in range(BG):
                for j in range(N_VEC):
                    sl = pl.ds(16 * j, 16)
                    x_ref[bb, d, sl] = x_ref[bb, d, sl] + prow[j]

    start_loads(0, 0, 0, 0, True)

    def step(k, carry):
        for r in range(4):
            t = 2 * k + (r // 2)
            g = r % 2
            xs = r % 2
            ps = r // 2
            if r == 0:
                @pl.when(k > 0)
                def _():
                    wait_store(2 * k - 1, 1, 1)
            else:
                pt = 2 * k + ((r - 1) // 2)
                wait_store(pt, (r - 1) % 2, (r - 1) % 2)
            if r < 3:
                nt = 2 * k + ((r + 1) // 2)
                start_loads(nt, (r + 1) % 2, (r + 1) % 2, (r + 1) // 2,
                            with_pos=((r + 1) % 2 == 0))
            else:
                @pl.when(k < N_ITEMS // 4 - 1)
                def _():
                    start_loads(2 * k + 2, 0, 0, 0, True)
            wait_loads(t, g, xs, ps, with_pos=(g == 0))
            if g == 0:
                transpose_pos(ps)
            add_pass(xs)
            start_store(t, g, xs)
        return carry

    lax.fori_loop(0, N_ITEMS // 4, step, 0)
    wait_store(2 * (N_ITEMS // 4) - 1, 1, 1)


def kernel(x, adj_inp, cheb_polynomials, L_tilde, pos_table, scale):
    x3 = x.reshape(B, D, S)
    scale1 = scale.reshape(D)
    mesh = plsc.VectorSubcoreMesh(core_axis_name="c", subcore_axis_name="s")
    run = pl.kernel(
        _sc_body,
        mesh=mesh,
        compiler_params=pltpu.CompilerParams(needs_layout_passes=False),
        out_type=jax.ShapeDtypeStruct((B, D, S), jnp.float32),
        scratch_types=[
            pltpu.VMEM((S_BLK, D_BLK), jnp.float32),
            pltpu.VMEM((S_BLK, D_BLK), jnp.float32),
            pltpu.VMEM((D_BLK, S_BLK), jnp.float32),
            pltpu.VMEM((BG, D_BLK, S_BLK), jnp.float32),
            pltpu.VMEM((BG, D_BLK, S_BLK), jnp.float32),
            pltpu.VMEM((D_BLK,), jnp.float32),
            pltpu.SemaphoreType.DMA,
            pltpu.SemaphoreType.DMA,
            pltpu.SemaphoreType.DMA,
            pltpu.SemaphoreType.DMA,
            pltpu.SemaphoreType.DMA,
            pltpu.SemaphoreType.DMA,
        ],
    )
    out = run(x3, pos_table, scale1)
    return out.reshape(B, D, S, 1)

# --- scband reference (transcript-rebuilt; emitter-appended) ---
"""Pipeline reference for scband-learnable-positional-encoding-30279519437078 (READ-ONLY COPY).

The authoritative reference and input builder live on the scoring server;
editing this copy changes nothing except your own understanding.
"""

import jax, jax.numpy as jnp
import numpy as np

MAX_LENGTH = 4096
EMBED_DIM = 2048
TABLE_ROWS = MAX_LENGTH + 93
B, D, S = 4, 2048, 4096


def setup_inputs(seed: int = 0) -> dict:
    key = jax.random.key(seed)
    k1, k2, k3 = jax.random.split(key, 3)
    x = jax.random.normal(k1, (B, D, S, 1), dtype=jnp.float32)
    adj_inp = jnp.zeros((128, 128), dtype=jnp.float32)
    cheb_polynomials = jnp.zeros((3, 128, 128), dtype=jnp.float32)
    L_tilde = jnp.zeros((128, 128), dtype=jnp.float32)
    pos_table = jax.random.normal(k2, (TABLE_ROWS, EMBED_DIM), dtype=jnp.float32)
    scale = jnp.ones((1, 1, EMBED_DIM), dtype=jnp.float32)
    return {
        "x": x,
        "adj_inp": adj_inp,
        "cheb_polynomials": cheb_polynomials,
        "L_tilde": L_tilde,
        "pos_table": pos_table,
        "scale": scale,
    }


def reference(x, adj_inp, cheb_polynomials, L_tilde, pos_table, scale):
    # x: [B, D, S, 1] -> squeeze(3) -> [B, D, S] -> permute(0,2,1) -> [B, S, D]
    x2 = jnp.transpose(jnp.squeeze(x, axis=3), (0, 2, 1))
    batch_size, seq_len, input_dim = x2.shape
    positions = jnp.broadcast_to(jnp.arange(seq_len)[None, :], (batch_size, seq_len))
    pos_embedding = jnp.take(pos_table, positions, axis=0)  # [B, S, D] embedding lookup
    encoded_x = x2 + scale * pos_embedding
    encoded_x = jnp.expand_dims(jnp.transpose(encoded_x, (0, 2, 1)), axis=3)
    return encoded_x

if __name__ == "__main__":
    import jax
    _d = setup_inputs()
    print(jax.jit(kernel)(*tuple(_d.values())))

</pallas_src>

<mosaic_0001>
#map = affine_map<(d0, d1) -> (0, 0, 0)>
#map1 = affine_map<(d0, d1) -> (0, 0)>
#map2 = affine_map<(d0, d1) -> (0)>
module attributes {stable_mosaic.version = 14 : i64} {
  func.func @_sc_body(%arg0: i32, %arg1: i32, %arg2: memref<4x2048x4096xf32, #tpu.memory_space<hbm>>, %arg3: memref<4189x2048xf32, #tpu.memory_space<hbm>>, %arg4: memref<2048xf32, #tpu.memory_space<hbm>>, %arg5: memref<4x2048x4096xf32, #tpu.memory_space<hbm>>, %arg6: memref<128x128xf32, #tpu.memory_space<vmem>>, %arg7: memref<128x128xf32, #tpu.memory_space<vmem>>, %arg8: memref<128x128xf32, #tpu.memory_space<vmem>>, %arg9: memref<2x128x128xf32, #tpu.memory_space<vmem>>, %arg10: memref<2x128x128xf32, #tpu.memory_space<vmem>>, %arg11: memref<128xf32, #tpu.memory_space<vmem>>, %arg12: memref<!tpu.dma_semaphore, #tpu.memory_space<semaphore_mem>>, %arg13: memref<!tpu.dma_semaphore, #tpu.memory_space<semaphore_mem>>, %arg14: memref<!tpu.dma_semaphore, #tpu.memory_space<semaphore_mem>>, %arg15: memref<!tpu.dma_semaphore, #tpu.memory_space<semaphore_mem>>, %arg16: memref<!tpu.dma_semaphore, #tpu.memory_space<semaphore_mem>>, %arg17: memref<!tpu.dma_semaphore, #tpu.memory_space<semaphore_mem>>) attributes {dimension_semantics = [#tpu.dimension_semantics<core_parallel>, #tpu.dimension_semantics<subcore_parallel>], iteration_bounds = array<i64: 2, 16>, scalar_prefetch = 0 : i64, scratch_operands = 12 : i64, tpu.core_type = #tpu.core_type<sc_vector_subcore>, window_params = [{transform_indices = #map}, {transform_indices = #map1}, {transform_indices = #map2}, {transform_indices = #map}]} {
    %mul3A = arith.constant 2 : i32
    %mul3A_0 = arith.muli %arg1, %mul3A : i32
    %add3A = arith.addi %mul3A_0, %arg0 : i32
    %rem3A = arith.constant 16 : i32
    %rem3A_1 = arith.remsi %add3A, %rem3A : i32
    %jit3A = arith.constant 16 : i32
    %div3A = arith.divsi %add3A, %jit3A : i32
    %sign3A = arith.constant 0 : i32
    %sign3A_2 = arith.cmpi sgt, %add3A, %sign3A : i32
    %sign3A_3 = arith.extui %sign3A_2 : i1 to i32
    %sign3A_4 = arith.constant 0 : i32
    %sign3A_5 = arith.cmpi slt, %add3A, %sign3A_4 : i32
    %sign3A_6 = arith.extui %sign3A_5 : i1 to i32
    %sign3A_7 = arith.subi %sign3A_3, %sign3A_6 : i32
    %sign3A_8 = arith.constant 0 : i32
    %sign3A_9 = arith.cmpi sgt, %jit3A, %sign3A_8 : i32
    %sign3A_10 = arith.extui %sign3A_9 : i1 to i32
    %sign3A_11 = arith.constant 0 : i32
    %sign3A_12 = arith.cmpi slt, %jit3A, %sign3A_11 : i32
    %sign3A_13 = arith.extui %sign3A_12 : i1 to i32
    %sign3A_14 = arith.subi %sign3A_10, %sign3A_13 : i32
    %ne3A = arith.cmpi ne, %sign3A_7, %sign3A_14 : i32
    %rem3A_15 = arith.remsi %add3A, %jit3A : i32
    %ne3A_16 = arith.constant 0 : i32
    %ne3A_17 = arith.cmpi ne, %rem3A_15, %ne3A_16 : i32
    %and3A = arith.andi %ne3A, %ne3A_17 : i1
    %sub3A = arith.constant 1 : i32
    %sub3A_18 = arith.subi %div3A, %sub3A : i32
    %select_n3A = arith.select %and3A, %sub3A_18, %div3A : i32
    %mul3A_19 = arith.constant 128 : i32
    %mul3A_20 = arith.muli %rem3A_1, %mul3A_19 : i32
    %mul3A_21 = arith.constant 16 : i32
    %mul3A_22 = arith.muli %select_n3A, %mul3A_21 : i32
    %mul3A_23 = arith.constant 128 : i32
    %mul3A_24 = arith.muli %mul3A_22, %mul3A_23 : i32
    "tpu.region"() ({
      %run_scoped3A = tpu.sem_alloc : memref<!tpu.dma_semaphore, #tpu.memory_space<semaphore_mem>>
      %dma_start3A_45 = tpu.memref_slice %arg4[%mul3A_20] : memref<2048xf32, #tpu.memory_space<hbm>> -> memref<128xf32, #tpu.memory_space<hbm>>
      %dma_start3A_46 = tpu.memref_slice %arg4[%mul3A_20] : memref<2048xf32, #tpu.memory_space<hbm>> -> memref<128xf32, #tpu.memory_space<hbm>>
      tpu.enqueue_dma source(%dma_start3A_46 : memref<128xf32, #tpu.memory_space<hbm>>) target(%arg11 : memref<128xf32, #tpu.memory_space<vmem>>) target_semaphore(%run_scoped3A : memref<!tpu.dma_semaphore, #tpu.memory_space<semaphore_mem>>)
      %dma_wait3A_47 = tpu.memref_slice %arg4[%mul3A_20] : memref<2048xf32, #tpu.memory_space<hbm>> -> memref<128xf32, #tpu.memory_space<hbm>>
      %dma_wait3A_48 = tpu.memref_slice %arg4[%mul3A_20] : memref<2048xf32, #tpu.memory_space<hbm>> -> memref<128xf32, #tpu.memory_space<hbm>>
      tpu.wait_dma2 semaphore(%run_scoped3A : memref<!tpu.dma_semaphore, #tpu.memory_space<semaphore_mem>>) src(%dma_wait3A_48 : memref<128xf32, #tpu.memory_space<hbm>>) dst(%arg11 : memref<128xf32, #tpu.memory_space<vmem>>)
      tpu.yield
    }) : () -> ()
    %iota3A = tpu.iota {dimensions = array<i32: 0>} : vector<16xi32>
    %broadcast_in_dim3A = arith.constant 16 : i32
    %broadcast_in_dim3A_25 = vector.broadcast %broadcast_in_dim3A : i32 to vector<16xi32>
    %add3A_26 = arith.constant 0 : i32
    %add3A_27 = arith.addi %mul3A_24, %add3A_26 : i32
    %dma_start3A = tpu.memref_slice %arg3[%add3A_27, %mul3A_20] : memref<4189x2048xf32, #tpu.memory_space<hbm>> -> memref<128x128xf32, #tpu.memory_space<hbm>>
    %dma_start3A_28 = tpu.memref_slice %arg3[%add3A_27, %mul3A_20] : memref<4189x2048xf32, #tpu.memory_space<hbm>> -> memref<128x128xf32, #tpu.memory_space<hbm>>
    tpu.enqueue_dma source(%dma_start3A_28 : memref<128x128xf32, #tpu.memory_space<hbm>>) target(%arg6 : memref<128x128xf32, #tpu.memory_space<vmem>>) target_semaphore(%arg12 : memref<!tpu.dma_semaphore, #tpu.memory_space<semaphore_mem>>)
    %add3A_29 = arith.constant 0 : i32
    %add3A_30 = arith.addi %mul3A_24, %add3A_29 : i32
    %dma_start3A_31 = arith.constant 0 : i32
    %dma_start3A_32 = tpu.memref_slice %arg2[%dma_start3A_31, %mul3A_20, %add3A_30] : memref<4x2048x4096xf32, #tpu.memory_space<hbm>> -> memref<2x128x128xf32, #tpu.memory_space<hbm>>
    %dma_start3A_33 = arith.constant 0 : i32
    %dma_start3A_34 = tpu.memref_slice %arg2[%dma_start3A_33, %mul3A_20, %add3A_30] : memref<4x2048x4096xf32, #tpu.memory_space<hbm>> -> memref<2x128x128xf32, #tpu.memory_space<hbm>>
    tpu.enqueue_dma source(%dma_start3A_34 : memref<2x128x128xf32, #tpu.memory_space<hbm>>) target(%arg9 : memref<2x128x128xf32, #tpu.memory_space<vmem>>) target_semaphore(%arg14 : memref<!tpu.dma_semaphore, #tpu.memory_space<semaphore_mem>>)
    %scan3A = arith.constant 0 : i32
    %scan3A_35 = arith.constant 0 : i32
    %scan3A_36 = arith.constant 8 : i32
    %scan3A_37 = arith.addi %scan3A_35, %scan3A_36 : i32
    %scan3A_38 = arith.constant 1 : i32
    scf.for %scan3A_45 = %scan3A_35 to %scan3A_37 step %scan3A_38  : i32 {
      %mul3A_46 = arith.constant 2 : i32
      %mul3A_47 = arith.muli %mul3A_46, %scan3A_45 : i32
      %add3A_48 = arith.constant 0 : i32
      %add3A_49 = arith.addi %mul3A_47, %add3A_48 : i32
      %gt3A = arith.constant 0 : i32
      %gt3A_50 = arith.cmpi sgt, %scan3A_45, %gt3A : i32
      %convert_element_type3A = arith.extui %gt3A_50 : i1 to i32
      %cond3A = arith.constant 0 : i32
      %cond3A_51 = arith.cmpi ne, %convert_element_type3A, %cond3A : i32
      scf.if %cond3A_51 {
        %mul3A_228 = arith.constant 2 : i32
        %mul3A_229 = arith.muli %mul3A_228, %scan3A_45 : i32
        %sub3A_230 = arith.constant 1 : i32
        %sub3A_231 = arith.subi %mul3A_229, %sub3A_230 : i32
        %mul3A_232 = arith.constant 128 : i32
        %mul3A_233 = arith.muli %sub3A_231, %mul3A_232 : i32
        %add3A_234 = arith.addi %mul3A_24, %mul3A_233 : i32
        %dma_wait3A_235 = arith.constant 2 : i32
        %dma_wait3A_236 = tpu.memref_slice %arg5[%dma_wait3A_235, %mul3A_20, %add3A_234] : memref<4x2048x4096xf32, #tpu.memory_space<hbm>> -> memref<2x128x128xf32, #tpu.memory_space<hbm>>
        %dma_wait3A_237 = arith.constant 2 : i32
        %dma_wait3A_238 = tpu.memref_slice %arg5[%dma_wait3A_237, %mul3A_20, %add3A_234] : memref<4x2048x4096xf32, #tpu.memory_space<hbm>> -> memref<2x128x128xf32, #tpu.memory_space<hbm>>
        tpu.wait_dma2 semaphore(%arg17 : memref<!tpu.dma_semaphore, #tpu.memory_space<semaphore_mem>>) src(%arg10 : memref<2x128x128xf32, #tpu.memory_space<vmem>>) dst(%dma_wait3A_238 : memref<2x128x128xf32, #tpu.memory_space<hbm>>)
      } else {
      }
      %mul3A_52 = arith.constant 2 : i32
      %mul3A_53 = arith.muli %mul3A_52, %scan3A_45 : i32
      %add3A_54 = arith.constant 0 : i32
      %add3A_55 = arith.addi %mul3A_53, %add3A_54 : i32
      %mul3A_56 = arith.constant 128 : i32
      %mul3A_57 = arith.muli %add3A_55, %mul3A_56 : i32
      %add3A_58 = arith.addi %mul3A_24, %mul3A_57 : i32
      %dma_start3A_59 = arith.constant 2 : i32
      %dma_start3A_60 = tpu.memref_slice %arg2[%dma_start3A_59, %mul3A_20, %add3A_58] : memref<4x2048x4096xf32, #tpu.memory_space<hbm>> -> memref<2x128x128xf32, #tpu.memory_space<hbm>>
      %dma_start3A_61 = arith.constant 2 : i32
      %dma_start3A_62 = tpu.memref_slice %arg2[%dma_start3A_61, %mul3A_20, %add3A_58] : memref<4x2048x4096xf32, #tpu.memory_space<hbm>> -> memref<2x128x128xf32, #tpu.memory_space<hbm>>
      tpu.enqueue_dma source(%dma_start3A_62 : memref<2x128x128xf32, #tpu.memory_space<hbm>>) target(%arg10 : memref<2x128x128xf32, #tpu.memory_space<vmem>>) target_semaphore(%arg15 : memref<!tpu.dma_semaphore, #tpu.memory_space<semaphore_mem>>)
      %mul3A_63 = arith.constant 128 : i32
      %mul3A_64 = arith.muli %add3A_49, %mul3A_63 : i32
      %add3A_65 = arith.addi %mul3A_24, %mul3A_64 : i32
      %dma_wait3A_66 = tpu.memref_slice %arg3[%add3A_65, %mul3A_20] : memref<4189x2048xf32, #tpu.memory_space<hbm>> -> memref<128x128xf32, #tpu.memory_space<hbm>>
      %dma_wait3A_67 = tpu.memref_slice %arg3[%add3A_65, %mul3A_20] : memref<4189x2048xf32, #tpu.memory_space<hbm>> -> memref<128x128xf32, #tpu.memory_space<hbm>>
      tpu.wait_dma2 semaphore(%arg12 : memref<!tpu.dma_semaphore, #tpu.memory_space<semaphore_mem>>) src(%dma_wait3A_67 : memref<128x128xf32, #tpu.memory_space<hbm>>) dst(%arg6 : memref<128x128xf32, #tpu.memory_space<vmem>>)
      %mul3A_68 = arith.constant 128 : i32
      %mul3A_69 = arith.muli %add3A_49, %mul3A_68 : i32
      %add3A_70 = arith.addi %mul3A_24, %mul3A_69 : i32
      %dma_wait3A_71 = arith.constant 0 : i32
      %dma_wait3A_72 = tpu.memref_slice %arg2[%dma_wait3A_71, %mul3A_20, %add3A_70] : memref<4x2048x4096xf32, #tpu.memory_space<hbm>> -> memref<2x128x128xf32, #tpu.memory_space<hbm>>
      %dma_wait3A_73 = arith.constant 0 : i32
      %dma_wait3A_74 = tpu.memref_slice %arg2[%dma_wait3A_73, %mul3A_20, %add3A_70] : memref<4x2048x4096xf32, #tpu.memory_space<hbm>> -> memref<2x128x128xf32, #tpu.memory_space<hbm>>
      tpu.wait_dma2 semaphore(%arg14 : memref<!tpu.dma_semaphore, #tpu.memory_space<semaphore_mem>>) src(%dma_wait3A_74 : memref<2x128x128xf32, #tpu.memory_space<hbm>>) dst(%arg9 : memref<2x128x128xf32, #tpu.memory_space<vmem>>)
      %scan3A_75 = arith.constant 0 : i32
      %scan3A_76 = arith.constant 0 : i32
      %scan3A_77 = arith.constant 8 : i32
      %scan3A_78 = arith.addi %scan3A_76, %scan3A_77 : i32
      %scan3A_79 = arith.constant 1 : i32
      scf.for %scan3A_228 = %scan3A_76 to %scan3A_78 step %scan3A_79  : i32 {
        %mul3A_229 = arith.constant 16 : i32
        %mul3A_230 = arith.muli %scan3A_228, %mul3A_229 : i32
        %get3A = arith.index_cast %mul3A_230 : i32 to index
        %get3A_231 = tpu.vector_load %arg11[%get3A] {strides = array<i32>} : memref<128xf32, #tpu.memory_space<vmem>>, vector<16xf32>,
        %broadcast_in_dim3A_232 = vector.broadcast %mul3A_230 : i32 to vector<16xi32>
        %add3A_233 = arith.addi %iota3A, %broadcast_in_dim3A_232 : vector<16xi32>
        %parallel_loop3A_234 = arith.constant 0 : i32
        %parallel_loop3A_235 = arith.constant 16 : i32
        %parallel_loop3A_236 = arith.constant 1 : i32
        scf.for %parallel_loop3A_237 = %parallel_loop3A_234 to %parallel_loop3A_235 step %parallel_loop3A_236  : i32 {
          %parallel_loop3A_238 = vector.broadcast %parallel_loop3A_237 : i32 to vector<16xi32>
          %parallel_loop3A_239 = arith.addi %iota3A, %parallel_loop3A_238 : vector<16xi32>
          %parallel_loop3A_240 = arith.remsi %parallel_loop3A_239, %broadcast_in_dim3A_25 : vector<16xi32>
          %parallel_loop3A_241 = arith.constant 0 : i32
          %parallel_loop3A_242 = vector.broadcast %parallel_loop3A_241 : i32 to vector<16xi32>
          %parallel_loop3A_243 = arith.addi %parallel_loop3A_240, %parallel_loop3A_242 : vector<16xi32>
          %parallel_loop3A_244 = tpu.vector_load_idx %arg6[%parallel_loop3A_243, %add3A_233] : memref<128x128xf32, #tpu.memory_space<vmem>>[vector<16xi32>, vector<16xi32>], vector<16xf32>,
          %parallel_loop3A_245 = arith.mulf %parallel_loop3A_244, %get3A_231 : vector<16xf32>
          tpu.vector_store_idx %arg8[%add3A_233, %parallel_loop3A_243], %parallel_loop3A_245 : memref<128x128xf32, #tpu.memory_space<vmem>>[vector<16xi32>, vector<16xi32>], vector<16xf32>,
          %parallel_loop3A_246 = arith.constant 16 : i32
          %parallel_loop3A_247 = vector.broadcast %parallel_loop3A_246 : i32 to vector<16xi32>
          %parallel_loop3A_248 = arith.addi %parallel_loop3A_240, %parallel_loop3A_247 : vector<16xi32>
          %parallel_loop3A_249 = tpu.vector_load_idx %arg6[%parallel_loop3A_248, %add3A_233] : memref<128x128xf32, #tpu.memory_space<vmem>>[vector<16xi32>, vector<16xi32>], vector<16xf32>,
          %parallel_loop3A_250 = arith.mulf %parallel_loop3A_249, %get3A_231 : vector<16xf32>
          tpu.vector_store_idx %arg8[%add3A_233, %parallel_loop3A_248], %parallel_loop3A_250 : memref<128x128xf32, #tpu.memory_space<vmem>>[vector<16xi32>, vector<16xi32>], vector<16xf32>,
          %parallel_loop3A_251 = arith.constant 32 : i32
          %parallel_loop3A_252 = vector.broadcast %parallel_loop3A_251 : i32 to vector<16xi32>
          %parallel_loop3A_253 = arith.addi %parallel_loop3A_240, %parallel_loop3A_252 : vector<16xi32>
          %parallel_loop3A_254 = tpu.vector_load_idx %arg6[%parallel_loop3A_253, %add3A_233] : memref<128x128xf32, #tpu.memory_space<vmem>>[vector<16xi32>, vector<16xi32>], vector<16xf32>,
          %parallel_loop3A_255 = arith.mulf %parallel_loop3A_254, %get3A_231 : vector<16xf32>
          tpu.vector_store_idx %arg8[%add3A_233, %parallel_loop3A_253], %parallel_loop3A_255 : memref<128x128xf32, #tpu.memory_space<vmem>>[vector<16xi32>, vector<16xi32>], vector<16xf32>,
          %parallel_loop3A_256 = arith.constant 48 : i32
          %parallel_loop3A_257 = vector.broadcast %parallel_loop3A_256 : i32 to vector<16xi32>
          %parallel_loop3A_258 = arith.addi %parallel_loop3A_240, %parallel_loop3A_257 : vector<16xi32>
          %parallel_loop3A_259 = tpu.vector_load_idx %arg6[%parallel_loop3A_258, %add3A_233] : memref<128x128xf32, #tpu.memory_space<vmem>>[vector<16xi32>, vector<16xi32>], vector<16xf32>,
          %parallel_loop3A_260 = arith.mulf %parallel_loop3A_259, %get3A_231 : vector<16xf32>
          tpu.vector_store_idx %arg8[%add3A_233, %parallel_loop3A_258], %parallel_loop3A_260 : memref<128x128xf32, #tpu.memory_space<vmem>>[vector<16xi32>, vector<16xi32>], vector<16xf32>,
          %parallel_loop3A_261 = arith.constant 64 : i32
          %parallel_loop3A_262 = vector.broadcast %parallel_loop3A_261 : i32 to vector<16xi32>
          %parallel_loop3A_263 = arith.addi %parallel_loop3A_240, %parallel_loop3A_262 : vector<16xi32>
          %parallel_loop3A_264 = tpu.vector_load_idx %arg6[%parallel_loop3A_263, %add3A_233] : memref<128x128xf32, #tpu.memory_space<vmem>>[vector<16xi32>, vector<16xi32>], vector<16xf32>,
          %parallel_loop3A_265 = arith.mulf %parallel_loop3A_264, %get3A_231 : vector<16xf32>
          tpu.vector_store_idx %arg8[%add3A_233, %parallel_loop3A_263], %parallel_loop3A_265 : memref<128x128xf32, #tpu.memory_space<vmem>>[vector<16xi32>, vector<16xi32>], vector<16xf32>,
          %parallel_loop3A_266 = arith.constant 80 : i32
          %parallel_loop3A_267 = vector.broadcast %parallel_loop3A_266 : i32 to vector<16xi32>
          %parallel_loop3A_268 = arith.addi %parallel_loop3A_240, %parallel_loop3A_267 : vector<16xi32>
          %parallel_loop3A_269 = tpu.vector_load_idx %arg6[%parallel_loop3A_268, %add3A_233] : memref<128x128xf32, #tpu.memory_space<vmem>>[vector<16xi32>, vector<16xi32>], vector<16xf32>,
          %parallel_loop3A_270 = arith.mulf %parallel_loop3A_269, %get3A_231 : vector<16xf32>
          tpu.vector_store_idx %arg8[%add3A_233, %parallel_loop3A_268], %parallel_loop3A_270 : memref<128x128xf32, #tpu.memory_space<vmem>>[vector<16xi32>, vector<16xi32>], vector<16xf32>,
          %parallel_loop3A_271 = arith.constant 96 : i32
          %parallel_loop3A_272 = vector.broadcast %parallel_loop3A_271 : i32 to vector<16xi32>
          %parallel_loop3A_273 = arith.addi %parallel_loop3A_240, %parallel_loop3A_272 : vector<16xi32>
          %parallel_loop3A_274 = tpu.vector_load_idx %arg6[%parallel_loop3A_273, %add3A_233] : memref<128x128xf32, #tpu.memory_space<vmem>>[vector<16xi32>, vector<16xi32>], vector<16xf32>,
          %parallel_loop3A_275 = arith.mulf %parallel_loop3A_274, %get3A_231 : vector<16xf32>
          tpu.vector_store_idx %arg8[%add3A_233, %parallel_loop3A_273], %parallel_loop3A_275 : memref<128x128xf32, #tpu.memory_space<vmem>>[vector<16xi32>, vector<16xi32>], vector<16xf32>,
          %parallel_loop3A_276 = arith.constant 112 : i32
          %parallel_loop3A_277 = vector.broadcast %parallel_loop3A_276 : i32 to vector<16xi32>
          %parallel_loop3A_278 = arith.addi %parallel_loop3A_240, %parallel_loop3A_277 : vector<16xi32>
          %parallel_loop3A_279 = tpu.vector_load_idx %arg6[%parallel_loop3A_278, %add3A_233] : memref<128x128xf32, #tpu.memory_space<vmem>>[vector<16xi32>, vector<16xi32>], vector<16xf32>,
          %parallel_loop3A_280 = arith.mulf %parallel_loop3A_279, %get3A_231 : vector<16xf32>
          tpu.vector_store_idx %arg8[%add3A_233, %parallel_loop3A_278], %parallel_loop3A_280 : memref<128x128xf32, #tpu.memory_space<vmem>>[vector<16xi32>, vector<16xi32>], vector<16xf32>,
        } {sc.loop_unroll_factor = 2 : i64, sc.parallel_access}
      }
      %scan3A_80 = arith.constant 8 : i32
      %parallel_loop3A = arith.constant 0 : i32
      %parallel_loop3A_81 = arith.constant 128 : i32
      %parallel_loop3A_82 = arith.constant 1 : i32
      scf.for %parallel_loop3A_228 = %parallel_loop3A to %parallel_loop3A_81 step %parallel_loop3A_82  : i32 {
        %parallel_loop3A_229 = arith.index_cast %parallel_loop3A_228 : i32 to index
        %parallel_loop3A_230 = arith.constant 0 : index
        %parallel_loop3A_231 = tpu.vector_load %arg8[%parallel_loop3A_229, %parallel_loop3A_230] {strides = array<i32>} : memref<128x128xf32, #tpu.memory_space<vmem>>, vector<16xf32>,
        %parallel_loop3A_232 = arith.index_cast %parallel_loop3A_228 : i32 to index
        %parallel_loop3A_233 = arith.constant 16 : index
        %parallel_loop3A_234 = tpu.vector_load %arg8[%parallel_loop3A_232, %parallel_loop3A_233] {strides = array<i32>} : memref<128x128xf32, #tpu.memory_space<vmem>>, vector<16xf32>,
        %parallel_loop3A_235 = arith.index_cast %parallel_loop3A_228 : i32 to index
        %parallel_loop3A_236 = arith.constant 32 : index
        %parallel_loop3A_237 = tpu.vector_load %arg8[%parallel_loop3A_235, %parallel_loop3A_236] {strides = array<i32>} : memref<128x128xf32, #tpu.memory_space<vmem>>, vector<16xf32>,
        %parallel_loop3A_238 = arith.index_cast %parallel_loop3A_228 : i32 to index
        %parallel_loop3A_239 = arith.constant 48 : index
        %parallel_loop3A_240 = tpu.vector_load %arg8[%parallel_loop3A_238, %parallel_loop3A_239] {strides = array<i32>} : memref<128x128xf32, #tpu.memory_space<vmem>>, vector<16xf32>,
        %parallel_loop3A_241 = arith.index_cast %parallel_loop3A_228 : i32 to index
        %parallel_loop3A_242 = arith.constant 64 : index
        %parallel_loop3A_243 = tpu.vector_load %arg8[%parallel_loop3A_241, %parallel_loop3A_242] {strides = array<i32>} : memref<128x128xf32, #tpu.memory_space<vmem>>, vector<16xf32>,
        %parallel_loop3A_244 = arith.index_cast %parallel_loop3A_228 : i32 to index
        %parallel_loop3A_245 = arith.constant 80 : index
        %parallel_loop3A_246 = tpu.vector_load %arg8[%parallel_loop3A_244, %parallel_loop3A_245] {strides = array<i32>} : memref<128x128xf32, #tpu.memory_space<vmem>>, vector<16xf32>,
        %parallel_loop3A_247 = arith.index_cast %parallel_loop3A_228 : i32 to index
        %parallel_loop3A_248 = arith.constant 96 : index
        %parallel_loop3A_249 = tpu.vector_load %arg8[%parallel_loop3A_247, %parallel_loop3A_248] {strides = array<i32>} : memref<128x128xf32, #tpu.memory_space<vmem>>, vector<16xf32>,
        %parallel_loop3A_250 = arith.index_cast %parallel_loop3A_228 : i32 to index
        %parallel_loop3A_251 = arith.constant 112 : index
        %parallel_loop3A_252 = tpu.vector_load %arg8[%parallel_loop3A_250, %parallel_loop3A_251] {strides = array<i32>} : memref<128x128xf32, #tpu.memory_space<vmem>>, vector<16xf32>,
        %parallel_loop3A_253 = arith.constant 0 : i32
        %parallel_loop3A_254 = arith.index_cast %parallel_loop3A_253 : i32 to index
        %parallel_loop3A_255 = arith.index_cast %parallel_loop3A_228 : i32 to index
        %parallel_loop3A_256 = arith.constant 0 : index
        %parallel_loop3A_257 = tpu.vector_load %arg9[%parallel_loop3A_254, %parallel_loop3A_255, %parallel_loop3A_256] {strides = array<i32>} : memref<2x128x128xf32, #tpu.memory_space<vmem>>, vector<16xf32>,
        %parallel_loop3A_258 = arith.addf %parallel_loop3A_257, %parallel_loop3A_231 : vector<16xf32>
        %parallel_loop3A_259 = arith.constant 0 : i32
        %parallel_loop3A_260 = arith.index_cast %parallel_loop3A_259 : i32 to index
        %parallel_loop3A_261 = arith.index_cast %parallel_loop3A_228 : i32 to index
        %parallel_loop3A_262 = arith.constant 0 : index
        %parallel_loop3A_263 = tpu.vector_load %arg9[%parallel_loop3A_260, %parallel_loop3A_261, %parallel_loop3A_262] {strides = array<i32>} : memref<2x128x128xf32, #tpu.memory_space<vmem>>, vector<16xf32>,
        tpu.vector_store %arg9[%parallel_loop3A_260, %parallel_loop3A_261, %parallel_loop3A_262], %parallel_loop3A_258 {strides = array<i32>} : memref<2x128x128xf32, #tpu.memory_space<vmem>>, vector<16xf32>,
        %parallel_loop3A_264 = arith.constant 0 : i32
        %parallel_loop3A_265 = arith.index_cast %parallel_loop3A_264 : i32 to index
        %parallel_loop3A_266 = arith.index_cast %parallel_loop3A_228 : i32 to index
        %parallel_loop3A_267 = arith.constant 16 : index
        %parallel_loop3A_268 = tpu.vector_load %arg9[%parallel_loop3A_265, %parallel_loop3A_266, %parallel_loop3A_267] {strides = array<i32>} : memref<2x128x128xf32, #tpu.memory_space<vmem>>, vector<16xf32>,
        %parallel_loop3A_269 = arith.addf %parallel_loop3A_268, %parallel_loop3A_234 : vector<16xf32>
        %parallel_loop3A_270 = arith.constant 0 : i32
        %parallel_loop3A_271 = arith.index_cast %parallel_loop3A_270 : i32 to index
        %parallel_loop3A_272 = arith.index_cast %parallel_loop3A_228 : i32 to index
        %parallel_loop3A_273 = arith.constant 16 : index
        %parallel_loop3A_274 = tpu.vector_load %arg9[%parallel_loop3A_271, %parallel_loop3A_272, %parallel_loop3A_273] {strides = array<i32>} : memref<2x128x128xf32, #tpu.memory_space<vmem>>, vector<16xf32>,
        tpu.vector_store %arg9[%parallel_loop3A_271, %parallel_loop3A_272, %parallel_loop3A_273], %parallel_loop3A_269 {strides = array<i32>} : memref<2x128x128xf32, #tpu.memory_space<vmem>>, vector<16xf32>,
        %parallel_loop3A_275 = arith.constant 0 : i32
        %parallel_loop3A_276 = arith.index_cast %parallel_loop3A_275 : i32 to index
        %parallel_loop3A_277 = arith.index_cast %parallel_loop3A_228 : i32 to index
        %parallel_loop3A_278 = arith.constant 32 : index
        %parallel_loop3A_279 = tpu.vector_load %arg9[%parallel_loop3A_276, %parallel_loop3A_277, %parallel_loop3A_278] {strides = array<i32>} : memref<2x128x128xf32, #tpu.memory_space<vmem>>, vector<16xf32>,
        %parallel_loop3A_280 = arith.addf %parallel_loop3A_279, %parallel_loop3A_237 : vector<16xf32>
        %parallel_loop3A_281 = arith.constant 0 : i32
        %parallel_loop3A_282 = arith.index_cast %parallel_loop3A_281 : i32 to index
        %parallel_loop3A_283 = arith.index_cast %parallel_loop3A_228 : i32 to index
        %parallel_loop3A_284 = arith.constant 32 : index
        %parallel_loop3A_285 = tpu.vector_load %arg9[%parallel_loop3A_282, %parallel_loop3A_283, %parallel_loop3A_284] {strides = array<i32>} : memref<2x128x128xf32, #tpu.memory_space<vmem>>, vector<16xf32>,
        tpu.vector_store %arg9[%parallel_loop3A_282, %parallel_loop3A_283, %parallel_loop3A_284], %parallel_loop3A_280 {strides = array<i32>} : memref<2x128x128xf32, #tpu.memory_space<vmem>>, vector<16xf32>,
        %parallel_loop3A_286 = arith.constant 0 : i32
        %parallel_loop3A_287 = arith.index_cast %parallel_loop3A_286 : i32 to index
        %parallel_loop3A_288 = arith.index_cast %parallel_loop3A_228 : i32 to index
        %parallel_loop3A_289 = arith.constant 48 : index
        %parallel_loop3A_290 = tpu.vector_load %arg9[%parallel_loop3A_287, %parallel_loop3A_288, %parallel_loop3A_289] {strides = array<i32>} : memref<2x128x128xf32, #tpu.memory_space<vmem>>, vector<16xf32>,
        %parallel_loop3A_291 = arith.addf %parallel_loop3A_290, %parallel_loop3A_240 : vector<16xf32>
        %parallel_loop3A_292 = arith.constant 0 : i32
        %parallel_loop3A_293 = arith.index_cast %parallel_loop3A_292 : i32 to index
        %parallel_loop3A_294 = arith.index_cast %parallel_loop3A_228 : i32 to index
        %parallel_loop3A_295 = arith.constant 48 : index
        %parallel_loop3A_296 = tpu.vector_load %arg9[%parallel_loop3A_293, %parallel_loop3A_294, %parallel_loop3A_295] {strides = array<i32>} : memref<2x128x128xf32, #tpu.memory_space<vmem>>, vector<16xf32>,
        tpu.vector_store %arg9[%parallel_loop3A_293, %parallel_loop3A_294, %parallel_loop3A_295], %parallel_loop3A_291 {strides = array<i32>} : memref<2x128x128xf32, #tpu.memory_space<vmem>>, vector<16xf32>,
        %parallel_loop3A_297 = arith.constant 0 : i32
        %parallel_loop3A_298 = arith.index_cast %parallel_loop3A_297 : i32 to index
        %parallel_loop3A_299 = arith.index_cast %parallel_loop3A_228 : i32 to index
        %parallel_loop3A_300 = arith.constant 64 : index
        %parallel_loop3A_301 = tpu.vector_load %arg9[%parallel_loop3A_298, %parallel_loop3A_299, %parallel_loop3A_300] {strides = array<i32>} : memref<2x128x128xf32, #tpu.memory_space<vmem>>, vector<16xf32>,
        %parallel_loop3A_302 = arith.addf %parallel_loop3A_301, %parallel_loop3A_243 : vector<16xf32>
        %parallel_loop3A_303 = arith.constant 0 : i32
        %parallel_loop3A_304 = arith.index_cast %parallel_loop3A_303 : i32 to index
        %parallel_loop3A_305 = arith.index_cast %parallel_loop3A_228 : i32 to index
        %parallel_loop3A_306 = arith.constant 64 : index
        %parallel_loop3A_307 = tpu.vector_load %arg9[%parallel_loop3A_304, %parallel_loop3A_305, %parallel_loop3A_306] {strides = array<i32>} : memref<2x128x128xf32, #tpu.memory_space<vmem>>, vector<16xf32>,
        tpu.vector_store %arg9[%parallel_loop3A_304, %parallel_loop3A_305, %parallel_loop3A_306], %parallel_loop3A_302 {strides = array<i32>} : memref<2x128x128xf32, #tpu.memory_space<vmem>>, vector<16xf32>,
        %parallel_loop3A_308 = arith.constant 0 : i32
        %parallel_loop3A_309 = arith.index_cast %parallel_loop3A_308 : i32 to index
        %parallel_loop3A_310 = arith.index_cast %parallel_loop3A_228 : i32 to index
        %parallel_loop3A_311 = arith.constant 80 : index
        %parallel_loop3A_312 = tpu.vector_load %arg9[%parallel_loop3A_309, %parallel_loop3A_310, %parallel_loop3A_311] {strides = array<i32>} : memref<2x128x128xf32, #tpu.memory_space<vmem>>, vector<16xf32>,
        %parallel_loop3A_313 = arith.addf %parallel_loop3A_312, %parallel_loop3A_246 : vector<16xf32>
        %parallel_loop3A_314 = arith.constant 0 : i32
        %parallel_loop3A_315 = arith.index_cast %parallel_loop3A_314 : i32 to index
        %parallel_loop3A_316 = arith.index_cast %parallel_loop3A_228 : i32 to index
        %parallel_loop3A_317 = arith.constant 80 : index
        %parallel_loop3A_318 = tpu.vector_load %arg9[%parallel_loop3A_315, %parallel_loop3A_316, %parallel_loop3A_317] {strides = array<i32>} : memref<2x128x128xf32, #tpu.memory_space<vmem>>, vector<16xf32>,
        tpu.vector_store %arg9[%parallel_loop3A_315, %parallel_loop3A_316, %parallel_loop3A_317], %parallel_loop3A_313 {strides = array<i32>} : memref<2x128x128xf32, #tpu.memory_space<vmem>>, vector<16xf32>,
        %parallel_loop3A_319 = arith.constant 0 : i32
        %parallel_loop3A_320 = arith.index_cast %parallel_loop3A_319 : i32 to index
        %parallel_loop3A_321 = arith.index_cast %parallel_loop3A_228 : i32 to index
        %parallel_loop3A_322 = arith.constant 96 : index
        %parallel_loop3A_323 = tpu.vector_load %arg9[%parallel_loop3A_320, %parallel_loop3A_321, %parallel_loop3A_322] {strides = array<i32>} : memref<2x128x128xf32, #tpu.memory_space<vmem>>, vector<16xf32>,
        %parallel_loop3A_324 = arith.addf %parallel_loop3A_323, %parallel_loop3A_249 : vector<16xf32>
        %parallel_loop3A_325 = arith.constant 0 : i32
        %parallel_loop3A_326 = arith.index_cast %parallel_loop3A_325 : i32 to index
        %parallel_loop3A_327 = arith.index_cast %parallel_loop3A_228 : i32 to index
        %parallel_loop3A_328 = arith.constant 96 : index
        %parallel_loop3A_329 = tpu.vector_load %arg9[%parallel_loop3A_326, %parallel_loop3A_327, %parallel_loop3A_328] {strides = array<i32>} : memref<2x128x128xf32, #tpu.memory_space<vmem>>, vector<16xf32>,
        tpu.vector_store %arg9[%parallel_loop3A_326, %parallel_loop3A_327, %parallel_loop3A_328], %parallel_loop3A_324 {strides = array<i32>} : memref<2x128x128xf32, #tpu.memory_space<vmem>>, vector<16xf32>,
        %parallel_loop3A_330 = arith.constant 0 : i32
        %parallel_loop3A_331 = arith.index_cast %parallel_loop3A_330 : i32 to index
        %parallel_loop3A_332 = arith.index_cast %parallel_loop3A_228 : i32 to index
        %parallel_loop3A_333 = arith.constant 112 : index
        %parallel_loop3A_334 = tpu.vector_load %arg9[%parallel_loop3A_331, %parallel_loop3A_332, %parallel_loop3A_333] {strides = array<i32>} : memref<2x128x128xf32, #tpu.memory_space<vmem>>, vector<16xf32>,
        %parallel_loop3A_335 = arith.addf %parallel_loop3A_334, %parallel_loop3A_252 : vector<16xf32>
        %parallel_loop3A_336 = arith.constant 0 : i32
        %parallel_loop3A_337 = arith.index_cast %parallel_loop3A_336 : i32 to index
        %parallel_loop3A_338 = arith.index_cast %parallel_loop3A_228 : i32 to index
        %parallel_loop3A_339 = arith.constant 112 : index
        %parallel_loop3A_340 = tpu.vector_load %arg9[%parallel_loop3A_337, %parallel_loop3A_338, %parallel_loop3A_339] {strides = array<i32>} : memref<2x128x128xf32, #tpu.memory_space<vmem>>, vector<16xf32>,
        tpu.vector_store %arg9[%parallel_loop3A_337, %parallel_loop3A_338, %parallel_loop3A_339], %parallel_loop3A_335 {strides = array<i32>} : memref<2x128x128xf32, #tpu.memory_space<vmem>>, vector<16xf32>,
        %parallel_loop3A_341 = arith.constant 1 : i32
        %parallel_loop3A_342 = arith.index_cast %parallel_loop3A_341 : i32 to index
        %parallel_loop3A_343 = arith.index_cast %parallel_loop3A_228 : i32 to index
        %parallel_loop3A_344 = arith.constant 0 : index
        %parallel_loop3A_345 = tpu.vector_load %arg9[%parallel_loop3A_342, %parallel_loop3A_343, %parallel_loop3A_344] {strides = array<i32>} : memref<2x128x128xf32, #tpu.memory_space<vmem>>, vector<16xf32>,
        %parallel_loop3A_346 = arith.addf %parallel_loop3A_345, %parallel_loop3A_231 : vector<16xf32>
        %parallel_loop3A_347 = arith.constant 1 : i32
        %parallel_loop3A_348 = arith.index_cast %parallel_loop3A_347 : i32 to index
        %parallel_loop3A_349 = arith.index_cast %parallel_loop3A_228 : i32 to index
        %parallel_loop3A_350 = arith.constant 0 : index
        %parallel_loop3A_351 = tpu.vector_load %arg9[%parallel_loop3A_348, %parallel_loop3A_349, %parallel_loop3A_350] {strides = array<i32>} : memref<2x128x128xf32, #tpu.memory_space<vmem>>, vector<16xf32>,
        tpu.vector_store %arg9[%parallel_loop3A_348, %parallel_loop3A_349, %parallel_loop3A_350], %parallel_loop3A_346 {strides = array<i32>} : memref<2x128x128xf32, #tpu.memory_space<vmem>>, vector<16xf32>,
        %parallel_loop3A_352 = arith.constant 1 : i32
        %parallel_loop3A_353 = arith.index_cast %parallel_loop3A_352 : i32 to index
        %parallel_loop3A_354 = arith.index_cast %parallel_loop3A_228 : i32 to index
        %parallel_loop3A_355 = arith.constant 16 : index
        %parallel_loop3A_356 = tpu.vector_load %arg9[%parallel_loop3A_353, %parallel_loop3A_354, %parallel_loop3A_355] {strides = array<i32>} : memref<2x128x128xf32, #tpu.memory_space<vmem>>, vector<16xf32>,
        %parallel_loop3A_357 = arith.addf %parallel_loop3A_356, %parallel_loop3A_234 : vector<16xf32>
        %parallel_loop3A_358 = arith.constant 1 : i32
        %parallel_loop3A_359 = arith.index_cast %parallel_loop3A_358 : i32 to index
        %parallel_loop3A_360 = arith.index_cast %parallel_loop3A_228 : i32 to index
        %parallel_loop3A_361 = arith.constant 16 : index
        %parallel_loop3A_362 = tpu.vector_load %arg9[%parallel_loop3A_359, %parallel_loop3A_360, %parallel_loop3A_361] {strides = array<i32>} : memref<2x128x128xf32, #tpu.memory_space<vmem>>, vector<16xf32>,
        tpu.vector_store %arg9[%parallel_loop3A_359, %parallel_loop3A_360, %parallel_loop3A_361], %parallel_loop3A_357 {strides = array<i32>} : memref<2x128x128xf32, #tpu.memory_space<vmem>>, vector<16xf32>,
        %parallel_loop3A_363 = arith.constant 1 : i32
        %parallel_loop3A_364 = arith.index_cast %parallel_loop3A_363 : i32 to index
        %parallel_loop3A_365 = arith.index_cast %parallel_loop3A_228 : i32 to index
        %parallel_loop3A_366 = arith.constant 32 : index
        %parallel_loop3A_367 = tpu.vector_load %arg9[%parallel_loop3A_364, %parallel_loop3A_365, %parallel_loop3A_366] {strides = array<i32>} : memref<2x128x128xf32, #tpu.memory_space<vmem>>, vector<16xf32>,
        %parallel_loop3A_368 = arith.addf %parallel_loop3A_367, %parallel_loop3A_237 : vector<16xf32>
        %parallel_loop3A_369 = arith.constant 1 : i32
        %parallel_loop3A_370 = arith.index_cast %parallel_loop3A_369 : i32 to index
        %parallel_loop3A_371 = arith.index_cast %parallel_loop3A_228 : i32 to index
        %parallel_loop3A_372 = arith.constant 32 : index
        %parallel_loop3A_373 = tpu.vector_load %arg9[%parallel_loop3A_370, %parallel_loop3A_371, %parallel_loop3A_372] {strides = array<i32>} : memref<2x128x128xf32, #tpu.memory_space<vmem>>, vector<16xf32>,
        tpu.vector_store %arg9[%parallel_loop3A_370, %parallel_loop3A_371, %parallel_loop3A_372], %parallel_loop3A_368 {strides = array<i32>} : memref<2x128x128xf32, #tpu.memory_space<vmem>>, vector<16xf32>,
        %parallel_loop3A_374 = arith.constant 1 : i32
        %parallel_loop3A_375 = arith.index_cast %parallel_loop3A_374 : i32 to index
        %parallel_loop3A_376 = arith.index_cast %parallel_loop3A_228 : i32 to index
        %parallel_loop3A_377 = arith.constant 48 : index
        %parallel_loop3A_378 = tpu.vector_load %arg9[%parallel_loop3A_375, %parallel_loop3A_376, %parallel_loop3A_377] {strides = array<i32>} : memref<2x128x128xf32, #tpu.memory_space<vmem>>, vector<16xf32>,
        %parallel_loop3A_379 = arith.addf %parallel_loop3A_378, %parallel_loop3A_240 : vector<16xf32>
        %parallel_loop3A_380 = arith.constant 1 : i32
        %parallel_loop3A_381 = arith.index_cast %parallel_loop3A_380 : i32 to index
        %parallel_loop3A_382 = arith.index_cast %parallel_loop3A_228 : i32 to index
        %parallel_loop3A_383 = arith.constant 48 : index
        %parallel_loop3A_384 = tpu.vector_load %arg9[%parallel_loop3A_381, %parallel_loop3A_382, %parallel_loop3A_383] {strides = array<i32>} : memref<2x128x128xf32, #tpu.memory_space<vmem>>, vector<16xf32>,
        tpu.vector_store %arg9[%parallel_loop3A_381, %parallel_loop3A_382, %parallel_loop3A_383], %parallel_loop3A_379 {strides = array<i32>} : memref<2x128x128xf32, #tpu.memory_space<vmem>>, vector<16xf32>,
        %parallel_loop3A_385 = arith.constant 1 : i32
        %parallel_loop3A_386 = arith.index_cast %parallel_loop3A_385 : i32 to index
        %parallel_loop3A_387 = arith.index_cast %parallel_loop3A_228 : i32 to index
        %parallel_loop3A_388 = arith.constant 64 : index
        %parallel_loop3A_389 = tpu.vector_load %arg9[%parallel_loop3A_386, %parallel_loop3A_387, %parallel_loop3A_388] {strides = array<i32>} : memref<2x128x128xf32, #tpu.memory_space<vmem>>, vector<16xf32>,
        %parallel_loop3A_390 = arith.addf %parallel_loop3A_389, %parallel_loop3A_243 : vector<16xf32>
        %parallel_loop3A_391 = arith.constant 1 : i32
        %parallel_loop3A_392 = arith.index_cast %parallel_loop3A_391 : i32 to index
        %parallel_loop3A_393 = arith.index_cast %parallel_loop3A_228 : i32 to index
        %parallel_loop3A_394 = arith.constant 64 : index
        %parallel_loop3A_395 = tpu.vector_load %arg9[%parallel_loop3A_392, %parallel_loop3A_393, %parallel_loop3A_394] {strides = array<i32>} : memref<2x128x128xf32, #tpu.memory_space<vmem>>, vector<16xf32>,
        tpu.vector_store %arg9[%parallel_loop3A_392, %parallel_loop3A_393, %parallel_loop3A_394], %parallel_loop3A_390 {strides = array<i32>} : memref<2x128x128xf32, #tpu.memory_space<vmem>>, vector<16xf32>,
        %parallel_loop3A_396 = arith.constant 1 : i32
        %parallel_loop3A_397 = arith.index_cast %parallel_loop3A_396 : i32 to index
        %parallel_loop3A_398 = arith.index_cast %parallel_loop3A_228 : i32 to index
        %parallel_loop3A_399 = arith.constant 80 : index
        %parallel_loop3A_400 = tpu.vector_load %arg9[%parallel_loop3A_397, %parallel_loop3A_398, %parallel_loop3A_399] {strides = array<i32>} : memref<2x128x128xf32, #tpu.memory_space<vmem>>, vector<16xf32>,
        %parallel_loop3A_401 = arith.addf %parallel_loop3A_400, %parallel_loop3A_246 : vector<16xf32>
        %parallel_loop3A_402 = arith.constant 1 : i32
        %parallel_loop3A_403 = arith.index_cast %parallel_loop3A_402 : i32 to index
        %parallel_loop3A_404 = arith.index_cast %parallel_loop3A_228 : i32 to index
        %parallel_loop3A_405 = arith.constant 80 : index
        %parallel_loop3A_406 = tpu.vector_load %arg9[%parallel_loop3A_403, %parallel_loop3A_404, %parallel_loop3A_405] {strides = array<i32>} : memref<2x128x128xf32, #tpu.memory_space<vmem>>, vector<16xf32>,
        tpu.vector_store %arg9[%parallel_loop3A_403, %parallel_loop3A_404, %parallel_loop3A_405], %parallel_loop3A_401 {strides = array<i32>} : memref<2x128x128xf32, #tpu.memory_space<vmem>>, vector<16xf32>,
        %parallel_loop3A_407 = arith.constant 1 : i32
        %parallel_loop3A_408 = arith.index_cast %parallel_loop3A_407 : i32 to index
        %parallel_loop3A_409 = arith.index_cast %parallel_loop3A_228 : i32 to index
        %parallel_loop3A_410 = arith.constant 96 : index
        %parallel_loop3A_411 = tpu.vector_load %arg9[%parallel_loop3A_408, %parallel_loop3A_409, %parallel_loop3A_410] {strides = array<i32>} : memref<2x128x128xf32, #tpu.memory_space<vmem>>, vector<16xf32>,
        %parallel_loop3A_412 = arith.addf %parallel_loop3A_411, %parallel_loop3A_249 : vector<16xf32>
        %parallel_loop3A_413 = arith.constant 1 : i32
        %parallel_loop3A_414 = arith.index_cast %parallel_loop3A_413 : i32 to index
        %parallel_loop3A_415 = arith.index_cast %parallel_loop3A_228 : i32 to index
        %parallel_loop3A_416 = arith.constant 96 : index
        %parallel_loop3A_417 = tpu.vector_load %arg9[%parallel_loop3A_414, %parallel_loop3A_415, %parallel_loop3A_416] {strides = array<i32>} : memref<2x128x128xf32, #tpu.memory_space<vmem>>, vector<16xf32>,
        tpu.vector_store %arg9[%parallel_loop3A_414, %parallel_loop3A_415, %parallel_loop3A_416], %parallel_loop3A_412 {strides = array<i32>} : memref<2x128x128xf32, #tpu.memory_space<vmem>>, vector<16xf32>,
        %parallel_loop3A_418 = arith.constant 1 : i32
        %parallel_loop3A_419 = arith.index_cast %parallel_loop3A_418 : i32 to index
        %parallel_loop3A_420 = arith.index_cast %parallel_loop3A_228 : i32 to index
        %parallel_loop3A_421 = arith.constant 112 : index
        %parallel_loop3A_422 = tpu.vector_load %arg9[%parallel_loop3A_419, %parallel_loop3A_420, %parallel_loop3A_421] {strides = array<i32>} : memref<2x128x128xf32, #tpu.memory_space<vmem>>, vector<16xf32>,
        %parallel_loop3A_423 = arith.addf %parallel_loop3A_422, %parallel_loop3A_252 : vector<16xf32>
        %parallel_loop3A_424 = arith.constant 1 : i32
        %parallel_loop3A_425 = arith.index_cast %parallel_loop3A_424 : i32 to index
        %parallel_loop3A_426 = arith.index_cast %parallel_loop3A_228 : i32 to index
        %parallel_loop3A_427 = arith.constant 112 : index
        %parallel_loop3A_428 = tpu.vector_load %arg9[%parallel_loop3A_425, %parallel_loop3A_426, %parallel_loop3A_427] {strides = array<i32>} : memref<2x128x128xf32, #tpu.memory_space<vmem>>, vector<16xf32>,
        tpu.vector_store %arg9[%parallel_loop3A_425, %parallel_loop3A_426, %parallel_loop3A_427], %parallel_loop3A_423 {strides = array<i32>} : memref<2x128x128xf32, #tpu.memory_space<vmem>>, vector<16xf32>,
      } {sc.loop_unroll_factor = 4 : i64, sc.parallel_access}
      %mul3A_83 = arith.constant 128 : i32
      %mul3A_84 = arith.muli %add3A_49, %mul3A_83 : i32
      %add3A_85 = arith.addi %mul3A_24, %mul3A_84 : i32
      %dma_start3A_86 = arith.constant 0 : i32
      %dma_start3A_87 = tpu.memref_slice %arg5[%dma_start3A_86, %mul3A_20, %add3A_85] : memref<4x2048x4096xf32, #tpu.memory_space<hbm>> -> memref<2x128x128xf32, #tpu.memory_space<hbm>>
      %dma_start3A_88 = arith.constant 0 : i32
      %dma_start3A_89 = tpu.memref_slice %arg5[%dma_start3A_88, %mul3A_20, %add3A_85] : memref<4x2048x4096xf32, #tpu.memory_space<hbm>> -> memref<2x128x128xf32, #tpu.memory_space<hbm>>
      tpu.enqueue_dma source(%arg9 : memref<2x128x128xf32, #tpu.memory_space<vmem>>) target(%dma_start3A_89 : memref<2x128x128xf32, #tpu.memory_space<hbm>>) target_semaphore(%arg16 : memref<!tpu.dma_semaphore, #tpu.memory_space<semaphore_mem>>)
      %mul3A_90 = arith.constant 2 : i32
      %mul3A_91 = arith.muli %mul3A_90, %scan3A_45 : i32
      %add3A_92 = arith.constant 0 : i32
      %add3A_93 = arith.addi %mul3A_91, %add3A_92 : i32
      %mul3A_94 = arith.constant 2 : i32
      %mul3A_95 = arith.muli %mul3A_94, %scan3A_45 : i32
      %add3A_96 = arith.constant 0 : i32
      %add3A_97 = arith.addi %mul3A_95, %add3A_96 : i32
      %mul3A_98 = arith.constant 128 : i32
      %mul3A_99 = arith.muli %add3A_97, %mul3A_98 : i32
      %add3A_100 = arith.addi %mul3A_24, %mul3A_99 : i32
      %dma_wait3A_101 = arith.constant 0 : i32
      %dma_wait3A_102 = tpu.memref_slice %arg5[%dma_wait3A_101, %mul3A_20, %add3A_100] : memref<4x2048x4096xf32, #tpu.memory_space<hbm>> -> memref<2x128x128xf32, #tpu.memory_space<hbm>>
      %dma_wait3A_103 = arith.constant 0 : i32
      %dma_wait3A_104 = tpu.memref_slice %arg5[%dma_wait3A_103, %mul3A_20, %add3A_100] : memref<4x2048x4096xf32, #tpu.memory_space<hbm>> -> memref<2x128x128xf32, #tpu.memory_space<hbm>>
      tpu.wait_dma2 semaphore(%arg16 : memref<!tpu.dma_semaphore, #tpu.memory_space<semaphore_mem>>) src(%arg9 : memref<2x128x128xf32, #tpu.memory_space<vmem>>) dst(%dma_wait3A_104 : memref<2x128x128xf32, #tpu.memory_space<hbm>>)
      %mul3A_105 = arith.constant 2 : i32
      %mul3A_106 = arith.muli %mul3A_105, %scan3A_45 : i32
      %add3A_107 = arith.constant 1 : i32
      %add3A_108 = arith.addi %mul3A_106, %add3A_107 : i32
      %mul3A_109 = arith.constant 128 : i32
      %mul3A_110 = arith.muli %add3A_108, %mul3A_109 : i32
      %add3A_111 = arith.addi %mul3A_24, %mul3A_110 : i32
      %dma_start3A_112 = tpu.memref_slice %arg3[%add3A_111, %mul3A_20] : memref<4189x2048xf32, #tpu.memory_space<hbm>> -> memref<128x128xf32, #tpu.memory_space<hbm>>
      %dma_start3A_113 = tpu.memref_slice %arg3[%add3A_111, %mul3A_20] : memref<4189x2048xf32, #tpu.memory_space<hbm>> -> memref<128x128xf32, #tpu.memory_space<hbm>>
      tpu.enqueue_dma source(%dma_start3A_113 : memref<128x128xf32, #tpu.memory_space<hbm>>) target(%arg7 : memref<128x128xf32, #tpu.memory_space<vmem>>) target_semaphore(%arg13 : memref<!tpu.dma_semaphore, #tpu.memory_space<semaphore_mem>>)
      %mul3A_114 = arith.constant 128 : i32
      %mul3A_115 = arith.muli %add3A_108, %mul3A_114 : i32
      %add3A_116 = arith.addi %mul3A_24, %mul3A_115 : i32
      %dma_start3A_117 = arith.constant 0 : i32
      %dma_start3A_118 = tpu.memref_slice %arg2[%dma_start3A_117, %mul3A_20, %add3A_116] : memref<4x2048x4096xf32, #tpu.memory_space<hbm>> -> memref<2x128x128xf32, #tpu.memory_space<hbm>>
      %dma_start3A_119 = arith.constant 0 : i32
      %dma_start3A_120 = tpu.memref_slice %arg2[%dma_start3A_119, %mul3A_20, %add3A_116] : memref<4x2048x4096xf32, #tpu.memory_space<hbm>> -> memref<2x128x128xf32, #tpu.memory_space<hbm>>
      tpu.enqueue_dma source(%dma_start3A_120 : memref<2x128x128xf32, #tpu.memory_space<hbm>>) target(%arg9 : memref<2x128x128xf32, #tpu.memory_space<vmem>>) target_semaphore(%arg14 : memref<!tpu.dma_semaphore, #tpu.memory_space<semaphore_mem>>)
      %mul3A_121 = arith.constant 128 : i32
      %mul3A_122 = arith.muli %add3A_93, %mul3A_121 : i32
      %add3A_123 = arith.addi %mul3A_24, %mul3A_122 : i32
      %dma_wait3A_124 = arith.constant 2 : i32
      %dma_wait3A_125 = tpu.memref_slice %arg2[%dma_wait3A_124, %mul3A_20, %add3A_123] : memref<4x2048x4096xf32, #tpu.memory_space<hbm>> -> memref<2x128x128xf32, #tpu.memory_space<hbm>>
      %dma_wait3A_126 = arith.constant 2 : i32
      %dma_wait3A_127 = tpu.memref_slice %arg2[%dma_wait3A_126, %mul3A_20, %add3A_123] : memref<4x2048x4096xf32, #tpu.memory_space<hbm>> -> memref<2x128x128xf32, #tpu.memory_space<hbm>>
      tpu.wait_dma2 semaphore(%arg15 : memref<!tpu.dma_semaphore, #tpu.memory_space<semaphore_mem>>) src(%dma_wait3A_127 : memref<2x128x128xf32, #tpu.memory_space<hbm>>) dst(%arg10 : memref<2x128x128xf32, #tpu.memory_space<vmem>>)
      %parallel_loop3A_128 = arith.constant 0 : i32
      %parallel_loop3A_129 = arith.constant 128 : i32
      %parallel_loop3A_130 = arith.constant 1 : i32
      scf.for %parallel_loop3A_228 = %parallel_loop3A_128 to %parallel_loop3A_129 step %parallel_loop3A_130  : i32 {
        %parallel_loop3A_229 = arith.index_cast %parallel_loop3A_228 : i32 to index
        %parallel_loop3A_230 = arith.constant 0 : index
        %parallel_loop3A_231 = tpu.vector_load %arg8[%parallel_loop3A_229, %parallel_loop3A_230] {strides = array<i32>} : memref<128x128xf32, #tpu.memory_space<vmem>>, vector<16xf32>,
        %parallel_loop3A_232 = arith.index_cast %parallel_loop3A_228 : i32 to index
        %parallel_loop3A_233 = arith.constant 16 : index
        %parallel_loop3A_234 = tpu.vector_load %arg8[%parallel_loop3A_232, %parallel_loop3A_233] {strides = array<i32>} : memref<128x128xf32, #tpu.memory_space<vmem>>, vector<16xf32>,
        %parallel_loop3A_235 = arith.index_cast %parallel_loop3A_228 : i32 to index
        %parallel_loop3A_236 = arith.constant 32 : index
        %parallel_loop3A_237 = tpu.vector_load %arg8[%parallel_loop3A_235, %parallel_loop3A_236] {strides = array<i32>} : memref<128x128xf32, #tpu.memory_space<vmem>>, vector<16xf32>,
        %parallel_loop3A_238 = arith.index_cast %parallel_loop3A_228 : i32 to index
        %parallel_loop3A_239 = arith.constant 48 : index
        %parallel_loop3A_240 = tpu.vector_load %arg8[%parallel_loop3A_238, %parallel_loop3A_239] {strides = array<i32>} : memref<128x128xf32, #tpu.memory_space<vmem>>, vector<16xf32>,
        %parallel_loop3A_241 = arith.index_cast %parallel_loop3A_228 : i32 to index
        %parallel_loop3A_242 = arith.constant 64 : index
        %parallel_loop3A_243 = tpu.vector_load %arg8[%parallel_loop3A_241, %parallel_loop3A_242] {strides = array<i32>} : memref<128x128xf32, #tpu.memory_space<vmem>>, vector<16xf32>,
        %parallel_loop3A_244 = arith.index_cast %parallel_loop3A_228 : i32 to index
        %parallel_loop3A_245 = arith.constant 80 : index
        %parallel_loop3A_246 = tpu.vector_load %arg8[%parallel_loop3A_244, %parallel_loop3A_245] {strides = array<i32>} : memref<128x128xf32, #tpu.memory_space<vmem>>, vector<16xf32>,
        %parallel_loop3A_247 = arith.index_cast %parallel_loop3A_228 : i32 to index
        %parallel_loop3A_248 = arith.constant 96 : index
        %parallel_loop3A_249 = tpu.vector_load %arg8[%parallel_loop3A_247, %parallel_loop3A_248] {strides = array<i32>} : memref<128x128xf32, #tpu.memory_space<vmem>>, vector<16xf32>,
        %parallel_loop3A_250 = arith.index_cast %parallel_loop3A_228 : i32 to index
        %parallel_loop3A_251 = arith.constant 112 : index
        %parallel_loop3A_252 = tpu.vector_load %arg8[%parallel_loop3A_250, %parallel_loop3A_251] {strides = array<i32>} : memref<128x128xf32, #tpu.memory_space<vmem>>, vector<16xf32>,
        %parallel_loop3A_253 = arith.constant 0 : i32
        %parallel_loop3A_254 = arith.index_cast %parallel_loop3A_253 : i32 to index
        %parallel_loop3A_255 = arith.index_cast %parallel_loop3A_228 : i32 to index
        %parallel_loop3A_256 = arith.constant 0 : index
        %parallel_loop3A_257 = tpu.vector_load %arg10[%parallel_loop3A_254, %parallel_loop3A_255, %parallel_loop3A_256] {strides = array<i32>} : memref<2x128x128xf32, #tpu.memory_space<vmem>>, vector<16xf32>,
        %parallel_loop3A_258 = arith.addf %parallel_loop3A_257, %parallel_loop3A_231 : vector<16xf32>
        %parallel_loop3A_259 = arith.constant 0 : i32
        %parallel_loop3A_260 = arith.index_cast %parallel_loop3A_259 : i32 to index
        %parallel_loop3A_261 = arith.index_cast %parallel_loop3A_228 : i32 to index
        %parallel_loop3A_262 = arith.constant 0 : index
        %parallel_loop3A_263 = tpu.vector_load %arg10[%parallel_loop3A_260, %parallel_loop3A_261, %parallel_loop3A_262] {strides = array<i32>} : memref<2x128x128xf32, #tpu.memory_space<vmem>>, vector<16xf32>,
        tpu.vector_store %arg10[%parallel_loop3A_260, %parallel_loop3A_261, %parallel_loop3A_262], %parallel_loop3A_258 {strides = array<i32>} : memref<2x128x128xf32, #tpu.memory_space<vmem>>, vector<16xf32>,
        %parallel_loop3A_264 = arith.constant 0 : i32
        %parallel_loop3A_265 = arith.index_cast %parallel_loop3A_264 : i32 to index
        %parallel_loop3A_266 = arith.index_cast %parallel_loop3A_228 : i32 to index
        %parallel_loop3A_267 = arith.constant 16 : index
        %parallel_loop3A_268 = tpu.vector_load %arg10[%parallel_loop3A_265, %parallel_loop3A_266, %parallel_loop3A_267] {strides = array<i32>} : memref<2x128x128xf32, #tpu.memory_space<vmem>>, vector<16xf32>,
        %parallel_loop3A_269 = arith.addf %parallel_loop3A_268, %parallel_loop3A_234 : vector<16xf32>
        %parallel_loop3A_270 = arith.constant 0 : i32
        %parallel_loop3A_271 = arith.index_cast %parallel_loop3A_270 : i32 to index
        %parallel_loop3A_272 = arith.index_cast %parallel_loop3A_228 : i32 to index
        %parallel_loop3A_273 = arith.constant 16 : index
        %parallel_loop3A_274 = tpu.vector_load %arg10[%parallel_loop3A_271, %parallel_loop3A_272, %parallel_loop3A_273] {strides = array<i32>} : memref<2x128x128xf32, #tpu.memory_space<vmem>>, vector<16xf32>,
        tpu.vector_store %arg10[%parallel_loop3A_271, %parallel_loop3A_272, %parallel_loop3A_273], %parallel_loop3A_269 {strides = array<i32>} : memref<2x128x128xf32, #tpu.memory_space<vmem>>, vector<16xf32>,
        %parallel_loop3A_275 = arith.constant 0 : i32
        %parallel_loop3A_276 = arith.index_cast %parallel_loop3A_275 : i32 to index
        %parallel_loop3A_277 = arith.index_cast %parallel_loop3A_228 : i32 to index
        %parallel_loop3A_278 = arith.constant 32 : index
        %parallel_loop3A_279 = tpu.vector_load %arg10[%parallel_loop3A_276, %parallel_loop3A_277, %parallel_loop3A_278] {strides = array<i32>} : memref<2x128x128xf32, #tpu.memory_space<vmem>>, vector<16xf32>,
        %parallel_loop3A_280 = arith.addf %parallel_loop3A_279, %parallel_loop3A_237 : vector<16xf32>
        %parallel_loop3A_281 = arith.constant 0 : i32
        %parallel_loop3A_282 = arith.index_cast %parallel_loop3A_281 : i32 to index
        %parallel_loop3A_283 = arith.index_cast %parallel_loop3A_228 : i32 to index
        %parallel_loop3A_284 = arith.constant 32 : index
        %parallel_loop3A_285 = tpu.vector_load %arg10[%parallel_loop3A_282, %parallel_loop3A_283, %parallel_loop3A_284] {strides = array<i32>} : memref<2x128x128xf32, #tpu.memory_space<vmem>>, vector<16xf32>,
        tpu.vector_store %arg10[%parallel_loop3A_282, %parallel_loop3A_283, %parallel_loop3A_284], %parallel_loop3A_280 {strides = array<i32>} : memref<2x128x128xf32, #tpu.memory_space<vmem>>, vector<16xf32>,
        %parallel_loop3A_286 = arith.constant 0 : i32
        %parallel_loop3A_287 = arith.index_cast %parallel_loop3A_286 : i32 to index
        %parallel_loop3A_288 = arith.index_cast %parallel_loop3A_228 : i32 to index
        %parallel_loop3A_289 = arith.constant 48 : index
        %parallel_loop3A_290 = tpu.vector_load %arg10[%parallel_loop3A_287, %parallel_loop3A_288, %parallel_loop3A_289] {strides = array<i32>} : memref<2x128x128xf32, #tpu.memory_space<vmem>>, vector<16xf32>,
        %parallel_loop3A_291 = arith.addf %parallel_loop3A_290, %parallel_loop3A_240 : vector<16xf32>
        %parallel_loop3A_292 = arith.constant 0 : i32
        %parallel_loop3A_293 = arith.index_cast %parallel_loop3A_292 : i32 to index
        %parallel_loop3A_294 = arith.index_cast %parallel_loop3A_228 : i32 to index
        %parallel_loop3A_295 = arith.constant 48 : index
        %parallel_loop3A_296 = tpu.vector_load %arg10[%parallel_loop3A_293, %parallel_loop3A_294, %parallel_loop3A_295] {strides = array<i32>} : memref<2x128x128xf32, #tpu.memory_space<vmem>>, vector<16xf32>,
        tpu.vector_store %arg10[%parallel_loop3A_293, %parallel_loop3A_294, %parallel_loop3A_295], %parallel_loop3A_291 {strides = array<i32>} : memref<2x128x128xf32, #tpu.memory_space<vmem>>, vector<16xf32>,
        %parallel_loop3A_297 = arith.constant 0 : i32
        %parallel_loop3A_298 = arith.index_cast %parallel_loop3A_297 : i32 to index
        %parallel_loop3A_299 = arith.index_cast %parallel_loop3A_228 : i32 to index
        %parallel_loop3A_300 = arith.constant 64 : index
        %parallel_loop3A_301 = tpu.vector_load %arg10[%parallel_loop3A_298, %parallel_loop3A_299, %parallel_loop3A_300] {strides = array<i32>} : memref<2x128x128xf32, #tpu.memory_space<vmem>>, vector<16xf32>,
        %parallel_loop3A_302 = arith.addf %parallel_loop3A_301, %parallel_loop3A_243 : vector<16xf32>
        %parallel_loop3A_303 = arith.constant 0 : i32
        %parallel_loop3A_304 = arith.index_cast %parallel_loop3A_303 : i32 to index
        %parallel_loop3A_305 = arith.index_cast %parallel_loop3A_228 : i32 to index
        %parallel_loop3A_306 = arith.constant 64 : index
        %parallel_loop3A_307 = tpu.vector_load %arg10[%parallel_loop3A_304, %parallel_loop3A_305, %parallel_loop3A_306] {strides = array<i32>} : memref<2x128x128xf32, #tpu.memory_space<vmem>>, vector<16xf32>,
        tpu.vector_store %arg10[%parallel_loop3A_304, %parallel_loop3A_305, %parallel_loop3A_306], %parallel_loop3A_302 {strides = array<i32>} : memref<2x128x128xf32, #tpu.memory_space<vmem>>, vector<16xf32>,
        %parallel_loop3A_308 = arith.constant 0 : i32
        %parallel_loop3A_309 = arith.index_cast %parallel_loop3A_308 : i32 to index
        %parallel_loop3A_310 = arith.index_cast %parallel_loop3A_228 : i32 to index
        %parallel_loop3A_311 = arith.constant 80 : index
        %parallel_loop3A_312 = tpu.vector_load %arg10[%parallel_loop3A_309, %parallel_loop3A_310, %parallel_loop3A_311] {strides = array<i32>} : memref<2x128x128xf32, #tpu.memory_space<vmem>>, vector<16xf32>,
        %parallel_loop3A_313 = arith.addf %parallel_loop3A_312, %parallel_loop3A_246 : vector<16xf32>
        %parallel_loop3A_314 = arith.constant 0 : i32
        %parallel_loop3A_315 = arith.index_cast %parallel_loop3A_314 : i32 to index
        %parallel_loop3A_316 = arith.index_cast %parallel_loop3A_228 : i32 to index
        %parallel_loop3A_317 = arith.constant 80 : index
        %parallel_loop3A_318 = tpu.vector_load %arg10[%parallel_loop3A_315, %parallel_loop3A_316, %parallel_loop3A_317] {strides = array<i32>} : memref<2x128x128xf32, #tpu.memory_space<vmem>>, vector<16xf32>,
        tpu.vector_store %arg10[%parallel_loop3A_315, %parallel_loop3A_316, %parallel_loop3A_317], %parallel_loop3A_313 {strides = array<i32>} : memref<2x128x128xf32, #tpu.memory_space<vmem>>, vector<16xf32>,
        %parallel_loop3A_319 = arith.constant 0 : i32
        %parallel_loop3A_320 = arith.index_cast %parallel_loop3A_319 : i32 to index
        %parallel_loop3A_321 = arith.index_cast %parallel_loop3A_228 : i32 to index
        %parallel_loop3A_322 = arith.constant 96 : index
        %parallel_loop3A_323 = tpu.vector_load %arg10[%parallel_loop3A_320, %parallel_loop3A_321, %parallel_loop3A_322] {strides = array<i32>} : memref<2x128x128xf32, #tpu.memory_space<vmem>>, vector<16xf32>,
        %parallel_loop3A_324 = arith.addf %parallel_loop3A_323, %parallel_loop3A_249 : vector<16xf32>
        %parallel_loop3A_325 = arith.constant 0 : i32
        %parallel_loop3A_326 = arith.index_cast %parallel_loop3A_325 : i32 to index
        %parallel_loop3A_327 = arith.index_cast %parallel_loop3A_228 : i32 to index
        %parallel_loop3A_328 = arith.constant 96 : index
        %parallel_loop3A_329 = tpu.vector_load %arg10[%parallel_loop3A_326, %parallel_loop3A_327, %parallel_loop3A_328] {strides = array<i32>} : memref<2x128x128xf32, #tpu.memory_space<vmem>>, vector<16xf32>,
        tpu.vector_store %arg10[%parallel_loop3A_326, %parallel_loop3A_327, %parallel_loop3A_328], %parallel_loop3A_324 {strides = array<i32>} : memref<2x128x128xf32, #tpu.memory_space<vmem>>, vector<16xf32>,
        %parallel_loop3A_330 = arith.constant 0 : i32
        %parallel_loop3A_331 = arith.index_cast %parallel_loop3A_330 : i32 to index
        %parallel_loop3A_332 = arith.index_cast %parallel_loop3A_228 : i32 to index
        %parallel_loop3A_333 = arith.constant 112 : index
        %parallel_loop3A_334 = tpu.vector_load %arg10[%parallel_loop3A_331, %parallel_loop3A_332, %parallel_loop3A_333] {strides = array<i32>} : memref<2x128x128xf32, #tpu.memory_space<vmem>>, vector<16xf32>,
        %parallel_loop3A_335 = arith.addf %parallel_loop3A_334, %parallel_loop3A_252 : vector<16xf32>
        %parallel_loop3A_336 = arith.constant 0 : i32
        %parallel_loop3A_337 = arith.index_cast %parallel_loop3A_336 : i32 to index
        %parallel_loop3A_338 = arith.index_cast %parallel_loop3A_228 : i32 to index
        %parallel_loop3A_339 = arith.constant 112 : index
        %parallel_loop3A_340 = tpu.vector_load %arg10[%parallel_loop3A_337, %parallel_loop3A_338, %parallel_loop3A_339] {strides = array<i32>} : memref<2x128x128xf32, #tpu.memory_space<vmem>>, vector<16xf32>,
        tpu.vector_store %arg10[%parallel_loop3A_337, %parallel_loop3A_338, %parallel_loop3A_339], %parallel_loop3A_335 {strides = array<i32>} : memref<2x128x128xf32, #tpu.memory_space<vmem>>, vector<16xf32>,
        %parallel_loop3A_341 = arith.constant 1 : i32
        %parallel_loop3A_342 = arith.index_cast %parallel_loop3A_341 : i32 to index
        %parallel_loop3A_343 = arith.index_cast %parallel_loop3A_228 : i32 to index
        %parallel_loop3A_344 = arith.constant 0 : index
        %parallel_loop3A_345 = tpu.vector_load %arg10[%parallel_loop3A_342, %parallel_loop3A_343, %parallel_loop3A_344] {strides = array<i32>} : memref<2x128x128xf32, #tpu.memory_space<vmem>>, vector<16xf32>,
        %parallel_loop3A_346 = arith.addf %parallel_loop3A_345, %parallel_loop3A_231 : vector<16xf32>
        %parallel_loop3A_347 = arith.constant 1 : i32
        %parallel_loop3A_348 = arith.index_cast %parallel_loop3A_347 : i32 to index
        %parallel_loop3A_349 = arith.index_cast %parallel_loop3A_228 : i32 to index
        %parallel_loop3A_350 = arith.constant 0 : index
        %parallel_loop3A_351 = tpu.vector_load %arg10[%parallel_loop3A_348, %parallel_loop3A_349, %parallel_loop3A_350] {strides = array<i32>} : memref<2x128x128xf32, #tpu.memory_space<vmem>>, vector<16xf32>,
        tpu.vector_store %arg10[%parallel_loop3A_348, %parallel_loop3A_349, %parallel_loop3A_350], %parallel_loop3A_346 {strides = array<i32>} : memref<2x128x128xf32, #tpu.memory_space<vmem>>, vector<16xf32>,
        %parallel_loop3A_352 = arith.constant 1 : i32
        %parallel_loop3A_353 = arith.index_cast %parallel_loop3A_352 : i32 to index
        %parallel_loop3A_354 = arith.index_cast %parallel_loop3A_228 : i32 to index
        %parallel_loop3A_355 = arith.constant 16 : index
        %parallel_loop3A_356 = tpu.vector_load %arg10[%parallel_loop3A_353, %parallel_loop3A_354, %parallel_loop3A_355] {strides = array<i32>} : memref<2x128x128xf32, #tpu.memory_space<vmem>>, vector<16xf32>,
        %parallel_loop3A_357 = arith.addf %parallel_loop3A_356, %parallel_loop3A_234 : vector<16xf32>
        %parallel_loop3A_358 = arith.constant 1 : i32
        %parallel_loop3A_359 = arith.index_cast %parallel_loop3A_358 : i32 to index
        %parallel_loop3A_360 = arith.index_cast %parallel_loop3A_228 : i32 to index
        %parallel_loop3A_361 = arith.constant 16 : index
        %parallel_loop3A_362 = tpu.vector_load %arg10[%parallel_loop3A_359, %parallel_loop3A_360, %parallel_loop3A_361] {strides = array<i32>} : memref<2x128x128xf32, #tpu.memory_space<vmem>>, vector<16xf32>,
        tpu.vector_store %arg10[%parallel_loop3A_359, %parallel_loop3A_360, %parallel_loop3A_361], %parallel_loop3A_357 {strides = array<i32>} : memref<2x128x128xf32, #tpu.memory_space<vmem>>, vector<16xf32>,
        %parallel_loop3A_363 = arith.constant 1 : i32
        %parallel_loop3A_364 = arith.index_cast %parallel_loop3A_363 : i32 to index
        %parallel_loop3A_365 = arith.index_cast %parallel_loop3A_228 : i32 to index
        %parallel_loop3A_366 = arith.constant 32 : index
        %parallel_loop3A_367 = tpu.vector_load %arg10[%parallel_loop3A_364, %parallel_loop3A_365, %parallel_loop3A_366] {strides = array<i32>} : memref<2x128x128xf32, #tpu.memory_space<vmem>>, vector<16xf32>,
        %parallel_loop3A_368 = arith.addf %parallel_loop3A_367, %parallel_loop3A_237 : vector<16xf32>
        %parallel_loop3A_369 = arith.constant 1 : i32
        %parallel_loop3A_370 = arith.index_cast %parallel_loop3A_369 : i32 to index
        %parallel_loop3A_371 = arith.index_cast %parallel_loop3A_228 : i32 to index
        %parallel_loop3A_372 = arith.constant 32 : index
        %parallel_loop3A_373 = tpu.vector_load %arg10[%parallel_loop3A_370, %parallel_loop3A_371, %parallel_loop3A_372] {strides = array<i32>} : memref<2x128x128xf32, #tpu.memory_space<vmem>>, vector<16xf32>,
        tpu.vector_store %arg10[%parallel_loop3A_370, %parallel_loop3A_371, %parallel_loop3A_372], %parallel_loop3A_368 {strides = array<i32>} : memref<2x128x128xf32, #tpu.memory_space<vmem>>, vector<16xf32>,
        %parallel_loop3A_374 = arith.constant 1 : i32
        %parallel_loop3A_375 = arith.index_cast %parallel_loop3A_374 : i32 to index
        %parallel_loop3A_376 = arith.index_cast %parallel_loop3A_228 : i32 to index
        %parallel_loop3A_377 = arith.constant 48 : index
        %parallel_loop3A_378 = tpu.vector_load %arg10[%parallel_loop3A_375, %parallel_loop3A_376, %parallel_loop3A_377] {strides = array<i32>} : memref<2x128x128xf32, #tpu.memory_space<vmem>>, vector<16xf32>,
        %parallel_loop3A_379 = arith.addf %parallel_loop3A_378, %parallel_loop3A_240 : vector<16xf32>
        %parallel_loop3A_380 = arith.constant 1 : i32
        %parallel_loop3A_381 = arith.index_cast %parallel_loop3A_380 : i32 to index
        %parallel_loop3A_382 = arith.index_cast %parallel_loop3A_228 : i32 to index
        %parallel_loop3A_383 = arith.constant 48 : index
        %parallel_loop3A_384 = tpu.vector_load %arg10[%parallel_loop3A_381, %parallel_loop3A_382, %parallel_loop3A_383] {strides = array<i32>} : memref<2x128x128xf32, #tpu.memory_space<vmem>>, vector<16xf32>,
        tpu.vector_store %arg10[%parallel_loop3A_381, %parallel_loop3A_382, %parallel_loop3A_383], %parallel_loop3A_379 {strides = array<i32>} : memref<2x128x128xf32, #tpu.memory_space<vmem>>, vector<16xf32>,
        %parallel_loop3A_385 = arith.constant 1 : i32
        %parallel_loop3A_386 = arith.index_cast %parallel_loop3A_385 : i32 to index
        %parallel_loop3A_387 = arith.index_cast %parallel_loop3A_228 : i32 to index
        %parallel_loop3A_388 = arith.constant 64 : index
        %parallel_loop3A_389 = tpu.vector_load %arg10[%parallel_loop3A_386, %parallel_loop3A_387, %parallel_loop3A_388] {strides = array<i32>} : memref<2x128x128xf32, #tpu.memory_space<vmem>>, vector<16xf32>,
        %parallel_loop3A_390 = arith.addf %parallel_loop3A_389, %parallel_loop3A_243 : vector<16xf32>
        %parallel_loop3A_391 = arith.constant 1 : i32
        %parallel_loop3A_392 = arith.index_cast %parallel_loop3A_391 : i32 to index
        %parallel_loop3A_393 = arith.index_cast %parallel_loop3A_228 : i32 to index
        %parallel_loop3A_394 = arith.constant 64 : index
        %parallel_loop3A_395 = tpu.vector_load %arg10[%parallel_loop3A_392, %parallel_loop3A_393, %parallel_loop3A_394] {strides = array<i32>} : memref<2x128x128xf32, #tpu.memory_space<vmem>>, vector<16xf32>,
        tpu.vector_store %arg10[%parallel_loop3A_392, %parallel_loop3A_393, %parallel_loop3A_394], %parallel_loop3A_390 {strides = array<i32>} : memref<2x128x128xf32, #tpu.memory_space<vmem>>, vector<16xf32>,
        %parallel_loop3A_396 = arith.constant 1 : i32
        %parallel_loop3A_397 = arith.index_cast %parallel_loop3A_396 : i32 to index
        %parallel_loop3A_398 = arith.index_cast %parallel_loop3A_228 : i32 to index
        %parallel_loop3A_399 = arith.constant 80 : index
        %parallel_loop3A_400 = tpu.vector_load %arg10[%parallel_loop3A_397, %parallel_loop3A_398, %parallel_loop3A_399] {strides = array<i32>} : memref<2x128x128xf32, #tpu.memory_space<vmem>>, vector<16xf32>,
        %parallel_loop3A_401 = arith.addf %parallel_loop3A_400, %parallel_loop3A_246 : vector<16xf32>
        %parallel_loop3A_402 = arith.constant 1 : i32
        %parallel_loop3A_403 = arith.index_cast %parallel_loop3A_402 : i32 to index
        %parallel_loop3A_404 = arith.index_cast %parallel_loop3A_228 : i32 to index
        %parallel_loop3A_405 = arith.constant 80 : index
        %parallel_loop3A_406 = tpu.vector_load %arg10[%parallel_loop3A_403, %parallel_loop3A_404, %parallel_loop3A_405] {strides = array<i32>} : memref<2x128x128xf32, #tpu.memory_space<vmem>>, vector<16xf32>,
        tpu.vector_store %arg10[%parallel_loop3A_403, %parallel_loop3A_404, %parallel_loop3A_405], %parallel_loop3A_401 {strides = array<i32>} : memref<2x128x128xf32, #tpu.memory_space<vmem>>, vector<16xf32>,
        %parallel_loop3A_407 = arith.constant 1 : i32
        %parallel_loop3A_408 = arith.index_cast %parallel_loop3A_407 : i32 to index
        %parallel_loop3A_409 = arith.index_cast %parallel_loop3A_228 : i32 to index
        %parallel_loop3A_410 = arith.constant 96 : index
        %parallel_loop3A_411 = tpu.vector_load %arg10[%parallel_loop3A_408, %parallel_loop3A_409, %parallel_loop3A_410] {strides = array<i32>} : memref<2x128x128xf32, #tpu.memory_space<vmem>>, vector<16xf32>,
        %parallel_loop3A_412 = arith.addf %parallel_loop3A_411, %parallel_loop3A_249 : vector<16xf32>
        %parallel_loop3A_413 = arith.constant 1 : i32
        %parallel_loop3A_414 = arith.index_cast %parallel_loop3A_413 : i32 to index
        %parallel_loop3A_415 = arith.index_cast %parallel_loop3A_228 : i32 to index
        %parallel_loop3A_416 = arith.constant 96 : index
        %parallel_loop3A_417 = tpu.vector_load %arg10[%parallel_loop3A_414, %parallel_loop3A_415, %parallel_loop3A_416] {strides = array<i32>} : memref<2x128x128xf32, #tpu.memory_space<vmem>>, vector<16xf32>,
        tpu.vector_store %arg10[%parallel_loop3A_414, %parallel_loop3A_415, %parallel_loop3A_416], %parallel_loop3A_412 {strides = array<i32>} : memref<2x128x128xf32, #tpu.memory_space<vmem>>, vector<16xf32>,
        %parallel_loop3A_418 = arith.constant 1 : i32
        %parallel_loop3A_419 = arith.index_cast %parallel_loop3A_418 : i32 to index
        %parallel_loop3A_420 = arith.index_cast %parallel_loop3A_228 : i32 to index
        %parallel_loop3A_421 = arith.constant 112 : index
        %parallel_loop3A_422 = tpu.vector_load %arg10[%parallel_loop3A_419, %parallel_loop3A_420, %parallel_loop3A_421] {strides = array<i32>} : memref<2x128x128xf32, #tpu.memory_space<vmem>>, vector<16xf32>,
        %parallel_loop3A_423 = arith.addf %parallel_loop3A_422, %parallel_loop3A_252 : vector<16xf32>
        %parallel_loop3A_424 = arith.constant 1 : i32
        %parallel_loop3A_425 = arith.index_cast %parallel_loop3A_424 : i32 to index
        %parallel_loop3A_426 = arith.index_cast %parallel_loop3A_228 : i32 to index
        %parallel_loop3A_427 = arith.constant 112 : index
        %parallel_loop3A_428 = tpu.vector_load %arg10[%parallel_loop3A_425, %parallel_loop3A_426, %parallel_loop3A_427] {strides = array<i32>} : memref<2x128x128xf32, #tpu.memory_space<vmem>>, vector<16xf32>,
        tpu.vector_store %arg10[%parallel_loop3A_425, %parallel_loop3A_426, %parallel_loop3A_427], %parallel_loop3A_423 {strides = array<i32>} : memref<2x128x128xf32, #tpu.memory_space<vmem>>, vector<16xf32>,
      } {sc.loop_unroll_factor = 4 : i64, sc.parallel_access}
      %mul3A_131 = arith.constant 128 : i32
      %mul3A_132 = arith.muli %add3A_93, %mul3A_131 : i32
      %add3A_133 = arith.addi %mul3A_24, %mul3A_132 : i32
      %dma_start3A_134 = arith.constant 2 : i32
      %dma_start3A_135 = tpu.memref_slice %arg5[%dma_start3A_134, %mul3A_20, %add3A_133] : memref<4x2048x4096xf32, #tpu.memory_space<hbm>> -> memref<2x128x128xf32, #tpu.memory_space<hbm>>
      %dma_start3A_136 = arith.constant 2 : i32
      %dma_start3A_137 = tpu.memref_slice %arg5[%dma_start3A_136, %mul3A_20, %add3A_133] : memref<4x2048x4096xf32, #tpu.memory_space<hbm>> -> memref<2x128x128xf32, #tpu.memory_space<hbm>>
      tpu.enqueue_dma source(%arg10 : memref<2x128x128xf32, #tpu.memory_space<vmem>>) target(%dma_start3A_137 : memref<2x128x128xf32, #tpu.memory_space<hbm>>) target_semaphore(%arg17 : memref<!tpu.dma_semaphore, #tpu.memory_space<semaphore_mem>>)
      %mul3A_138 = arith.constant 2 : i32
      %mul3A_139 = arith.muli %mul3A_138, %scan3A_45 : i32
      %add3A_140 = arith.constant 1 : i32
      %add3A_141 = arith.addi %mul3A_139, %add3A_140 : i32
      %mul3A_142 = arith.constant 2 : i32
      %mul3A_143 = arith.muli %mul3A_142, %scan3A_45 : i32
      %add3A_144 = arith.constant 0 : i32
      %add3A_145 = arith.addi %mul3A_143, %add3A_144 : i32
      %mul3A_146 = arith.constant 128 : i32
      %mul3A_147 = arith.muli %add3A_145, %mul3A_146 : i32
      %add3A_148 = arith.addi %mul3A_24, %mul3A_147 : i32
      %dma_wait3A_149 = arith.constant 2 : i32
      %dma_wait3A_150 = tpu.memref_slice %arg5[%dma_wait3A_149, %mul3A_20, %add3A_148] : memref<4x2048x4096xf32, #tpu.memory_space<hbm>> -> memref<2x128x128xf32, #tpu.memory_space<hbm>>
      %dma_wait3A_151 = arith.constant 2 : i32
      %dma_wait3A_152 = tpu.memref_slice %arg5[%dma_wait3A_151, %mul3A_20, %add3A_148] : memref<4x2048x4096xf32, #tpu.memory_space<hbm>> -> memref<2x128x128xf32, #tpu.memory_space<hbm>>
      tpu.wait_dma2 semaphore(%arg17 : memref<!tpu.dma_semaphore, #tpu.memory_space<semaphore_mem>>) src(%arg10 : memref<2x128x128xf32, #tpu.memory_space<vmem>>) dst(%dma_wait3A_152 : memref<2x128x128xf32, #tpu.memory_space<hbm>>)
      %mul3A_153 = arith.constant 2 : i32
      %mul3A_154 = arith.muli %mul3A_153, %scan3A_45 : i32
      %add3A_155 = arith.constant 1 : i32
      %add3A_156 = arith.addi %mul3A_154, %add3A_155 : i32
      %mul3A_157 = arith.constant 128 : i32
      %mul3A_158 = arith.muli %add3A_156, %mul3A_157 : i32
      %add3A_159 = arith.addi %mul3A_24, %mul3A_158 : i32
      %dma_start3A_160 = arith.constant 2 : i32
      %dma_start3A_161 = tpu.memref_slice %arg2[%dma_start3A_160, %mul3A_20, %add3A_159] : memref<4x2048x4096xf32, #tpu.memory_space<hbm>> -> memref<2x128x128xf32, #tpu.memory_space<hbm>>
      %dma_start3A_162 = arith.constant 2 : i32
      %dma_start3A_163 = tpu.memref_slice %arg2[%dma_start3A_162, %mul3A_20, %add3A_159] : memref<4x2048x4096xf32, #tpu.memory_space<hbm>> -> memref<2x128x128xf32, #tpu.memory_space<hbm>>
      tpu.enqueue_dma source(%dma_start3A_163 : memref<2x128x128xf32, #tpu.memory_space<hbm>>) target(%arg10 : memref<2x128x128xf32, #tpu.memory_space<vmem>>) target_semaphore(%arg15 : memref<!tpu.dma_semaphore, #tpu.memory_space<semaphore_mem>>)
      %mul3A_164 = arith.constant 128 : i32
      %mul3A_165 = arith.muli %add3A_141, %mul3A_164 : i32
      %add3A_166 = arith.addi %mul3A_24, %mul3A_165 : i32
      %dma_wait3A_167 = tpu.memref_slice %arg3[%add3A_166, %mul3A_20] : memref<4189x2048xf32, #tpu.memory_space<hbm>> -> memref<128x128xf32, #tpu.memory_space<hbm>>
      %dma_wait3A_168 = tpu.memref_slice %arg3[%add3A_166, %mul3A_20] : memref<4189x2048xf32, #tpu.memory_space<hbm>> -> memref<128x128xf32, #tpu.memory_space<hbm>>
      tpu.wait_dma2 semaphore(%arg13 : memref<!tpu.dma_semaphore, #tpu.memory_space<semaphore_mem>>) src(%dma_wait3A_168 : memref<128x128xf32, #tpu.memory_space<hbm>>) dst(%arg7 : memref<128x128xf32, #tpu.memory_space<vmem>>)
      %mul3A_169 = arith.constant 128 : i32
      %mul3A_170 = arith.muli %add3A_141, %mul3A_169 : i32
      %add3A_171 = arith.addi %mul3A_24, %mul3A_170 : i32
      %dma_wait3A_172 = arith.constant 0 : i32
      %dma_wait3A_173 = tpu.memref_slice %arg2[%dma_wait3A_172, %mul3A_20, %add3A_171] : memref<4x2048x4096xf32, #tpu.memory_space<hbm>> -> memref<2x128x128xf32, #tpu.memory_space<hbm>>
      %dma_wait3A_174 = arith.constant 0 : i32
      %dma_wait3A_175 = tpu.memref_slice %arg2[%dma_wait3A_174, %mul3A_20, %add3A_171] : memref<4x2048x4096xf32, #tpu.memory_space<hbm>> -> memref<2x128x128xf32, #tpu.memory_space<hbm>>
      tpu.wait_dma2 semaphore(%arg14 : memref<!tpu.dma_semaphore, #tpu.memory_space<semaphore_mem>>) src(%dma_wait3A_175 : memref<2x128x128xf32, #tpu.memory_space<hbm>>) dst(%arg9 : memref<2x128x128xf32, #tpu.memory_space<vmem>>)
      %scan3A_176 = arith.constant 0 : i32
      %scan3A_177 = arith.constant 0 : i32
      %scan3A_178 = arith.constant 8 : i32
      %scan3A_179 = arith.addi %scan3A_177, %scan3A_178 : i32
      %scan3A_180 = arith.constant 1 : i32
      scf.for %scan3A_228 = %scan3A_177 to %scan3A_179 step %scan3A_180  : i32 {
        %mul3A_229 = arith.constant 16 : i32
        %mul3A_230 = arith.muli %scan3A_228, %mul3A_229 : i32
        %get3A = arith.index_cast %mul3A_230 : i32 to index
        %get3A_231 = tpu.vector_load %arg11[%get3A] {strides = array<i32>} : memref<128xf32, #tpu.memory_space<vmem>>, vector<16xf32>,
        %broadcast_in_dim3A_232 = vector.broadcast %mul3A_230 : i32 to vector<16xi32>
        %add3A_233 = arith.addi %iota3A, %broadcast_in_dim3A_232 : vector<16xi32>
        %parallel_loop3A_234 = arith.constant 0 : i32
        %parallel_loop3A_235 = arith.constant 16 : i32
        %parallel_loop3A_236 = arith.constant 1 : i32
        scf.for %parallel_loop3A_237 = %parallel_loop3A_234 to %parallel_loop3A_235 step %parallel_loop3A_236  : i32 {
          %parallel_loop3A_238 = vector.broadcast %parallel_loop3A_237 : i32 to vector<16xi32>
          %parallel_loop3A_239 = arith.addi %iota3A, %parallel_loop3A_238 : vector<16xi32>
          %parallel_loop3A_240 = arith.remsi %parallel_loop3A_239, %broadcast_in_dim3A_25 : vector<16xi32>
          %parallel_loop3A_241 = arith.constant 0 : i32
          %parallel_loop3A_242 = vector.broadcast %parallel_loop3A_241 : i32 to vector<16xi32>
          %parallel_loop3A_243 = arith.addi %parallel_loop3A_240, %parallel_loop3A_242 : vector<16xi32>
          %parallel_loop3A_244 = tpu.vector_load_idx %arg7[%parallel_loop3A_243, %add3A_233] : memref<128x128xf32, #tpu.memory_space<vmem>>[vector<16xi32>, vector<16xi32>], vector<16xf32>,
          %parallel_loop3A_245 = arith.mulf %parallel_loop3A_244, %get3A_231 : vector<16xf32>
          tpu.vector_store_idx %arg8[%add3A_233, %parallel_loop3A_243], %parallel_loop3A_245 : memref<128x128xf32, #tpu.memory_space<vmem>>[vector<16xi32>, vector<16xi32>], vector<16xf32>,
          %parallel_loop3A_246 = arith.constant 16 : i32
          %parallel_loop3A_247 = vector.broadcast %parallel_loop3A_246 : i32 to vector<16xi32>
          %parallel_loop3A_248 = arith.addi %parallel_loop3A_240, %parallel_loop3A_247 : vector<16xi32>
          %parallel_loop3A_249 = tpu.vector_load_idx %arg7[%parallel_loop3A_248, %add3A_233] : memref<128x128xf32, #tpu.memory_space<vmem>>[vector<16xi32>, vector<16xi32>], vector<16xf32>,
          %parallel_loop3A_250 = arith.mulf %parallel_loop3A_249, %get3A_231 : vector<16xf32>
          tpu.vector_store_idx %arg8[%add3A_233, %parallel_loop3A_248], %parallel_loop3A_250 : memref<128x128xf32, #tpu.memory_space<vmem>>[vector<16xi32>, vector<16xi32>], vector<16xf32>,
          %parallel_loop3A_251 = arith.constant 32 : i32
          %parallel_loop3A_252 = vector.broadcast %parallel_loop3A_251 : i32 to vector<16xi32>
          %parallel_loop3A_253 = arith.addi %parallel_loop3A_240, %parallel_loop3A_252 : vector<16xi32>
          %parallel_loop3A_254 = tpu.vector_load_idx %arg7[%parallel_loop3A_253, %add3A_233] : memref<128x128xf32, #tpu.memory_space<vmem>>[vector<16xi32>, vector<16xi32>], vector<16xf32>,
          %parallel_loop3A_255 = arith.mulf %parallel_loop3A_254, %get3A_231 : vector<16xf32>
          tpu.vector_store_idx %arg8[%add3A_233, %parallel_loop3A_253], %parallel_loop3A_255 : memref<128x128xf32, #tpu.memory_space<vmem>>[vector<16xi32>, vector<16xi32>], vector<16xf32>,
          %parallel_loop3A_256 = arith.constant 48 : i32
          %parallel_loop3A_257 = vector.broadcast %parallel_loop3A_256 : i32 to vector<16xi32>
          %parallel_loop3A_258 = arith.addi %parallel_loop3A_240, %parallel_loop3A_257 : vector<16xi32>
          %parallel_loop3A_259 = tpu.vector_load_idx %arg7[%parallel_loop3A_258, %add3A_233] : memref<128x128xf32, #tpu.memory_space<vmem>>[vector<16xi32>, vector<16xi32>], vector<16xf32>,
          %parallel_loop3A_260 = arith.mulf %parallel_loop3A_259, %get3A_231 : vector<16xf32>
          tpu.vector_store_idx %arg8[%add3A_233, %parallel_loop3A_258], %parallel_loop3A_260 : memref<128x128xf32, #tpu.memory_space<vmem>>[vector<16xi32>, vector<16xi32>], vector<16xf32>,
          %parallel_loop3A_261 = arith.constant 64 : i32
          %parallel_loop3A_262 = vector.broadcast %parallel_loop3A_261 : i32 to vector<16xi32>
          %parallel_loop3A_263 = arith.addi %parallel_loop3A_240, %parallel_loop3A_262 : vector<16xi32>
          %parallel_loop3A_264 = tpu.vector_load_idx %arg7[%parallel_loop3A_263, %add3A_233] : memref<128x128xf32, #tpu.memory_space<vmem>>[vector<16xi32>, vector<16xi32>], vector<16xf32>,
          %parallel_loop3A_265 = arith.mulf %parallel_loop3A_264, %get3A_231 : vector<16xf32>
          tpu.vector_store_idx %arg8[%add3A_233, %parallel_loop3A_263], %parallel_loop3A_265 : memref<128x128xf32, #tpu.memory_space<vmem>>[vector<16xi32>, vector<16xi32>], vector<16xf32>,
          %parallel_loop3A_266 = arith.constant 80 : i32
          %parallel_loop3A_267 = vector.broadcast %parallel_loop3A_266 : i32 to vector<16xi32>
          %parallel_loop3A_268 = arith.addi %parallel_loop3A_240, %parallel_loop3A_267 : vector<16xi32>
          %parallel_loop3A_269 = tpu.vector_load_idx %arg7[%parallel_loop3A_268, %add3A_233] : memref<128x128xf32, #tpu.memory_space<vmem>>[vector<16xi32>, vector<16xi32>], vector<16xf32>,
          %parallel_loop3A_270 = arith.mulf %parallel_loop3A_269, %get3A_231 : vector<16xf32>
          tpu.vector_store_idx %arg8[%add3A_233, %parallel_loop3A_268], %parallel_loop3A_270 : memref<128x128xf32, #tpu.memory_space<vmem>>[vector<16xi32>, vector<16xi32>], vector<16xf32>,
          %parallel_loop3A_271 = arith.constant 96 : i32
          %parallel_loop3A_272 = vector.broadcast %parallel_loop3A_271 : i32 to vector<16xi32>
          %parallel_loop3A_273 = arith.addi %parallel_loop3A_240, %parallel_loop3A_272 : vector<16xi32>
          %parallel_loop3A_274 = tpu.vector_load_idx %arg7[%parallel_loop3A_273, %add3A_233] : memref<128x128xf32, #tpu.memory_space<vmem>>[vector<16xi32>, vector<16xi32>], vector<16xf32>,
          %parallel_loop3A_275 = arith.mulf %parallel_loop3A_274, %get3A_231 : vector<16xf32>
          tpu.vector_store_idx %arg8[%add3A_233, %parallel_loop3A_273], %parallel_loop3A_275 : memref<128x128xf32, #tpu.memory_space<vmem>>[vector<16xi32>, vector<16xi32>], vector<16xf32>,
          %parallel_loop3A_276 = arith.constant 112 : i32
          %parallel_loop3A_277 = vector.broadcast %parallel_loop3A_276 : i32 to vector<16xi32>
          %parallel_loop3A_278 = arith.addi %parallel_loop3A_240, %parallel_loop3A_277 : vector<16xi32>
          %parallel_loop3A_279 = tpu.vector_load_idx %arg7[%parallel_loop3A_278, %add3A_233] : memref<128x128xf32, #tpu.memory_space<vmem>>[vector<16xi32>, vector<16xi32>], vector<16xf32>,
          %parallel_loop3A_280 = arith.mulf %parallel_loop3A_279, %get3A_231 : vector<16xf32>
          tpu.vector_store_idx %arg8[%add3A_233, %parallel_loop3A_278], %parallel_loop3A_280 : memref<128x128xf32, #tpu.memory_space<vmem>>[vector<16xi32>, vector<16xi32>], vector<16xf32>,
        } {sc.loop_unroll_factor = 2 : i64, sc.parallel_access}
      }
      %scan3A_181 = arith.constant 8 : i32
      %parallel_loop3A_182 = arith.constant 0 : i32
      %parallel_loop3A_183 = arith.constant 128 : i32
      %parallel_loop3A_184 = arith.constant 1 : i32
      scf.for %parallel_loop3A_228 = %parallel_loop3A_182 to %parallel_loop3A_183 step %parallel_loop3A_184  : i32 {
        %parallel_loop3A_229 = arith.index_cast %parallel_loop3A_228 : i32 to index
        %parallel_loop3A_230 = arith.constant 0 : index
        %parallel_loop3A_231 = tpu.vector_load %arg8[%parallel_loop3A_229, %parallel_loop3A_230] {strides = array<i32>} : memref<128x128xf32, #tpu.memory_space<vmem>>, vector<16xf32>,
        %parallel_loop3A_232 = arith.index_cast %parallel_loop3A_228 : i32 to index
        %parallel_loop3A_233 = arith.constant 16 : index
        %parallel_loop3A_234 = tpu.vector_load %arg8[%parallel_loop3A_232, %parallel_loop3A_233] {strides = array<i32>} : memref<128x128xf32, #tpu.memory_space<vmem>>, vector<16xf32>,
        %parallel_loop3A_235 = arith.index_cast %parallel_loop3A_228 : i32 to index
        %parallel_loop3A_236 = arith.constant 32 : index
        %parallel_loop3A_237 = tpu.vector_load %arg8[%parallel_loop3A_235, %parallel_loop3A_236] {strides = array<i32>} : memref<128x128xf32, #tpu.memory_space<vmem>>, vector<16xf32>,
        %parallel_loop3A_238 = arith.index_cast %parallel_loop3A_228 : i32 to index
        %parallel_loop3A_239 = arith.constant 48 : index
        %parallel_loop3A_240 = tpu.vector_load %arg8[%parallel_loop3A_238, %parallel_loop3A_239] {strides = array<i32>} : memref<128x128xf32, #tpu.memory_space<vmem>>, vector<16xf32>,
        %parallel_loop3A_241 = arith.index_cast %parallel_loop3A_228 : i32 to index
        %parallel_loop3A_242 = arith.constant 64 : index
        %parallel_loop3A_243 = tpu.vector_load %arg8[%parallel_loop3A_241, %parallel_loop3A_242] {strides = array<i32>} : memref<128x128xf32, #tpu.memory_space<vmem>>, vector<16xf32>,
        %parallel_loop3A_244 = arith.index_cast %parallel_loop3A_228 : i32 to index
        %parallel_loop3A_245 = arith.constant 80 : index
        %parallel_loop3A_246 = tpu.vector_load %arg8[%parallel_loop3A_244, %parallel_loop3A_245] {strides = array<i32>} : memref<128x128xf32, #tpu.memory_space<vmem>>, vector<16xf32>,
        %parallel_loop3A_247 = arith.index_cast %parallel_loop3A_228 : i32 to index
        %parallel_loop3A_248 = arith.constant 96 : index
        %parallel_loop3A_249 = tpu.vector_load %arg8[%parallel_loop3A_247, %parallel_loop3A_248] {strides = array<i32>} : memref<128x128xf32, #tpu.memory_space<vmem>>, vector<16xf32>,
        %parallel_loop3A_250 = arith.index_cast %parallel_loop3A_228 : i32 to index
        %parallel_loop3A_251 = arith.constant 112 : index
        %parallel_loop3A_252 = tpu.vector_load %arg8[%parallel_loop3A_250, %parallel_loop3A_251] {strides = array<i32>} : memref<128x128xf32, #tpu.memory_space<vmem>>, vector<16xf32>,
        %parallel_loop3A_253 = arith.constant 0 : i32
        %parallel_loop3A_254 = arith.index_cast %parallel_loop3A_253 : i32 to index
        %parallel_loop3A_255 = arith.index_cast %parallel_loop3A_228 : i32 to index
        %parallel_loop3A_256 = arith.constant 0 : index
        %parallel_loop3A_257 = tpu.vector_load %arg9[%parallel_loop3A_254, %parallel_loop3A_255, %parallel_loop3A_256] {strides = array<i32>} : memref<2x128x128xf32, #tpu.memory_space<vmem>>, vector<16xf32>,
        %parallel_loop3A_258 = arith.addf %parallel_loop3A_257, %parallel_loop3A_231 : vector<16xf32>
        %parallel_loop3A_259 = arith.constant 0 : i32
        %parallel_loop3A_260 = arith.index_cast %parallel_loop3A_259 : i32 to index
        %parallel_loop3A_261 = arith.index_cast %parallel_loop3A_228 : i32 to index
        %parallel_loop3A_262 = arith.constant 0 : index
        %parallel_loop3A_263 = tpu.vector_load %arg9[%parallel_loop3A_260, %parallel_loop3A_261, %parallel_loop3A_262] {strides = array<i32>} : memref<2x128x128xf32, #tpu.memory_space<vmem>>, vector<16xf32>,
        tpu.vector_store %arg9[%parallel_loop3A_260, %parallel_loop3A_261, %parallel_loop3A_262], %parallel_loop3A_258 {strides = array<i32>} : memref<2x128x128xf32, #tpu.memory_space<vmem>>, vector<16xf32>,
        %parallel_loop3A_264 = arith.constant 0 : i32
        %parallel_loop3A_265 = arith.index_cast %parallel_loop3A_264 : i32 to index
        %parallel_loop3A_266 = arith.index_cast %parallel_loop3A_228 : i32 to index
        %parallel_loop3A_267 = arith.constant 16 : index
        %parallel_loop3A_268 = tpu.vector_load %arg9[%parallel_loop3A_265, %parallel_loop3A_266, %parallel_loop3A_267] {strides = array<i32>} : memref<2x128x128xf32, #tpu.memory_space<vmem>>, vector<16xf32>,
        %parallel_loop3A_269 = arith.addf %parallel_loop3A_268, %parallel_loop3A_234 : vector<16xf32>
        %parallel_loop3A_270 = arith.constant 0 : i32
        %parallel_loop3A_271 = arith.index_cast %parallel_loop3A_270 : i32 to index
        %parallel_loop3A_272 = arith.index_cast %parallel_loop3A_228 : i32 to index
        %parallel_loop3A_273 = arith.constant 16 : index
        %parallel_loop3A_274 = tpu.vector_load %arg9[%parallel_loop3A_271, %parallel_loop3A_272, %parallel_loop3A_273] {strides = array<i32>} : memref<2x128x128xf32, #tpu.memory_space<vmem>>, vector<16xf32>,
        tpu.vector_store %arg9[%parallel_loop3A_271, %parallel_loop3A_272, %parallel_loop3A_273], %parallel_loop3A_269 {strides = array<i32>} : memref<2x128x128xf32, #tpu.memory_space<vmem>>, vector<16xf32>,
        %parallel_loop3A_275 = arith.constant 0 : i32
        %parallel_loop3A_276 = arith.index_cast %parallel_loop3A_275 : i32 to index
        %parallel_loop3A_277 = arith.index_cast %parallel_loop3A_228 : i32 to index
        %parallel_loop3A_278 = arith.constant 32 : index
        %parallel_loop3A_279 = tpu.vector_load %arg9[%parallel_loop3A_276, %parallel_loop3A_277, %parallel_loop3A_278] {strides = array<i32>} : memref<2x128x128xf32, #tpu.memory_space<vmem>>, vector<16xf32>,
        %parallel_loop3A_280 = arith.addf %parallel_loop3A_279, %parallel_loop3A_237 : vector<16xf32>
        %parallel_loop3A_281 = arith.constant 0 : i32
        %parallel_loop3A_282 = arith.index_cast %parallel_loop3A_281 : i32 to index
        %parallel_loop3A_283 = arith.index_cast %parallel_loop3A_228 : i32 to index
        %parallel_loop3A_284 = arith.constant 32 : index
        %parallel_loop3A_285 = tpu.vector_load %arg9[%parallel_loop3A_282, %parallel_loop3A_283, %parallel_loop3A_284] {strides = array<i32>} : memref<2x128x128xf32, #tpu.memory_space<vmem>>, vector<16xf32>,
        tpu.vector_store %arg9[%parallel_loop3A_282, %parallel_loop3A_283, %parallel_loop3A_284], %parallel_loop3A_280 {strides = array<i32>} : memref<2x128x128xf32, #tpu.memory_space<vmem>>, vector<16xf32>,
        %parallel_loop3A_286 = arith.constant 0 : i32
        %parallel_loop3A_287 = arith.index_cast %parallel_loop3A_286 : i32 to index
        %parallel_loop3A_288 = arith.index_cast %parallel_loop3A_228 : i32 to index
        %parallel_loop3A_289 = arith.constant 48 : index
        %parallel_loop3A_290 = tpu.vector_load %arg9[%parallel_loop3A_287, %parallel_loop3A_288, %parallel_loop3A_289] {strides = array<i32>} : memref<2x128x128xf32, #tpu.memory_space<vmem>>, vector<16xf32>,
        %parallel_loop3A_291 = arith.addf %parallel_loop3A_290, %parallel_loop3A_240 : vector<16xf32>
        %parallel_loop3A_292 = arith.constant 0 : i32
        %parallel_loop3A_293 = arith.index_cast %parallel_loop3A_292 : i32 to index
        %parallel_loop3A_294 = arith.index_cast %parallel_loop3A_228 : i32 to index
        %parallel_loop3A_295 = arith.constant 48 : index
        %parallel_loop3A_296 = tpu.vector_load %arg9[%parallel_loop3A_293, %parallel_loop3A_294, %parallel_loop3A_295] {strides = array<i32>} : memref<2x128x128xf32, #tpu.memory_space<vmem>>, vector<16xf32>,
        tpu.vector_store %arg9[%parallel_loop3A_293, %parallel_loop3A_294, %parallel_loop3A_295], %parallel_loop3A_291 {strides = array<i32>} : memref<2x128x128xf32, #tpu.memory_space<vmem>>, vector<16xf32>,
        %parallel_loop3A_297 = arith.constant 0 : i32
        %parallel_loop3A_298 = arith.index_cast %parallel_loop3A_297 : i32 to index
        %parallel_loop3A_299 = arith.index_cast %parallel_loop3A_228 : i32 to index
        %parallel_loop3A_300 = arith.constant 64 : index
        %parallel_loop3A_301 = tpu.vector_load %arg9[%parallel_loop3A_298, %parallel_loop3A_299, %parallel_loop3A_300] {strides = array<i32>} : memref<2x128x128xf32, #tpu.memory_space<vmem>>, vector<16xf32>,
        %parallel_loop3A_302 = arith.addf %parallel_loop3A_301, %parallel_loop3A_243 : vector<16xf32>
        %parallel_loop3A_303 = arith.constant 0 : i32
        %parallel_loop3A_304 = arith.index_cast %parallel_loop3A_303 : i32 to index
        %parallel_loop3A_305 = arith.index_cast %parallel_loop3A_228 : i32 to index
        %parallel_loop3A_306 = arith.constant 64 : index
        %parallel_loop3A_307 = tpu.vector_load %arg9[%parallel_loop3A_304, %parallel_loop3A_305, %parallel_loop3A_306] {strides = array<i32>} : memref<2x128x128xf32, #tpu.memory_space<vmem>>, vector<16xf32>,
        tpu.vector_store %arg9[%parallel_loop3A_304, %parallel_loop3A_305, %parallel_loop3A_306], %parallel_loop3A_302 {strides = array<i32>} : memref<2x128x128xf32, #tpu.memory_space<vmem>>, vector<16xf32>,
        %parallel_loop3A_308 = arith.constant 0 : i32
        %parallel_loop3A_309 = arith.index_cast %parallel_loop3A_308 : i32 to index
        %parallel_loop3A_310 = arith.index_cast %parallel_loop3A_228 : i32 to index
        %parallel_loop3A_311 = arith.constant 80 : index
        %parallel_loop3A_312 = tpu.vector_load %arg9[%parallel_loop3A_309, %parallel_loop3A_310, %parallel_loop3A_311] {strides = array<i32>} : memref<2x128x128xf32, #tpu.memory_space<vmem>>, vector<16xf32>,
        %parallel_loop3A_313 = arith.addf %parallel_loop3A_312, %parallel_loop3A_246 : vector<16xf32>
        %parallel_loop3A_314 = arith.constant 0 : i32
        %parallel_loop3A_315 = arith.index_cast %parallel_loop3A_314 : i32 to index
        %parallel_loop3A_316 = arith.index_cast %parallel_loop3A_228 : i32 to index
        %parallel_loop3A_317 = arith.constant 80 : index
        %parallel_loop3A_318 = tpu.vector_load %arg9[%parallel_loop3A_315, %parallel_loop3A_316, %parallel_loop3A_317] {strides = array<i32>} : memref<2x128x128xf32, #tpu.memory_space<vmem>>, vector<16xf32>,
        tpu.vector_store %arg9[%parallel_loop3A_315, %parallel_loop3A_316, %parallel_loop3A_317], %parallel_loop3A_313 {strides = array<i32>} : memref<2x128x128xf32, #tpu.memory_space<vmem>>, vector<16xf32>,
        %parallel_loop3A_319 = arith.constant 0 : i32
        %parallel_loop3A_320 = arith.index_cast %parallel_loop3A_319 : i32 to index
        %parallel_loop3A_321 = arith.index_cast %parallel_loop3A_228 : i32 to index
        %parallel_loop3A_322 = arith.constant 96 : index
        %parallel_loop3A_323 = tpu.vector_load %arg9[%parallel_loop3A_320, %parallel_loop3A_321, %parallel_loop3A_322] {strides = array<i32>} : memref<2x128x128xf32, #tpu.memory_space<vmem>>, vector<16xf32>,
        %parallel_loop3A_324 = arith.addf %parallel_loop3A_323, %parallel_loop3A_249 : vector<16xf32>
        %parallel_loop3A_325 = arith.constant 0 : i32
        %parallel_loop3A_326 = arith.index_cast %parallel_loop3A_325 : i32 to index
        %parallel_loop3A_327 = arith.index_cast %parallel_loop3A_228 : i32 to index
        %parallel_loop3A_328 = arith.constant 96 : index
        %parallel_loop3A_329 = tpu.vector_load %arg9[%parallel_loop3A_326, %parallel_loop3A_327, %parallel_loop3A_328] {strides = array<i32>} : memref<2x128x128xf32, #tpu.memory_space<vmem>>, vector<16xf32>,
        tpu.vector_store %arg9[%parallel_loop3A_326, %parallel_loop3A_327, %parallel_loop3A_328], %parallel_loop3A_324 {strides = array<i32>} : memref<2x128x128xf32, #tpu.memory_space<vmem>>, vector<16xf32>,
        %parallel_loop3A_330 = arith.constant 0 : i32
        %parallel_loop3A_331 = arith.index_cast %parallel_loop3A_330 : i32 to index
        %parallel_loop3A_332 = arith.index_cast %parallel_loop3A_228 : i32 to index
        %parallel_loop3A_333 = arith.constant 112 : index
        %parallel_loop3A_334 = tpu.vector_load %arg9[%parallel_loop3A_331, %parallel_loop3A_332, %parallel_loop3A_333] {strides = array<i32>} : memref<2x128x128xf32, #tpu.memory_space<vmem>>, vector<16xf32>,
        %parallel_loop3A_335 = arith.addf %parallel_loop3A_334, %parallel_loop3A_252 : vector<16xf32>
        %parallel_loop3A_336 = arith.constant 0 : i32
        %parallel_loop3A_337 = arith.index_cast %parallel_loop3A_336 : i32 to index
        %parallel_loop3A_338 = arith.index_cast %parallel_loop3A_228 : i32 to index
        %parallel_loop3A_339 = arith.constant 112 : index
        %parallel_loop3A_340 = tpu.vector_load %arg9[%parallel_loop3A_337, %parallel_loop3A_338, %parallel_loop3A_339] {strides = array<i32>} : memref<2x128x128xf32, #tpu.memory_space<vmem>>, vector<16xf32>,
        tpu.vector_store %arg9[%parallel_loop3A_337, %parallel_loop3A_338, %parallel_loop3A_339], %parallel_loop3A_335 {strides = array<i32>} : memref<2x128x128xf32, #tpu.memory_space<vmem>>, vector<16xf32>,
        %parallel_loop3A_341 = arith.constant 1 : i32
        %parallel_loop3A_342 = arith.index_cast %parallel_loop3A_341 : i32 to index
        %parallel_loop3A_343 = arith.index_cast %parallel_loop3A_228 : i32 to index
        %parallel_loop3A_344 = arith.constant 0 : index
        %parallel_loop3A_345 = tpu.vector_load %arg9[%parallel_loop3A_342, %parallel_loop3A_343, %parallel_loop3A_344] {strides = array<i32>} : memref<2x128x128xf32, #tpu.memory_space<vmem>>, vector<16xf32>,
        %parallel_loop3A_346 = arith.addf %parallel_loop3A_345, %parallel_loop3A_231 : vector<16xf32>
        %parallel_loop3A_347 = arith.constant 1 : i32
        %parallel_loop3A_348 = arith.index_cast %parallel_loop3A_347 : i32 to index
        %parallel_loop3A_349 = arith.index_cast %parallel_loop3A_228 : i32 to index
        %parallel_loop3A_350 = arith.constant 0 : index
        %parallel_loop3A_351 = tpu.vector_load %arg9[%parallel_loop3A_348, %parallel_loop3A_349, %parallel_loop3A_350] {strides = array<i32>} : memref<2x128x128xf32, #tpu.memory_space<vmem>>, vector<16xf32>,
        tpu.vector_store %arg9[%parallel_loop3A_348, %parallel_loop3A_349, %parallel_loop3A_350], %parallel_loop3A_346 {strides = array<i32>} : memref<2x128x128xf32, #tpu.memory_space<vmem>>, vector<16xf32>,
        %parallel_loop3A_352 = arith.constant 1 : i32
        %parallel_loop3A_353 = arith.index_cast %parallel_loop3A_352 : i32 to index
        %parallel_loop3A_354 = arith.index_cast %parallel_loop3A_228 : i32 to index
        %parallel_loop3A_355 = arith.constant 16 : index
        %parallel_loop3A_356 = tpu.vector_load %arg9[%parallel_loop3A_353, %parallel_loop3A_354, %parallel_loop3A_355] {strides = array<i32>} : memref<2x128x128xf32, #tpu.memory_space<vmem>>, vector<16xf32>,
        %parallel_loop3A_357 = arith.addf %parallel_loop3A_356, %parallel_loop3A_234 : vector<16xf32>
        %parallel_loop3A_358 = arith.constant 1 : i32
        %parallel_loop3A_359 = arith.index_cast %parallel_loop3A_358 : i32 to index
        %parallel_loop3A_360 = arith.index_cast %parallel_loop3A_228 : i32 to index
        %parallel_loop3A_361 = arith.constant 16 : index
        %parallel_loop3A_362 = tpu.vector_load %arg9[%parallel_loop3A_359, %parallel_loop3A_360, %parallel_loop3A_361] {strides = array<i32>} : memref<2x128x128xf32, #tpu.memory_space<vmem>>, vector<16xf32>,
        tpu.vector_store %arg9[%parallel_loop3A_359, %parallel_loop3A_360, %parallel_loop3A_361], %parallel_loop3A_357 {strides = array<i32>} : memref<2x128x128xf32, #tpu.memory_space<vmem>>, vector<16xf32>,
        %parallel_loop3A_363 = arith.constant 1 : i32
        %parallel_loop3A_364 = arith.index_cast %parallel_loop3A_363 : i32 to index
        %parallel_loop3A_365 = arith.index_cast %parallel_loop3A_228 : i32 to index
        %parallel_loop3A_366 = arith.constant 32 : index
        %parallel_loop3A_367 = tpu.vector_load %arg9[%parallel_loop3A_364, %parallel_loop3A_365, %parallel_loop3A_366] {strides = array<i32>} : memref<2x128x128xf32, #tpu.memory_space<vmem>>, vector<16xf32>,
        %parallel_loop3A_368 = arith.addf %parallel_loop3A_367, %parallel_loop3A_237 : vector<16xf32>
        %parallel_loop3A_369 = arith.constant 1 : i32
        %parallel_loop3A_370 = arith.index_cast %parallel_loop3A_369 : i32 to index
        %parallel_loop3A_371 = arith.index_cast %parallel_loop3A_228 : i32 to index
        %parallel_loop3A_372 = arith.constant 32 : index
        %parallel_loop3A_373 = tpu.vector_load %arg9[%parallel_loop3A_370, %parallel_loop3A_371, %parallel_loop3A_372] {strides = array<i32>} : memref<2x128x128xf32, #tpu.memory_space<vmem>>, vector<16xf32>,
        tpu.vector_store %arg9[%parallel_loop3A_370, %parallel_loop3A_371, %parallel_loop3A_372], %parallel_loop3A_368 {strides = array<i32>} : memref<2x128x128xf32, #tpu.memory_space<vmem>>, vector<16xf32>,
        %parallel_loop3A_374 = arith.constant 1 : i32
        %parallel_loop3A_375 = arith.index_cast %parallel_loop3A_374 : i32 to index
        %parallel_loop3A_376 = arith.index_cast %parallel_loop3A_228 : i32 to index
        %parallel_loop3A_377 = arith.constant 48 : index
        %parallel_loop3A_378 = tpu.vector_load %arg9[%parallel_loop3A_375, %parallel_loop3A_376, %parallel_loop3A_377] {strides = array<i32>} : memref<2x128x128xf32, #tpu.memory_space<vmem>>, vector<16xf32>,
        %parallel_loop3A_379 = arith.addf %parallel_loop3A_378, %parallel_loop3A_240 : vector<16xf32>
        %parallel_loop3A_380 = arith.constant 1 : i32
        %parallel_loop3A_381 = arith.index_cast %parallel_loop3A_380 : i32 to index
        %parallel_loop3A_382 = arith.index_cast %parallel_loop3A_228 : i32 to index
        %parallel_loop3A_383 = arith.constant 48 : index
        %parallel_loop3A_384 = tpu.vector_load %arg9[%parallel_loop3A_381, %parallel_loop3A_382, %parallel_loop3A_383] {strides = array<i32>} : memref<2x128x128xf32, #tpu.memory_space<vmem>>, vector<16xf32>,
        tpu.vector_store %arg9[%parallel_loop3A_381, %parallel_loop3A_382, %parallel_loop3A_383], %parallel_loop3A_379 {strides = array<i32>} : memref<2x128x128xf32, #tpu.memory_space<vmem>>, vector<16xf32>,
        %parallel_loop3A_385 = arith.constant 1 : i32
        %parallel_loop3A_386 = arith.index_cast %parallel_loop3A_385 : i32 to index
        %parallel_loop3A_387 = arith.index_cast %parallel_loop3A_228 : i32 to index
        %parallel_loop3A_388 = arith.constant 64 : index
        %parallel_loop3A_389 = tpu.vector_load %arg9[%parallel_loop3A_386, %parallel_loop3A_387, %parallel_loop3A_388] {strides = array<i32>} : memref<2x128x128xf32, #tpu.memory_space<vmem>>, vector<16xf32>,
        %parallel_loop3A_390 = arith.addf %parallel_loop3A_389, %parallel_loop3A_243 : vector<16xf32>
        %parallel_loop3A_391 = arith.constant 1 : i32
        %parallel_loop3A_392 = arith.index_cast %parallel_loop3A_391 : i32 to index
        %parallel_loop3A_393 = arith.index_cast %parallel_loop3A_228 : i32 to index
        %parallel_loop3A_394 = arith.constant 64 : index
        %parallel_loop3A_395 = tpu.vector_load %arg9[%parallel_loop3A_392, %parallel_loop3A_393, %parallel_loop3A_394] {strides = array<i32>} : memref<2x128x128xf32, #tpu.memory_space<vmem>>, vector<16xf32>,
        tpu.vector_store %arg9[%parallel_loop3A_392, %parallel_loop3A_393, %parallel_loop3A_394], %parallel_loop3A_390 {strides = array<i32>} : memref<2x128x128xf32, #tpu.memory_space<vmem>>, vector<16xf32>,
        %parallel_loop3A_396 = arith.constant 1 : i32
        %parallel_loop3A_397 = arith.index_cast %parallel_loop3A_396 : i32 to index
        %parallel_loop3A_398 = arith.index_cast %parallel_loop3A_228 : i32 to index
        %parallel_loop3A_399 = arith.constant 80 : index
        %parallel_loop3A_400 = tpu.vector_load %arg9[%parallel_loop3A_397, %parallel_loop3A_398, %parallel_loop3A_399] {strides = array<i32>} : memref<2x128x128xf32, #tpu.memory_space<vmem>>, vector<16xf32>,
        %parallel_loop3A_401 = arith.addf %parallel_loop3A_400, %parallel_loop3A_246 : vector<16xf32>
        %parallel_loop3A_402 = arith.constant 1 : i32
        %parallel_loop3A_403 = arith.index_cast %parallel_loop3A_402 : i32 to index
        %parallel_loop3A_404 = arith.index_cast %parallel_loop3A_228 : i32 to index
        %parallel_loop3A_405 = arith.constant 80 : index
        %parallel_loop3A_406 = tpu.vector_load %arg9[%parallel_loop3A_403, %parallel_loop3A_404, %parallel_loop3A_405] {strides = array<i32>} : memref<2x128x128xf32, #tpu.memory_space<vmem>>, vector<16xf32>,
        tpu.vector_store %arg9[%parallel_loop3A_403, %parallel_loop3A_404, %parallel_loop3A_405], %parallel_loop3A_401 {strides = array<i32>} : memref<2x128x128xf32, #tpu.memory_space<vmem>>, vector<16xf32>,
        %parallel_loop3A_407 = arith.constant 1 : i32
        %parallel_loop3A_408 = arith.index_cast %parallel_loop3A_407 : i32 to index
        %parallel_loop3A_409 = arith.index_cast %parallel_loop3A_228 : i32 to index
        %parallel_loop3A_410 = arith.constant 96 : index
        %parallel_loop3A_411 = tpu.vector_load %arg9[%parallel_loop3A_408, %parallel_loop3A_409, %parallel_loop3A_410] {strides = array<i32>} : memref<2x128x128xf32, #tpu.memory_space<vmem>>, vector<16xf32>,
        %parallel_loop3A_412 = arith.addf %parallel_loop3A_411, %parallel_loop3A_249 : vector<16xf32>
        %parallel_loop3A_413 = arith.constant 1 : i32
        %parallel_loop3A_414 = arith.index_cast %parallel_loop3A_413 : i32 to index
        %parallel_loop3A_415 = arith.index_cast %parallel_loop3A_228 : i32 to index
        %parallel_loop3A_416 = arith.constant 96 : index
        %parallel_loop3A_417 = tpu.vector_load %arg9[%parallel_loop3A_414, %parallel_loop3A_415, %parallel_loop3A_416] {strides = array<i32>} : memref<2x128x128xf32, #tpu.memory_space<vmem>>, vector<16xf32>,
        tpu.vector_store %arg9[%parallel_loop3A_414, %parallel_loop3A_415, %parallel_loop3A_416], %parallel_loop3A_412 {strides = array<i32>} : memref<2x128x128xf32, #tpu.memory_space<vmem>>, vector<16xf32>,
        %parallel_loop3A_418 = arith.constant 1 : i32
        %parallel_loop3A_419 = arith.index_cast %parallel_loop3A_418 : i32 to index
        %parallel_loop3A_420 = arith.index_cast %parallel_loop3A_228 : i32 to index
        %parallel_loop3A_421 = arith.constant 112 : index
        %parallel_loop3A_422 = tpu.vector_load %arg9[%parallel_loop3A_419, %parallel_loop3A_420, %parallel_loop3A_421] {strides = array<i32>} : memref<2x128x128xf32, #tpu.memory_space<vmem>>, vector<16xf32>,
        %parallel_loop3A_423 = arith.addf %parallel_loop3A_422, %parallel_loop3A_252 : vector<16xf32>
        %parallel_loop3A_424 = arith.constant 1 : i32
        %parallel_loop3A_425 = arith.index_cast %parallel_loop3A_424 : i32 to index
        %parallel_loop3A_426 = arith.index_cast %parallel_loop3A_228 : i32 to index
        %parallel_loop3A_427 = arith.constant 112 : index
        %parallel_loop3A_428 = tpu.vector_load %arg9[%parallel_loop3A_425, %parallel_loop3A_426, %parallel_loop3A_427] {strides = array<i32>} : memref<2x128x128xf32, #tpu.memory_space<vmem>>, vector<16xf32>,
        tpu.vector_store %arg9[%parallel_loop3A_425, %parallel_loop3A_426, %parallel_loop3A_427], %parallel_loop3A_423 {strides = array<i32>} : memref<2x128x128xf32, #tpu.memory_space<vmem>>, vector<16xf32>,
      } {sc.loop_unroll_factor = 4 : i64, sc.parallel_access}
      %mul3A_185 = arith.constant 128 : i32
      %mul3A_186 = arith.muli %add3A_141, %mul3A_185 : i32
      %add3A_187 = arith.addi %mul3A_24, %mul3A_186 : i32
      %dma_start3A_188 = arith.constant 0 : i32
      %dma_start3A_189 = tpu.memref_slice %arg5[%dma_start3A_188, %mul3A_20, %add3A_187] : memref<4x2048x4096xf32, #tpu.memory_space<hbm>> -> memref<2x128x128xf32, #tpu.memory_space<hbm>>
      %dma_start3A_190 = arith.constant 0 : i32
      %dma_start3A_191 = tpu.memref_slice %arg5[%dma_start3A_190, %mul3A_20, %add3A_187] : memref<4x2048x4096xf32, #tpu.memory_space<hbm>> -> memref<2x128x128xf32, #tpu.memory_space<hbm>>
      tpu.enqueue_dma source(%arg9 : memref<2x128x128xf32, #tpu.memory_space<vmem>>) target(%dma_start3A_191 : memref<2x128x128xf32, #tpu.memory_space<hbm>>) target_semaphore(%arg16 : memref<!tpu.dma_semaphore, #tpu.memory_space<semaphore_mem>>)
      %mul3A_192 = arith.constant 2 : i32
      %mul3A_193 = arith.muli %mul3A_192, %scan3A_45 : i32
      %add3A_194 = arith.constant 1 : i32
      %add3A_195 = arith.addi %mul3A_193, %add3A_194 : i32
      %mul3A_196 = arith.constant 2 : i32
      %mul3A_197 = arith.muli %mul3A_196, %scan3A_45 : i32
      %add3A_198 = arith.constant 1 : i32
      %add3A_199 = arith.addi %mul3A_197, %add3A_198 : i32
      %mul3A_200 = arith.constant 128 : i32
      %mul3A_201 = arith.muli %add3A_199, %mul3A_200 : i32
      %add3A_202 = arith.addi %mul3A_24, %mul3A_201 : i32
      %dma_wait3A_203 = arith.constant 0 : i32
      %dma_wait3A_204 = tpu.memref_slice %arg5[%dma_wait3A_203, %mul3A_20, %add3A_202] : memref<4x2048x4096xf32, #tpu.memory_space<hbm>> -> memref<2x128x128xf32, #tpu.memory_space<hbm>>
      %dma_wait3A_205 = arith.constant 0 : i32
      %dma_wait3A_206 = tpu.memref_slice %arg5[%dma_wait3A_205, %mul3A_20, %add3A_202] : memref<4x2048x4096xf32, #tpu.memory_space<hbm>> -> memref<2x128x128xf32, #tpu.memory_space<hbm>>
      tpu.wait_dma2 semaphore(%arg16 : memref<!tpu.dma_semaphore, #tpu.memory_space<semaphore_mem>>) src(%arg9 : memref<2x128x128xf32, #tpu.memory_space<vmem>>) dst(%dma_wait3A_206 : memref<2x128x128xf32, #tpu.memory_space<hbm>>)
      %lt3A = arith.constant 7 : i32
      %lt3A_207 = arith.cmpi slt, %scan3A_45, %lt3A : i32
      %convert_element_type3A_208 = arith.extui %lt3A_207 : i1 to i32
      %cond3A_209 = arith.constant 0 : i32
      %cond3A_210 = arith.cmpi ne, %convert_element_type3A_208, %cond3A_209 : i32
      scf.if %cond3A_210 {
        %mul3A_228 = arith.constant 2 : i32
        %mul3A_229 = arith.muli %mul3A_228, %scan3A_45 : i32
        %add3A_230 = arith.constant 2 : i32
        %add3A_231 = arith.addi %mul3A_229, %add3A_230 : i32
        %mul3A_232 = arith.constant 128 : i32
        %mul3A_233 = arith.muli %add3A_231, %mul3A_232 : i32
        %add3A_234 = arith.addi %mul3A_24, %mul3A_233 : i32
        %dma_start3A_235 = tpu.memref_slice %arg3[%add3A_234, %mul3A_20] : memref<4189x2048xf32, #tpu.memory_space<hbm>> -> memref<128x128xf32, #tpu.memory_space<hbm>>
        %dma_start3A_236 = tpu.memref_slice %arg3[%add3A_234, %mul3A_20] : memref<4189x2048xf32, #tpu.memory_space<hbm>> -> memref<128x128xf32, #tpu.memory_space<hbm>>
        tpu.enqueue_dma source(%dma_start3A_236 : memref<128x128xf32, #tpu.memory_space<hbm>>) target(%arg6 : memref<128x128xf32, #tpu.memory_space<vmem>>) target_semaphore(%arg12 : memref<!tpu.dma_semaphore, #tpu.memory_space<semaphore_mem>>)
        %mul3A_237 = arith.constant 128 : i32
        %mul3A_238 = arith.muli %add3A_231, %mul3A_237 : i32
        %add3A_239 = arith.addi %mul3A_24, %mul3A_238 : i32
        %dma_start3A_240 = arith.constant 0 : i32
        %dma_start3A_241 = tpu.memref_slice %arg2[%dma_start3A_240, %mul3A_20, %add3A_239] : memref<4x2048x4096xf32, #tpu.memory_space<hbm>> -> memref<2x128x128xf32, #tpu.memory_space<hbm>>
        %dma_start3A_242 = arith.constant 0 : i32
        %dma_start3A_243 = tpu.memref_slice %arg2[%dma_start3A_242, %mul3A_20, %add3A_239] : memref<4x2048x4096xf32, #tpu.memory_space<hbm>> -> memref<2x128x128xf32, #tpu.memory_space<hbm>>
        tpu.enqueue_dma source(%dma_start3A_243 : memref<2x128x128xf32, #tpu.memory_space<hbm>>) target(%arg9 : memref<2x128x128xf32, #tpu.memory_space<vmem>>) target_semaphore(%arg14 : memref<!tpu.dma_semaphore, #tpu.memory_space<semaphore_mem>>)
      } else {
      }
      %mul3A_211 = arith.constant 128 : i32
      %mul3A_212 = arith.muli %add3A_195, %mul3A_211 : i32
      %add3A_213 = arith.addi %mul3A_24, %mul3A_212 : i32
      %dma_wait3A_214 = arith.constant 2 : i32
      %dma_wait3A_215 = tpu.memref_slice %arg2[%dma_wait3A_214, %mul3A_20, %add3A_213] : memref<4x2048x4096xf32, #tpu.memory_space<hbm>> -> memref<2x128x128xf32, #tpu.memory_space<hbm>>
      %dma_wait3A_216 = arith.constant 2 : i32
      %dma_wait3A_217 = tpu.memref_slice %arg2[%dma_wait3A_216, %mul3A_20, %add3A_213] : memref<4x2048x4096xf32, #tpu.memory_space<hbm>> -> memref<2x128x128xf32, #tpu.memory_space<hbm>>
      tpu.wait_dma2 semaphore(%arg15 : memref<!tpu.dma_semaphore, #tpu.memory_space<semaphore_mem>>) src(%dma_wait3A_217 : memref<2x128x128xf32, #tpu.memory_space<hbm>>) dst(%arg10 : memref<2x128x128xf32, #tpu.memory_space<vmem>>)
      %parallel_loop3A_218 = arith.constant 0 : i32
      %parallel_loop3A_219 = arith.constant 128 : i32
      %parallel_loop3A_220 = arith.constant 1 : i32
      scf.for %parallel_loop3A_228 = %parallel_loop3A_218 to %parallel_loop3A_219 step %parallel_loop3A_220  : i32 {
        %parallel_loop3A_229 = arith.index_cast %parallel_loop3A_228 : i32 to index
        %parallel_loop3A_230 = arith.constant 0 : index
        %parallel_loop3A_231 = tpu.vector_load %arg8[%parallel_loop3A_229, %parallel_loop3A_230] {strides = array<i32>} : memref<128x128xf32, #tpu.memory_space<vmem>>, vector<16xf32>,
        %parallel_loop3A_232 = arith.index_cast %parallel_loop3A_228 : i32 to index
        %parallel_loop3A_233 = arith.constant 16 : index
        %parallel_loop3A_234 = tpu.vector_load %arg8[%parallel_loop3A_232, %parallel_loop3A_233] {strides = array<i32>} : memref<128x128xf32, #tpu.memory_space<vmem>>, vector<16xf32>,
        %parallel_loop3A_235 = arith.index_cast %parallel_loop3A_228 : i32 to index
        %parallel_loop3A_236 = arith.constant 32 : index
        %parallel_loop3A_237 = tpu.vector_load %arg8[%parallel_loop3A_235, %parallel_loop3A_236] {strides = array<i32>} : memref<128x128xf32, #tpu.memory_space<vmem>>, vector<16xf32>,
        %parallel_loop3A_238 = arith.index_cast %parallel_loop3A_228 : i32 to index
        %parallel_loop3A_239 = arith.constant 48 : index
        %parallel_loop3A_240 = tpu.vector_load %arg8[%parallel_loop3A_238, %parallel_loop3A_239] {strides = array<i32>} : memref<128x128xf32, #tpu.memory_space<vmem>>, vector<16xf32>,
        %parallel_loop3A_241 = arith.index_cast %parallel_loop3A_228 : i32 to index
        %parallel_loop3A_242 = arith.constant 64 : index
        %parallel_loop3A_243 = tpu.vector_load %arg8[%parallel_loop3A_241, %parallel_loop3A_242] {strides = array<i32>} : memref<128x128xf32, #tpu.memory_space<vmem>>, vector<16xf32>,
        %parallel_loop3A_244 = arith.index_cast %parallel_loop3A_228 : i32 to index
        %parallel_loop3A_245 = arith.constant 80 : index
        %parallel_loop3A_246 = tpu.vector_load %arg8[%parallel_loop3A_244, %parallel_loop3A_245] {strides = array<i32>} : memref<128x128xf32, #tpu.memory_space<vmem>>, vector<16xf32>,
        %parallel_loop3A_247 = arith.index_cast %parallel_loop3A_228 : i32 to index
        %parallel_loop3A_248 = arith.constant 96 : index
        %parallel_loop3A_249 = tpu.vector_load %arg8[%parallel_loop3A_247, %parallel_loop3A_248] {strides = array<i32>} : memref<128x128xf32, #tpu.memory_space<vmem>>, vector<16xf32>,
        %parallel_loop3A_250 = arith.index_cast %parallel_loop3A_228 : i32 to index
        %parallel_loop3A_251 = arith.constant 112 : index
        %parallel_loop3A_252 = tpu.vector_load %arg8[%parallel_loop3A_250, %parallel_loop3A_251] {strides = array<i32>} : memref<128x128xf32, #tpu.memory_space<vmem>>, vector<16xf32>,
        %parallel_loop3A_253 = arith.constant 0 : i32
        %parallel_loop3A_254 = arith.index_cast %parallel_loop3A_253 : i32 to index
        %parallel_loop3A_255 = arith.index_cast %parallel_loop3A_228 : i32 to index
        %parallel_loop3A_256 = arith.constant 0 : index
        %parallel_loop3A_257 = tpu.vector_load %arg10[%parallel_loop3A_254, %parallel_loop3A_255, %parallel_loop3A_256] {strides = array<i32>} : memref<2x128x128xf32, #tpu.memory_space<vmem>>, vector<16xf32>,
        %parallel_loop3A_258 = arith.addf %parallel_loop3A_257, %parallel_loop3A_231 : vector<16xf32>
        %parallel_loop3A_259 = arith.constant 0 : i32
        %parallel_loop3A_260 = arith.index_cast %parallel_loop3A_259 : i32 to index
        %parallel_loop3A_261 = arith.index_cast %parallel_loop3A_228 : i32 to index
        %parallel_loop3A_262 = arith.constant 0 : index
        %parallel_loop3A_263 = tpu.vector_load %arg10[%parallel_loop3A_260, %parallel_loop3A_261, %parallel_loop3A_262] {strides = array<i32>} : memref<2x128x128xf32, #tpu.memory_space<vmem>>, vector<16xf32>,
        tpu.vector_store %arg10[%parallel_loop3A_260, %parallel_loop3A_261, %parallel_loop3A_262], %parallel_loop3A_258 {strides = array<i32>} : memref<2x128x128xf32, #tpu.memory_space<vmem>>, vector<16xf32>,
        %parallel_loop3A_264 = arith.constant 0 : i32
        %parallel_loop3A_265 = arith.index_cast %parallel_loop3A_264 : i32 to index
        %parallel_loop3A_266 = arith.index_cast %parallel_loop3A_228 : i32 to index
        %parallel_loop3A_267 = arith.constant 16 : index
        %parallel_loop3A_268 = tpu.vector_load %arg10[%parallel_loop3A_265, %parallel_loop3A_266, %parallel_loop3A_267] {strides = array<i32>} : memref<2x128x128xf32, #tpu.memory_space<vmem>>, vector<16xf32>,
        %parallel_loop3A_269 = arith.addf %parallel_loop3A_268, %parallel_loop3A_234 : vector<16xf32>
        %parallel_loop3A_270 = arith.constant 0 : i32
        %parallel_loop3A_271 = arith.index_cast %parallel_loop3A_270 : i32 to index
        %parallel_loop3A_272 = arith.index_cast %parallel_loop3A_228 : i32 to index
        %parallel_loop3A_273 = arith.constant 16 : index
        %parallel_loop3A_274 = tpu.vector_load %arg10[%parallel_loop3A_271, %parallel_loop3A_272, %parallel_loop3A_273] {strides = array<i32>} : memref<2x128x128xf32, #tpu.memory_space<vmem>>, vector<16xf32>,
        tpu.vector_store %arg10[%parallel_loop3A_271, %parallel_loop3A_272, %parallel_loop3A_273], %parallel_loop3A_269 {strides = array<i32>} : memref<2x128x128xf32, #tpu.memory_space<vmem>>, vector<16xf32>,
        %parallel_loop3A_275 = arith.constant 0 : i32
        %parallel_loop3A_276 = arith.index_cast %parallel_loop3A_275 : i32 to index
        %parallel_loop3A_277 = arith.index_cast %parallel_loop3A_228 : i32 to index
        %parallel_loop3A_278 = arith.constant 32 : index
        %parallel_loop3A_279 = tpu.vector_load %arg10[%parallel_loop3A_276, %parallel_loop3A_277, %parallel_loop3A_278] {strides = array<i32>} : memref<2x128x128xf32, #tpu.memory_space<vmem>>, vector<16xf32>,
        %parallel_loop3A_280 = arith.addf %parallel_loop3A_279, %parallel_loop3A_237 : vector<16xf32>
        %parallel_loop3A_281 = arith.constant 0 : i32
        %parallel_loop3A_282 = arith.index_cast %parallel_loop3A_281 : i32 to index
        %parallel_loop3A_283 = arith.index_cast %parallel_loop3A_228 : i32 to index
        %parallel_loop3A_284 = arith.constant 32 : index
        %parallel_loop3A_285 = tpu.vector_load %arg10[%parallel_loop3A_282, %parallel_loop3A_283, %parallel_loop3A_284] {strides = array<i32>} : memref<2x128x128xf32, #tpu.memory_space<vmem>>, vector<16xf32>,
        tpu.vector_store %arg10[%parallel_loop3A_282, %parallel_loop3A_283, %parallel_loop3A_284], %parallel_loop3A_280 {strides = array<i32>} : memref<2x128x128xf32, #tpu.memory_space<vmem>>, vector<16xf32>,
        %parallel_loop3A_286 = arith.constant 0 : i32
        %parallel_loop3A_287 = arith.index_cast %parallel_loop3A_286 : i32 to index
        %parallel_loop3A_288 = arith.index_cast %parallel_loop3A_228 : i32 to index
        %parallel_loop3A_289 = arith.constant 48 : index
        %parallel_loop3A_290 = tpu.vector_load %arg10[%parallel_loop3A_287, %parallel_loop3A_288, %parallel_loop3A_289] {strides = array<i32>} : memref<2x128x128xf32, #tpu.memory_space<vmem>>, vector<16xf32>,
        %parallel_loop3A_291 = arith.addf %parallel_loop3A_290, %parallel_loop3A_240 : vector<16xf32>
        %parallel_loop3A_292 = arith.constant 0 : i32
        %parallel_loop3A_293 = arith.index_cast %parallel_loop3A_292 : i32 to index
        %parallel_loop3A_294 = arith.index_cast %parallel_loop3A_228 : i32 to index
        %parallel_loop3A_295 = arith.constant 48 : index
        %parallel_loop3A_296 = tpu.vector_load %arg10[%parallel_loop3A_293, %parallel_loop3A_294, %parallel_loop3A_295] {strides = array<i32>} : memref<2x128x128xf32, #tpu.memory_space<vmem>>, vector<16xf32>,
        tpu.vector_store %arg10[%parallel_loop3A_293, %parallel_loop3A_294, %parallel_loop3A_295], %parallel_loop3A_291 {strides = array<i32>} : memref<2x128x128xf32, #tpu.memory_space<vmem>>, vector<16xf32>,
        %parallel_loop3A_297 = arith.constant 0 : i32
        %parallel_loop3A_298 = arith.index_cast %parallel_loop3A_297 : i32 to index
        %parallel_loop3A_299 = arith.index_cast %parallel_loop3A_228 : i32 to index
        %parallel_loop3A_300 = arith.constant 64 : index
        %parallel_loop3A_301 = tpu.vector_load %arg10[%parallel_loop3A_298, %parallel_loop3A_299, %parallel_loop3A_300] {strides = array<i32>} : memref<2x128x128xf32, #tpu.memory_space<vmem>>, vector<16xf32>,
        %parallel_loop3A_302 = arith.addf %parallel_loop3A_301, %parallel_loop3A_243 : vector<16xf32>
        %parallel_loop3A_303 = arith.constant 0 : i32
        %parallel_loop3A_304 = arith.index_cast %parallel_loop3A_303 : i32 to index
        %parallel_loop3A_305 = arith.index_cast %parallel_loop3A_228 : i32 to index
        %parallel_loop3A_306 = arith.constant 64 : index
        %parallel_loop3A_307 = tpu.vector_load %arg10[%parallel_loop3A_304, %parallel_loop3A_305, %parallel_loop3A_306] {strides = array<i32>} : memref<2x128x128xf32, #tpu.memory_space<vmem>>, vector<16xf32>,
        tpu.vector_store %arg10[%parallel_loop3A_304, %parallel_loop3A_305, %parallel_loop3A_306], %parallel_loop3A_302 {strides = array<i32>} : memref<2x128x128xf32, #tpu.memory_space<vmem>>, vector<16xf32>,
        %parallel_loop3A_308 = arith.constant 0 : i32
        %parallel_loop3A_309 = arith.index_cast %parallel_loop3A_308 : i32 to index
        %parallel_loop3A_310 = arith.index_cast %parallel_loop3A_228 : i32 to index
        %parallel_loop3A_311 = arith.constant 80 : index
        %parallel_loop3A_312 = tpu.vector_load %arg10[%parallel_loop3A_309, %parallel_loop3A_310, %parallel_loop3A_311] {strides = array<i32>} : memref<2x128x128xf32, #tpu.memory_space<vmem>>, vector<16xf32>,
        %parallel_loop3A_313 = arith.addf %parallel_loop3A_312, %parallel_loop3A_246 : vector<16xf32>
        %parallel_loop3A_314 = arith.constant 0 : i32
        %parallel_loop3A_315 = arith.index_cast %parallel_loop3A_314 : i32 to index
        %parallel_loop3A_316 = arith.index_cast %parallel_loop3A_228 : i32 to index
        %parallel_loop3A_317 = arith.constant 80 : index
        %parallel_loop3A_318 = tpu.vector_load %arg10[%parallel_loop3A_315, %parallel_loop3A_316, %parallel_loop3A_317] {strides = array<i32>} : memref<2x128x128xf32, #tpu.memory_space<vmem>>, vector<16xf32>,
        tpu.vector_store %arg10[%parallel_loop3A_315, %parallel_loop3A_316, %parallel_loop3A_317], %parallel_loop3A_313 {strides = array<i32>} : memref<2x128x128xf32, #tpu.memory_space<vmem>>, vector<16xf32>,
        %parallel_loop3A_319 = arith.constant 0 : i32
        %parallel_loop3A_320 = arith.index_cast %parallel_loop3A_319 : i32 to index
        %parallel_loop3A_321 = arith.index_cast %parallel_loop3A_228 : i32 to index
        %parallel_loop3A_322 = arith.constant 96 : index
        %parallel_loop3A_323 = tpu.vector_load %arg10[%parallel_loop3A_320, %parallel_loop3A_321, %parallel_loop3A_322] {strides = array<i32>} : memref<2x128x128xf32, #tpu.memory_space<vmem>>, vector<16xf32>,
        %parallel_loop3A_324 = arith.addf %parallel_loop3A_323, %parallel_loop3A_249 : vector<16xf32>
        %parallel_loop3A_325 = arith.constant 0 : i32
        %parallel_loop3A_326 = arith.index_cast %parallel_loop3A_325 : i32 to index
        %parallel_loop3A_327 = arith.index_cast %parallel_loop3A_228 : i32 to index
        %parallel_loop3A_328 = arith.constant 96 : index
        %parallel_loop3A_329 = tpu.vector_load %arg10[%parallel_loop3A_326, %parallel_loop3A_327, %parallel_loop3A_328] {strides = array<i32>} : memref<2x128x128xf32, #tpu.memory_space<vmem>>, vector<16xf32>,
        tpu.vector_store %arg10[%parallel_loop3A_326, %parallel_loop3A_327, %parallel_loop3A_328], %parallel_loop3A_324 {strides = array<i32>} : memref<2x128x128xf32, #tpu.memory_space<vmem>>, vector<16xf32>,
        %parallel_loop3A_330 = arith.constant 0 : i32
        %parallel_loop3A_331 = arith.index_cast %parallel_loop3A_330 : i32 to index
        %parallel_loop3A_332 = arith.index_cast %parallel_loop3A_228 : i32 to index
        %parallel_loop3A_333 = arith.constant 112 : index
        %parallel_loop3A_334 = tpu.vector_load %arg10[%parallel_loop3A_331, %parallel_loop3A_332, %parallel_loop3A_333] {strides = array<i32>} : memref<2x128x128xf32, #tpu.memory_space<vmem>>, vector<16xf32>,
        %parallel_loop3A_335 = arith.addf %parallel_loop3A_334, %parallel_loop3A_252 : vector<16xf32>
        %parallel_loop3A_336 = arith.constant 0 : i32
        %parallel_loop3A_337 = arith.index_cast %parallel_loop3A_336 : i32 to index
        %parallel_loop3A_338 = arith.index_cast %parallel_loop3A_228 : i32 to index
        %parallel_loop3A_339 = arith.constant 112 : index
        %parallel_loop3A_340 = tpu.vector_load %arg10[%parallel_loop3A_337, %parallel_loop3A_338, %parallel_loop3A_339] {strides = array<i32>} : memref<2x128x128xf32, #tpu.memory_space<vmem>>, vector<16xf32>,
        tpu.vector_store %arg10[%parallel_loop3A_337, %parallel_loop3A_338, %parallel_loop3A_339], %parallel_loop3A_335 {strides = array<i32>} : memref<2x128x128xf32, #tpu.memory_space<vmem>>, vector<16xf32>,
        %parallel_loop3A_341 = arith.constant 1 : i32
        %parallel_loop3A_342 = arith.index_cast %parallel_loop3A_341 : i32 to index
        %parallel_loop3A_343 = arith.index_cast %parallel_loop3A_228 : i32 to index
        %parallel_loop3A_344 = arith.constant 0 : index
        %parallel_loop3A_345 = tpu.vector_load %arg10[%parallel_loop3A_342, %parallel_loop3A_343, %parallel_loop3A_344] {strides = array<i32>} : memref<2x128x128xf32, #tpu.memory_space<vmem>>, vector<16xf32>,
        %parallel_loop3A_346 = arith.addf %parallel_loop3A_345, %parallel_loop3A_231 : vector<16xf32>
        %parallel_loop3A_347 = arith.constant 1 : i32
        %parallel_loop3A_348 = arith.index_cast %parallel_loop3A_347 : i32 to index
        %parallel_loop3A_349 = arith.index_cast %parallel_loop3A_228 : i32 to index
        %parallel_loop3A_350 = arith.constant 0 : index
        %parallel_loop3A_351 = tpu.vector_load %arg10[%parallel_loop3A_348, %parallel_loop3A_349, %parallel_loop3A_350] {strides = array<i32>} : memref<2x128x128xf32, #tpu.memory_space<vmem>>, vector<16xf32>,
        tpu.vector_store %arg10[%parallel_loop3A_348, %parallel_loop3A_349, %parallel_loop3A_350], %parallel_loop3A_346 {strides = array<i32>} : memref<2x128x128xf32, #tpu.memory_space<vmem>>, vector<16xf32>,
        %parallel_loop3A_352 = arith.constant 1 : i32
        %parallel_loop3A_353 = arith.index_cast %parallel_loop3A_352 : i32 to index
        %parallel_loop3A_354 = arith.index_cast %parallel_loop3A_228 : i32 to index
        %parallel_loop3A_355 = arith.constant 16 : index
        %parallel_loop3A_356 = tpu.vector_load %arg10[%parallel_loop3A_353, %parallel_loop3A_354, %parallel_loop3A_355] {strides = array<i32>} : memref<2x128x128xf32, #tpu.memory_space<vmem>>, vector<16xf32>,
        %parallel_loop3A_357 = arith.addf %parallel_loop3A_356, %parallel_loop3A_234 : vector<16xf32>
        %parallel_loop3A_358 = arith.constant 1 : i32
        %parallel_loop3A_359 = arith.index_cast %parallel_loop3A_358 : i32 to index
        %parallel_loop3A_360 = arith.index_cast %parallel_loop3A_228 : i32 to index
        %parallel_loop3A_361 = arith.constant 16 : index
        %parallel_loop3A_362 = tpu.vector_load %arg10[%parallel_loop3A_359, %parallel_loop3A_360, %parallel_loop3A_361] {strides = array<i32>} : memref<2x128x128xf32, #tpu.memory_space<vmem>>, vector<16xf32>,
        tpu.vector_store %arg10[%parallel_loop3A_359, %parallel_loop3A_360, %parallel_loop3A_361], %parallel_loop3A_357 {strides = array<i32>} : memref<2x128x128xf32, #tpu.memory_space<vmem>>, vector<16xf32>,
        %parallel_loop3A_363 = arith.constant 1 : i32
        %parallel_loop3A_364 = arith.index_cast %parallel_loop3A_363 : i32 to index
        %parallel_loop3A_365 = arith.index_cast %parallel_loop3A_228 : i32 to index
        %parallel_loop3A_366 = arith.constant 32 : index
        %parallel_loop3A_367 = tpu.vector_load %arg10[%parallel_loop3A_364, %parallel_loop3A_365, %parallel_loop3A_366] {strides = array<i32>} : memref<2x128x128xf32, #tpu.memory_space<vmem>>, vector<16xf32>,
        %parallel_loop3A_368 = arith.addf %parallel_loop3A_367, %parallel_loop3A_237 : vector<16xf32>
        %parallel_loop3A_369 = arith.constant 1 : i32
        %parallel_loop3A_370 = arith.index_cast %parallel_loop3A_369 : i32 to index
        %parallel_loop3A_371 = arith.index_cast %parallel_loop3A_228 : i32 to index
        %parallel_loop3A_372 = arith.constant 32 : index
        %parallel_loop3A_373 = tpu.vector_load %arg10[%parallel_loop3A_370, %parallel_loop3A_371, %parallel_loop3A_372] {strides = array<i32>} : memref<2x128x128xf32, #tpu.memory_space<vmem>>, vector<16xf32>,
        tpu.vector_store %arg10[%parallel_loop3A_370, %parallel_loop3A_371, %parallel_loop3A_372], %parallel_loop3A_368 {strides = array<i32>} : memref<2x128x128xf32, #tpu.memory_space<vmem>>, vector<16xf32>,
        %parallel_loop3A_374 = arith.constant 1 : i32
        %parallel_loop3A_375 = arith.index_cast %parallel_loop3A_374 : i32 to index
        %parallel_loop3A_376 = arith.index_cast %parallel_loop3A_228 : i32 to index
        %parallel_loop3A_377 = arith.constant 48 : index
        %parallel_loop3A_378 = tpu.vector_load %arg10[%parallel_loop3A_375, %parallel_loop3A_376, %parallel_loop3A_377] {strides = array<i32>} : memref<2x128x128xf32, #tpu.memory_space<vmem>>, vector<16xf32>,
        %parallel_loop3A_379 = arith.addf %parallel_loop3A_378, %parallel_loop3A_240 : vector<16xf32>
        %parallel_loop3A_380 = arith.constant 1 : i32
        %parallel_loop3A_381 = arith.index_cast %parallel_loop3A_380 : i32 to index
        %parallel_loop3A_382 = arith.index_cast %parallel_loop3A_228 : i32 to index
        %parallel_loop3A_383 = arith.constant 48 : index
        %parallel_loop3A_384 = tpu.vector_load %arg10[%parallel_loop3A_381, %parallel_loop3A_382, %parallel_loop3A_383] {strides = array<i32>} : memref<2x128x128xf32, #tpu.memory_space<vmem>>, vector<16xf32>,
        tpu.vector_store %arg10[%parallel_loop3A_381, %parallel_loop3A_382, %parallel_loop3A_383], %parallel_loop3A_379 {strides = array<i32>} : memref<2x128x128xf32, #tpu.memory_space<vmem>>, vector<16xf32>,
        %parallel_loop3A_385 = arith.constant 1 : i32
        %parallel_loop3A_386 = arith.index_cast %parallel_loop3A_385 : i32 to index
        %parallel_loop3A_387 = arith.index_cast %parallel_loop3A_228 : i32 to index
        %parallel_loop3A_388 = arith.constant 64 : index
        %parallel_loop3A_389 = tpu.vector_load %arg10[%parallel_loop3A_386, %parallel_loop3A_387, %parallel_loop3A_388] {strides = array<i32>} : memref<2x128x128xf32, #tpu.memory_space<vmem>>, vector<16xf32>,
        %parallel_loop3A_390 = arith.addf %parallel_loop3A_389, %parallel_loop3A_243 : vector<16xf32>
        %parallel_loop3A_391 = arith.constant 1 : i32
        %parallel_loop3A_392 = arith.index_cast %parallel_loop3A_391 : i32 to index
        %parallel_loop3A_393 = arith.index_cast %parallel_loop3A_228 : i32 to index
        %parallel_loop3A_394 = arith.constant 64 : index
        %parallel_loop3A_395 = tpu.vector_load %arg10[%parallel_loop3A_392, %parallel_loop3A_393, %parallel_loop3A_394] {strides = array<i32>} : memref<2x128x128xf32, #tpu.memory_space<vmem>>, vector<16xf32>,
        tpu.vector_store %arg10[%parallel_loop3A_392, %parallel_loop3A_393, %parallel_loop3A_394], %parallel_loop3A_390 {strides = array<i32>} : memref<2x128x128xf32, #tpu.memory_space<vmem>>, vector<16xf32>,
        %parallel_loop3A_396 = arith.constant 1 : i32
        %parallel_loop3A_397 = arith.index_cast %parallel_loop3A_396 : i32 to index
        %parallel_loop3A_398 = arith.index_cast %parallel_loop3A_228 : i32 to index
        %parallel_loop3A_399 = arith.constant 80 : index
        %parallel_loop3A_400 = tpu.vector_load %arg10[%parallel_loop3A_397, %parallel_loop3A_398, %parallel_loop3A_399] {strides = array<i32>} : memref<2x128x128xf32, #tpu.memory_space<vmem>>, vector<16xf32>,
        %parallel_loop3A_401 = arith.addf %parallel_loop3A_400, %parallel_loop3A_246 : vector<16xf32>
        %parallel_loop3A_402 = arith.constant 1 : i32
        %parallel_loop3A_403 = arith.index_cast %parallel_loop3A_402 : i32 to index
        %parallel_loop3A_404 = arith.index_cast %parallel_loop3A_228 : i32 to index
        %parallel_loop3A_405 = arith.constant 80 : index
        %parallel_loop3A_406 = tpu.vector_load %arg10[%parallel_loop3A_403, %parallel_loop3A_404, %parallel_loop3A_405] {strides = array<i32>} : memref<2x128x128xf32, #tpu.memory_space<vmem>>, vector<16xf32>,
        tpu.vector_store %arg10[%parallel_loop3A_403, %parallel_loop3A_404, %parallel_loop3A_405], %parallel_loop3A_401 {strides = array<i32>} : memref<2x128x128xf32, #tpu.memory_space<vmem>>, vector<16xf32>,
        %parallel_loop3A_407 = arith.constant 1 : i32
        %parallel_loop3A_408 = arith.index_cast %parallel_loop3A_407 : i32 to index
        %parallel_loop3A_409 = arith.index_cast %parallel_loop3A_228 : i32 to index
        %parallel_loop3A_410 = arith.constant 96 : index
        %parallel_loop3A_411 = tpu.vector_load %arg10[%parallel_loop3A_408, %parallel_loop3A_409, %parallel_loop3A_410] {strides = array<i32>} : memref<2x128x128xf32, #tpu.memory_space<vmem>>, vector<16xf32>,
        %parallel_loop3A_412 = arith.addf %parallel_loop3A_411, %parallel_loop3A_249 : vector<16xf32>
        %parallel_loop3A_413 = arith.constant 1 : i32
        %parallel_loop3A_414 = arith.index_cast %parallel_loop3A_413 : i32 to index
        %parallel_loop3A_415 = arith.index_cast %parallel_loop3A_228 : i32 to index
        %parallel_loop3A_416 = arith.constant 96 : index
        %parallel_loop3A_417 = tpu.vector_load %arg10[%parallel_loop3A_414, %parallel_loop3A_415, %parallel_loop3A_416] {strides = array<i32>} : memref<2x128x128xf32, #tpu.memory_space<vmem>>, vector<16xf32>,
        tpu.vector_store %arg10[%parallel_loop3A_414, %parallel_loop3A_415, %parallel_loop3A_416], %parallel_loop3A_412 {strides = array<i32>} : memref<2x128x128xf32, #tpu.memory_space<vmem>>, vector<16xf32>,
        %parallel_loop3A_418 = arith.constant 1 : i32
        %parallel_loop3A_419 = arith.index_cast %parallel_loop3A_418 : i32 to index
        %parallel_loop3A_420 = arith.index_cast %parallel_loop3A_228 : i32 to index
        %parallel_loop3A_421 = arith.constant 112 : index
        %parallel_loop3A_422 = tpu.vector_load %arg10[%parallel_loop3A_419, %parallel_loop3A_420, %parallel_loop3A_421] {strides = array<i32>} : memref<2x128x128xf32, #tpu.memory_space<vmem>>, vector<16xf32>,
        %parallel_loop3A_423 = arith.addf %parallel_loop3A_422, %parallel_loop3A_252 : vector<16xf32>
        %parallel_loop3A_424 = arith.constant 1 : i32
        %parallel_loop3A_425 = arith.index_cast %parallel_loop3A_424 : i32 to index
        %parallel_loop3A_426 = arith.index_cast %parallel_loop3A_228 : i32 to index
        %parallel_loop3A_427 = arith.constant 112 : index
        %parallel_loop3A_428 = tpu.vector_load %arg10[%parallel_loop3A_425, %parallel_loop3A_426, %parallel_loop3A_427] {strides = array<i32>} : memref<2x128x128xf32, #tpu.memory_space<vmem>>, vector<16xf32>,
        tpu.vector_store %arg10[%parallel_loop3A_425, %parallel_loop3A_426, %parallel_loop3A_427], %parallel_loop3A_423 {strides = array<i32>} : memref<2x128x128xf32, #tpu.memory_space<vmem>>, vector<16xf32>,
      } {sc.loop_unroll_factor = 4 : i64, sc.parallel_access}
      %mul3A_221 = arith.constant 128 : i32
      %mul3A_222 = arith.muli %add3A_195, %mul3A_221 : i32
      %add3A_223 = arith.addi %mul3A_24, %mul3A_222 : i32
      %dma_start3A_224 = arith.constant 2 : i32
      %dma_start3A_225 = tpu.memref_slice %arg5[%dma_start3A_224, %mul3A_20, %add3A_223] : memref<4x2048x4096xf32, #tpu.memory_space<hbm>> -> memref<2x128x128xf32, #tpu.memory_space<hbm>>
      %dma_start3A_226 = arith.constant 2 : i32
      %dma_start3A_227 = tpu.memref_slice %arg5[%dma_start3A_226, %mul3A_20, %add3A_223] : memref<4x2048x4096xf32, #tpu.memory_space<hbm>> -> memref<2x128x128xf32, #tpu.memory_space<hbm>>
      tpu.enqueue_dma source(%arg10 : memref<2x128x128xf32, #tpu.memory_space<vmem>>) target(%dma_start3A_227 : memref<2x128x128xf32, #tpu.memory_space<hbm>>) target_semaphore(%arg17 : memref<!tpu.dma_semaphore, #tpu.memory_space<semaphore_mem>>)
    }
    %scan3A_39 = arith.constant 8 : i32
    %add3A_40 = arith.constant 1920 : i32
    %add3A_41 = arith.addi %mul3A_24, %add3A_40 : i32
    %dma_wait3A = arith.constant 2 : i32
    %dma_wait3A_42 = tpu.memref_slice %arg5[%dma_wait3A, %mul3A_20, %add3A_41] : memref<4x2048x4096xf32, #tpu.memory_space<hbm>> -> memref<2x128x128xf32, #tpu.memory_space<hbm>>
    %dma_wait3A_43 = arith.constant 2 : i32
    %dma_wait3A_44 = tpu.memref_slice %arg5[%dma_wait3A_43, %mul3A_20, %add3A_41] : memref<4x2048x4096xf32, #tpu.memory_space<hbm>> -> memref<2x128x128xf32, #tpu.memory_space<hbm>>
    tpu.wait_dma2 semaphore(%arg17 : memref<!tpu.dma_semaphore, #tpu.memory_space<semaphore_mem>>) src(%arg10 : memref<2x128x128xf32, #tpu.memory_space<vmem>>) dst(%dma_wait3A_44 : memref<2x128x128xf32, #tpu.memory_space<hbm>>)
    return
  }
}

</mosaic_0001>

<sc_bundles>
// kernel: kernel.3.cloned.1.call-start
scs
__scs_entry_jumppad:
0x0: {  	(pc) =	sbr.rel $0x88, $3  }
0x1: {  	(tag) =	ssettag $0x0;
	lr =	simm.s32 $0x1  }
0x2: {  	[smem:$0x3F9E] =	sst lr;
	_ =	strace $0xD0000000  }
0x3: {  	_ = 	snop  }
0x4: {  	_ = 	snop  }
0x5: {  	_ = 	snop  }
0x6: {  	_ = 	snop  }
0x7: {  	_ = 	snop  }
__scs_overlays_trampoline_lowered:
0x8: {  	[smem:$0x3FAD] =	sst s0  }
0x9: {  	[smem:$0x3FAE] =	sst s1  }
0xa: {  	[smem:$0x3FAF] =	sst s2  }
0xb: {  	[smem:$0x3FB0] =	sst s3  }
0xc: {  	[smem:$0x3FB1] =	sst s4  }
0xd: {  	[smem:$0x3FB2] =	sst s5  }
0xe: {  	[smem:$0x3FB3] =	sst s6  }
0xf: {  	[smem:$0x3FB4] =	sst s7  }
0x10: {  	[smem:$0x3FB5] =	sst s8  }
0x11: {  	[smem:$0x3FB6] =	sst s9;
	s0 =	simm.s32 @!p0 $0x0  }
0x12: {  	s1 =	sld [smem:$0x3F9C];
	s0 =	simm.s32 @p0 $0x1  }
0x13: {  	[smem:$0x3FB7] =	sst s0;
	s0 =	simm.s32 @!p1 $0x0  }
0x14: {  	s2 =	sld [smem:$0x3F9B];
	s0 =	simm.s32 @p1 $0x1  }
0x15: {  	[smem:$0x3FB8] =	sst s0;
	s0 =	simm.s32 @!p2 $0x0  }
0x16: {  	s3 =	sld [smem:$0x3FDB];
	s0 =	simm.s32 @p2 $0x1  }
0x17: {  	s4 =	simm.s32 $0x1BF5;
	[smem:$0x3FBA] =	sst s0  }
0x18: {  	s0 =	sld [smem:$0x3F9D];
	_ =	swait.ge [sflag:s4], $0x0  }
0x19: {  	s7 =	sld [smem:$0x3F9E]  }
0x1a: {  	s8 =	sadd.s32 $0xFFFFE003, lr  }
0x1b: {  	s9 =	sadd.s32 $0xFFFFFEF7, lr;
	s5 =	simm.s32 $0xFFFFFFFF;
	p2 =	slt.u32 s8, $0xFFFFF086  }
0x1c: {  	p1 =	slt.u32 s9, $0xF7A;
	s5 =	simm.s32 @!p2 $0x0  }
0x1d: {  	s5 =	simm.s32 @p1 $0x1;
	p0 =	seq.s32 s7, s2  }
0x1e: {  	s7 =	smul.u32 @!p0 $0xF7A, s2;
	p2 =	seq.s32 @!p0 s5, $0x0  }
0x1f: {  	s9 =	smul.u32 $0xF7A, s1;
	s8 =	simm.s32 @!p0 $0x1BF5;
	p2 =	por !p2, p0  }
0x20: {  	[sflag:s8] =	ssyncset.s32 @!p0 $0xFFFFF086;
	s6 =	sadd.s32 @!p0 s3, s7;
	s7 =	simm.s32 @!p0 $0x108  }
0x21: {  	s3 =	sadd.s32 s3, s9;
	s6 =	sadd.s32 @!p0 $0x88, s6;
	s7 =	simm.s32 @p2 $0x1082  }
0x22: {  	[simem:s7], [sflag:s8] =	dma.local @!p0 [hbm:s6], $0xF7A  }
0x23: {  	s9 =	sor.u32 $0xD0000000, s2;
	s6 =	simm.s32 $0x108;
	_ =	swait.ge @!p0 [sflag:s8], $0x0  }
0x24: {  	s3 =	sadd.s32 $0x88, s3;
	s6 =	simm.s32 @!p1 $0x1082;
	[sflag:s4] =	ssyncset.s32 $0xFFFFF086  }
0x25: {  	[simem:s6], [sflag:s4] =	dma.local [hbm:s3], $0xF7A  }
0x26: {  	[smem:$0x3F9E] =	sst s1;
	(tag) =	ssettag s2;
	_ =	strace s9  }
0x27: {  	s1 =	sld [smem:$0x3FAE]  }
0x28: {  	s2 =	sld [smem:$0x3FAF]  }
0x29: {  	s4 =	sld [smem:$0x3FB1]  }
0x2a: {  	p0 =	seq.s32 s5, $0x0;
	s5 =	sld [smem:$0x3FB2]  }
0x2b: {  	s6 =	sld [smem:$0x3FB3]  }
0x2c: {  	s7 =	sld [smem:$0x3FB4]  }
0x2d: {  	s3 =	simm.s32 $0x108;
	s8 =	sld [smem:$0x3FB5]  }
0x2e: {  	s3 =	simm.s32 @!p0 $0x1082;
	s9 =	sld [smem:$0x3FB6]  }
0x2f: {  	lr =	sadd.s32 s0, s3;
	s0 =	sld [smem:$0x3FAD]  }
0x30: {  	s3 =	sld [smem:$0x3FB0]  }
0x31: {  	[smem:$0x3FB9] =	sst s10  }
0x32: {  	s10 =	sld [smem:$0x3FB7];
	_ =	sdelay $0x3  }
0x33: {  	p0 =	seq.s32 s10, $0x1;
	s10 =	sld [smem:$0x3FB9];
	_ =	sdelay $0x3  }
0x34: {  	[smem:$0x3FB9] =	sst s10  }
0x35: {  	s10 =	sld [smem:$0x3FB8];
	_ =	sdelay $0x3  }
0x36: {  	p1 =	seq.s32 s10, $0x1;
	s10 =	sld [smem:$0x3FB9];
	_ =	sdelay $0x3  }
0x37: {  	[smem:$0x3FB9] =	sst s10  }
0x38: {  	s10 =	sld [smem:$0x3FBA]  }
0x39: {  	_ = 	snop;
	(pc) =	sbr.ind lr, $3  }
0x3a: {  	_ = 	snop  }
0x3b: {  	_ = 	snop  }
0x3c: {  	p2 =	seq.s32 s10, $0x1;
	s10 =	sld [smem:$0x3FB9]  }
0x3d: {  	_ =	shalt  }
0x3e: {  	_ =	shalt  }
0x3f: {  	_ =	shalt  }
0x40: {  	_ =	shalt  }
0x41: {  	_ =	shalt  }
0x42: {  	_ =	shalt  }
0x43: {  	_ =	shalt  }
0x44: {  	_ =	shalt  }
0x45: {  	_ =	shalt  }
0x46: {  	_ =	shalt  }
0x47: {  	_ =	shalt  }
0x48: {  	_ =	shalt  }
0x49: {  	_ =	shalt  }
0x4a: {  	_ =	shalt  }
0x4b: {  	_ =	shalt  }
0x4c: {  	_ =	shalt  }
0x4d: {  	_ =	shalt  }
0x4e: {  	_ =	shalt  }
0x4f: {  	_ =	shalt  }
0x50: {  	_ =	shalt  }
0x51: {  	_ =	shalt  }
0x52: {  	_ =	shalt  }
0x53: {  	_ =	shalt  }
0x54: {  	_ =	shalt  }
0x55: {  	_ =	shalt  }
0x56: {  	_ =	shalt  }
0x57: {  	_ =	shalt  }
0x58: {  	_ =	shalt  }
0x59: {  	_ =	shalt  }
0x5a: {  	_ =	shalt  }
0x5b: {  	_ =	shalt  }
0x5c: {  	_ =	shalt  }
0x5d: {  	_ =	shalt  }
0x5e: {  	_ =	shalt  }
0x5f: {  	_ =	shalt  }
0x60: {  	_ =	shalt  }
0x61: {  	_ =	shalt  }
0x62: {  	_ =	shalt  }
0x63: {  	_ =	shalt  }
0x64: {  	_ =	shalt  }
0x65: {  	_ =	shalt  }
0x66: {  	_ =	shalt  }
0x67: {  	_ =	shalt  }
0x68: {  	_ =	shalt  }
0x69: {  	_ =	shalt  }
0x6a: {  	_ =	shalt  }
0x6b: {  	_ =	shalt  }
0x6c: {  	_ =	shalt  }
0x6d: {  	_ =	shalt  }
0x6e: {  	_ =	shalt  }
0x6f: {  	_ =	shalt  }
0x70: {  	_ =	shalt  }
0x71: {  	_ =	shalt  }
0x72: {  	_ =	shalt  }
0x73: {  	_ =	shalt  }
0x74: {  	_ =	shalt  }
0x75: {  	_ =	shalt  }
0x76: {  	_ =	shalt  }
0x77: {  	_ =	shalt  }
0x78: {  	_ =	shalt  }
0x79: {  	_ =	shalt  }
0x7a: {  	_ =	shalt  }
0x7b: {  	_ =	shalt  }
0x7c: {  	_ =	shalt  }
0x7d: {  	_ =	shalt  }
0x7e: {  	_ =	shalt  }
0x7f: {  	_ =	shalt  }
0x80: {  	_ =	shalt  }
0x81: {  	_ =	shalt  }
0x82: {  	_ =	shalt  }
0x83: {  	_ =	shalt  }
0x84: {  	_ =	shalt  }
0x85: {  	_ =	shalt  }
0x86: {  	_ =	shalt  }
0x87: {  	_ =	shalt  }
.Lfunc_end0:
.L_simem_size_0:
called_computation.2_lowered:
.L_overlay_start_0:
0x88: {  	s2 =	sld [smem:$0x3FD9]  }
0x89: {  	s3 =	sld [smem:$0x3FFE];
	_ =	sdelay $0x1  }
0x8a: {  	s1 =	srdreg.scid  }
0x8b: {  	s0 =	sand.u32 $0x1, s1  }
0x8c: {  	s17 =	sshll.u32 s0, $0xA;
	s2 =	sadd.s32 s3, s2  }
0x8d: {  	s2 =	sadd.s32 s2, s17  }
0x8e: {  	[smem:$0x3FC5] =	sst s2  }
0x8f: {  	_ = 	snop  }
0x90: {  	s2 =	sld [smem:$0x3FC8]  }
0x91: {  	s18 =	sld [smem:$0x3FC7]  }
0x92: {  	s4 =	sld [smem:$0x3FD0];
	(tm) =	ssettm $0x1  }
0x93: {  	s5 =	sld [smem:$0x3FFB];
	_ =	sdelay $0x3  }
0x94: {  	_ =	strace s5  }
0x95: {  	s5 =	sld [smem:$0x3FFC];
	_ =	sdelay $0x3  }
0x96: {  	_ =	strace s5  }
0x97: {  	s5 =	sld [smem:$0x3FFD];
	_ =	sdelay $0x3  }
0x98: {  	_ =	strace s5  }
0x99: {  	_ =	strace $0x8FFFFFFF  }
0x9a: {  	s19 =	sld [smem:$0x3FDB];
	_ =	sdelay $0x1  }
0x9b: {  	s6 =	simm.s32 $_scs_section_size  }
0x9c: {  	s7 =	simm.s32 $_size__tile_overlayer_lowered;
	s8 =	simm.s32 $_tile_overlayer_lowered  }
0x9d: {  	s22 =	simm.s32 $0x1BFF;
	s21 =	sshll.u32 s8, $0x1;
	s5 =	sadd.s32 s6, s19  }
0x9e: {  	s9 =	simm.s32 $0x0;
	s20 =	sshll.u32 s7, $0x1;
	s7 =	sadd.s32 s21, s5  }
0x9f: {  	[timem:s9], [sflag:s22] =	dma.local [hbm:s7], s20  }
0xa0: {  	_ =	swait.ge [sflag:s22], s20  }
0xa1: {  	s6 =	ssub.s32 $0x0, s20;
	[sflag:s22] =	ssyncset.done $0x0  }
0xa2: {  	[sflag:s22] =	ssyncadd.s32 s6;
	_ =	sdelay $0x1  }
0xa3: {  	s23 =	simm.s32 $0x1B8B  }
0xa4: {  	_ =	swait.ge [sflag:s23], $0x1  }
0xa5: {  	[sflag:s23] =	ssyncset.done $0x0  }
0xa6: {  	s25 =	simm.s32 $0x1B8E;
	s24 =	sld [smem:$0x3FFE];
	[sflag:s23] =	ssyncadd.s32 $0xFFFFFFFF  }
0xa7: {  	s26 =	simm.s32 $execute0_lowered;
	[smem:$0x3FD2] =	sst s25  }
0xa8: {  	s7 =	sshll.u32 s26, $0x1;
	_ =	strace $0x80000049;
	[dreg:$0x1] =	wrdreg $0xFFFFFFFF  }
0xa9: {  	s28 =	simm.s32 $_size_execute0_lowered;
	s5 =	sadd.s32 s5, s7;
	[dreg:$0x0] =	wrdreg $0x0  }
0xaa: {  	s7 =	sshll.u32 s28, $0x1;
	[dreg:$0x2] =	wrdreg s5  }
0xab: {  	[dreg:$0x3] =	wrdreg s7  }
0xac: {  	[dreg:$0x4] =	wrdreg $0xC0  }
0xad: {  	_ =	task [dreg:s9], $0x5FFFF  }
0xae: {  	[dreg:$0x1] =	wrdreg $0xFFFFFFFF  }
0xaf: {  	[dreg:$0x0] =	wrdreg $0x60  }
0xb0: {  	[dreg:$0x2] =	wrdreg s4  }
0xb1: {  	[dreg:$0x3] =	wrdreg s2  }
0xb2: {  	[dreg:$0x4] =	wrdreg s18  }
0xb3: {  	[dreg:$0x5] =	wrdreg s24  }
0xb4: {  	[dreg:$0x6] =	wrdreg $0x9  }
0xb5: {  	_ =	task.clear_ibuf [dreg:s9], $0x7FFFF;
	_ =	strace $0x90000049  }
0xb6: {  	s29 =	simm.s32 $0x9;
	_ =	strace $0x8000004B  }
0xb7: {  	_ =	swait.ge [sflag:s29], $0x1  }
0xb8: {  	[sflag:s29] =	ssyncadd.s32 $0xFFFFFFFF  }
0xb9: {  	_ =	strace $0x9000004B  }
0xba: {  	_ =	sfence  }
0xbb: {  	s30 =	sld [smem:$0x0];
	_ =	sdelay $0x2  }
0xbc: {  	s31 =	sshll.u32 s1, $0xD;
	s1 =	sshrl.u32 s1, $0x2  }
0xbd: {  	s3 =	sand.u32 $0x4000, s31;
	s1 =	sadd.s32 s1, s30  }
0xbe: {  	s0 =	sor.u32 s3, s0;
	s1 =	sshll.u32 s1, $0x11  }
0xbf: {  	s0 =	sor.u32 s1, s0  }
0xc0: {  	s0 =	sadd.s32 $0x8F2B, s0  }
0xc1: {  	[sflag:s0] =	ssyncadd.remote.s32 $0x1  }
0xc2: {  	_ =	sfence.sel $0xFFFF  }
0xc3: {  	[dreg:$0x0] =	wrdreg $0xFFFFFFFF;
	(pc) =	sbr.abs _section_cstart, $3  }
0xc4: {  	[dreg:$0x1] =	wrdreg $0xFFFFFFFF  }
0xc5: {  	_ =	task.clear_ibuf [dreg:s9], $0x2FFFF;
	_ =	strace $0x9FFFFFFF  }
0xc6: {  	(tm) =	ssettm $0x7FFFFFFF  }
0xc7: {  	_ =	shalt  }
tec
execute0_lowered:
.L_overlay_start_1:
0x0: {  	(tag) =	ssettag $0x1  }
0x1: {  	s1 =	rddreg [dreg:$0x0]  }
0x2: {  	s2 =	rddreg [dreg:$0x1]  }
0x3: {  	s0 =	rddreg [dreg:$0x2]  }
0x4: {  	s3 =	rddreg [dreg:$0x3];
	s4 =	simm.s32 $0x0  }
0x5: {  	s5 =	srdreg.scid;
	s10 =	stileid.u32;
	s18 =	simm.s32 $0x400  }
0x6: {  	s19 =	simm.s32 $0x4000;
	s20 =	simm.s32 $0x8000;
	s28 =	simm.s32 $0x3  }
0x7: {  	s29 =	simm.s32 $0x5;
	s30 =	simm.s32 $0x4;
	s31 =	simm.s32 $0x6  }
0x8: {  	[smem:$0x7FF] =	sst s4;
	s6 =	sand.u32 $0x1, s5;
	s7 =	sshll.u32 s10, $0x1  }
0x9: {  	s5 =	sadd.s32 $0xC00, s3;
	s22 =	sshrl.u32 s10, $0x3;
	_ =	strace $0x8000004A  }
0xa: {  	s21 =	ssub.s32 $0x2, s6;
	s7 =	sand.u32 $0xE, s7;
	s23 =	sshll.u32 s22, $0xB  }
0xb: {  	s10 =	sshll.u32 s22, $0x16;
	s8 =	sshrl.u32 s21, $0x1;
	s9 =	sor.u32 s6, s7  }
0xc: {  	s7 =	sshll.u32 s22, $0xE;
	s15 =	sor.u32 $0x80, s23;
	s3 =	ssub.s32 s21, s8  }
0xd: {  	s6 =	sshll.u32 s9, $0xA;
	s11 =	sshll.u32 s9, $0x13;
	s12 =	sshll.u32 s9, $0x4  }
0xe: {  	s21 =	simm.s32 $0xC000;
	s8 =	simm.s32 $0x0;
	s10 =	sor.u32 s10, s6  }
0xf: {  	s7 =	sor.u32 s7, s11;
	s0 =	sadd.s32 s0, s12;
	s11 =	sshll.u32 s9, $0x10  }
0x10: {  	s12 =	sor.u32 $0x100, s23;
	s3 =	smax.u32 s3, $0x1;
	s23 =	simm.s32 $0x10000  }
0x11: {  	[dreg:$0x5] =	wrdreg s0;
	s24 =	sshrl.u32 s10, $0x3;
	s25 =	sshrl.u32 s7, $0x3  }
0x12: {  	s13 =	sadd.s32 s1, s11;
	[dreg:$0x8] =	wrdreg s3;
	s0 =	sadd.s32 s2, s24  }
0x13: {  	s26 =	sadd.s32 s1, s25;
	s24 =	simm.s32 $0x14000;
	[dreg:$0x6] =	wrdreg s0  }
0x14: {  	s25 =	simm.s32 $0x18000;
	[dreg:$0x7] =	wrdreg s26;
	s0 =	sadd.s32 $0x100000, s26  }
0x15: {  	v0 =	vlaneseq.u32;
	s26 =	simm.s32 $0x1;
	[dreg:$0x9] =	wrdreg s0;
	s0 =	simm.s32 $0x2  }
.LBB2_1:
0x16: {  	[dreg:$0xa] =	wrdreg s8  }
0x17: {  	s3 =	rddreg [dreg:$0x5];
	s10 =	simm.s32 $0x1C000;
	s14 =	simm.s32 $0x7  }
0x18: {  	[tilespmem:s10], [sflag:$0x7] =	stream.linear.gather [hbm4b:s3+s4], $0x80, $0x38;
	[tilespmem:$0x1C080] =	vst v63  }
0x19: {  	_ =	swait.ge [sflag:s14], $0x80  }
0x1a: {  	[sflag:s14] =	ssyncset.done $0x0  }
0x1b: {  	s16 =	rddreg [dreg:$0x6];
	[sflag:s14] =	ssyncadd.s32 $0xFFFFFF80  }
0x1c: {  	[tilespmem:s4], [sflag:$0x1] =	stream.strided.gather [hbm4b:s16+s18], $0x4000, s19, s18, $0x38;
	[tilespmem:$0x1C080] =	vst v63  }
0x1d: {  	s17 =	rddreg [dreg:$0x7]  }
0x1e: {  	[tilespmem:s21], [sflag:$0x3] =	stream.strided.gather [hbm4b:s17+s18], $0x4000, s20, s18, $0x38;
	[tilespmem:$0x1C080] =	vst v63  }
0x1f: {  	s22 =	rddreg [dreg:$0x9];
	s16 =	simm.s32 $0x0  }
0x20: {  	[tilespmem:s23], [sflag:$0x3] =	stream.strided.gather [hbm4b:s22+s18], $0x4000, s20, s18, $0x38;
	[tilespmem:$0x1C080] =	vst v63  }
.LBB2_2:
0x21: {  	p0 =	seq.s32 s16, $0x0;
	s3 =	sshll.u32 s16, $0xB  }
0x22: {  	s10 =	simm.s32 @!p0 $0x6;
	s3 =	sadd.s32 s7, s3  }
0x23: {  	_ =	swait.ge @!p0 [sflag:s10], $0x8000;
	s8 =	sshrl.u32 s3, $0x3  }
0x24: {  	[sflag:s10] =	ssyncset.done @!p0 $0x0;
	s9 =	sor.u32 $0x200000, s8  }
0x25: {  	[sflag:s10] =	ssyncadd.s32 @!p0 $0xFFFF8000;
	s22 =	sadd.s32 s1, s9  }
0x26: {  	[tilespmem:s24], [sflag:$0x4] =	stream.strided.gather [hbm4b:s22+s18], $0x4000, s20, s18, $0x38;
	[tilespmem:$0x1C080] =	vst v63  }
0x27: {  	s3 =	sadd.s32 $0x100000, s22  }
0x28: {  	[tilespmem:s25], [sflag:$0x4] =	stream.strided.gather [hbm4b:s3+s18], $0x4000, s20, s18, $0x38;
	[tilespmem:$0x1C080] =	vst v63  }
0x29: {  	_ =	swait.ge [sflag:s26], $0x4000  }
0x2a: {  	[sflag:s26] =	ssyncset.done $0x0  }
0x2b: {  	[sflag:s26] =	ssyncadd.s32 $0xFFFFC000  }
0x2c: {  	_ =	swait.ge [sflag:s28], $0x8000  }
0x2d: {  	[sflag:s28] =	ssyncset.done $0x0  }
0x2e: {  	s14 =	simm.s32 $0x0;
	s22 =	simm.s32 $0x0;
	[sflag:s28] =	ssyncadd.s32 $0xFFFF8000  }
.LBB2_3:
0x2f: {  	v26 =	vadd.s32 s14, v0;
	s10 =	simm.s32 $0x1  }
0x30: {  	s3 =	sshll.u32 s22, $0x4;
	v31 =	vand.u32 $0xF, v26;
	v3 =	vadd.s32 s10, v0  }
0x31: {  	v2 =	vor.u32 s3, v0;
	v1 =	vshll.u32 v31, $0x7;
	v30 =	vand.u32 $0xF, v3  }
0x32: {  	v17 =	vadd.s32 v2, v1;
	v1 =	vshll.u32 v30, $0x7  }
0x33: {  	v14 =	vadd.s32 v2, v1;
	_ =	sdelay $0x2  }
0x34: {  	v1 =	vld [tilespmem:s3+$0x1C000]  }
0x35: {  	v4 =	vld.idx.msk [tilespmem:v17+s4+$0x0], $0xffff  }
0x36: {  	v33 =	vshll.u32 v26, $0x7;
	v21 =	vshll.u32 v2, $0x7;
	v6 =	vld.idx.msk [tilespmem:v14+s4+$0x0], $0xffff  }
0x37: {  	v5 =	vor.u32 $0x800, v33;
	v32 =	vshll.u32 v3, $0x7;
	v7 =	vor.u32 v21, v31  }
0x38: {  	v5 =	vadd.s32 v2, v5;
	v8 =	vor.u32 v21, v30;
	v9 =	vor.u32 $0x800, v32  }
0x39: {  	v9 =	vadd.s32 v2, v9  }
0x3a: {  	v4 =	vmul.f32 v4, v1  }
0x3b: {  	v6 =	vmul.f32 v6, v1  }
0x3c: {  	[tilespmem:v7+s20+$0x0] =	vst.idx.msk $0xffff, v4  }
0x3d: {  	v5 =	vld.idx.msk [tilespmem:v5+s4+$0x0], $0xffff;
	[tilespmem:v8+s20+$0x0] =	vst.idx.msk $0xffff, v6  }
0x3e: {  	v23 =	vor.u32 $0x10, v21;
	v6 =	vld.idx.msk [tilespmem:v9+s4+$0x0], $0xffff  }
0x3f: {  	v7 =	vor.u32 v23, v26  }
0x40: {  	v10 =	vor.u32 v23, v3;
	v9 =	vadd.s32 $0x1000, v17  }
0x41: {  	s17 =	simm.s32 $0x2;
	v11 =	vadd.s32 $0x1000, v14  }
0x42: {  	v4 =	vadd.s32 s17, v0;
	v12 =	vmul.f32 v5, v1  }
0x43: {  	s10 =	simm.s32 $0x3;
	v8 =	vand.u32 $0xF, v4;
	v16 =	vmul.f32 v6, v1  }
0x44: {  	v13 =	vshll.u32 v8, $0x7;
	v5 =	vadd.s32 s10, v0;
	[tilespmem:v7+s20+$0x0] =	vst.idx.msk $0xffff, v12  }
0x45: {  	v15 =	vadd.s32 v2, v13;
	v6 =	vand.u32 $0xF, v5;
	v7 =	vld.idx.msk [tilespmem:v9+s4+$0x0], $0xffff;
	[tilespmem:v10+s20+$0x0] =	vst.idx.msk $0xffff, v16  }
0x46: {  	v22 =	vor.u32 $0x20, v21;
	v9 =	vshll.u32 v6, $0x7;
	v10 =	vld.idx.msk [tilespmem:v11+s4+$0x0], $0xffff  }
0x47: {  	v13 =	vadd.s32 v2, v9;
	v11 =	vor.u32 v22, v31;
	v9 =	vor.u32 $0x1800, v33  }
0x48: {  	v18 =	vor.u32 $0x1800, v32;
	v16 =	vor.u32 v22, v30;
	v12 =	vadd.s32 v2, v9  }
0x49: {  	v18 =	vadd.s32 v2, v18  }
0x4a: {  	v19 =	vld.idx.msk [tilespmem:v15+s4+$0x0], $0xffff;
	v7 =	vmul.f32 v7, v1  }
0x4b: {  	v9 =	vshll.u32 v4, $0x7;
	v10 =	vmul.f32 v10, v1  }
0x4c: {  	v25 =	vor.u32 v21, v8;
	v20 =	vor.u32 $0x800, v9;
	v24 =	vld.idx.msk [tilespmem:v13+s4+$0x0], $0xffff;
	[tilespmem:v11+s20+$0x0] =	vst.idx.msk $0xffff, v7  }
0x4d: {  	v11 =	vshll.u32 v5, $0x7;
	v7 =	vadd.s32 v2, v20;
	v12 =	vld.idx.msk [tilespmem:v12+s4+$0x0], $0xffff;
	[tilespmem:v16+s20+$0x0] =	vst.idx.msk $0xffff, v10  }
0x4e: {  	v27 =	vor.u32 v21, v6;
	v20 =	vor.u32 $0x30, v21;
	v28 =	vor.u32 $0x800, v11;
	v16 =	vld.idx.msk [tilespmem:v18+s4+$0x0], $0xffff  }
0x4f: {  	v10 =	vadd.s32 v2, v28;
	v18 =	vmul.f32 v19, v1;
	v19 =	vor.u32 v20, v26  }
0x50: {  	v29 =	vor.u32 v20, v3;
	v28 =	vadd.s32 $0x2000, v17  }
0x51: {  	v24 =	vmul.f32 v24, v1;
	[tilespmem:v25+s20+$0x0] =	vst.idx.msk $0xffff, v18;
	v18 =	vadd.s32 $0x2000, v14  }
0x52: {  	v25 =	vld.idx.msk [tilespmem:v7+s4+$0x0], $0xffff;
	v7 =	vmul.f32 v12, v1  }
0x53: {  	v43 =	vadd.s32 $0x3000, v17;
	v57 =	vor.u32 v22, v8;
	[tilespmem:v27+s20+$0x0] =	vst.idx.msk $0xffff, v24;
	v16 =	vmul.f32 v16, v1  }
0x54: {  	s17 =	simm.s32 $0x4;
	v34 =	vor.u32 v23, v5;
	v24 =	vor.u32 v23, v4;
	v10 =	vld.idx.msk [tilespmem:v10+s4+$0x0], $0xffff;
	[tilespmem:v19+s20+$0x0] =	vst.idx.msk $0xffff, v7  }
0x55: {  	v58 =	vor.u32 v22, v6;
	v7 =	vadd.s32 s17, v0;
	v27 =	vld.idx.msk [tilespmem:v28+s4+$0x0], $0xffff;
	v28 =	vadd.s32 $0x1000, v15;
	[tilespmem:v29+s20+$0x0] =	vst.idx.msk $0xffff, v16  }
0x56: {  	v19 =	vor.u32 $0x40, v21;
	v12 =	vand.u32 $0xF, v7;
	v29 =	vadd.s32 $0x1000, v13;
	v18 =	vld.idx.msk [tilespmem:v18+s4+$0x0], $0xffff  }
0x57: {  	v35 =	vor.u32 v19, v31;
	v16 =	vor.u32 $0x2800, v33;
	v25 =	vmul.f32 v25, v1  }
0x58: {  	s10 =	simm.s32 $0x5;
	v38 =	vor.u32 v19, v30;
	v36 =	vadd.s32 v2, v16;
	v16 =	vor.u32 $0x2800, v32  }
0x59: {  	v37 =	vmul.f32 v10, v1;
	v10 =	vadd.s32 s10, v0;
	[tilespmem:v24+s20+$0x0] =	vst.idx.msk $0xffff, v25;
	v24 =	vadd.s32 v2, v16  }
0x5a: {  	v25 =	vshll.u32 v12, $0x7;
	v16 =	vand.u32 $0xF, v10;
	v39 =	vld.idx.msk [tilespmem:v28+s4+$0x0], $0xffff;
	v28 =	vmul.f32 v27, v1  }
0x5b: {  	v25 =	vadd.s32 v2, v25;
	[tilespmem:v34+s20+$0x0] =	vst.idx.msk $0xffff, v37;
	v27 =	vshll.u32 v16, $0x7;
	v55 =	vmul.f32 v18, v1  }
0x5c: {  	v60 =	vadd.s32 $0x3000, v14;
	v56 =	vor.u32 $0x1800, v9;
	v29 =	vld.idx.msk [tilespmem:v29+s4+$0x0], $0xffff;
	v27 =	vadd.s32 v2, v27;
	[tilespmem:v35+s20+$0x0] =	vst.idx.msk $0xffff, v28  }
0x5d: {  	v59 =	vor.u32 $0x1800, v11;
	v54 =	vor.u32 v20, v4;
	v17 =	vor.u32 $0x60, v21;
	v36 =	vld.idx.msk [tilespmem:v36+s4+$0x0], $0xffff;
	[tilespmem:v38+s20+$0x0] =	vst.idx.msk $0xffff, v55  }
0x5e: {  	v50 =	vor.u32 v17, v30;
	v37 =	vadd.s32 v2, v56;
	v18 =	vor.u32 $0x50, v21;
	v40 =	vld.idx.msk [tilespmem:v24+s4+$0x0], $0xffff  }
0x5f: {  	v46 =	vor.u32 v21, v12;
	v41 =	vor.u32 v18, v26;
	v38 =	vadd.s32 v2, v59  }
0x60: {  	v28 =	vshll.u32 v7, $0x7;
	v45 =	vor.u32 v18, v3;
	v42 =	vld.idx.msk [tilespmem:v25+s4+$0x0], $0xffff;
	v39 =	vmul.f32 v39, v1  }
0x61: {  	v61 =	vor.u32 v21, v16;
	v24 =	vor.u32 $0x800, v28;
	v29 =	vmul.f32 v29, v1;
	v44 =	vld.idx.msk [tilespmem:v27+s4+$0x0], $0xffff  }
0x62: {  	v47 =	vadd.s32 v2, v24;
	v24 =	vshll.u32 v10, $0x7;
	[tilespmem:v57+s20+$0x0] =	vst.idx.msk $0xffff, v39;
	v36 =	vmul.f32 v36, v1  }
0x63: {  	v14 =	vor.u32 $0x70, v21;
	v37 =	vld.idx.msk [tilespmem:v37+s4+$0x0], $0xffff;
	[tilespmem:v58+s20+$0x0] =	vst.idx.msk $0xffff, v29;
	v29 =	vor.u32 $0x800, v24;
	v62 =	vmul.f32 v40, v1  }
0x64: {  	v31 =	vor.u32 v17, v31;
	v63 =	vadd.s32 v2, v29;
	v52 =	vld.idx.msk [tilespmem:v38+s4+$0x0], $0xffff;
	[tilespmem:v41+s20+$0x0] =	vst.idx.msk $0xffff, v36  }
0x65: {  	v33 =	vor.u32 $0x3800, v33;
	v32 =	vor.u32 $0x3800, v32;
	v53 =	vmul.f32 v42, v1;
	v55 =	vld.idx.msk [tilespmem:v43+s4+$0x0], $0xffff;
	[tilespmem:v45+s20+$0x0] =	vst.idx.msk $0xffff, v62  }
0x66: {  	v57 =	vadd.s32 $0x2000, v15;
	v58 =	vor.u32 v20, v5;
	v56 =	vmul.f32 v44, v1;
	v35 =	vld.idx.msk [tilespmem:v60+s4+$0x0], $0xffff  }
0x67: {  	v33 =	vadd.s32 v2, v33;
	v32 =	vadd.s32 v2, v32;
	v59 =	vadd.s32 $0x2000, v13;
	[tilespmem:v46+s20+$0x0] =	vst.idx.msk $0xffff, v53  }
0x68: {  	v26 =	vor.u32 v14, v26;
	v48 =	vld.idx.msk [tilespmem:v47+s4+$0x0], $0xffff;
	[tilespmem:v61+s20+$0x0] =	vst.idx.msk $0xffff, v56;
	v60 =	vmul.f32 v37, v1  }
0x69: {  	s17 =	simm.s32 $0x6;
	v42 =	vor.u32 v19, v6;
	v44 =	vor.u32 v23, v7;
	v39 =	vld.idx.msk [tilespmem:v63+s4+$0x0], $0xffff;
	v36 =	vmul.f32 v52, v1  }
0x6a: {  	v29 =	vadd.s32 s17, v0;
	v45 =	vor.u32 v23, v10;
	[tilespmem:v54+s20+$0x0] =	vst.idx.msk $0xffff, v60;
	v61 =	vmul.f32 v55, v1  }
0x6b: {  	v30 =	vand.u32 $0xF, v29;
	v46 =	vadd.s32 $0x1000, v27;
	v38 =	vld.idx.msk [tilespmem:v57+s4+$0x0], $0xffff;
	[tilespmem:v58+s20+$0x0] =	vst.idx.msk $0xffff, v36;
	v62 =	vmul.f32 v35, v1  }
0x6c: {  	v43 =	vor.u32 $0x2800, v11;
	v47 =	vadd.s32 $0x1000, v25;
	v63 =	vor.u32 $0x2800, v9;
	v40 =	vld.idx.msk [tilespmem:v59+s4+$0x0], $0xffff;
	[tilespmem:v31+s20+$0x0] =	vst.idx.msk $0xffff, v61  }
0x6d: {  	v37 =	vor.u32 v19, v8;
	v41 =	vadd.s32 v2, v63;
	v31 =	vld.idx.msk [tilespmem:v33+s4+$0x0], $0xffff;
	[tilespmem:v50+s20+$0x0] =	vst.idx.msk $0xffff, v62  }
0x6e: {  	s10 =	simm.s32 $0x8;
	s17 =	simm.s32 $0x7;
	v35 =	vshll.u32 v30, $0x7;
	v49 =	vmul.f32 v48, v1;
	v48 =	vmul.f32 v39, v1;
	v32 =	vld.idx.msk [tilespmem:v32+s4+$0x0], $0xffff  }
.LBB2_4:
0x6f: {  	v33 =	vadd.s32 v2, v35;
	v34 =	vadd.s32 s17, v0;
	v35 =	vadd.s32 v2, v43  }
0x70: {  	p0 =	slt.u32 s10, $0xE;
	[tilespmem:v44+s20+$0x0] =	vst.idx.msk $0xffff, v49;
	v36 =	vmovc v4;
	v4 =	vmovc v7;
	v7 =	vmov v29;
	v39 =	vmov v8;
	v8 =	vmov v12  }
0x71: {  	v38 =	vmul.f32 v38, v1;
	v12 =	vmov v30;
	v43 =	vand.u32 $0xF, v34;
	v29 =	vld.idx.msk [tilespmem:v47+s4+$0x0], $0xffff;
	[tilespmem:v45+s20+$0x0] =	vst.idx.msk $0xffff, v48  }
0x72: {  	v40 =	vmul.f32 v40, v1;
	v45 =	vor.u32 v14, v3;
	v3 =	vmovc v5;
	v30 =	vshll.u32 v43, $0x7;
	v44 =	vld.idx.msk [tilespmem:v46+s4+$0x0], $0xffff  }
0x73: {  	v47 =	vor.u32 $0x1800, v28;
	v46 =	vor.u32 v22, v8;
	v30 =	vadd.s32 v2, v30;
	[tilespmem:v37+s20+$0x0] =	vst.idx.msk $0xffff, v38  }
0x74: {  	v37 =	vadd.s32 v2, v47;
	v31 =	vmul.f32 v31, v1;
	v38 =	vld.idx.msk [tilespmem:v41+s4+$0x0], $0xffff;
	[tilespmem:v42+s20+$0x0] =	vst.idx.msk $0xffff, v40  }
0x75: {  	v5 =	vmovc v10;
	v40 =	vor.u32 v22, v16;
	v41 =	vor.u32 $0x1800, v24;
	v32 =	vmul.f32 v32, v1;
	v35 =	vld.idx.msk [tilespmem:v35+s4+$0x0], $0xffff  }
0x76: {  	v47 =	vor.u32 v18, v36;
	v42 =	vshll.u32 v7, $0x7;
	v41 =	vadd.s32 v2, v41;
	[tilespmem:v26+s20+$0x0] =	vst.idx.msk $0xffff, v31  }
0x77: {  	v10 =	vmov v34;
	v26 =	vor.u32 $0x800, v42;
	v29 =	vmul.f32 v29, v1;
	v31 =	vld.idx.msk [tilespmem:v33+s4+$0x0], $0xffff;
	[tilespmem:v45+s20+$0x0] =	vst.idx.msk $0xffff, v32  }
0x78: {  	v34 =	vmul.f32 v44, v1;
	v44 =	vadd.s32 $0x3000, v15;
	v45 =	vor.u32 v18, v3;
	v15 =	vmovc v25;
	v32 =	vld.idx.msk [tilespmem:v30+s4+$0x0], $0xffff  }
0x79: {  	v48 =	vor.u32 v21, v12;
	v49 =	vadd.s32 v2, v26;
	[tilespmem:v46+s20+$0x0] =	vst.idx.msk $0xffff, v29;
	v46 =	vadd.s32 $0x3000, v13  }
0x7a: {  	v50 =	vshll.u32 v10, $0x7;
	v25 =	vmov v33;
	v26 =	vmul.f32 v38, v1;
	v37 =	vld.idx.msk [tilespmem:v37+s4+$0x0], $0xffff;
	[tilespmem:v40+s20+$0x0] =	vst.idx.msk $0xffff, v34  }
0x7b: {  	v33 =	vor.u32 v21, v43;
	v13 =	vmovc v27;
	v34 =	vor.u32 $0x800, v50;
	v35 =	vmul.f32 v35, v1;
	v38 =	vld.idx.msk [tilespmem:v41+s4+$0x0], $0xffff  }
0x7c: {  	v29 =	vadd.s32 s10, v0;
	v34 =	vadd.s32 v2, v34;
	[tilespmem:v47+s20+$0x0] =	vst.idx.msk $0xffff, v26;
	v26 =	vor.u32 v14, v36  }
0x7d: {  	v31 =	vmul.f32 v31, v1;
	v36 =	vor.u32 v20, v4;
	v40 =	vld.idx.msk [tilespmem:v44+s4+$0x0], $0xffff;
	[tilespmem:v45+s20+$0x0] =	vst.idx.msk $0xffff, v35  }
0x7e: {  	v27 =	vmovc v30;
	v41 =	vor.u32 v20, v5;
	v32 =	vmul.f32 v32, v1;
	v35 =	vadd.s32 $0x2000, v15;
	v46 =	vld.idx.msk [tilespmem:v46+s4+$0x0], $0xffff  }
0x7f: {  	v39 =	vor.u32 v17, v39;
	v30 =	vor.u32 $0x3800, v9;
	v9 =	vmovc v28;
	[tilespmem:v48+s20+$0x0] =	vst.idx.msk $0xffff, v31;
	v31 =	vadd.s32 $0x2000, v13  }
0x80: {  	v28 =	vmul.f32 v37, v1;
	v48 =	vld.idx.msk [tilespmem:v49+s4+$0x0], $0xffff;
	[tilespmem:v33+s20+$0x0] =	vst.idx.msk $0xffff, v32;
	v32 =	vadd.s32 v2, v30  }
0x81: {  	v51 =	vor.u32 v17, v6;
	v11 =	vor.u32 $0x3800, v11;
	v6 =	vmovc v16;
	v33 =	vld.idx.msk [tilespmem:v34+s4+$0x0], $0xffff;
	v34 =	vmul.f32 v38, v1  }
0x82: {  	v44 =	vor.u32 v23, v7;
	v30 =	vand.u32 $0xF, v29;
	[tilespmem:v36+s20+$0x0] =	vst.idx.msk $0xffff, v28;
	v36 =	vadd.s32 v2, v11  }
.Ltmp0:
0x83: {  	v37 =	vor.u32 v19, v8;
	v38 =	vld.idx.msk [tilespmem:v35+s4+$0x0], $0xffff;
	[tilespmem:v41+s20+$0x0] =	vst.idx.msk $0xffff, v34;
	v41 =	vmul.f32 v40, v1;
	(pc) =	sbr.rel @p0 .LBB2_4-.Ltmp0, $4  }
0x84: {  	v16 =	vmovc v43;
	v47 =	vadd.s32 $0x1000, v25;
	v45 =	vor.u32 v23, v10;
	v34 =	vmul.f32 v46, v1;
	v40 =	vld.idx.msk [tilespmem:v31+s4+$0x0], $0xffff  }
0x85: {  	v11 =	vmovc v24;
	v35 =	vshll.u32 v30, $0x7;
	v46 =	vadd.s32 $0x1000, v27;
	v28 =	vmovc v42;
	v31 =	vor.u32 $0x2800, v9;
	[tilespmem:v39+s20+$0x0] =	vst.idx.msk $0xffff, v41  }
0x86: {  	v49 =	vmul.f32 v48, v1;
	v41 =	vadd.s32 v2, v31;
	v31 =	vld.idx.msk [tilespmem:v32+s4+$0x0], $0xffff;
	[tilespmem:v51+s20+$0x0] =	vst.idx.msk $0xffff, v34  }
0x87: {  	s17 =	sadd.s32 $0x1, s10;
	s10 =	sadd.s32 $0x2, s10;
	v24 =	vmovc v50;
	v42 =	vor.u32 v19, v6;
	v43 =	vor.u32 $0x2800, v11;
	v48 =	vmul.f32 v33, v1;
	v32 =	vld.idx.msk [tilespmem:v36+s4+$0x0], $0xffff  }
0x88: {  	v33 =	vadd.s32 s17, v0  }
0x89: {  	v34 =	vand.u32 $0xF, v33  }
0x8a: {  	v50 =	vadd.s32 v2, v35;
	v62 =	vshll.u32 v34, $0x7  }
0x8b: {  	v39 =	vadd.s32 v2, v62;
	_ =	sdelay $0x3  }
0x8c: {  	v51 =	vld.idx.msk [tilespmem:v50+s4+$0x0], $0xffff  }
0x8d: {  	v35 =	vshll.u32 v29, $0x7;
	v52 =	vld.idx.msk [tilespmem:v39+s4+$0x0], $0xffff  }
0x8e: {  	v54 =	vor.u32 v21, v30;
	v53 =	vor.u32 $0x800, v35;
	v36 =	vshll.u32 v33, $0x7  }
0x8f: {  	v53 =	vadd.s32 v2, v53;
	v63 =	vor.u32 v21, v34;
	v55 =	vor.u32 $0x800, v36  }
0x90: {  	v55 =	vadd.s32 v2, v55  }
0x91: {  	v51 =	vmul.f32 v51, v1  }
0x92: {  	v52 =	vmul.f32 v52, v1  }
0x93: {  	[tilespmem:v54+s20+$0x0] =	vst.idx.msk $0xffff, v51  }
0x94: {  	v57 =	vld.idx.msk [tilespmem:v53+s4+$0x0], $0xffff;
	[tilespmem:v63+s20+$0x0] =	vst.idx.msk $0xffff, v52  }
0x95: {  	v58 =	vld.idx.msk [tilespmem:v55+s4+$0x0], $0xffff  }
0x96: {  	v59 =	vor.u32 v23, v29  }
0x97: {  	[tilespmem:v44+s20+$0x0] =	vst.idx.msk $0xffff, v49;
	v60 =	vadd.s32 $0x1000, v50;
	v61 =	vor.u32 v23, v33  }
0x98: {  	v47 =	vld.idx.msk [tilespmem:v47+s4+$0x0], $0xffff;
	v62 =	vadd.s32 $0x1000, v39  }
0x99: {  	v21 =	vmul.f32 v57, v1  }
0x9a: {  	[tilespmem:v45+s20+$0x0] =	vst.idx.msk $0xffff, v48;
	v51 =	vmul.f32 v58, v1  }
0x9b: {  	v46 =	vld.idx.msk [tilespmem:v46+s4+$0x0], $0xffff;
	v63 =	vor.u32 v22, v12;
	v55 =	vor.u32 $0x1800, v28;
	[tilespmem:v59+s20+$0x0] =	vst.idx.msk $0xffff, v21  }
0x9c: {  	v48 =	vadd.s32 v2, v55;
	v21 =	vld.idx.msk [tilespmem:v60+s4+$0x0], $0xffff;
	[tilespmem:v61+s20+$0x0] =	vst.idx.msk $0xffff, v51  }
0x9d: {  	v56 =	vor.u32 v22, v16;
	v47 =	vmul.f32 v47, v1;
	v57 =	vor.u32 $0x1800, v24;
	v49 =	vld.idx.msk [tilespmem:v62+s4+$0x0], $0xffff  }
0x9e: {  	v44 =	vadd.s32 v2, v57;
	v59 =	vor.u32 $0x1800, v35;
	v58 =	vor.u32 v22, v30  }
0x9f: {  	v60 =	vadd.s32 v2, v59;
	v61 =	vor.u32 v22, v34;
	v62 =	vor.u32 $0x1800, v36  }
0xa0: {  	v46 =	vmul.f32 v46, v1;
	[tilespmem:v63+s20+$0x0] =	vst.idx.msk $0xffff, v47;
	v47 =	vadd.s32 v2, v62  }
0xa1: {  	v48 =	vld.idx.msk [tilespmem:v48+s4+$0x0], $0xffff;
	v21 =	vmul.f32 v21, v1  }
0xa2: {  	[tilespmem:v56+s20+$0x0] =	vst.idx.msk $0xffff, v46;
	v49 =	vmul.f32 v49, v1  }
0xa3: {  	v63 =	vor.u32 v20, v7;
	v51 =	vld.idx.msk [tilespmem:v44+s4+$0x0], $0xffff;
	[tilespmem:v58+s20+$0x0] =	vst.idx.msk $0xffff, v21  }
0xa4: {  	v53 =	vmul.f32 v38, v1;
	v52 =	vadd.s32 $0x2000, v25;
	v54 =	vld.idx.msk [tilespmem:v60+s4+$0x0], $0xffff;
	[tilespmem:v61+s20+$0x0] =	vst.idx.msk $0xffff, v49  }
0xa5: {  	v55 =	vor.u32 v20, v10;
	v62 =	vadd.s32 v2, v43;
	v47 =	vld.idx.msk [tilespmem:v47+s4+$0x0], $0xffff  }
0xa6: {  	[tilespmem:v37+s20+$0x0] =	vst.idx.msk $0xffff, v53;
	v57 =	vadd.s32 $0x2000, v27;
	v56 =	vmul.f32 v48, v1;
	v58 =	vor.u32 v20, v29  }
0xa7: {  	v40 =	vmul.f32 v40, v1;
	v41 =	vld.idx.msk [tilespmem:v41+s4+$0x0], $0xffff;
	v59 =	vadd.s32 $0x2000, v50;
	v60 =	vor.u32 v20, v33  }
0xa8: {  	[tilespmem:v63+s20+$0x0] =	vst.idx.msk $0xffff, v56;
	v21 =	vmul.f32 v51, v1;
	v61 =	vadd.s32 $0x2000, v39  }
0xa9: {  	[tilespmem:v42+s20+$0x0] =	vst.idx.msk $0xffff, v40;
	v44 =	vld.idx.msk [tilespmem:v52+s4+$0x0], $0xffff;
	v38 =	vmul.f32 v54, v1  }
0xaa: {  	v63 =	vor.u32 v19, v12;
	v40 =	vld.idx.msk [tilespmem:v62+s4+$0x0], $0xffff;
	[tilespmem:v55+s20+$0x0] =	vst.idx.msk $0xffff, v21;
	v48 =	vmul.f32 v47, v1  }
0xab: {  	v51 =	vor.u32 $0x2800, v28;
	v49 =	vor.u32 v18, v4;
	v22 =	vld.idx.msk [tilespmem:v57+s4+$0x0], $0xffff;
	[tilespmem:v58+s20+$0x0] =	vst.idx.msk $0xffff, v38  }
0xac: {  	v52 =	vmul.f32 v41, v1;
	v53 =	vadd.s32 v2, v51;
	v23 =	vld.idx.msk [tilespmem:v59+s4+$0x0], $0xffff;
	[tilespmem:v60+s20+$0x0] =	vst.idx.msk $0xffff, v48  }
0xad: {  	v62 =	vor.u32 $0x2800, v36;
	v55 =	vor.u32 $0x2800, v24;
	v54 =	vor.u32 v19, v16;
	v57 =	vld.idx.msk [tilespmem:v61+s4+$0x0], $0xffff  }
0xae: {  	v21 =	vadd.s32 v2, v55;
	v58 =	vor.u32 v19, v30;
	v59 =	vor.u32 $0x2800, v35  }
0xaf: {  	v56 =	vmul.f32 v44, v1;
	v60 =	vadd.s32 v2, v59;
	v61 =	vor.u32 v19, v34  }
0xb0: {  	v42 =	vadd.s32 v2, v62;
	[tilespmem:v49+s20+$0x0] =	vst.idx.msk $0xffff, v52;
	v22 =	vmul.f32 v22, v1  }
0xb1: {  	[tilespmem:v63+s20+$0x0] =	vst.idx.msk $0xffff, v56;
	v23 =	vmul.f32 v23, v1  }
0xb2: {  	v15 =	vadd.s32 $0x3000, v15;
	v43 =	vld.idx.msk [tilespmem:v53+s4+$0x0], $0xffff;
	[tilespmem:v54+s20+$0x0] =	vst.idx.msk $0xffff, v22;
	v47 =	vmul.f32 v57, v1  }
0xb3: {  	v8 =	vor.u32 v17, v8;
	v63 =	vor.u32 v18, v5;
	v21 =	vld.idx.msk [tilespmem:v21+s4+$0x0], $0xffff;
	[tilespmem:v58+s20+$0x0] =	vst.idx.msk $0xffff, v23  }
0xb4: {  	v13 =	vadd.s32 $0x3000, v13;
	v9 =	vor.u32 $0x3800, v9;
	v49 =	vor.u32 v18, v7;
	v52 =	vld.idx.msk [tilespmem:v60+s4+$0x0], $0xffff;
	[tilespmem:v61+s20+$0x0] =	vst.idx.msk $0xffff, v47  }
0xb5: {  	v6 =	vor.u32 v17, v6;
	v51 =	vadd.s32 $0x3000, v25;
	v53 =	vor.u32 v18, v10;
	v20 =	vld.idx.msk [tilespmem:v42+s4+$0x0], $0xffff  }
0xb6: {  	v56 =	vor.u32 v18, v29;
	v48 =	vmul.f32 v40, v1;
	v54 =	vadd.s32 $0x3000, v27  }
0xb7: {  	v55 =	vmul.f32 v43, v1;
	v58 =	vor.u32 v18, v33;
	v57 =	vadd.s32 $0x3000, v50  }
0xb8: {  	v11 =	vor.u32 $0x3800, v11;
	v15 =	vld.idx.msk [tilespmem:v15+s4+$0x0], $0xffff;
	v59 =	vadd.s32 $0x3000, v39;
	[tilespmem:v63+s20+$0x0] =	vst.idx.msk $0xffff, v48;
	v21 =	vmul.f32 v21, v1  }
0xb9: {  	v9 =	vadd.s32 v2, v9;
	v13 =	vld.idx.msk [tilespmem:v13+s4+$0x0], $0xffff;
	[tilespmem:v49+s20+$0x0] =	vst.idx.msk $0xffff, v55;
	v25 =	vmul.f32 v52, v1  }
0xba: {  	v11 =	vadd.s32 v2, v11;
	v23 =	vld.idx.msk [tilespmem:v51+s4+$0x0], $0xffff;
	[tilespmem:v53+s20+$0x0] =	vst.idx.msk $0xffff, v21;
	v60 =	vmul.f32 v20, v1  }
0xbb: {  	v46 =	vor.u32 v17, v34;
	v62 =	vor.u32 v17, v12;
	v61 =	vld.idx.msk [tilespmem:v54+s4+$0x0], $0xffff;
	[tilespmem:v56+s20+$0x0] =	vst.idx.msk $0xffff, v25  }
0xbc: {  	v44 =	vor.u32 $0x3800, v35;
	v39 =	vor.u32 v17, v16;
	v63 =	vor.u32 $0x3800, v28;
	v37 =	vld.idx.msk [tilespmem:v57+s4+$0x0], $0xffff;
	[tilespmem:v58+s20+$0x0] =	vst.idx.msk $0xffff, v60  }
0xbd: {  	v15 =	vmul.f32 v15, v1;
	v28 =	vor.u32 $0x3800, v24;
	v38 =	vadd.s32 v2, v63;
	v41 =	vld.idx.msk [tilespmem:v59+s4+$0x0], $0xffff  }
0xbe: {  	v40 =	vadd.s32 v2, v28;
	v43 =	vor.u32 v17, v30;
	v13 =	vmul.f32 v13, v1  }
0xbf: {  	v45 =	vadd.s32 v2, v44;
	[tilespmem:v8+s20+$0x0] =	vst.idx.msk $0xffff, v15;
	v47 =	vor.u32 $0x3800, v36;
	v42 =	vmul.f32 v23, v1  }
0xc0: {  	v9 =	vld.idx.msk [tilespmem:v9+s4+$0x0], $0xffff;
	v2 =	vadd.s32 v2, v47;
	[tilespmem:v6+s20+$0x0] =	vst.idx.msk $0xffff, v13;
	v48 =	vmul.f32 v61, v1  }
0xc1: {  	v3 =	vor.u32 v14, v3;
	v11 =	vld.idx.msk [tilespmem:v11+s4+$0x0], $0xffff;
	[tilespmem:v62+s20+$0x0] =	vst.idx.msk $0xffff, v42;
	v49 =	vmul.f32 v37, v1  }
0xc2: {  	v50 =	vor.u32 v14, v4;
	v51 =	vld.idx.msk [tilespmem:v38+s4+$0x0], $0xffff;
	[tilespmem:v39+s20+$0x0] =	vst.idx.msk $0xffff, v48;
	v52 =	vmul.f32 v41, v1  }
0xc3: {  	v53 =	vmul.f32 v31, v1;
	v54 =	vor.u32 v14, v5;
	v55 =	vld.idx.msk [tilespmem:v40+s4+$0x0], $0xffff;
	[tilespmem:v43+s20+$0x0] =	vst.idx.msk $0xffff, v49  }
0xc4: {  	v56 =	vmul.f32 v32, v1;
	v57 =	vor.u32 v14, v7;
	v8 =	vld.idx.msk [tilespmem:v45+s4+$0x0], $0xffff;
	[tilespmem:v46+s20+$0x0] =	vst.idx.msk $0xffff, v52  }
0xc5: {  	[tilespmem:v26+s20+$0x0] =	vst.idx.msk $0xffff, v53;
	v58 =	vmul.f32 v9, v1;
	v59 =	vor.u32 v14, v10;
	v2 =	vld.idx.msk [tilespmem:v2+s4+$0x0], $0xffff  }
0xc6: {  	s22 =	sadd.s32 $0x1, s22;
	[tilespmem:v3+s20+$0x0] =	vst.idx.msk $0xffff, v56;
	v60 =	vor.u32 v14, v29;
	v3 =	vmul.f32 v11, v1  }
0xc7: {  	p0 =	sne.s32 s22, $0x8;
	v62 =	vor.u32 v14, v33;
	[tilespmem:v50+s20+$0x0] =	vst.idx.msk $0xffff, v58;
	v61 =	vmul.f32 v51, v1  }
.Ltmp1:
0xc8: {  	[tilespmem:v54+s20+$0x0] =	vst.idx.msk $0xffff, v3;
	v3 =	vmul.f32 v55, v1;
	(pc) =	sbr.rel @p0 .LBB2_3-.Ltmp1, $4  }
0xc9: {  	[tilespmem:v57+s20+$0x0] =	vst.idx.msk $0xffff, v61;
	v63 =	vmul.f32 v8, v1  }
0xca: {  	[tilespmem:v59+s20+$0x0] =	vst.idx.msk $0xffff, v3;
	v1 =	vmul.f32 v2, v1  }
0xcb: {  	[tilespmem:v60+s20+$0x0] =	vst.idx.msk $0xffff, v63  }
0xcc: {  	[tilespmem:v62+s20+$0x0] =	vst.idx.msk $0xffff, v1  }
0xcd: {  	s14 =	simm.s32 $0x0  }
0xce: {  	v5 =	vld [tilespmem:s14+$0x8000]  }
0xcf: {  	v6 =	vld [tilespmem:s14+$0x8010]  }
0xd0: {  	v7 =	vld [tilespmem:s14+$0x8020]  }
0xd1: {  	v9 =	vld [tilespmem:s14+$0x8030]  }
0xd2: {  	v10 =	vld [tilespmem:s14+$0x8040]  }
0xd3: {  	v4 =	vld [tilespmem:s14+$0x8050]  }
0xd4: {  	v2 =	vld [tilespmem:s14+$0x8060]  }
0xd5: {  	v3 =	vld [tilespmem:s14+$0x8070]  }
0xd6: {  	v1 =	vld [tilespmem:s14+$0xC000]  }
0xd7: {  	v8 =	vld [tilespmem:s14+$0xC010]  }
0xd8: {  	v11 =	vld [tilespmem:s14+$0xC020]  }
0xd9: {  	v12 =	vld [tilespmem:s14+$0xC030]  }
0xda: {  	v13 =	vld [tilespmem:s14+$0xC040]  }
0xdb: {  	v14 =	vld [tilespmem:s14+$0xC050]  }
0xdc: {  	v15 =	vld [tilespmem:s14+$0xC060]  }
0xdd: {  	v16 =	vld [tilespmem:s14+$0xC070]  }
0xde: {  	v17 =	vld [tilespmem:s14+$0x101F0]  }
0xdf: {  	v18 =	vld [tilespmem:s14+$0x8080]  }
0xe0: {  	v19 =	vld [tilespmem:s14+$0x8090]  }
0xe1: {  	v20 =	vld [tilespmem:s14+$0x80A0]  }
0xe2: {  	v21 =	vld [tilespmem:s14+$0x80B0]  }
0xe3: {  	v22 =	vld [tilespmem:s14+$0x80C0]  }
0xe4: {  	v23 =	vld [tilespmem:s14+$0x80D0]  }
0xe5: {  	v24 =	vld [tilespmem:s14+$0x80E0]  }
0xe6: {  	v25 =	vld [tilespmem:s14+$0x80F0]  }
0xe7: {  	v26 =	vld [tilespmem:s14+$0xC080]  }
0xe8: {  	v27 =	vld [tilespmem:s14+$0xC090]  }
0xe9: {  	v28 =	vld [tilespmem:s14+$0xC0A0]  }
0xea: {  	v29 =	vld [tilespmem:s14+$0xC0B0]  }
0xeb: {  	v30 =	vld [tilespmem:s14+$0xC0C0]  }
0xec: {  	v54 =	vld [tilespmem:s14+$0xC0D0]  }
0xed: {  	v31 =	vld [tilespmem:s14+$0x10070]  }
0xee: {  	v32 =	vld [tilespmem:s14+$0xC0F0]  }
0xef: {  	v33 =	vld [tilespmem:s14+$0x8100]  }
0xf0: {  	v34 =	vld [tilespmem:s14+$0x8110]  }
0xf1: {  	v35 =	vld [tilespmem:s14+$0x8120]  }
0xf2: {  	v36 =	vld [tilespmem:s14+$0x8130]  }
0xf3: {  	v40 =	vld [tilespmem:s14+$0xC100];
	v1 =	vadd.f32 v1, v5  }
0xf4: {  	v37 =	vld [tilespmem:s14+$0x8140];
	v8 =	vadd.f32 v8, v6  }
0xf5: {  	v41 =	vld [tilespmem:s14+$0xC110];
	v15 =	vadd.f32 v15, v2;
	[tilespmem:s14+$0xC000] =	vst v1  }
0xf6: {  	v38 =	vld [tilespmem:s14+$0x8150];
	v16 =	vadd.f32 v16, v3;
	[tilespmem:s14+$0xC010] =	vst v8  }
0xf7: {  	v42 =	vld [tilespmem:s14+$0xC120];
	v27 =	vadd.f32 v27, v19;
	[tilespmem:s14+$0xC060] =	vst v15  }
0xf8: {  	v39 =	vld [tilespmem:s14+$0x8160];
	v55 =	vadd.f32 v40, v33;
	[tilespmem:s14+$0xC070] =	vst v16  }
0xf9: {  	v43 =	vld [tilespmem:s14+$0xC130];
	v28 =	vadd.f32 v28, v20;
	[tilespmem:s14+$0xC090] =	vst v27  }
0xfa: {  	v44 =	vld [tilespmem:s14+$0xC140];
	v41 =	vadd.f32 v41, v34;
	[tilespmem:s14+$0xC100] =	vst v55  }
0xfb: {  	v56 =	vld [tilespmem:s14+$0xC150];
	v29 =	vadd.f32 v29, v21;
	[tilespmem:s14+$0xC0A0] =	vst v28  }
0xfc: {  	v57 =	vld [tilespmem:s14+$0xC160];
	v42 =	vadd.f32 v42, v35;
	[tilespmem:s14+$0xC110] =	vst v41  }
0xfd: {  	v58 =	vld [tilespmem:s14+$0x10080];
	v30 =	vadd.f32 v30, v22;
	[tilespmem:s14+$0xC0B0] =	vst v29  }
0xfe: {  	v59 =	vld [tilespmem:s14+$0xC170];
	v43 =	vadd.f32 v43, v36;
	[tilespmem:s14+$0xC120] =	vst v42  }
0xff: {  	v60 =	vld [tilespmem:s14+$0x10090];
	v44 =	vadd.f32 v44, v37;
	[tilespmem:s14+$0xC0C0] =	vst v30  }
0x100: {  	v61 =	vld [tilespmem:s14+$0x10100];
	v40 =	vadd.f32 v56, v38;
	[tilespmem:s14+$0xC130] =	vst v43  }
0x101: {  	v32 =	vadd.f32 v32, v25;
	v8 =	vld [tilespmem:s14+$0x10000];
	[tilespmem:s14+$0xC140] =	vst v44  }
0x102: {  	v62 =	vld [tilespmem:s14+$0x100A0];
	v1 =	vadd.f32 v11, v7;
	[tilespmem:s14+$0xC150] =	vst v40  }
0x103: {  	v63 =	vld [tilespmem:s14+$0x10110];
	v11 =	vadd.f32 v12, v9;
	[tilespmem:s14+$0xC0F0] =	vst v32  }
0x104: {  	v12 =	vld [tilespmem:s14+$0x10010];
	[tilespmem:s14+$0xC020] =	vst v1;
	v1 =	vadd.f32 v13, v10  }
0x105: {  	v15 =	vld [tilespmem:s14+$0x10050];
	[tilespmem:s14+$0xC030] =	vst v11;
	v13 =	vadd.f32 v14, v4  }
0x106: {  	v11 =	vld [tilespmem:s14+$0x10020];
	[tilespmem:s14+$0xC040] =	vst v1;
	v5 =	vadd.f32 v8, v5  }
0x107: {  	[tilespmem:s14+$0xC050] =	vst v13;
	v1 =	vld [tilespmem:s14+$0x81F0];
	v8 =	vadd.f32 v26, v18  }
0x108: {  	v13 =	vld [tilespmem:s14+$0x10040];
	v26 =	vadd.f32 v54, v23;
	[tilespmem:s14+$0x10000] =	vst v5  }
0x109: {  	v48 =	vld [tilespmem:s14+$0x100B0];
	v6 =	vadd.f32 v12, v6;
	[tilespmem:s14+$0xC080] =	vst v8  }
0x10a: {  	v12 =	vld [tilespmem:s14+$0x10150];
	v4 =	vadd.f32 v15, v4;
	[tilespmem:s14+$0xC0D0] =	vst v26  }
0x10b: {  	v49 =	vld [tilespmem:s14+$0x10120];
	v7 =	vadd.f32 v11, v7;
	[tilespmem:s14+$0x10010] =	vst v6  }
0x10c: {  	v50 =	vld [tilespmem:s14+$0x100C0];
	[tilespmem:s14+$0x10050] =	vst v4;
	v17 =	vadd.f32 v17, v1  }
0x10d: {  	v45 =	vld [tilespmem:s14+$0x10130];
	[tilespmem:s14+$0x10020] =	vst v7;
	v6 =	vadd.f32 v13, v10  }
0x10e: {  	v5 =	vld [tilespmem:s14+$0xC0E0];
	v10 =	vadd.f32 v62, v20;
	[tilespmem:s14+$0x101F0] =	vst v17  }
0x10f: {  	v53 =	vld [tilespmem:s14+$0x100E0];
	v12 =	vadd.f32 v12, v38;
	[tilespmem:s14+$0x10040] =	vst v6  }
0x110: {  	v51 =	vld [tilespmem:s14+$0x100D0];
	v17 =	vadd.f32 v58, v18;
	[tilespmem:s14+$0x100A0] =	vst v10  }
0x111: {  	v56 =	vld [tilespmem:s14+$0xC1C0];
	v6 =	vadd.f32 v31, v3;
	[tilespmem:s14+$0x10150] =	vst v12  }
0x112: {  	v4 =	vld [tilespmem:s14+$0x81C0];
	v10 =	vadd.f32 v50, v22;
	[tilespmem:s14+$0x10080] =	vst v17  }
0x113: {  	v8 =	vld [tilespmem:s14+$0x8170];
	v5 =	vadd.f32 v5, v24;
	[tilespmem:s14+$0x10070] =	vst v6  }
0x114: {  	v52 =	vld [tilespmem:s14+$0x10140];
	[tilespmem:s14+$0x100C0] =	vst v10;
	v10 =	vadd.f32 v53, v24  }
0x115: {  	v14 =	vld [tilespmem:s14+$0x10030];
	[tilespmem:s14+$0xC0E0] =	vst v5;
	v5 =	vadd.f32 v57, v39  }
0x116: {  	v16 =	vld [tilespmem:s14+$0x10060];
	v57 =	vadd.f32 v63, v34;
	[tilespmem:s14+$0x100E0] =	vst v10  }
0x117: {  	v55 =	vld [tilespmem:s14+$0xC1A0];
	v63 =	vadd.f32 v56, v4;
	[tilespmem:s14+$0xC160] =	vst v5  }
0x118: {  	v15 =	vld [tilespmem:s14+$0xC180];
	v5 =	vadd.f32 v59, v8;
	[tilespmem:s14+$0x10110] =	vst v57  }
0x119: {  	v54 =	vld [tilespmem:s14+$0xC190];
	v10 =	vadd.f32 v61, v33;
	[tilespmem:s14+$0xC1C0] =	vst v63  }
0x11a: {  	v11 =	vld [tilespmem:s14+$0x100F0];
	[tilespmem:s14+$0xC170] =	vst v5;
	v5 =	vadd.f32 v14, v9;
	v9 =	vadd.f32 v60, v19  }
0x11b: {  	v13 =	vld [tilespmem:s14+$0x8180];
	v61 =	vadd.f32 v45, v36;
	[tilespmem:s14+$0x10100] =	vst v10  }
0x11c: {  	v7 =	vld [tilespmem:s14+$0x8190];
	[tilespmem:s14+$0x10090] =	vst v9;
	v9 =	vadd.f32 v48, v21  }
0x11d: {  	v58 =	vld [tilespmem:s14+$0xC1E0];
	[tilespmem:s14+$0x10130] =	vst v61  }
0x11e: {  	v6 =	vld [tilespmem:s14+$0x81E0];
	[tilespmem:s14+$0x100B0] =	vst v9;
	v9 =	vadd.f32 v51, v23  }
0x11f: {  	v3 =	vld [tilespmem:s14+$0x81B0];
	[tilespmem:s14+$0x10030] =	vst v5;
	v5 =	vadd.f32 v16, v2  }
0x120: {  	[tilespmem:s14+$0x100D0] =	vst v9;
	v9 =	vadd.f32 v11, v25;
	v11 =	vld [tilespmem:s14+$0xC1B0]  }
0x121: {  	v10 =	vadd.f32 v49, v35;
	v2 =	vld [tilespmem:s14+$0x81A0];
	[tilespmem:s14+$0x10060] =	vst v5  }
0x122: {  	v5 =	vld [tilespmem:s14+$0x81D0];
	[tilespmem:s14+$0x100F0] =	vst v9;
	v9 =	vadd.f32 v15, v13  }
0x123: {  	v12 =	vadd.f32 v58, v6;
	[tilespmem:s14+$0x10120] =	vst v10;
	v15 =	vld [tilespmem:s14+$0xC1D0]  }
0x124: {  	v14 =	vld [tilespmem:s14+$0x10160];
	[tilespmem:s14+$0xC180] =	vst v9;
	v9 =	vadd.f32 v54, v7  }
0x125: {  	v59 =	vld [tilespmem:s14+$0x10170];
	[tilespmem:s14+$0xC1E0] =	vst v12;
	v10 =	vadd.f32 v11, v3  }
0x126: {  	v60 =	vld [tilespmem:s14+$0xC1F0];
	[tilespmem:s14+$0xC190] =	vst v9;
	v9 =	vadd.f32 v55, v2  }
0x127: {  	v62 =	vld [tilespmem:s14+$0x10180];
	v11 =	vadd.f32 v52, v37;
	[tilespmem:s14+$0xC1B0] =	vst v10  }
0x128: {  	v15 =	vadd.f32 v15, v5;
	[tilespmem:s14+$0xC1A0] =	vst v9;
	v9 =	vld [tilespmem:s14+$0x10190]  }
0x129: {  	v14 =	vadd.f32 v14, v39;
	[tilespmem:s14+$0x10140] =	vst v11;
	v10 =	vld [tilespmem:s14+$0x101A0]  }
0x12a: {  	v11 =	vld [tilespmem:s14+$0x101B0];
	[tilespmem:s14+$0xC1D0] =	vst v15;
	v15 =	vadd.f32 v59, v8  }
0x12b: {  	v1 =	vadd.f32 v60, v1;
	[tilespmem:s14+$0x10160] =	vst v14;
	v8 =	vld [tilespmem:s14+$0x101C0]  }
0x12c: {  	s10 =	simm.s32 $0x0;
	s22 =	simm.s32 $0x800;
	v12 =	vld [tilespmem:s14+$0x101D0];
	v13 =	vadd.f32 v62, v13;
	[tilespmem:s14+$0x10170] =	vst v15  }
.LBB2_7:
0x12d: {  	s3 =	sshra.s32 s22, $0x2;
	[tilespmem:s14+$0xC1F0] =	vst v1;
	v7 =	vadd.f32 v9, v7;
	v9 =	vld [tilespmem:s14+$0x101E0]  }
0x12e: {  	s10 =	sadd.s32 $0x4, s10;
	v1 =	vld [tilespmem:s3+$0x81F0];
	[tilespmem:s14+$0x10180] =	vst v13;
	v2 =	vadd.f32 v10, v2  }
0x12f: {  	p0 =	slt.u32 s10, $0x7C;
	v10 =	vld [tilespmem:s3+$0x101F0];
	[tilespmem:s14+$0x10190] =	vst v7;
	v3 =	vadd.f32 v11, v3  }
0x130: {  	v7 =	vld [tilespmem:s3+$0x8000];
	[tilespmem:s14+$0x101A0] =	vst v2;
	v2 =	vadd.f32 v8, v4  }
0x131: {  	v4 =	vld [tilespmem:s3+$0x8010];
	[tilespmem:s14+$0x101B0] =	vst v3;
	v3 =	vadd.f32 v12, v5  }
0x132: {  	v5 =	vld [tilespmem:s3+$0x8020];
	[tilespmem:s14+$0x101C0] =	vst v2;
	v2 =	vadd.f32 v9, v6  }
0x133: {  	v6 =	vld [tilespmem:s3+$0x8030];
	[tilespmem:s14+$0x101D0] =	vst v3  }
0x134: {  	v3 =	vld [tilespmem:s3+$0x8040];
	v8 =	vadd.f32 v10, v1;
	[tilespmem:s14+$0x101E0] =	vst v2;
	s14 =	smov.u32 s3  }
0x135: {  	v2 =	vld [tilespmem:s14+$0x8050]  }
0x136: {  	v9 =	vld [tilespmem:s14+$0x8060];
	[tilespmem:s14+$0x101F0] =	vst v8  }
0x137: {  	v8 =	vld [tilespmem:s14+$0x8070]  }
0x138: {  	v10 =	vld [tilespmem:s14+$0xC000]  }
0x139: {  	v11 =	vld [tilespmem:s14+$0xC010]  }
0x13a: {  	v12 =	vld [tilespmem:s14+$0xC020]  }
0x13b: {  	v13 =	vld [tilespmem:s14+$0xC030]  }
0x13c: {  	v14 =	vld [tilespmem:s14+$0xC040]  }
0x13d: {  	v10 =	vadd.f32 v10, v7;
	v15 =	vld [tilespmem:s14+$0xC050]  }
0x13e: {  	v11 =	vadd.f32 v11, v4;
	v16 =	vld [tilespmem:s14+$0xC060]  }
0x13f: {  	[tilespmem:s14+$0xC000] =	vst v10;
	v10 =	vadd.f32 v12, v5;
	v12 =	vld [tilespmem:s14+$0xC070]  }
0x140: {  	[tilespmem:s14+$0xC010] =	vst v11;
	v11 =	vadd.f32 v13, v6;
	v13 =	vld [tilespmem:s14+$0x10000]  }
0x141: {  	[tilespmem:s14+$0xC020] =	vst v10;
	v10 =	vadd.f32 v14, v3;
	v14 =	vld [tilespmem:s14+$0x10010]  }
0x142: {  	[tilespmem:s14+$0xC030] =	vst v11;
	v11 =	vadd.f32 v15, v2;
	v15 =	vld [tilespmem:s14+$0x10020]  }
0x143: {  	[tilespmem:s14+$0xC040] =	vst v10;
	v10 =	vadd.f32 v16, v9;
	v16 =	vld [tilespmem:s14+$0x10030]  }
0x144: {  	[tilespmem:s14+$0xC050] =	vst v11;
	v11 =	vadd.f32 v12, v8;
	v12 =	vld [tilespmem:s14+$0x10040]  }
0x145: {  	[tilespmem:s14+$0xC060] =	vst v10;
	v7 =	vadd.f32 v13, v7;
	v10 =	vld [tilespmem:s14+$0x10050]  }
0x146: {  	[tilespmem:s14+$0xC070] =	vst v11;
	v4 =	vadd.f32 v14, v4;
	v11 =	vld [tilespmem:s14+$0x10060]  }
0x147: {  	[tilespmem:s14+$0x10000] =	vst v7;
	v5 =	vadd.f32 v15, v5;
	v7 =	vld [tilespmem:s14+$0x10070]  }
0x148: {  	[tilespmem:s14+$0x10010] =	vst v4;
	v4 =	vadd.f32 v16, v6;
	v6 =	vld [tilespmem:s14+$0x8080]  }
0x149: {  	[tilespmem:s14+$0x10020] =	vst v5;
	v3 =	vadd.f32 v12, v3;
	v5 =	vld [tilespmem:s14+$0x8090]  }
0x14a: {  	[tilespmem:s14+$0x10030] =	vst v4;
	v2 =	vadd.f32 v10, v2;
	v4 =	vld [tilespmem:s14+$0x80A0]  }
0x14b: {  	[tilespmem:s14+$0x10040] =	vst v3;
	v3 =	vadd.f32 v11, v9;
	v9 =	vld [tilespmem:s14+$0x80B0]  }
0x14c: {  	[tilespmem:s14+$0x10050] =	vst v2;
	v2 =	vadd.f32 v7, v8;
	v7 =	vld [tilespmem:s14+$0x80C0]  }
0x14d: {  	[tilespmem:s14+$0x10060] =	vst v3;
	v3 =	vld [tilespmem:s14+$0x80D0]  }
0x14e: {  	[tilespmem:s14+$0x10070] =	vst v2;
	v2 =	vld [tilespmem:s14+$0x80E0]  }
0x14f: {  	v8 =	vld [tilespmem:s14+$0x80F0]  }
0x150: {  	v10 =	vld [tilespmem:s14+$0xC080]  }
0x151: {  	v11 =	vld [tilespmem:s14+$0xC090]  }
0x152: {  	v12 =	vld [tilespmem:s14+$0xC0A0]  }
0x153: {  	v13 =	vld [tilespmem:s14+$0xC0B0]  }
0x154: {  	v14 =	vld [tilespmem:s14+$0xC0C0]  }
0x155: {  	v10 =	vadd.f32 v10, v6;
	v15 =	vld [tilespmem:s14+$0xC0D0]  }
0x156: {  	v11 =	vadd.f32 v11, v5;
	v16 =	vld [tilespmem:s14+$0xC0E0]  }
0x157: {  	[tilespmem:s14+$0xC080] =	vst v10;
	v10 =	vadd.f32 v12, v4;
	v12 =	vld [tilespmem:s14+$0xC0F0]  }
0x158: {  	[tilespmem:s14+$0xC090] =	vst v11;
	v11 =	vadd.f32 v13, v9;
	v13 =	vld [tilespmem:s14+$0x10080]  }
0x159: {  	[tilespmem:s14+$0xC0A0] =	vst v10;
	v10 =	vadd.f32 v14, v7;
	v14 =	vld [tilespmem:s14+$0x10090]  }
0x15a: {  	[tilespmem:s14+$0xC0B0] =	vst v11;
	v11 =	vadd.f32 v15, v3;
	v15 =	vld [tilespmem:s14+$0x100A0]  }
0x15b: {  	[tilespmem:s14+$0xC0C0] =	vst v10;
	v10 =	vadd.f32 v16, v2;
	v16 =	vld [tilespmem:s14+$0x100B0]  }
0x15c: {  	[tilespmem:s14+$0xC0D0] =	vst v11;
	v11 =	vadd.f32 v12, v8;
	v12 =	vld [tilespmem:s14+$0x100C0]  }
0x15d: {  	[tilespmem:s14+$0xC0E0] =	vst v10;
	v6 =	vadd.f32 v13, v6;
	v10 =	vld [tilespmem:s14+$0x100D0]  }
0x15e: {  	[tilespmem:s14+$0xC0F0] =	vst v11;
	v5 =	vadd.f32 v14, v5;
	v11 =	vld [tilespmem:s14+$0x100E0]  }
0x15f: {  	[tilespmem:s14+$0x10080] =	vst v6;
	v4 =	vadd.f32 v15, v4;
	v6 =	vld [tilespmem:s14+$0x100F0]  }
0x160: {  	[tilespmem:s14+$0x10090] =	vst v5;
	v5 =	vadd.f32 v16, v9;
	v9 =	vld [tilespmem:s14+$0x8100]  }
0x161: {  	[tilespmem:s14+$0x100A0] =	vst v4;
	v4 =	vadd.f32 v12, v7;
	v7 =	vld [tilespmem:s14+$0x8110]  }
0x162: {  	[tilespmem:s14+$0x100B0] =	vst v5;
	v3 =	vadd.f32 v10, v3;
	v5 =	vld [tilespmem:s14+$0x8120]  }
0x163: {  	[tilespmem:s14+$0x100C0] =	vst v4;
	v2 =	vadd.f32 v11, v2;
	v4 =	vld [tilespmem:s14+$0x8130]  }
0x164: {  	[tilespmem:s14+$0x100D0] =	vst v3;
	v3 =	vadd.f32 v6, v8;
	v6 =	vld [tilespmem:s14+$0x8140]  }
0x165: {  	[tilespmem:s14+$0x100E0] =	vst v2;
	v2 =	vld [tilespmem:s14+$0x8150]  }
0x166: {  	[tilespmem:s14+$0x100F0] =	vst v3;
	v3 =	vld [tilespmem:s14+$0x8160]  }
0x167: {  	v8 =	vld [tilespmem:s14+$0x8170]  }
0x168: {  	v10 =	vld [tilespmem:s14+$0xC100]  }
0x169: {  	v11 =	vld [tilespmem:s14+$0xC110]  }
0x16a: {  	v12 =	vld [tilespmem:s14+$0xC120]  }
0x16b: {  	v13 =	vld [tilespmem:s14+$0xC130]  }
0x16c: {  	v14 =	vld [tilespmem:s14+$0xC140]  }
0x16d: {  	v10 =	vadd.f32 v10, v9;
	v15 =	vld [tilespmem:s14+$0xC150]  }
0x16e: {  	v11 =	vadd.f32 v11, v7;
	v16 =	vld [tilespmem:s14+$0xC160]  }
0x16f: {  	[tilespmem:s14+$0xC100] =	vst v10;
	v10 =	vadd.f32 v12, v5;
	v12 =	vld [tilespmem:s14+$0xC170]  }
0x170: {  	[tilespmem:s14+$0xC110] =	vst v11;
	v11 =	vadd.f32 v13, v4;
	v13 =	vld [tilespmem:s14+$0x10100]  }
0x171: {  	[tilespmem:s14+$0xC120] =	vst v10;
	v10 =	vadd.f32 v14, v6;
	v14 =	vld [tilespmem:s14+$0x10110]  }
0x172: {  	[tilespmem:s14+$0xC130] =	vst v11;
	v11 =	vadd.f32 v15, v2;
	v15 =	vld [tilespmem:s14+$0x10120]  }
0x173: {  	[tilespmem:s14+$0xC140] =	vst v10;
	v10 =	vadd.f32 v16, v3;
	v16 =	vld [tilespmem:s14+$0x10130]  }
0x174: {  	[tilespmem:s14+$0xC150] =	vst v11;
	v11 =	vadd.f32 v12, v8;
	v12 =	vld [tilespmem:s14+$0x10140]  }
0x175: {  	[tilespmem:s14+$0xC160] =	vst v10;
	v9 =	vadd.f32 v13, v9;
	v10 =	vld [tilespmem:s14+$0x10150]  }
0x176: {  	[tilespmem:s14+$0xC170] =	vst v11;
	v7 =	vadd.f32 v14, v7;
	v11 =	vld [tilespmem:s14+$0x10160]  }
0x177: {  	[tilespmem:s14+$0x10100] =	vst v9;
	v5 =	vadd.f32 v15, v5;
	v9 =	vld [tilespmem:s14+$0x10170]  }
0x178: {  	[tilespmem:s14+$0x10110] =	vst v7;
	v4 =	vadd.f32 v16, v4;
	v13 =	vld [tilespmem:s14+$0x8180]  }
0x179: {  	[tilespmem:s14+$0x10120] =	vst v5;
	v5 =	vadd.f32 v12, v6;
	v7 =	vld [tilespmem:s14+$0x8190]  }
0x17a: {  	[tilespmem:s14+$0x10130] =	vst v4;
	v4 =	vadd.f32 v10, v2;
	v2 =	vld [tilespmem:s14+$0x81A0]  }
0x17b: {  	[tilespmem:s14+$0x10140] =	vst v5;
	v5 =	vadd.f32 v11, v3;
	v3 =	vld [tilespmem:s14+$0x81B0]  }
0x17c: {  	[tilespmem:s14+$0x10150] =	vst v4;
	v6 =	vadd.f32 v9, v8;
	v4 =	vld [tilespmem:s14+$0x81C0]  }
0x17d: {  	[tilespmem:s14+$0x10160] =	vst v5;
	v5 =	vld [tilespmem:s14+$0x81D0]  }
0x17e: {  	[tilespmem:s14+$0x10170] =	vst v6;
	v6 =	vld [tilespmem:s14+$0x81E0]  }
0x17f: {  	v8 =	vld [tilespmem:s14+$0xC180]  }
0x180: {  	v9 =	vld [tilespmem:s14+$0xC190]  }
0x181: {  	v10 =	vld [tilespmem:s14+$0xC1A0]  }
0x182: {  	v11 =	vld [tilespmem:s14+$0xC1B0]  }
0x183: {  	v12 =	vld [tilespmem:s14+$0xC1C0]  }
0x184: {  	v8 =	vadd.f32 v8, v13;
	v14 =	vld [tilespmem:s14+$0xC1D0]  }
0x185: {  	v9 =	vadd.f32 v9, v7;
	v15 =	vld [tilespmem:s14+$0xC1E0]  }
0x186: {  	[tilespmem:s14+$0xC180] =	vst v8;
	v8 =	vadd.f32 v10, v2;
	v16 =	vld [tilespmem:s14+$0xC1F0]  }
0x187: {  	[tilespmem:s14+$0xC190] =	vst v9;
	v10 =	vadd.f32 v11, v3;
	v17 =	vld [tilespmem:s14+$0x10180]  }
.Ltmp2:
0x188: {  	[tilespmem:s14+$0xC1A0] =	vst v8;
	v8 =	vadd.f32 v12, v4;
	v9 =	vld [tilespmem:s14+$0x10190];
	(pc) =	sbr.rel @p0 .LBB2_7-.Ltmp2, $4  }
0x189: {  	[tilespmem:s14+$0xC1B0] =	vst v10;
	v12 =	vadd.f32 v14, v5;
	v10 =	vld [tilespmem:s14+$0x101A0]  }
0x18a: {  	[tilespmem:s14+$0xC1C0] =	vst v8;
	v14 =	vadd.f32 v15, v6;
	v11 =	vld [tilespmem:s14+$0x101B0]  }
0x18b: {  	[tilespmem:s14+$0xC1D0] =	vst v12;
	v1 =	vadd.f32 v16, v1;
	v8 =	vld [tilespmem:s14+$0x101C0]  }
0x18c: {  	s22 =	sadd.s32 $0x800, s22;
	[tilespmem:s14+$0xC1E0] =	vst v14;
	v13 =	vadd.f32 v17, v13;
	v12 =	vld [tilespmem:s14+$0x101D0]  }
0x18d: {  	[tilespmem:s14+$0xC1F0] =	vst v1;
	v1 =	vadd.f32 v9, v7;
	v7 =	vld [tilespmem:s14+$0x101E0]  }
0x18e: {  	[tilespmem:s14+$0x10180] =	vst v13;
	v2 =	vadd.f32 v10, v2  }
0x18f: {  	[tilespmem:s14+$0x10190] =	vst v1;
	v1 =	vadd.f32 v11, v3  }
0x190: {  	[tilespmem:s14+$0x101A0] =	vst v2;
	v2 =	vadd.f32 v8, v4  }
0x191: {  	[tilespmem:s14+$0x101B0] =	vst v1;
	v1 =	vadd.f32 v12, v5  }
0x192: {  	[tilespmem:s14+$0x101C0] =	vst v2;
	v2 =	vadd.f32 v7, v6  }
0x193: {  	s3 =	sadd.s32 s5, s8;
	s8 =	sshll.u32 s16, $0x8;
	[tilespmem:s14+$0x101D0] =	vst v1  }
0x194: {  	s22 =	sor.u32 s15, s8;
	[tilespmem:s14+$0x101E0] =	vst v2  }
0x195: {  	[hbm4b:s3+s18] =	stream.strided.scatter [tilespmem:s21], [sflag:$0x5], $0x4000, s20, s18, $0x38;
	[tilespmem:$0x1C080] =	vst v63  }
0x196: {  	s10 =	sshll.u32 s22, $0xB;
	s3 =	sadd.s32 $0x100000, s3  }
0x197: {  	[hbm4b:s3+s18] =	stream.strided.scatter [tilespmem:s23], [sflag:$0x5], $0x4000, s20, s18, $0x38;
	[tilespmem:$0x1C080] =	vst v63  }
0x198: {  	s10 =	sor.u32 s6, s10;
	_ =	swait.ge [sflag:s29], $0x8000  }
0x199: {  	s10 =	sshrl.u32 s10, $0x3;
	[sflag:s29] =	ssyncset.done $0x0  }
0x19a: {  	s10 =	sadd.s32 s2, s10;
	s14 =	sadd.s32 s11, s22;
	[sflag:s29] =	ssyncadd.s32 $0xFFFF8000  }
0x19b: {  	[tilespmem:s19], [sflag:$0x2] =	stream.strided.gather [hbm4b:s10+s18], $0x4000, s19, s18, $0x38;
	[tilespmem:$0x1C080] =	vst v63  }
0x19c: {  	s3 =	sadd.s32 s1, s14  }
0x19d: {  	[tilespmem:s21], [sflag:$0x3] =	stream.strided.gather [hbm4b:s3+s18], $0x4000, s20, s18, $0x38;
	[tilespmem:$0x1C080] =	vst v63  }
0x19e: {  	s3 =	sadd.s32 $0x100000, s3  }
0x19f: {  	[tilespmem:s23], [sflag:$0x3] =	stream.strided.gather [hbm4b:s3+s18], $0x4000, s20, s18, $0x38;
	[tilespmem:$0x1C080] =	vst v63  }
0x1a0: {  	_ =	swait.ge [sflag:s30], $0x8000  }
0x1a1: {  	[sflag:s30] =	ssyncset.done $0x0  }
0x1a2: {  	s22 =	simm.s32 $0x0;
	[sflag:s30] =	ssyncadd.s32 $0xFFFF8000  }
0x1a3: {  	v5 =	vld [tilespmem:s22+$0x8000]  }
0x1a4: {  	v6 =	vld [tilespmem:s22+$0x8010]  }
0x1a5: {  	v7 =	vld [tilespmem:s22+$0x8020]  }
0x1a6: {  	v9 =	vld [tilespmem:s22+$0x8030]  }
0x1a7: {  	v10 =	vld [tilespmem:s22+$0x8040]  }
0x1a8: {  	v4 =	vld [tilespmem:s22+$0x8050]  }
0x1a9: {  	v2 =	vld [tilespmem:s22+$0x8060]  }
0x1aa: {  	v3 =	vld [tilespmem:s22+$0x8070]  }
0x1ab: {  	v1 =	vld [tilespmem:s22+$0x14000]  }
0x1ac: {  	v8 =	vld [tilespmem:s22+$0x14010]  }
0x1ad: {  	v11 =	vld [tilespmem:s22+$0x14020]  }
0x1ae: {  	v12 =	vld [tilespmem:s22+$0x14030]  }
0x1af: {  	v13 =	vld [tilespmem:s22+$0x14040]  }
0x1b0: {  	v14 =	vld [tilespmem:s22+$0x14050]  }
0x1b1: {  	v15 =	vld [tilespmem:s22+$0x14060]  }
0x1b2: {  	v16 =	vld [tilespmem:s22+$0x14070]  }
0x1b3: {  	v17 =	vld [tilespmem:s22+$0x181F0]  }
0x1b4: {  	v18 =	vld [tilespmem:s22+$0x8080]  }
0x1b5: {  	v19 =	vld [tilespmem:s22+$0x8090]  }
0x1b6: {  	v20 =	vld [tilespmem:s22+$0x80A0]  }
0x1b7: {  	v21 =	vld [tilespmem:s22+$0x80B0]  }
0x1b8: {  	v22 =	vld [tilespmem:s22+$0x80C0]  }
0x1b9: {  	v23 =	vld [tilespmem:s22+$0x80D0]  }
0x1ba: {  	v24 =	vld [tilespmem:s22+$0x80E0]  }
0x1bb: {  	v25 =	vld [tilespmem:s22+$0x80F0]  }
0x1bc: {  	v26 =	vld [tilespmem:s22+$0x14080]  }
0x1bd: {  	v27 =	vld [tilespmem:s22+$0x14090]  }
0x1be: {  	v28 =	vld [tilespmem:s22+$0x140A0]  }
0x1bf: {  	v29 =	vld [tilespmem:s22+$0x140B0]  }
0x1c0: {  	v30 =	vld [tilespmem:s22+$0x140C0]  }
0x1c1: {  	v54 =	vld [tilespmem:s22+$0x140D0]  }
0x1c2: {  	v31 =	vld [tilespmem:s22+$0x18070]  }
0x1c3: {  	v32 =	vld [tilespmem:s22+$0x140F0]  }
0x1c4: {  	v33 =	vld [tilespmem:s22+$0x8100]  }
0x1c5: {  	v34 =	vld [tilespmem:s22+$0x8110]  }
0x1c6: {  	v35 =	vld [tilespmem:s22+$0x8120]  }
0x1c7: {  	v36 =	vld [tilespmem:s22+$0x8130]  }
0x1c8: {  	v40 =	vld [tilespmem:s22+$0x14100];
	v1 =	vadd.f32 v1, v5  }
0x1c9: {  	v37 =	vld [tilespmem:s22+$0x8140];
	v8 =	vadd.f32 v8, v6  }
0x1ca: {  	v41 =	vld [tilespmem:s22+$0x14110];
	v15 =	vadd.f32 v15, v2;
	[tilespmem:s22+$0x14000] =	vst v1  }
0x1cb: {  	v38 =	vld [tilespmem:s22+$0x8150];
	v16 =	vadd.f32 v16, v3;
	[tilespmem:s22+$0x14010] =	vst v8  }
0x1cc: {  	v42 =	vld [tilespmem:s22+$0x14120];
	v27 =	vadd.f32 v27, v19;
	[tilespmem:s22+$0x14060] =	vst v15  }
0x1cd: {  	v39 =	vld [tilespmem:s22+$0x8160];
	v55 =	vadd.f32 v40, v33;
	[tilespmem:s22+$0x14070] =	vst v16  }
0x1ce: {  	v43 =	vld [tilespmem:s22+$0x14130];
	v28 =	vadd.f32 v28, v20;
	[tilespmem:s22+$0x14090] =	vst v27  }
0x1cf: {  	v44 =	vld [tilespmem:s22+$0x14140];
	v41 =	vadd.f32 v41, v34;
	[tilespmem:s22+$0x14100] =	vst v55  }
0x1d0: {  	v56 =	vld [tilespmem:s22+$0x14150];
	v29 =	vadd.f32 v29, v21;
	[tilespmem:s22+$0x140A0] =	vst v28  }
0x1d1: {  	v57 =	vld [tilespmem:s22+$0x14160];
	v42 =	vadd.f32 v42, v35;
	[tilespmem:s22+$0x14110] =	vst v41  }
0x1d2: {  	v58 =	vld [tilespmem:s22+$0x18080];
	v30 =	vadd.f32 v30, v22;
	[tilespmem:s22+$0x140B0] =	vst v29  }
0x1d3: {  	v59 =	vld [tilespmem:s22+$0x14170];
	v43 =	vadd.f32 v43, v36;
	[tilespmem:s22+$0x14120] =	vst v42  }
0x1d4: {  	v60 =	vld [tilespmem:s22+$0x18090];
	v44 =	vadd.f32 v44, v37;
	[tilespmem:s22+$0x140C0] =	vst v30  }
0x1d5: {  	v61 =	vld [tilespmem:s22+$0x18100];
	v40 =	vadd.f32 v56, v38;
	[tilespmem:s22+$0x14130] =	vst v43  }
0x1d6: {  	v32 =	vadd.f32 v32, v25;
	v8 =	vld [tilespmem:s22+$0x18000];
	[tilespmem:s22+$0x14140] =	vst v44  }
0x1d7: {  	v62 =	vld [tilespmem:s22+$0x180A0];
	v1 =	vadd.f32 v11, v7;
	[tilespmem:s22+$0x14150] =	vst v40  }
0x1d8: {  	v63 =	vld [tilespmem:s22+$0x18110];
	v11 =	vadd.f32 v12, v9;
	[tilespmem:s22+$0x140F0] =	vst v32  }
0x1d9: {  	v12 =	vld [tilespmem:s22+$0x18010];
	[tilespmem:s22+$0x14020] =	vst v1;
	v1 =	vadd.f32 v13, v10  }
0x1da: {  	v15 =	vld [tilespmem:s22+$0x18050];
	[tilespmem:s22+$0x14030] =	vst v11;
	v13 =	vadd.f32 v14, v4  }
0x1db: {  	v11 =	vld [tilespmem:s22+$0x18020];
	[tilespmem:s22+$0x14040] =	vst v1;
	v5 =	vadd.f32 v8, v5  }
0x1dc: {  	[tilespmem:s22+$0x14050] =	vst v13;
	v1 =	vld [tilespmem:s22+$0x81F0];
	v8 =	vadd.f32 v26, v18  }
0x1dd: {  	v13 =	vld [tilespmem:s22+$0x18040];
	v26 =	vadd.f32 v54, v23;
	[tilespmem:s22+$0x18000] =	vst v5  }
0x1de: {  	v48 =	vld [tilespmem:s22+$0x180B0];
	v6 =	vadd.f32 v12, v6;
	[tilespmem:s22+$0x14080] =	vst v8  }
0x1df: {  	v12 =	vld [tilespmem:s22+$0x18150];
	v4 =	vadd.f32 v15, v4;
	[tilespmem:s22+$0x140D0] =	vst v26  }
0x1e0: {  	v49 =	vld [tilespmem:s22+$0x18120];
	v7 =	vadd.f32 v11, v7;
	[tilespmem:s22+$0x18010] =	vst v6  }
0x1e1: {  	v50 =	vld [tilespmem:s22+$0x180C0];
	[tilespmem:s22+$0x18050] =	vst v4;
	v17 =	vadd.f32 v17, v1  }
0x1e2: {  	v45 =	vld [tilespmem:s22+$0x18130];
	[tilespmem:s22+$0x18020] =	vst v7;
	v6 =	vadd.f32 v13, v10  }
0x1e3: {  	v5 =	vld [tilespmem:s22+$0x140E0];
	v10 =	vadd.f32 v62, v20;
	[tilespmem:s22+$0x181F0] =	vst v17  }
0x1e4: {  	v53 =	vld [tilespmem:s22+$0x180E0];
	v12 =	vadd.f32 v12, v38;
	[tilespmem:s22+$0x18040] =	vst v6  }
0x1e5: {  	v51 =	vld [tilespmem:s22+$0x180D0];
	v17 =	vadd.f32 v58, v18;
	[tilespmem:s22+$0x180A0] =	vst v10  }
0x1e6: {  	v56 =	vld [tilespmem:s22+$0x141C0];
	v6 =	vadd.f32 v31, v3;
	[tilespmem:s22+$0x18150] =	vst v12  }
0x1e7: {  	v4 =	vld [tilespmem:s22+$0x81C0];
	v10 =	vadd.f32 v50, v22;
	[tilespmem:s22+$0x18080] =	vst v17  }
0x1e8: {  	v8 =	vld [tilespmem:s22+$0x8170];
	v5 =	vadd.f32 v5, v24;
	[tilespmem:s22+$0x18070] =	vst v6  }
0x1e9: {  	v52 =	vld [tilespmem:s22+$0x18140];
	[tilespmem:s22+$0x180C0] =	vst v10;
	v10 =	vadd.f32 v53, v24  }
0x1ea: {  	v14 =	vld [tilespmem:s22+$0x18030];
	[tilespmem:s22+$0x140E0] =	vst v5;
	v5 =	vadd.f32 v57, v39  }
0x1eb: {  	v16 =	vld [tilespmem:s22+$0x18060];
	v57 =	vadd.f32 v63, v34;
	[tilespmem:s22+$0x180E0] =	vst v10  }
0x1ec: {  	v55 =	vld [tilespmem:s22+$0x141A0];
	v63 =	vadd.f32 v56, v4;
	[tilespmem:s22+$0x14160] =	vst v5  }
0x1ed: {  	v15 =	vld [tilespmem:s22+$0x14180];
	v5 =	vadd.f32 v59, v8;
	[tilespmem:s22+$0x18110] =	vst v57  }
0x1ee: {  	v54 =	vld [tilespmem:s22+$0x14190];
	v10 =	vadd.f32 v61, v33;
	[tilespmem:s22+$0x141C0] =	vst v63  }
0x1ef: {  	v11 =	vld [tilespmem:s22+$0x180F0];
	[tilespmem:s22+$0x14170] =	vst v5;
	v5 =	vadd.f32 v14, v9;
	v9 =	vadd.f32 v60, v19  }
0x1f0: {  	v13 =	vld [tilespmem:s22+$0x8180];
	v61 =	vadd.f32 v45, v36;
	[tilespmem:s22+$0x18100] =	vst v10  }
0x1f1: {  	v7 =	vld [tilespmem:s22+$0x8190];
	[tilespmem:s22+$0x18090] =	vst v9;
	v9 =	vadd.f32 v48, v21  }
0x1f2: {  	v58 =	vld [tilespmem:s22+$0x141E0];
	[tilespmem:s22+$0x18130] =	vst v61  }
0x1f3: {  	v6 =	vld [tilespmem:s22+$0x81E0];
	[tilespmem:s22+$0x180B0] =	vst v9;
	v9 =	vadd.f32 v51, v23  }
0x1f4: {  	v3 =	vld [tilespmem:s22+$0x81B0];
	[tilespmem:s22+$0x18030] =	vst v5;
	v5 =	vadd.f32 v16, v2  }
0x1f5: {  	[tilespmem:s22+$0x180D0] =	vst v9;
	v9 =	vadd.f32 v11, v25;
	v11 =	vld [tilespmem:s22+$0x141B0]  }
0x1f6: {  	v10 =	vadd.f32 v49, v35;
	v2 =	vld [tilespmem:s22+$0x81A0];
	[tilespmem:s22+$0x18060] =	vst v5  }
0x1f7: {  	v5 =	vld [tilespmem:s22+$0x81D0];
	[tilespmem:s22+$0x180F0] =	vst v9;
	v9 =	vadd.f32 v15, v13  }
0x1f8: {  	v12 =	vadd.f32 v58, v6;
	[tilespmem:s22+$0x18120] =	vst v10;
	v15 =	vld [tilespmem:s22+$0x141D0]  }
0x1f9: {  	v14 =	vld [tilespmem:s22+$0x18160];
	[tilespmem:s22+$0x14180] =	vst v9;
	v9 =	vadd.f32 v54, v7  }
0x1fa: {  	v59 =	vld [tilespmem:s22+$0x18170];
	[tilespmem:s22+$0x141E0] =	vst v12;
	v10 =	vadd.f32 v11, v3  }
0x1fb: {  	v60 =	vld [tilespmem:s22+$0x141F0];
	[tilespmem:s22+$0x14190] =	vst v9;
	v9 =	vadd.f32 v55, v2  }
0x1fc: {  	v62 =	vld [tilespmem:s22+$0x18180];
	v11 =	vadd.f32 v52, v37;
	[tilespmem:s22+$0x141B0] =	vst v10  }
0x1fd: {  	v15 =	vadd.f32 v15, v5;
	[tilespmem:s22+$0x141A0] =	vst v9;
	v9 =	vld [tilespmem:s22+$0x18190]  }
0x1fe: {  	v14 =	vadd.f32 v14, v39;
	[tilespmem:s22+$0x18140] =	vst v11;
	v10 =	vld [tilespmem:s22+$0x181A0]  }
0x1ff: {  	v11 =	vld [tilespmem:s22+$0x181B0];
	[tilespmem:s22+$0x141D0] =	vst v15;
	v15 =	vadd.f32 v59, v8  }
0x200: {  	v1 =	vadd.f32 v60, v1;
	[tilespmem:s22+$0x18160] =	vst v14;
	v8 =	vld [tilespmem:s22+$0x181C0]  }
0x201: {  	s17 =	simm.s32 $0x800;
	s10 =	simm.s32 $0x0;
	v12 =	vld [tilespmem:s22+$0x181D0];
	v13 =	vadd.f32 v62, v13;
	[tilespmem:s22+$0x18170] =	vst v15  }
.LBB2_9:
0x202: {  	s3 =	sshra.s32 s17, $0x2;
	[tilespmem:s22+$0x141F0] =	vst v1;
	v7 =	vadd.f32 v9, v7;
	v9 =	vld [tilespmem:s22+$0x181E0]  }
0x203: {  	s10 =	sadd.s32 $0x4, s10;
	v1 =	vld [tilespmem:s3+$0x81F0];
	[tilespmem:s22+$0x18180] =	vst v13;
	v2 =	vadd.f32 v10, v2  }
0x204: {  	p0 =	slt.u32 s10, $0x7C;
	v10 =	vld [tilespmem:s3+$0x181F0];
	[tilespmem:s22+$0x18190] =	vst v7;
	v3 =	vadd.f32 v11, v3  }
0x205: {  	v7 =	vld [tilespmem:s3+$0x8000];
	[tilespmem:s22+$0x181A0] =	vst v2;
	v2 =	vadd.f32 v8, v4  }
0x206: {  	v4 =	vld [tilespmem:s3+$0x8010];
	[tilespmem:s22+$0x181B0] =	vst v3;
	v3 =	vadd.f32 v12, v5  }
0x207: {  	v5 =	vld [tilespmem:s3+$0x8020];
	[tilespmem:s22+$0x181C0] =	vst v2;
	v2 =	vadd.f32 v9, v6  }
0x208: {  	v6 =	vld [tilespmem:s3+$0x8030];
	[tilespmem:s22+$0x181D0] =	vst v3  }
0x209: {  	v3 =	vld [tilespmem:s3+$0x8040];
	v8 =	vadd.f32 v10, v1;
	[tilespmem:s22+$0x181E0] =	vst v2;
	s22 =	smov.u32 s3  }
0x20a: {  	v2 =	vld [tilespmem:s22+$0x8050]  }
0x20b: {  	v9 =	vld [tilespmem:s22+$0x8060];
	[tilespmem:s22+$0x181F0] =	vst v8  }
0x20c: {  	v8 =	vld [tilespmem:s22+$0x8070]  }
0x20d: {  	v10 =	vld [tilespmem:s22+$0x14000]  }
0x20e: {  	v11 =	vld [tilespmem:s22+$0x14010]  }
0x20f: {  	v12 =	vld [tilespmem:s22+$0x14020]  }
0x210: {  	v13 =	vld [tilespmem:s22+$0x14030]  }
0x211: {  	v14 =	vld [tilespmem:s22+$0x14040]  }
0x212: {  	v10 =	vadd.f32 v10, v7;
	v15 =	vld [tilespmem:s22+$0x14050]  }
0x213: {  	v11 =	vadd.f32 v11, v4;
	v16 =	vld [tilespmem:s22+$0x14060]  }
0x214: {  	[tilespmem:s22+$0x14000] =	vst v10;
	v10 =	vadd.f32 v12, v5;
	v12 =	vld [tilespmem:s22+$0x14070]  }
0x215: {  	[tilespmem:s22+$0x14010] =	vst v11;
	v11 =	vadd.f32 v13, v6;
	v13 =	vld [tilespmem:s22+$0x18000]  }
0x216: {  	[tilespmem:s22+$0x14020] =	vst v10;
	v10 =	vadd.f32 v14, v3;
	v14 =	vld [tilespmem:s22+$0x18010]  }
0x217: {  	[tilespmem:s22+$0x14030] =	vst v11;
	v11 =	vadd.f32 v15, v2;
	v15 =	vld [tilespmem:s22+$0x18020]  }
0x218: {  	[tilespmem:s22+$0x14040] =	vst v10;
	v10 =	vadd.f32 v16, v9;
	v16 =	vld [tilespmem:s22+$0x18030]  }
0x219: {  	[tilespmem:s22+$0x14050] =	vst v11;
	v11 =	vadd.f32 v12, v8;
	v12 =	vld [tilespmem:s22+$0x18040]  }
0x21a: {  	[tilespmem:s22+$0x14060] =	vst v10;
	v7 =	vadd.f32 v13, v7;
	v10 =	vld [tilespmem:s22+$0x18050]  }
0x21b: {  	[tilespmem:s22+$0x14070] =	vst v11;
	v4 =	vadd.f32 v14, v4;
	v11 =	vld [tilespmem:s22+$0x18060]  }
0x21c: {  	[tilespmem:s22+$0x18000] =	vst v7;
	v5 =	vadd.f32 v15, v5;
	v7 =	vld [tilespmem:s22+$0x18070]  }
0x21d: {  	[tilespmem:s22+$0x18010] =	vst v4;
	v4 =	vadd.f32 v16, v6;
	v6 =	vld [tilespmem:s22+$0x8080]  }
0x21e: {  	[tilespmem:s22+$0x18020] =	vst v5;
	v3 =	vadd.f32 v12, v3;
	v5 =	vld [tilespmem:s22+$0x8090]  }
0x21f: {  	[tilespmem:s22+$0x18030] =	vst v4;
	v2 =	vadd.f32 v10, v2;
	v4 =	vld [tilespmem:s22+$0x80A0]  }
0x220: {  	[tilespmem:s22+$0x18040] =	vst v3;
	v3 =	vadd.f32 v11, v9;
	v9 =	vld [tilespmem:s22+$0x80B0]  }
0x221: {  	[tilespmem:s22+$0x18050] =	vst v2;
	v2 =	vadd.f32 v7, v8;
	v7 =	vld [tilespmem:s22+$0x80C0]  }
0x222: {  	[tilespmem:s22+$0x18060] =	vst v3;
	v3 =	vld [tilespmem:s22+$0x80D0]  }
0x223: {  	[tilespmem:s22+$0x18070] =	vst v2;
	v2 =	vld [tilespmem:s22+$0x80E0]  }
0x224: {  	v8 =	vld [tilespmem:s22+$0x80F0]  }
0x225: {  	v10 =	vld [tilespmem:s22+$0x14080]  }
0x226: {  	v11 =	vld [tilespmem:s22+$0x14090]  }
0x227: {  	v12 =	vld [tilespmem:s22+$0x140A0]  }
0x228: {  	v13 =	vld [tilespmem:s22+$0x140B0]  }
0x229: {  	v14 =	vld [tilespmem:s22+$0x140C0]  }
0x22a: {  	v10 =	vadd.f32 v10, v6;
	v15 =	vld [tilespmem:s22+$0x140D0]  }
0x22b: {  	v11 =	vadd.f32 v11, v5;
	v16 =	vld [tilespmem:s22+$0x140E0]  }
0x22c: {  	[tilespmem:s22+$0x14080] =	vst v10;
	v10 =	vadd.f32 v12, v4;
	v12 =	vld [tilespmem:s22+$0x140F0]  }
0x22d: {  	[tilespmem:s22+$0x14090] =	vst v11;
	v11 =	vadd.f32 v13, v9;
	v13 =	vld [tilespmem:s22+$0x18080]  }
0x22e: {  	[tilespmem:s22+$0x140A0] =	vst v10;
	v10 =	vadd.f32 v14, v7;
	v14 =	vld [tilespmem:s22+$0x18090]  }
0x22f: {  	[tilespmem:s22+$0x140B0] =	vst v11;
	v11 =	vadd.f32 v15, v3;
	v15 =	vld [tilespmem:s22+$0x180A0]  }
0x230: {  	[tilespmem:s22+$0x140C0] =	vst v10;
	v10 =	vadd.f32 v16, v2;
	v16 =	vld [tilespmem:s22+$0x180B0]  }
0x231: {  	[tilespmem:s22+$0x140D0] =	vst v11;
	v11 =	vadd.f32 v12, v8;
	v12 =	vld [tilespmem:s22+$0x180C0]  }
0x232: {  	[tilespmem:s22+$0x140E0] =	vst v10;
	v6 =	vadd.f32 v13, v6;
	v10 =	vld [tilespmem:s22+$0x180D0]  }
0x233: {  	[tilespmem:s22+$0x140F0] =	vst v11;
	v5 =	vadd.f32 v14, v5;
	v11 =	vld [tilespmem:s22+$0x180E0]  }
0x234: {  	[tilespmem:s22+$0x18080] =	vst v6;
	v4 =	vadd.f32 v15, v4;
	v6 =	vld [tilespmem:s22+$0x180F0]  }
0x235: {  	[tilespmem:s22+$0x18090] =	vst v5;
	v5 =	vadd.f32 v16, v9;
	v9 =	vld [tilespmem:s22+$0x8100]  }
0x236: {  	[tilespmem:s22+$0x180A0] =	vst v4;
	v4 =	vadd.f32 v12, v7;
	v7 =	vld [tilespmem:s22+$0x8110]  }
0x237: {  	[tilespmem:s22+$0x180B0] =	vst v5;
	v3 =	vadd.f32 v10, v3;
	v5 =	vld [tilespmem:s22+$0x8120]  }
0x238: {  	[tilespmem:s22+$0x180C0] =	vst v4;
	v2 =	vadd.f32 v11, v2;
	v4 =	vld [tilespmem:s22+$0x8130]  }
0x239: {  	[tilespmem:s22+$0x180D0] =	vst v3;
	v3 =	vadd.f32 v6, v8;
	v6 =	vld [tilespmem:s22+$0x8140]  }
0x23a: {  	[tilespmem:s22+$0x180E0] =	vst v2;
	v2 =	vld [tilespmem:s22+$0x8150]  }
0x23b: {  	[tilespmem:s22+$0x180F0] =	vst v3;
	v3 =	vld [tilespmem:s22+$0x8160]  }
0x23c: {  	v8 =	vld [tilespmem:s22+$0x8170]  }
0x23d: {  	v10 =	vld [tilespmem:s22+$0x14100]  }
0x23e: {  	v11 =	vld [tilespmem:s22+$0x14110]  }
0x23f: {  	v12 =	vld [tilespmem:s22+$0x14120]  }
0x240: {  	v13 =	vld [tilespmem:s22+$0x14130]  }
0x241: {  	v14 =	vld [tilespmem:s22+$0x14140]  }
0x242: {  	v10 =	vadd.f32 v10, v9;
	v15 =	vld [tilespmem:s22+$0x14150]  }
0x243: {  	v11 =	vadd.f32 v11, v7;
	v16 =	vld [tilespmem:s22+$0x14160]  }
0x244: {  	[tilespmem:s22+$0x14100] =	vst v10;
	v10 =	vadd.f32 v12, v5;
	v12 =	vld [tilespmem:s22+$0x14170]  }
0x245: {  	[tilespmem:s22+$0x14110] =	vst v11;
	v11 =	vadd.f32 v13, v4;
	v13 =	vld [tilespmem:s22+$0x18100]  }
0x246: {  	[tilespmem:s22+$0x14120] =	vst v10;
	v10 =	vadd.f32 v14, v6;
	v14 =	vld [tilespmem:s22+$0x18110]  }
0x247: {  	[tilespmem:s22+$0x14130] =	vst v11;
	v11 =	vadd.f32 v15, v2;
	v15 =	vld [tilespmem:s22+$0x18120]  }
0x248: {  	[tilespmem:s22+$0x14140] =	vst v10;
	v10 =	vadd.f32 v16, v3;
	v16 =	vld [tilespmem:s22+$0x18130]  }
0x249: {  	[tilespmem:s22+$0x14150] =	vst v11;
	v11 =	vadd.f32 v12, v8;
	v12 =	vld [tilespmem:s22+$0x18140]  }
0x24a: {  	[tilespmem:s22+$0x14160] =	vst v10;
	v9 =	vadd.f32 v13, v9;
	v10 =	vld [tilespmem:s22+$0x18150]  }
0x24b: {  	[tilespmem:s22+$0x14170] =	vst v11;
	v7 =	vadd.f32 v14, v7;
	v11 =	vld [tilespmem:s22+$0x18160]  }
0x24c: {  	[tilespmem:s22+$0x18100] =	vst v9;
	v5 =	vadd.f32 v15, v5;
	v9 =	vld [tilespmem:s22+$0x18170]  }
0x24d: {  	[tilespmem:s22+$0x18110] =	vst v7;
	v4 =	vadd.f32 v16, v4;
	v13 =	vld [tilespmem:s22+$0x8180]  }
0x24e: {  	[tilespmem:s22+$0x18120] =	vst v5;
	v5 =	vadd.f32 v12, v6;
	v7 =	vld [tilespmem:s22+$0x8190]  }
0x24f: {  	[tilespmem:s22+$0x18130] =	vst v4;
	v4 =	vadd.f32 v10, v2;
	v2 =	vld [tilespmem:s22+$0x81A0]  }
0x250: {  	[tilespmem:s22+$0x18140] =	vst v5;
	v5 =	vadd.f32 v11, v3;
	v3 =	vld [tilespmem:s22+$0x81B0]  }
0x251: {  	[tilespmem:s22+$0x18150] =	vst v4;
	v6 =	vadd.f32 v9, v8;
	v4 =	vld [tilespmem:s22+$0x81C0]  }
0x252: {  	[tilespmem:s22+$0x18160] =	vst v5;
	v5 =	vld [tilespmem:s22+$0x81D0]  }
0x253: {  	[tilespmem:s22+$0x18170] =	vst v6;
	v6 =	vld [tilespmem:s22+$0x81E0]  }
0x254: {  	v8 =	vld [tilespmem:s22+$0x14180]  }
0x255: {  	v9 =	vld [tilespmem:s22+$0x14190]  }
0x256: {  	v10 =	vld [tilespmem:s22+$0x141A0]  }
0x257: {  	v11 =	vld [tilespmem:s22+$0x141B0]  }
0x258: {  	v12 =	vld [tilespmem:s22+$0x141C0]  }
0x259: {  	v8 =	vadd.f32 v8, v13;
	v14 =	vld [tilespmem:s22+$0x141D0]  }
0x25a: {  	v9 =	vadd.f32 v9, v7;
	v15 =	vld [tilespmem:s22+$0x141E0]  }
0x25b: {  	[tilespmem:s22+$0x14180] =	vst v8;
	v8 =	vadd.f32 v10, v2;
	v16 =	vld [tilespmem:s22+$0x141F0]  }
0x25c: {  	[tilespmem:s22+$0x14190] =	vst v9;
	v10 =	vadd.f32 v11, v3;
	v17 =	vld [tilespmem:s22+$0x18180]  }
.Ltmp3:
0x25d: {  	[tilespmem:s22+$0x141A0] =	vst v8;
	v8 =	vadd.f32 v12, v4;
	v9 =	vld [tilespmem:s22+$0x18190];
	(pc) =	sbr.rel @p0 .LBB2_9-.Ltmp3, $4  }
0x25e: {  	[tilespmem:s22+$0x141B0] =	vst v10;
	v12 =	vadd.f32 v14, v5;
	v10 =	vld [tilespmem:s22+$0x181A0]  }
0x25f: {  	[tilespmem:s22+$0x141C0] =	vst v8;
	v14 =	vadd.f32 v15, v6;
	v11 =	vld [tilespmem:s22+$0x181B0]  }
0x260: {  	[tilespmem:s22+$0x141D0] =	vst v12;
	v1 =	vadd.f32 v16, v1;
	v8 =	vld [tilespmem:s22+$0x181C0]  }
0x261: {  	s17 =	sadd.s32 $0x800, s17;
	[tilespmem:s22+$0x141E0] =	vst v14;
	v13 =	vadd.f32 v17, v13;
	v12 =	vld [tilespmem:s22+$0x181D0]  }
0x262: {  	[tilespmem:s22+$0x141F0] =	vst v1;
	v1 =	vadd.f32 v9, v7;
	v63 =	vld [tilespmem:s22+$0x181E0]  }
0x263: {  	[tilespmem:s22+$0x18180] =	vst v13;
	v2 =	vadd.f32 v10, v2  }
0x264: {  	[tilespmem:s22+$0x18190] =	vst v1;
	v1 =	vadd.f32 v11, v3  }
0x265: {  	[tilespmem:s22+$0x181A0] =	vst v2;
	v2 =	vadd.f32 v8, v4  }
0x266: {  	[tilespmem:s22+$0x181B0] =	vst v1;
	v1 =	vadd.f32 v12, v5  }
0x267: {  	[tilespmem:s22+$0x181C0] =	vst v2;
	v2 =	vadd.f32 v63, v6  }
0x268: {  	[tilespmem:s22+$0x181D0] =	vst v1  }
0x269: {  	s3 =	sadd.s32 s5, s9;
	[tilespmem:s22+$0x181E0] =	vst v2  }
0x26a: {  	[hbm4b:s3+s18] =	stream.strided.scatter [tilespmem:s24], [sflag:$0x6], $0x4000, s20, s18, $0x38;
	[tilespmem:$0x1C080] =	vst v63  }
0x26b: {  	s3 =	sadd.s32 $0x100000, s3  }
0x26c: {  	[hbm4b:s3+s18] =	stream.strided.scatter [tilespmem:s25], [sflag:$0x6], $0x4000, s20, s18, $0x38;
	[tilespmem:$0x1C080] =	vst v63  }
0x26d: {  	_ =	swait.ge [sflag:s31], $0x8000  }
0x26e: {  	s9 =	sor.u32 $0x200000, s14;
	[sflag:s31] =	ssyncset.done $0x0  }
0x26f: {  	s22 =	sadd.s32 s1, s9;
	[sflag:s31] =	ssyncadd.s32 $0xFFFF8000  }
0x270: {  	[tilespmem:s24], [sflag:$0x4] =	stream.strided.gather [hbm4b:s22+s18], $0x4000, s20, s18, $0x38;
	[tilespmem:$0x1C080] =	vst v63  }
0x271: {  	s3 =	sadd.s32 $0x100000, s22  }
0x272: {  	[tilespmem:s25], [sflag:$0x4] =	stream.strided.gather [hbm4b:s3+s18], $0x4000, s20, s18, $0x38;
	[tilespmem:$0x1C080] =	vst v63  }
0x273: {  	_ =	swait.ge [sflag:s0], $0x4000  }
0x274: {  	[sflag:s0] =	ssyncset.done $0x0  }
0x275: {  	[sflag:s0] =	ssyncadd.s32 $0xFFFFC000  }
0x276: {  	_ =	swait.ge [sflag:s28], $0x8000  }
0x277: {  	[sflag:s28] =	ssyncset.done $0x0  }
0x278: {  	s10 =	simm.s32 $0x0;
	s22 =	simm.s32 $0x0;
	[sflag:s28] =	ssyncadd.s32 $0xFFFF8000  }
.LBB2_11:
0x279: {  	v26 =	vadd.s32 s22, v0;
	s17 =	simm.s32 $0x1  }
0x27a: {  	s3 =	sshll.u32 s10, $0x4;
	v31 =	vand.u32 $0xF, v26;
	v3 =	vadd.s32 s17, v0  }
0x27b: {  	v2 =	vor.u32 s3, v0;
	v1 =	vshll.u32 v31, $0x7;
	v30 =	vand.u32 $0xF, v3  }
0x27c: {  	v17 =	vadd.s32 v2, v1;
	v1 =	vshll.u32 v30, $0x7  }
0x27d: {  	v14 =	vadd.s32 v2, v1;
	_ =	sdelay $0x2  }
0x27e: {  	v1 =	vld [tilespmem:s3+$0x1C000]  }
0x27f: {  	v4 =	vld.idx.msk [tilespmem:v17+s19+$0x0], $0xffff  }
0x280: {  	v33 =	vshll.u32 v26, $0x7;
	v21 =	vshll.u32 v2, $0x7;
	v6 =	vld.idx.msk [tilespmem:v14+s19+$0x0], $0xffff  }
0x281: {  	v5 =	vor.u32 $0x800, v33;
	v32 =	vshll.u32 v3, $0x7;
	v7 =	vor.u32 v21, v31  }
0x282: {  	v5 =	vadd.s32 v2, v5;
	v8 =	vor.u32 v21, v30;
	v9 =	vor.u32 $0x800, v32  }
0x283: {  	v9 =	vadd.s32 v2, v9  }
0x284: {  	v4 =	vmul.f32 v4, v1  }
0x285: {  	v6 =	vmul.f32 v6, v1  }
0x286: {  	[tilespmem:v7+s20+$0x0] =	vst.idx.msk $0xffff, v4  }
0x287: {  	v5 =	vld.idx.msk [tilespmem:v5+s19+$0x0], $0xffff;
	[tilespmem:v8+s20+$0x0] =	vst.idx.msk $0xffff, v6  }
0x288: {  	v23 =	vor.u32 $0x10, v21;
	v6 =	vld.idx.msk [tilespmem:v9+s19+$0x0], $0xffff  }
0x289: {  	v7 =	vor.u32 v23, v26  }
0x28a: {  	v10 =	vor.u32 v23, v3;
	v9 =	vadd.s32 $0x1000, v17  }
0x28b: {  	s17 =	simm.s32 $0x2;
	v11 =	vadd.s32 $0x1000, v14  }
0x28c: {  	v4 =	vadd.s32 s17, v0;
	v12 =	vmul.f32 v5, v1  }
0x28d: {  	s17 =	simm.s32 $0x3;
	v8 =	vand.u32 $0xF, v4;
	v16 =	vmul.f32 v6, v1  }
0x28e: {  	v13 =	vshll.u32 v8, $0x7;
	v5 =	vadd.s32 s17, v0;
	[tilespmem:v7+s20+$0x0] =	vst.idx.msk $0xffff, v12  }
0x28f: {  	v15 =	vadd.s32 v2, v13;
	v6 =	vand.u32 $0xF, v5;
	v7 =	vld.idx.msk [tilespmem:v9+s19+$0x0], $0xffff;
	[tilespmem:v10+s20+$0x0] =	vst.idx.msk $0xffff, v16  }
0x290: {  	v22 =	vor.u32 $0x20, v21;
	v9 =	vshll.u32 v6, $0x7;
	v10 =	vld.idx.msk [tilespmem:v11+s19+$0x0], $0xffff  }
0x291: {  	v13 =	vadd.s32 v2, v9;
	v11 =	vor.u32 v22, v31;
	v9 =	vor.u32 $0x1800, v33  }
0x292: {  	v18 =	vor.u32 $0x1800, v32;
	v16 =	vor.u32 v22, v30;
	v12 =	vadd.s32 v2, v9  }
0x293: {  	v18 =	vadd.s32 v2, v18  }
0x294: {  	v19 =	vld.idx.msk [tilespmem:v15+s19+$0x0], $0xffff;
	v7 =	vmul.f32 v7, v1  }
0x295: {  	v9 =	vshll.u32 v4, $0x7;
	v10 =	vmul.f32 v10, v1  }
0x296: {  	v25 =	vor.u32 v21, v8;
	v20 =	vor.u32 $0x800, v9;
	v24 =	vld.idx.msk [tilespmem:v13+s19+$0x0], $0xffff;
	[tilespmem:v11+s20+$0x0] =	vst.idx.msk $0xffff, v7  }
0x297: {  	v11 =	vshll.u32 v5, $0x7;
	v7 =	vadd.s32 v2, v20;
	v12 =	vld.idx.msk [tilespmem:v12+s19+$0x0], $0xffff;
	[tilespmem:v16+s20+$0x0] =	vst.idx.msk $0xffff, v10  }
0x298: {  	v27 =	vor.u32 v21, v6;
	v20 =	vor.u32 $0x30, v21;
	v28 =	vor.u32 $0x800, v11;
	v16 =	vld.idx.msk [tilespmem:v18+s19+$0x0], $0xffff  }
0x299: {  	v10 =	vadd.s32 v2, v28;
	v18 =	vmul.f32 v19, v1;
	v19 =	vor.u32 v20, v26  }
0x29a: {  	v29 =	vor.u32 v20, v3;
	v28 =	vadd.s32 $0x2000, v17  }
0x29b: {  	v24 =	vmul.f32 v24, v1;
	[tilespmem:v25+s20+$0x0] =	vst.idx.msk $0xffff, v18;
	v18 =	vadd.s32 $0x2000, v14  }
0x29c: {  	v25 =	vld.idx.msk [tilespmem:v7+s19+$0x0], $0xffff;
	v7 =	vmul.f32 v12, v1  }
0x29d: {  	v43 =	vadd.s32 $0x3000, v17;
	v57 =	vor.u32 v22, v8;
	[tilespmem:v27+s20+$0x0] =	vst.idx.msk $0xffff, v24;
	v16 =	vmul.f32 v16, v1  }
0x29e: {  	s17 =	simm.s32 $0x4;
	v34 =	vor.u32 v23, v5;
	v24 =	vor.u32 v23, v4;
	v10 =	vld.idx.msk [tilespmem:v10+s19+$0x0], $0xffff;
	[tilespmem:v19+s20+$0x0] =	vst.idx.msk $0xffff, v7  }
0x29f: {  	v58 =	vor.u32 v22, v6;
	v7 =	vadd.s32 s17, v0;
	v27 =	vld.idx.msk [tilespmem:v28+s19+$0x0], $0xffff;
	v28 =	vadd.s32 $0x1000, v15;
	[tilespmem:v29+s20+$0x0] =	vst.idx.msk $0xffff, v16  }
0x2a0: {  	v19 =	vor.u32 $0x40, v21;
	v12 =	vand.u32 $0xF, v7;
	v29 =	vadd.s32 $0x1000, v13;
	v18 =	vld.idx.msk [tilespmem:v18+s19+$0x0], $0xffff  }
0x2a1: {  	v35 =	vor.u32 v19, v31;
	v16 =	vor.u32 $0x2800, v33;
	v25 =	vmul.f32 v25, v1  }
0x2a2: {  	s17 =	simm.s32 $0x5;
	v38 =	vor.u32 v19, v30;
	v36 =	vadd.s32 v2, v16;
	v16 =	vor.u32 $0x2800, v32  }
0x2a3: {  	v37 =	vmul.f32 v10, v1;
	v10 =	vadd.s32 s17, v0;
	[tilespmem:v24+s20+$0x0] =	vst.idx.msk $0xffff, v25;
	v24 =	vadd.s32 v2, v16  }
0x2a4: {  	v25 =	vshll.u32 v12, $0x7;
	v16 =	vand.u32 $0xF, v10;
	v39 =	vld.idx.msk [tilespmem:v28+s19+$0x0], $0xffff;
	v28 =	vmul.f32 v27, v1  }
0x2a5: {  	v25 =	vadd.s32 v2, v25;
	[tilespmem:v34+s20+$0x0] =	vst.idx.msk $0xffff, v37;
	v27 =	vshll.u32 v16, $0x7;
	v55 =	vmul.f32 v18, v1  }
0x2a6: {  	v60 =	vadd.s32 $0x3000, v14;
	v56 =	vor.u32 $0x1800, v9;
	v29 =	vld.idx.msk [tilespmem:v29+s19+$0x0], $0xffff;
	v27 =	vadd.s32 v2, v27;
	[tilespmem:v35+s20+$0x0] =	vst.idx.msk $0xffff, v28  }
0x2a7: {  	v59 =	vor.u32 $0x1800, v11;
	v54 =	vor.u32 v20, v4;
	v17 =	vor.u32 $0x60, v21;
	v36 =	vld.idx.msk [tilespmem:v36+s19+$0x0], $0xffff;
	[tilespmem:v38+s20+$0x0] =	vst.idx.msk $0xffff, v55  }
0x2a8: {  	v50 =	vor.u32 v17, v30;
	v37 =	vadd.s32 v2, v56;
	v18 =	vor.u32 $0x50, v21;
	v40 =	vld.idx.msk [tilespmem:v24+s19+$0x0], $0xffff  }
0x2a9: {  	v46 =	vor.u32 v21, v12;
	v41 =	vor.u32 v18, v26;
	v38 =	vadd.s32 v2, v59  }
0x2aa: {  	v28 =	vshll.u32 v7, $0x7;
	v45 =	vor.u32 v18, v3;
	v42 =	vld.idx.msk [tilespmem:v25+s19+$0x0], $0xffff;
	v39 =	vmul.f32 v39, v1  }
0x2ab: {  	v61 =	vor.u32 v21, v16;
	v24 =	vor.u32 $0x800, v28;
	v29 =	vmul.f32 v29, v1;
	v44 =	vld.idx.msk [tilespmem:v27+s19+$0x0], $0xffff  }
0x2ac: {  	v47 =	vadd.s32 v2, v24;
	v24 =	vshll.u32 v10, $0x7;
	[tilespmem:v57+s20+$0x0] =	vst.idx.msk $0xffff, v39;
	v36 =	vmul.f32 v36, v1  }
0x2ad: {  	v14 =	vor.u32 $0x70, v21;
	v37 =	vld.idx.msk [tilespmem:v37+s19+$0x0], $0xffff;
	[tilespmem:v58+s20+$0x0] =	vst.idx.msk $0xffff, v29;
	v29 =	vor.u32 $0x800, v24;
	v62 =	vmul.f32 v40, v1  }
0x2ae: {  	v31 =	vor.u32 v17, v31;
	v63 =	vadd.s32 v2, v29;
	v52 =	vld.idx.msk [tilespmem:v38+s19+$0x0], $0xffff;
	[tilespmem:v41+s20+$0x0] =	vst.idx.msk $0xffff, v36  }
0x2af: {  	v33 =	vor.u32 $0x3800, v33;
	v32 =	vor.u32 $0x3800, v32;
	v53 =	vmul.f32 v42, v1;
	v55 =	vld.idx.msk [tilespmem:v43+s19+$0x0], $0xffff;
	[tilespmem:v45+s20+$0x0] =	vst.idx.msk $0xffff, v62  }
0x2b0: {  	v57 =	vadd.s32 $0x2000, v15;
	v58 =	vor.u32 v20, v5;
	v56 =	vmul.f32 v44, v1;
	v35 =	vld.idx.msk [tilespmem:v60+s19+$0x0], $0xffff  }
0x2b1: {  	v33 =	vadd.s32 v2, v33;
	v32 =	vadd.s32 v2, v32;
	v59 =	vadd.s32 $0x2000, v13;
	[tilespmem:v46+s20+$0x0] =	vst.idx.msk $0xffff, v53  }
0x2b2: {  	v26 =	vor.u32 v14, v26;
	v48 =	vld.idx.msk [tilespmem:v47+s19+$0x0], $0xffff;
	[tilespmem:v61+s20+$0x0] =	vst.idx.msk $0xffff, v56;
	v60 =	vmul.f32 v37, v1  }
0x2b3: {  	s17 =	simm.s32 $0x6;
	v42 =	vor.u32 v19, v6;
	v44 =	vor.u32 v23, v7;
	v39 =	vld.idx.msk [tilespmem:v63+s19+$0x0], $0xffff;
	v36 =	vmul.f32 v52, v1  }
0x2b4: {  	v29 =	vadd.s32 s17, v0;
	v45 =	vor.u32 v23, v10;
	[tilespmem:v54+s20+$0x0] =	vst.idx.msk $0xffff, v60;
	v61 =	vmul.f32 v55, v1  }
0x2b5: {  	v30 =	vand.u32 $0xF, v29;
	v46 =	vadd.s32 $0x1000, v27;
	v38 =	vld.idx.msk [tilespmem:v57+s19+$0x0], $0xffff;
	[tilespmem:v58+s20+$0x0] =	vst.idx.msk $0xffff, v36;
	v62 =	vmul.f32 v35, v1  }
0x2b6: {  	v43 =	vor.u32 $0x2800, v11;
	v47 =	vadd.s32 $0x1000, v25;
	v63 =	vor.u32 $0x2800, v9;
	v40 =	vld.idx.msk [tilespmem:v59+s19+$0x0], $0xffff;
	[tilespmem:v31+s20+$0x0] =	vst.idx.msk $0xffff, v61  }
0x2b7: {  	v37 =	vor.u32 v19, v8;
	v41 =	vadd.s32 v2, v63;
	v31 =	vld.idx.msk [tilespmem:v33+s19+$0x0], $0xffff;
	[tilespmem:v50+s20+$0x0] =	vst.idx.msk $0xffff, v62  }
0x2b8: {  	s3 =	simm.s32 $0x7;
	s17 =	simm.s32 $0x8;
	v35 =	vshll.u32 v30, $0x7;
	v49 =	vmul.f32 v48, v1;
	v48 =	vmul.f32 v39, v1;
	v32 =	vld.idx.msk [tilespmem:v32+s19+$0x0], $0xffff  }
.LBB2_12:
0x2b9: {  	v33 =	vadd.s32 v2, v35;
	v34 =	vadd.s32 s3, v0;
	v35 =	vadd.s32 v2, v43  }
0x2ba: {  	p0 =	slt.u32 s17, $0xE;
	[tilespmem:v44+s20+$0x0] =	vst.idx.msk $0xffff, v49;
	v36 =	vmovc v4;
	v4 =	vmovc v7;
	v7 =	vmov v29;
	v39 =	vmov v8;
	v8 =	vmov v12  }
0x2bb: {  	v38 =	vmul.f32 v38, v1;
	v12 =	vmov v30;
	v43 =	vand.u32 $0xF, v34;
	v29 =	vld.idx.msk [tilespmem:v47+s19+$0x0], $0xffff;
	[tilespmem:v45+s20+$0x0] =	vst.idx.msk $0xffff, v48  }
0x2bc: {  	v40 =	vmul.f32 v40, v1;
	v45 =	vor.u32 v14, v3;
	v3 =	vmovc v5;
	v30 =	vshll.u32 v43, $0x7;
	v44 =	vld.idx.msk [tilespmem:v46+s19+$0x0], $0xffff  }
0x2bd: {  	v47 =	vor.u32 $0x1800, v28;
	v46 =	vor.u32 v22, v8;
	v30 =	vadd.s32 v2, v30;
	[tilespmem:v37+s20+$0x0] =	vst.idx.msk $0xffff, v38  }
0x2be: {  	v37 =	vadd.s32 v2, v47;
	v31 =	vmul.f32 v31, v1;
	v38 =	vld.idx.msk [tilespmem:v41+s19+$0x0], $0xffff;
	[tilespmem:v42+s20+$0x0] =	vst.idx.msk $0xffff, v40  }
0x2bf: {  	v5 =	vmovc v10;
	v40 =	vor.u32 v22, v16;
	v41 =	vor.u32 $0x1800, v24;
	v32 =	vmul.f32 v32, v1;
	v35 =	vld.idx.msk [tilespmem:v35+s19+$0x0], $0xffff  }
0x2c0: {  	v47 =	vor.u32 v18, v36;
	v42 =	vshll.u32 v7, $0x7;
	v41 =	vadd.s32 v2, v41;
	[tilespmem:v26+s20+$0x0] =	vst.idx.msk $0xffff, v31  }
0x2c1: {  	v10 =	vmov v34;
	v26 =	vor.u32 $0x800, v42;
	v29 =	vmul.f32 v29, v1;
	v31 =	vld.idx.msk [tilespmem:v33+s19+$0x0], $0xffff;
	[tilespmem:v45+s20+$0x0] =	vst.idx.msk $0xffff, v32  }
0x2c2: {  	v34 =	vmul.f32 v44, v1;
	v44 =	vadd.s32 $0x3000, v15;
	v45 =	vor.u32 v18, v3;
	v15 =	vmovc v25;
	v32 =	vld.idx.msk [tilespmem:v30+s19+$0x0], $0xffff  }
0x2c3: {  	v48 =	vor.u32 v21, v12;
	v49 =	vadd.s32 v2, v26;
	[tilespmem:v46+s20+$0x0] =	vst.idx.msk $0xffff, v29;
	v46 =	vadd.s32 $0x3000, v13  }
0x2c4: {  	v50 =	vshll.u32 v10, $0x7;
	v25 =	vmov v33;
	v26 =	vmul.f32 v38, v1;
	v37 =	vld.idx.msk [tilespmem:v37+s19+$0x0], $0xffff;
	[tilespmem:v40+s20+$0x0] =	vst.idx.msk $0xffff, v34  }
0x2c5: {  	v33 =	vor.u32 v21, v43;
	v13 =	vmovc v27;
	v34 =	vor.u32 $0x800, v50;
	v35 =	vmul.f32 v35, v1;
	v38 =	vld.idx.msk [tilespmem:v41+s19+$0x0], $0xffff  }
0x2c6: {  	v29 =	vadd.s32 s17, v0;
	v34 =	vadd.s32 v2, v34;
	[tilespmem:v47+s20+$0x0] =	vst.idx.msk $0xffff, v26;
	v26 =	vor.u32 v14, v36  }
0x2c7: {  	v31 =	vmul.f32 v31, v1;
	v36 =	vor.u32 v20, v4;
	v40 =	vld.idx.msk [tilespmem:v44+s19+$0x0], $0xffff;
	[tilespmem:v45+s20+$0x0] =	vst.idx.msk $0xffff, v35  }
0x2c8: {  	v27 =	vmovc v30;
	v41 =	vor.u32 v20, v5;
	v32 =	vmul.f32 v32, v1;
	v35 =	vadd.s32 $0x2000, v15;
	v46 =	vld.idx.msk [tilespmem:v46+s19+$0x0], $0xffff  }
0x2c9: {  	v39 =	vor.u32 v17, v39;
	v30 =	vor.u32 $0x3800, v9;
	v9 =	vmovc v28;
	[tilespmem:v48+s20+$0x0] =	vst.idx.msk $0xffff, v31;
	v31 =	vadd.s32 $0x2000, v13  }
0x2ca: {  	v28 =	vmul.f32 v37, v1;
	v48 =	vld.idx.msk [tilespmem:v49+s19+$0x0], $0xffff;
	[tilespmem:v33+s20+$0x0] =	vst.idx.msk $0xffff, v32;
	v32 =	vadd.s32 v2, v30  }
0x2cb: {  	v51 =	vor.u32 v17, v6;
	v11 =	vor.u32 $0x3800, v11;
	v6 =	vmovc v16;
	v33 =	vld.idx.msk [tilespmem:v34+s19+$0x0], $0xffff;
	v34 =	vmul.f32 v38, v1  }
0x2cc: {  	v44 =	vor.u32 v23, v7;
	v30 =	vand.u32 $0xF, v29;
	[tilespmem:v36+s20+$0x0] =	vst.idx.msk $0xffff, v28;
	v36 =	vadd.s32 v2, v11  }
.Ltmp4:
0x2cd: {  	v37 =	vor.u32 v19, v8;
	v38 =	vld.idx.msk [tilespmem:v35+s19+$0x0], $0xffff;
	[tilespmem:v41+s20+$0x0] =	vst.idx.msk $0xffff, v34;
	v41 =	vmul.f32 v40, v1;
	(pc) =	sbr.rel @p0 .LBB2_12-.Ltmp4, $4  }
0x2ce: {  	v16 =	vmovc v43;
	v47 =	vadd.s32 $0x1000, v25;
	v45 =	vor.u32 v23, v10;
	v34 =	vmul.f32 v46, v1;
	v40 =	vld.idx.msk [tilespmem:v31+s19+$0x0], $0xffff  }
0x2cf: {  	v11 =	vmovc v24;
	v35 =	vshll.u32 v30, $0x7;
	v46 =	vadd.s32 $0x1000, v27;
	v28 =	vmovc v42;
	v31 =	vor.u32 $0x2800, v9;
	[tilespmem:v39+s20+$0x0] =	vst.idx.msk $0xffff, v41  }
0x2d0: {  	v49 =	vmul.f32 v48, v1;
	v41 =	vadd.s32 v2, v31;
	v31 =	vld.idx.msk [tilespmem:v32+s19+$0x0], $0xffff;
	[tilespmem:v51+s20+$0x0] =	vst.idx.msk $0xffff, v34  }
0x2d1: {  	s3 =	sadd.s32 $0x1, s17;
	s17 =	sadd.s32 $0x2, s17;
	v24 =	vmovc v50;
	v42 =	vor.u32 v19, v6;
	v43 =	vor.u32 $0x2800, v11;
	v48 =	vmul.f32 v33, v1;
	v32 =	vld.idx.msk [tilespmem:v36+s19+$0x0], $0xffff  }
0x2d2: {  	v33 =	vadd.s32 s3, v0  }
0x2d3: {  	v34 =	vand.u32 $0xF, v33  }
0x2d4: {  	v50 =	vadd.s32 v2, v35;
	v62 =	vshll.u32 v34, $0x7  }
0x2d5: {  	v39 =	vadd.s32 v2, v62;
	_ =	sdelay $0x3  }
0x2d6: {  	v51 =	vld.idx.msk [tilespmem:v50+s19+$0x0], $0xffff  }
0x2d7: {  	v35 =	vshll.u32 v29, $0x7;
	v52 =	vld.idx.msk [tilespmem:v39+s19+$0x0], $0xffff  }
0x2d8: {  	v54 =	vor.u32 v21, v30;
	v53 =	vor.u32 $0x800, v35;
	v36 =	vshll.u32 v33, $0x7  }
0x2d9: {  	v53 =	vadd.s32 v2, v53;
	v63 =	vor.u32 v21, v34;
	v55 =	vor.u32 $0x800, v36  }
0x2da: {  	v55 =	vadd.s32 v2, v55  }
0x2db: {  	v51 =	vmul.f32 v51, v1  }
0x2dc: {  	v52 =	vmul.f32 v52, v1  }
0x2dd: {  	[tilespmem:v54+s20+$0x0] =	vst.idx.msk $0xffff, v51  }
0x2de: {  	v57 =	vld.idx.msk [tilespmem:v53+s19+$0x0], $0xffff;
	[tilespmem:v63+s20+$0x0] =	vst.idx.msk $0xffff, v52  }
0x2df: {  	v58 =	vld.idx.msk [tilespmem:v55+s19+$0x0], $0xffff  }
0x2e0: {  	v59 =	vor.u32 v23, v29  }
0x2e1: {  	[tilespmem:v44+s20+$0x0] =	vst.idx.msk $0xffff, v49;
	v60 =	vadd.s32 $0x1000, v50;
	v61 =	vor.u32 v23, v33  }
0x2e2: {  	v47 =	vld.idx.msk [tilespmem:v47+s19+$0x0], $0xffff;
	v62 =	vadd.s32 $0x1000, v39  }
0x2e3: {  	v21 =	vmul.f32 v57, v1  }
0x2e4: {  	[tilespmem:v45+s20+$0x0] =	vst.idx.msk $0xffff, v48;
	v51 =	vmul.f32 v58, v1  }
0x2e5: {  	v46 =	vld.idx.msk [tilespmem:v46+s19+$0x0], $0xffff;
	v63 =	vor.u32 v22, v12;
	v55 =	vor.u32 $0x1800, v28;
	[tilespmem:v59+s20+$0x0] =	vst.idx.msk $0xffff, v21  }
0x2e6: {  	v48 =	vadd.s32 v2, v55;
	v21 =	vld.idx.msk [tilespmem:v60+s19+$0x0], $0xffff;
	[tilespmem:v61+s20+$0x0] =	vst.idx.msk $0xffff, v51  }
0x2e7: {  	v56 =	vor.u32 v22, v16;
	v47 =	vmul.f32 v47, v1;
	v57 =	vor.u32 $0x1800, v24;
	v49 =	vld.idx.msk [tilespmem:v62+s19+$0x0], $0xffff  }
0x2e8: {  	v44 =	vadd.s32 v2, v57;
	v59 =	vor.u32 $0x1800, v35;
	v58 =	vor.u32 v22, v30  }
0x2e9: {  	v60 =	vadd.s32 v2, v59;
	v61 =	vor.u32 v22, v34;
	v62 =	vor.u32 $0x1800, v36  }
0x2ea: {  	v46 =	vmul.f32 v46, v1;
	[tilespmem:v63+s20+$0x0] =	vst.idx.msk $0xffff, v47;
	v47 =	vadd.s32 v2, v62  }
0x2eb: {  	v48 =	vld.idx.msk [tilespmem:v48+s19+$0x0], $0xffff;
	v21 =	vmul.f32 v21, v1  }
0x2ec: {  	[tilespmem:v56+s20+$0x0] =	vst.idx.msk $0xffff, v46;
	v49 =	vmul.f32 v49, v1  }
0x2ed: {  	v63 =	vor.u32 v20, v7;
	v51 =	vld.idx.msk [tilespmem:v44+s19+$0x0], $0xffff;
	[tilespmem:v58+s20+$0x0] =	vst.idx.msk $0xffff, v21  }
0x2ee: {  	v53 =	vmul.f32 v38, v1;
	v52 =	vadd.s32 $0x2000, v25;
	v54 =	vld.idx.msk [tilespmem:v60+s19+$0x0], $0xffff;
	[tilespmem:v61+s20+$0x0] =	vst.idx.msk $0xffff, v49  }
0x2ef: {  	v55 =	vor.u32 v20, v10;
	v62 =	vadd.s32 v2, v43;
	v47 =	vld.idx.msk [tilespmem:v47+s19+$0x0], $0xffff  }
0x2f0: {  	[tilespmem:v37+s20+$0x0] =	vst.idx.msk $0xffff, v53;
	v57 =	vadd.s32 $0x2000, v27;
	v56 =	vmul.f32 v48, v1;
	v58 =	vor.u32 v20, v29  }
0x2f1: {  	v40 =	vmul.f32 v40, v1;
	v41 =	vld.idx.msk [tilespmem:v41+s19+$0x0], $0xffff;
	v59 =	vadd.s32 $0x2000, v50;
	v60 =	vor.u32 v20, v33  }
0x2f2: {  	[tilespmem:v63+s20+$0x0] =	vst.idx.msk $0xffff, v56;
	v21 =	vmul.f32 v51, v1;
	v61 =	vadd.s32 $0x2000, v39  }
0x2f3: {  	[tilespmem:v42+s20+$0x0] =	vst.idx.msk $0xffff, v40;
	v44 =	vld.idx.msk [tilespmem:v52+s19+$0x0], $0xffff;
	v38 =	vmul.f32 v54, v1  }
0x2f4: {  	v63 =	vor.u32 v19, v12;
	v40 =	vld.idx.msk [tilespmem:v62+s19+$0x0], $0xffff;
	[tilespmem:v55+s20+$0x0] =	vst.idx.msk $0xffff, v21;
	v48 =	vmul.f32 v47, v1  }
0x2f5: {  	v51 =	vor.u32 $0x2800, v28;
	v49 =	vor.u32 v18, v4;
	v22 =	vld.idx.msk [tilespmem:v57+s19+$0x0], $0xffff;
	[tilespmem:v58+s20+$0x0] =	vst.idx.msk $0xffff, v38  }
0x2f6: {  	v52 =	vmul.f32 v41, v1;
	v53 =	vadd.s32 v2, v51;
	v23 =	vld.idx.msk [tilespmem:v59+s19+$0x0], $0xffff;
	[tilespmem:v60+s20+$0x0] =	vst.idx.msk $0xffff, v48  }
0x2f7: {  	v62 =	vor.u32 $0x2800, v36;
	v55 =	vor.u32 $0x2800, v24;
	v54 =	vor.u32 v19, v16;
	v57 =	vld.idx.msk [tilespmem:v61+s19+$0x0], $0xffff  }
0x2f8: {  	v21 =	vadd.s32 v2, v55;
	v58 =	vor.u32 v19, v30;
	v59 =	vor.u32 $0x2800, v35  }
0x2f9: {  	v56 =	vmul.f32 v44, v1;
	v60 =	vadd.s32 v2, v59;
	v61 =	vor.u32 v19, v34  }
0x2fa: {  	v42 =	vadd.s32 v2, v62;
	[tilespmem:v49+s20+$0x0] =	vst.idx.msk $0xffff, v52;
	v22 =	vmul.f32 v22, v1  }
0x2fb: {  	[tilespmem:v63+s20+$0x0] =	vst.idx.msk $0xffff, v56;
	v23 =	vmul.f32 v23, v1  }
0x2fc: {  	v15 =	vadd.s32 $0x3000, v15;
	v43 =	vld.idx.msk [tilespmem:v53+s19+$0x0], $0xffff;
	[tilespmem:v54+s20+$0x0] =	vst.idx.msk $0xffff, v22;
	v47 =	vmul.f32 v57, v1  }
0x2fd: {  	v8 =	vor.u32 v17, v8;
	v63 =	vor.u32 v18, v5;
	v21 =	vld.idx.msk [tilespmem:v21+s19+$0x0], $0xffff;
	[tilespmem:v58+s20+$0x0] =	vst.idx.msk $0xffff, v23  }
0x2fe: {  	v13 =	vadd.s32 $0x3000, v13;
	v9 =	vor.u32 $0x3800, v9;
	v49 =	vor.u32 v18, v7;
	v52 =	vld.idx.msk [tilespmem:v60+s19+$0x0], $0xffff;
	[tilespmem:v61+s20+$0x0] =	vst.idx.msk $0xffff, v47  }
0x2ff: {  	v6 =	vor.u32 v17, v6;
	v51 =	vadd.s32 $0x3000, v25;
	v53 =	vor.u32 v18, v10;
	v20 =	vld.idx.msk [tilespmem:v42+s19+$0x0], $0xffff  }
0x300: {  	v56 =	vor.u32 v18, v29;
	v48 =	vmul.f32 v40, v1;
	v54 =	vadd.s32 $0x3000, v27  }
0x301: {  	v55 =	vmul.f32 v43, v1;
	v58 =	vor.u32 v18, v33;
	v57 =	vadd.s32 $0x3000, v50  }
0x302: {  	v11 =	vor.u32 $0x3800, v11;
	v15 =	vld.idx.msk [tilespmem:v15+s19+$0x0], $0xffff;
	v59 =	vadd.s32 $0x3000, v39;
	[tilespmem:v63+s20+$0x0] =	vst.idx.msk $0xffff, v48;
	v21 =	vmul.f32 v21, v1  }
0x303: {  	v9 =	vadd.s32 v2, v9;
	v13 =	vld.idx.msk [tilespmem:v13+s19+$0x0], $0xffff;
	[tilespmem:v49+s20+$0x0] =	vst.idx.msk $0xffff, v55;
	v25 =	vmul.f32 v52, v1  }
0x304: {  	v11 =	vadd.s32 v2, v11;
	v23 =	vld.idx.msk [tilespmem:v51+s19+$0x0], $0xffff;
	[tilespmem:v53+s20+$0x0] =	vst.idx.msk $0xffff, v21;
	v60 =	vmul.f32 v20, v1  }
0x305: {  	v46 =	vor.u32 v17, v34;
	v62 =	vor.u32 v17, v12;
	v61 =	vld.idx.msk [tilespmem:v54+s19+$0x0], $0xffff;
	[tilespmem:v56+s20+$0x0] =	vst.idx.msk $0xffff, v25  }
0x306: {  	v44 =	vor.u32 $0x3800, v35;
	v39 =	vor.u32 v17, v16;
	v63 =	vor.u32 $0x3800, v28;
	v37 =	vld.idx.msk [tilespmem:v57+s19+$0x0], $0xffff;
	[tilespmem:v58+s20+$0x0] =	vst.idx.msk $0xffff, v60  }
0x307: {  	v15 =	vmul.f32 v15, v1;
	v28 =	vor.u32 $0x3800, v24;
	v38 =	vadd.s32 v2, v63;
	v41 =	vld.idx.msk [tilespmem:v59+s19+$0x0], $0xffff  }
0x308: {  	v40 =	vadd.s32 v2, v28;
	v43 =	vor.u32 v17, v30;
	v13 =	vmul.f32 v13, v1  }
0x309: {  	v45 =	vadd.s32 v2, v44;
	[tilespmem:v8+s20+$0x0] =	vst.idx.msk $0xffff, v15;
	v47 =	vor.u32 $0x3800, v36;
	v42 =	vmul.f32 v23, v1  }
0x30a: {  	v9 =	vld.idx.msk [tilespmem:v9+s19+$0x0], $0xffff;
	v2 =	vadd.s32 v2, v47;
	[tilespmem:v6+s20+$0x0] =	vst.idx.msk $0xffff, v13;
	v48 =	vmul.f32 v61, v1  }
0x30b: {  	v3 =	vor.u32 v14, v3;
	v11 =	vld.idx.msk [tilespmem:v11+s19+$0x0], $0xffff;
	[tilespmem:v62+s20+$0x0] =	vst.idx.msk $0xffff, v42;
	v49 =	vmul.f32 v37, v1  }
0x30c: {  	v50 =	vor.u32 v14, v4;
	v51 =	vld.idx.msk [tilespmem:v38+s19+$0x0], $0xffff;
	[tilespmem:v39+s20+$0x0] =	vst.idx.msk $0xffff, v48;
	v52 =	vmul.f32 v41, v1  }
0x30d: {  	v53 =	vmul.f32 v31, v1;
	v54 =	vor.u32 v14, v5;
	v55 =	vld.idx.msk [tilespmem:v40+s19+$0x0], $0xffff;
	[tilespmem:v43+s20+$0x0] =	vst.idx.msk $0xffff, v49  }
0x30e: {  	v56 =	vmul.f32 v32, v1;
	v57 =	vor.u32 v14, v7;
	v8 =	vld.idx.msk [tilespmem:v45+s19+$0x0], $0xffff;
	[tilespmem:v46+s20+$0x0] =	vst.idx.msk $0xffff, v52  }
0x30f: {  	[tilespmem:v26+s20+$0x0] =	vst.idx.msk $0xffff, v53;
	v58 =	vmul.f32 v9, v1;
	v59 =	vor.u32 v14, v10;
	v2 =	vld.idx.msk [tilespmem:v2+s19+$0x0], $0xffff  }
0x310: {  	s10 =	sadd.s32 $0x1, s10;
	[tilespmem:v3+s20+$0x0] =	vst.idx.msk $0xffff, v56;
	v60 =	vor.u32 v14, v29;
	v3 =	vmul.f32 v11, v1  }
0x311: {  	p0 =	sne.s32 s10, $0x8;
	v62 =	vor.u32 v14, v33;
	[tilespmem:v50+s20+$0x0] =	vst.idx.msk $0xffff, v58;
	v61 =	vmul.f32 v51, v1  }
.Ltmp5:
0x312: {  	[tilespmem:v54+s20+$0x0] =	vst.idx.msk $0xffff, v3;
	v3 =	vmul.f32 v55, v1;
	(pc) =	sbr.rel @p0 .LBB2_11-.Ltmp5, $4  }
0x313: {  	[tilespmem:v57+s20+$0x0] =	vst.idx.msk $0xffff, v61;
	v63 =	vmul.f32 v8, v1  }
0x314: {  	[tilespmem:v59+s20+$0x0] =	vst.idx.msk $0xffff, v3;
	v1 =	vmul.f32 v2, v1  }
0x315: {  	[tilespmem:v60+s20+$0x0] =	vst.idx.msk $0xffff, v63  }
0x316: {  	[tilespmem:v62+s20+$0x0] =	vst.idx.msk $0xffff, v1  }
0x317: {  	s22 =	simm.s32 $0x0  }
0x318: {  	v5 =	vld [tilespmem:s22+$0x8000]  }
0x319: {  	v6 =	vld [tilespmem:s22+$0x8010]  }
0x31a: {  	v7 =	vld [tilespmem:s22+$0x8020]  }
0x31b: {  	v9 =	vld [tilespmem:s22+$0x8030]  }
0x31c: {  	v10 =	vld [tilespmem:s22+$0x8040]  }
0x31d: {  	v4 =	vld [tilespmem:s22+$0x8050]  }
0x31e: {  	v2 =	vld [tilespmem:s22+$0x8060]  }
0x31f: {  	v3 =	vld [tilespmem:s22+$0x8070]  }
0x320: {  	v1 =	vld [tilespmem:s22+$0xC000]  }
0x321: {  	v8 =	vld [tilespmem:s22+$0xC010]  }
0x322: {  	v11 =	vld [tilespmem:s22+$0xC020]  }
0x323: {  	v12 =	vld [tilespmem:s22+$0xC030]  }
0x324: {  	v13 =	vld [tilespmem:s22+$0xC040]  }
0x325: {  	v14 =	vld [tilespmem:s22+$0xC050]  }
0x326: {  	v15 =	vld [tilespmem:s22+$0xC060]  }
0x327: {  	v16 =	vld [tilespmem:s22+$0xC070]  }
0x328: {  	v17 =	vld [tilespmem:s22+$0x101F0]  }
0x329: {  	v18 =	vld [tilespmem:s22+$0x8080]  }
0x32a: {  	v19 =	vld [tilespmem:s22+$0x8090]  }
0x32b: {  	v20 =	vld [tilespmem:s22+$0x80A0]  }
0x32c: {  	v21 =	vld [tilespmem:s22+$0x80B0]  }
0x32d: {  	v22 =	vld [tilespmem:s22+$0x80C0]  }
0x32e: {  	v23 =	vld [tilespmem:s22+$0x80D0]  }
0x32f: {  	v24 =	vld [tilespmem:s22+$0x80E0]  }
0x330: {  	v25 =	vld [tilespmem:s22+$0x80F0]  }
0x331: {  	v26 =	vld [tilespmem:s22+$0xC080]  }
0x332: {  	v27 =	vld [tilespmem:s22+$0xC090]  }
0x333: {  	v28 =	vld [tilespmem:s22+$0xC0A0]  }
0x334: {  	v29 =	vld [tilespmem:s22+$0xC0B0]  }
0x335: {  	v30 =	vld [tilespmem:s22+$0xC0C0]  }
0x336: {  	v54 =	vld [tilespmem:s22+$0xC0D0]  }
0x337: {  	v31 =	vld [tilespmem:s22+$0x10070]  }
0x338: {  	v32 =	vld [tilespmem:s22+$0xC0F0]  }
0x339: {  	v33 =	vld [tilespmem:s22+$0x8100]  }
0x33a: {  	v34 =	vld [tilespmem:s22+$0x8110]  }
0x33b: {  	v35 =	vld [tilespmem:s22+$0x8120]  }
0x33c: {  	v36 =	vld [tilespmem:s22+$0x8130]  }
0x33d: {  	v40 =	vld [tilespmem:s22+$0xC100];
	v1 =	vadd.f32 v1, v5  }
0x33e: {  	v37 =	vld [tilespmem:s22+$0x8140];
	v8 =	vadd.f32 v8, v6  }
0x33f: {  	v41 =	vld [tilespmem:s22+$0xC110];
	v15 =	vadd.f32 v15, v2;
	[tilespmem:s22+$0xC000] =	vst v1  }
0x340: {  	v38 =	vld [tilespmem:s22+$0x8150];
	v16 =	vadd.f32 v16, v3;
	[tilespmem:s22+$0xC010] =	vst v8  }
0x341: {  	v42 =	vld [tilespmem:s22+$0xC120];
	v27 =	vadd.f32 v27, v19;
	[tilespmem:s22+$0xC060] =	vst v15  }
0x342: {  	v39 =	vld [tilespmem:s22+$0x8160];
	v55 =	vadd.f32 v40, v33;
	[tilespmem:s22+$0xC070] =	vst v16  }
0x343: {  	v43 =	vld [tilespmem:s22+$0xC130];
	v28 =	vadd.f32 v28, v20;
	[tilespmem:s22+$0xC090] =	vst v27  }
0x344: {  	v44 =	vld [tilespmem:s22+$0xC140];
	v41 =	vadd.f32 v41, v34;
	[tilespmem:s22+$0xC100] =	vst v55  }
0x345: {  	v56 =	vld [tilespmem:s22+$0xC150];
	v29 =	vadd.f32 v29, v21;
	[tilespmem:s22+$0xC0A0] =	vst v28  }
0x346: {  	v57 =	vld [tilespmem:s22+$0xC160];
	v42 =	vadd.f32 v42, v35;
	[tilespmem:s22+$0xC110] =	vst v41  }
0x347: {  	v58 =	vld [tilespmem:s22+$0x10080];
	v30 =	vadd.f32 v30, v22;
	[tilespmem:s22+$0xC0B0] =	vst v29  }
0x348: {  	v59 =	vld [tilespmem:s22+$0xC170];
	v43 =	vadd.f32 v43, v36;
	[tilespmem:s22+$0xC120] =	vst v42  }
0x349: {  	v60 =	vld [tilespmem:s22+$0x10090];
	v44 =	vadd.f32 v44, v37;
	[tilespmem:s22+$0xC0C0] =	vst v30  }
0x34a: {  	v61 =	vld [tilespmem:s22+$0x10100];
	v40 =	vadd.f32 v56, v38;
	[tilespmem:s22+$0xC130] =	vst v43  }
0x34b: {  	v32 =	vadd.f32 v32, v25;
	v8 =	vld [tilespmem:s22+$0x10000];
	[tilespmem:s22+$0xC140] =	vst v44  }
0x34c: {  	v62 =	vld [tilespmem:s22+$0x100A0];
	v1 =	vadd.f32 v11, v7;
	[tilespmem:s22+$0xC150] =	vst v40  }
0x34d: {  	v63 =	vld [tilespmem:s22+$0x10110];
	v11 =	vadd.f32 v12, v9;
	[tilespmem:s22+$0xC0F0] =	vst v32  }
0x34e: {  	v12 =	vld [tilespmem:s22+$0x10010];
	[tilespmem:s22+$0xC020] =	vst v1;
	v1 =	vadd.f32 v13, v10  }
0x34f: {  	v15 =	vld [tilespmem:s22+$0x10050];
	[tilespmem:s22+$0xC030] =	vst v11;
	v13 =	vadd.f32 v14, v4  }
0x350: {  	v11 =	vld [tilespmem:s22+$0x10020];
	[tilespmem:s22+$0xC040] =	vst v1;
	v5 =	vadd.f32 v8, v5  }
0x351: {  	[tilespmem:s22+$0xC050] =	vst v13;
	v1 =	vld [tilespmem:s22+$0x81F0];
	v8 =	vadd.f32 v26, v18  }
0x352: {  	v13 =	vld [tilespmem:s22+$0x10040];
	v26 =	vadd.f32 v54, v23;
	[tilespmem:s22+$0x10000] =	vst v5  }
0x353: {  	v48 =	vld [tilespmem:s22+$0x100B0];
	v6 =	vadd.f32 v12, v6;
	[tilespmem:s22+$0xC080] =	vst v8  }
0x354: {  	v12 =	vld [tilespmem:s22+$0x10150];
	v4 =	vadd.f32 v15, v4;
	[tilespmem:s22+$0xC0D0] =	vst v26  }
0x355: {  	v49 =	vld [tilespmem:s22+$0x10120];
	v7 =	vadd.f32 v11, v7;
	[tilespmem:s22+$0x10010] =	vst v6  }
0x356: {  	v50 =	vld [tilespmem:s22+$0x100C0];
	[tilespmem:s22+$0x10050] =	vst v4;
	v17 =	vadd.f32 v17, v1  }
0x357: {  	v45 =	vld [tilespmem:s22+$0x10130];
	[tilespmem:s22+$0x10020] =	vst v7;
	v6 =	vadd.f32 v13, v10  }
0x358: {  	v5 =	vld [tilespmem:s22+$0xC0E0];
	v10 =	vadd.f32 v62, v20;
	[tilespmem:s22+$0x101F0] =	vst v17  }
0x359: {  	v53 =	vld [tilespmem:s22+$0x100E0];
	v12 =	vadd.f32 v12, v38;
	[tilespmem:s22+$0x10040] =	vst v6  }
0x35a: {  	v51 =	vld [tilespmem:s22+$0x100D0];
	v17 =	vadd.f32 v58, v18;
	[tilespmem:s22+$0x100A0] =	vst v10  }
0x35b: {  	v56 =	vld [tilespmem:s22+$0xC1C0];
	v6 =	vadd.f32 v31, v3;
	[tilespmem:s22+$0x10150] =	vst v12  }
0x35c: {  	v4 =	vld [tilespmem:s22+$0x81C0];
	v10 =	vadd.f32 v50, v22;
	[tilespmem:s22+$0x10080] =	vst v17  }
0x35d: {  	v8 =	vld [tilespmem:s22+$0x8170];
	v5 =	vadd.f32 v5, v24;
	[tilespmem:s22+$0x10070] =	vst v6  }
0x35e: {  	v52 =	vld [tilespmem:s22+$0x10140];
	[tilespmem:s22+$0x100C0] =	vst v10;
	v10 =	vadd.f32 v53, v24  }
0x35f: {  	v14 =	vld [tilespmem:s22+$0x10030];
	[tilespmem:s22+$0xC0E0] =	vst v5;
	v5 =	vadd.f32 v57, v39  }
0x360: {  	v16 =	vld [tilespmem:s22+$0x10060];
	v57 =	vadd.f32 v63, v34;
	[tilespmem:s22+$0x100E0] =	vst v10  }
0x361: {  	v55 =	vld [tilespmem:s22+$0xC1A0];
	v63 =	vadd.f32 v56, v4;
	[tilespmem:s22+$0xC160] =	vst v5  }
0x362: {  	v15 =	vld [tilespmem:s22+$0xC180];
	v5 =	vadd.f32 v59, v8;
	[tilespmem:s22+$0x10110] =	vst v57  }
0x363: {  	v54 =	vld [tilespmem:s22+$0xC190];
	v10 =	vadd.f32 v61, v33;
	[tilespmem:s22+$0xC1C0] =	vst v63  }
0x364: {  	v11 =	vld [tilespmem:s22+$0x100F0];
	[tilespmem:s22+$0xC170] =	vst v5;
	v5 =	vadd.f32 v14, v9;
	v9 =	vadd.f32 v60, v19  }
0x365: {  	v13 =	vld [tilespmem:s22+$0x8180];
	v61 =	vadd.f32 v45, v36;
	[tilespmem:s22+$0x10100] =	vst v10  }
0x366: {  	v7 =	vld [tilespmem:s22+$0x8190];
	[tilespmem:s22+$0x10090] =	vst v9;
	v9 =	vadd.f32 v48, v21  }
0x367: {  	v58 =	vld [tilespmem:s22+$0xC1E0];
	[tilespmem:s22+$0x10130] =	vst v61  }
0x368: {  	v6 =	vld [tilespmem:s22+$0x81E0];
	[tilespmem:s22+$0x100B0] =	vst v9;
	v9 =	vadd.f32 v51, v23  }
0x369: {  	v3 =	vld [tilespmem:s22+$0x81B0];
	[tilespmem:s22+$0x10030] =	vst v5;
	v5 =	vadd.f32 v16, v2  }
0x36a: {  	[tilespmem:s22+$0x100D0] =	vst v9;
	v9 =	vadd.f32 v11, v25;
	v11 =	vld [tilespmem:s22+$0xC1B0]  }
0x36b: {  	v10 =	vadd.f32 v49, v35;
	v2 =	vld [tilespmem:s22+$0x81A0];
	[tilespmem:s22+$0x10060] =	vst v5  }
0x36c: {  	v5 =	vld [tilespmem:s22+$0x81D0];
	[tilespmem:s22+$0x100F0] =	vst v9;
	v9 =	vadd.f32 v15, v13  }
0x36d: {  	v12 =	vadd.f32 v58, v6;
	[tilespmem:s22+$0x10120] =	vst v10;
	v15 =	vld [tilespmem:s22+$0xC1D0]  }
0x36e: {  	v14 =	vld [tilespmem:s22+$0x10160];
	[tilespmem:s22+$0xC180] =	vst v9;
	v9 =	vadd.f32 v54, v7  }
0x36f: {  	v59 =	vld [tilespmem:s22+$0x10170];
	[tilespmem:s22+$0xC1E0] =	vst v12;
	v10 =	vadd.f32 v11, v3  }
0x370: {  	v60 =	vld [tilespmem:s22+$0xC1F0];
	[tilespmem:s22+$0xC190] =	vst v9;
	v9 =	vadd.f32 v55, v2  }
0x371: {  	v62 =	vld [tilespmem:s22+$0x10180];
	v11 =	vadd.f32 v52, v37;
	[tilespmem:s22+$0xC1B0] =	vst v10  }
0x372: {  	v15 =	vadd.f32 v15, v5;
	[tilespmem:s22+$0xC1A0] =	vst v9;
	v9 =	vld [tilespmem:s22+$0x10190]  }
0x373: {  	v14 =	vadd.f32 v14, v39;
	[tilespmem:s22+$0x10140] =	vst v11;
	v10 =	vld [tilespmem:s22+$0x101A0]  }
0x374: {  	v11 =	vld [tilespmem:s22+$0x101B0];
	[tilespmem:s22+$0xC1D0] =	vst v15;
	v15 =	vadd.f32 v59, v8  }
0x375: {  	v1 =	vadd.f32 v60, v1;
	[tilespmem:s22+$0x10160] =	vst v14;
	v8 =	vld [tilespmem:s22+$0x101C0]  }
0x376: {  	s10 =	simm.s32 $0x0;
	s17 =	simm.s32 $0x800;
	v12 =	vld [tilespmem:s22+$0x101D0];
	v13 =	vadd.f32 v62, v13;
	[tilespmem:s22+$0x10170] =	vst v15  }
.LBB2_15:
0x377: {  	s3 =	sshra.s32 s17, $0x2;
	[tilespmem:s22+$0xC1F0] =	vst v1;
	v7 =	vadd.f32 v9, v7;
	v9 =	vld [tilespmem:s22+$0x101E0]  }
0x378: {  	s10 =	sadd.s32 $0x4, s10;
	v1 =	vld [tilespmem:s3+$0x81F0];
	[tilespmem:s22+$0x10180] =	vst v13;
	v2 =	vadd.f32 v10, v2  }
0x379: {  	p0 =	slt.u32 s10, $0x7C;
	v10 =	vld [tilespmem:s3+$0x101F0];
	[tilespmem:s22+$0x10190] =	vst v7;
	v3 =	vadd.f32 v11, v3  }
0x37a: {  	v7 =	vld [tilespmem:s3+$0x8000];
	[tilespmem:s22+$0x101A0] =	vst v2;
	v2 =	vadd.f32 v8, v4  }
0x37b: {  	v4 =	vld [tilespmem:s3+$0x8010];
	[tilespmem:s22+$0x101B0] =	vst v3;
	v3 =	vadd.f32 v12, v5  }
0x37c: {  	v5 =	vld [tilespmem:s3+$0x8020];
	[tilespmem:s22+$0x101C0] =	vst v2;
	v2 =	vadd.f32 v9, v6  }
0x37d: {  	v6 =	vld [tilespmem:s3+$0x8030];
	[tilespmem:s22+$0x101D0] =	vst v3  }
0x37e: {  	v3 =	vld [tilespmem:s3+$0x8040];
	v8 =	vadd.f32 v10, v1;
	[tilespmem:s22+$0x101E0] =	vst v2;
	s22 =	smov.u32 s3  }
0x37f: {  	v2 =	vld [tilespmem:s22+$0x8050]  }
0x380: {  	v9 =	vld [tilespmem:s22+$0x8060];
	[tilespmem:s22+$0x101F0] =	vst v8  }
0x381: {  	v8 =	vld [tilespmem:s22+$0x8070]  }
0x382: {  	v10 =	vld [tilespmem:s22+$0xC000]  }
0x383: {  	v11 =	vld [tilespmem:s22+$0xC010]  }
0x384: {  	v12 =	vld [tilespmem:s22+$0xC020]  }
0x385: {  	v13 =	vld [tilespmem:s22+$0xC030]  }
0x386: {  	v14 =	vld [tilespmem:s22+$0xC040]  }
0x387: {  	v10 =	vadd.f32 v10, v7;
	v15 =	vld [tilespmem:s22+$0xC050]  }
0x388: {  	v11 =	vadd.f32 v11, v4;
	v16 =	vld [tilespmem:s22+$0xC060]  }
0x389: {  	[tilespmem:s22+$0xC000] =	vst v10;
	v10 =	vadd.f32 v12, v5;
	v12 =	vld [tilespmem:s22+$0xC070]  }
0x38a: {  	[tilespmem:s22+$0xC010] =	vst v11;
	v11 =	vadd.f32 v13, v6;
	v13 =	vld [tilespmem:s22+$0x10000]  }
0x38b: {  	[tilespmem:s22+$0xC020] =	vst v10;
	v10 =	vadd.f32 v14, v3;
	v14 =	vld [tilespmem:s22+$0x10010]  }
0x38c: {  	[tilespmem:s22+$0xC030] =	vst v11;
	v11 =	vadd.f32 v15, v2;
	v15 =	vld [tilespmem:s22+$0x10020]  }
0x38d: {  	[tilespmem:s22+$0xC040] =	vst v10;
	v10 =	vadd.f32 v16, v9;
	v16 =	vld [tilespmem:s22+$0x10030]  }
0x38e: {  	[tilespmem:s22+$0xC050] =	vst v11;
	v11 =	vadd.f32 v12, v8;
	v12 =	vld [tilespmem:s22+$0x10040]  }
0x38f: {  	[tilespmem:s22+$0xC060] =	vst v10;
	v7 =	vadd.f32 v13, v7;
	v10 =	vld [tilespmem:s22+$0x10050]  }
0x390: {  	[tilespmem:s22+$0xC070] =	vst v11;
	v4 =	vadd.f32 v14, v4;
	v11 =	vld [tilespmem:s22+$0x10060]  }
0x391: {  	[tilespmem:s22+$0x10000] =	vst v7;
	v5 =	vadd.f32 v15, v5;
	v7 =	vld [tilespmem:s22+$0x10070]  }
0x392: {  	[tilespmem:s22+$0x10010] =	vst v4;
	v4 =	vadd.f32 v16, v6;
	v6 =	vld [tilespmem:s22+$0x8080]  }
0x393: {  	[tilespmem:s22+$0x10020] =	vst v5;
	v3 =	vadd.f32 v12, v3;
	v5 =	vld [tilespmem:s22+$0x8090]  }
0x394: {  	[tilespmem:s22+$0x10030] =	vst v4;
	v2 =	vadd.f32 v10, v2;
	v4 =	vld [tilespmem:s22+$0x80A0]  }
0x395: {  	[tilespmem:s22+$0x10040] =	vst v3;
	v3 =	vadd.f32 v11, v9;
	v9 =	vld [tilespmem:s22+$0x80B0]  }
0x396: {  	[tilespmem:s22+$0x10050] =	vst v2;
	v2 =	vadd.f32 v7, v8;
	v7 =	vld [tilespmem:s22+$0x80C0]  }
0x397: {  	[tilespmem:s22+$0x10060] =	vst v3;
	v3 =	vld [tilespmem:s22+$0x80D0]  }
0x398: {  	[tilespmem:s22+$0x10070] =	vst v2;
	v2 =	vld [tilespmem:s22+$0x80E0]  }
0x399: {  	v8 =	vld [tilespmem:s22+$0x80F0]  }
0x39a: {  	v10 =	vld [tilespmem:s22+$0xC080]  }
0x39b: {  	v11 =	vld [tilespmem:s22+$0xC090]  }
0x39c: {  	v12 =	vld [tilespmem:s22+$0xC0A0]  }
0x39d: {  	v13 =	vld [tilespmem:s22+$0xC0B0]  }
0x39e: {  	v14 =	vld [tilespmem:s22+$0xC0C0]  }
0x39f: {  	v10 =	vadd.f32 v10, v6;
	v15 =	vld [tilespmem:s22+$0xC0D0]  }
0x3a0: {  	v11 =	vadd.f32 v11, v5;
	v16 =	vld [tilespmem:s22+$0xC0E0]  }
0x3a1: {  	[tilespmem:s22+$0xC080] =	vst v10;
	v10 =	vadd.f32 v12, v4;
	v12 =	vld [tilespmem:s22+$0xC0F0]  }
0x3a2: {  	[tilespmem:s22+$0xC090] =	vst v11;
	v11 =	vadd.f32 v13, v9;
	v13 =	vld [tilespmem:s22+$0x10080]  }
0x3a3: {  	[tilespmem:s22+$0xC0A0] =	vst v10;
	v10 =	vadd.f32 v14, v7;
	v14 =	vld [tilespmem:s22+$0x10090]  }
0x3a4: {  	[tilespmem:s22+$0xC0B0] =	vst v11;
	v11 =	vadd.f32 v15, v3;
	v15 =	vld [tilespmem:s22+$0x100A0]  }
0x3a5: {  	[tilespmem:s22+$0xC0C0] =	vst v10;
	v10 =	vadd.f32 v16, v2;
	v16 =	vld [tilespmem:s22+$0x100B0]  }
0x3a6: {  	[tilespmem:s22+$0xC0D0] =	vst v11;
	v11 =	vadd.f32 v12, v8;
	v12 =	vld [tilespmem:s22+$0x100C0]  }
0x3a7: {  	[tilespmem:s22+$0xC0E0] =	vst v10;
	v6 =	vadd.f32 v13, v6;
	v10 =	vld [tilespmem:s22+$0x100D0]  }
0x3a8: {  	[tilespmem:s22+$0xC0F0] =	vst v11;
	v5 =	vadd.f32 v14, v5;
	v11 =	vld [tilespmem:s22+$0x100E0]  }
0x3a9: {  	[tilespmem:s22+$0x10080] =	vst v6;
	v4 =	vadd.f32 v15, v4;
	v6 =	vld [tilespmem:s22+$0x100F0]  }
0x3aa: {  	[tilespmem:s22+$0x10090] =	vst v5;
	v5 =	vadd.f32 v16, v9;
	v9 =	vld [tilespmem:s22+$0x8100]  }
0x3ab: {  	[tilespmem:s22+$0x100A0] =	vst v4;
	v4 =	vadd.f32 v12, v7;
	v7 =	vld [tilespmem:s22+$0x8110]  }
0x3ac: {  	[tilespmem:s22+$0x100B0] =	vst v5;
	v3 =	vadd.f32 v10, v3;
	v5 =	vld [tilespmem:s22+$0x8120]  }
0x3ad: {  	[tilespmem:s22+$0x100C0] =	vst v4;
	v2 =	vadd.f32 v11, v2;
	v4 =	vld [tilespmem:s22+$0x8130]  }
0x3ae: {  	[tilespmem:s22+$0x100D0] =	vst v3;
	v3 =	vadd.f32 v6, v8;
	v6 =	vld [tilespmem:s22+$0x8140]  }
0x3af: {  	[tilespmem:s22+$0x100E0] =	vst v2;
	v2 =	vld [tilespmem:s22+$0x8150]  }
0x3b0: {  	[tilespmem:s22+$0x100F0] =	vst v3;
	v3 =	vld [tilespmem:s22+$0x8160]  }
0x3b1: {  	v8 =	vld [tilespmem:s22+$0x8170]  }
0x3b2: {  	v10 =	vld [tilespmem:s22+$0xC100]  }
0x3b3: {  	v11 =	vld [tilespmem:s22+$0xC110]  }
0x3b4: {  	v12 =	vld [tilespmem:s22+$0xC120]  }
0x3b5: {  	v13 =	vld [tilespmem:s22+$0xC130]  }
0x3b6: {  	v14 =	vld [tilespmem:s22+$0xC140]  }
0x3b7: {  	v10 =	vadd.f32 v10, v9;
	v15 =	vld [tilespmem:s22+$0xC150]  }
0x3b8: {  	v11 =	vadd.f32 v11, v7;
	v16 =	vld [tilespmem:s22+$0xC160]  }
0x3b9: {  	[tilespmem:s22+$0xC100] =	vst v10;
	v10 =	vadd.f32 v12, v5;
	v12 =	vld [tilespmem:s22+$0xC170]  }
0x3ba: {  	[tilespmem:s22+$0xC110] =	vst v11;
	v11 =	vadd.f32 v13, v4;
	v13 =	vld [tilespmem:s22+$0x10100]  }
0x3bb: {  	[tilespmem:s22+$0xC120] =	vst v10;
	v10 =	vadd.f32 v14, v6;
	v14 =	vld [tilespmem:s22+$0x10110]  }
0x3bc: {  	[tilespmem:s22+$0xC130] =	vst v11;
	v11 =	vadd.f32 v15, v2;
	v15 =	vld [tilespmem:s22+$0x10120]  }
0x3bd: {  	[tilespmem:s22+$0xC140] =	vst v10;
	v10 =	vadd.f32 v16, v3;
	v16 =	vld [tilespmem:s22+$0x10130]  }
0x3be: {  	[tilespmem:s22+$0xC150] =	vst v11;
	v11 =	vadd.f32 v12, v8;
	v12 =	vld [tilespmem:s22+$0x10140]  }
0x3bf: {  	[tilespmem:s22+$0xC160] =	vst v10;
	v9 =	vadd.f32 v13, v9;
	v10 =	vld [tilespmem:s22+$0x10150]  }
0x3c0: {  	[tilespmem:s22+$0xC170] =	vst v11;
	v7 =	vadd.f32 v14, v7;
	v11 =	vld [tilespmem:s22+$0x10160]  }
0x3c1: {  	[tilespmem:s22+$0x10100] =	vst v9;
	v5 =	vadd.f32 v15, v5;
	v9 =	vld [tilespmem:s22+$0x10170]  }
0x3c2: {  	[tilespmem:s22+$0x10110] =	vst v7;
	v4 =	vadd.f32 v16, v4;
	v13 =	vld [tilespmem:s22+$0x8180]  }
0x3c3: {  	[tilespmem:s22+$0x10120] =	vst v5;
	v5 =	vadd.f32 v12, v6;
	v7 =	vld [tilespmem:s22+$0x8190]  }
0x3c4: {  	[tilespmem:s22+$0x10130] =	vst v4;
	v4 =	vadd.f32 v10, v2;
	v2 =	vld [tilespmem:s22+$0x81A0]  }
0x3c5: {  	[tilespmem:s22+$0x10140] =	vst v5;
	v5 =	vadd.f32 v11, v3;
	v3 =	vld [tilespmem:s22+$0x81B0]  }
0x3c6: {  	[tilespmem:s22+$0x10150] =	vst v4;
	v6 =	vadd.f32 v9, v8;
	v4 =	vld [tilespmem:s22+$0x81C0]  }
0x3c7: {  	[tilespmem:s22+$0x10160] =	vst v5;
	v5 =	vld [tilespmem:s22+$0x81D0]  }
0x3c8: {  	[tilespmem:s22+$0x10170] =	vst v6;
	v6 =	vld [tilespmem:s22+$0x81E0]  }
0x3c9: {  	v8 =	vld [tilespmem:s22+$0xC180]  }
0x3ca: {  	v9 =	vld [tilespmem:s22+$0xC190]  }
0x3cb: {  	v10 =	vld [tilespmem:s22+$0xC1A0]  }
0x3cc: {  	v11 =	vld [tilespmem:s22+$0xC1B0]  }
0x3cd: {  	v12 =	vld [tilespmem:s22+$0xC1C0]  }
0x3ce: {  	v8 =	vadd.f32 v8, v13;
	v14 =	vld [tilespmem:s22+$0xC1D0]  }
0x3cf: {  	v9 =	vadd.f32 v9, v7;
	v15 =	vld [tilespmem:s22+$0xC1E0]  }
0x3d0: {  	[tilespmem:s22+$0xC180] =	vst v8;
	v8 =	vadd.f32 v10, v2;
	v16 =	vld [tilespmem:s22+$0xC1F0]  }
0x3d1: {  	[tilespmem:s22+$0xC190] =	vst v9;
	v10 =	vadd.f32 v11, v3;
	v17 =	vld [tilespmem:s22+$0x10180]  }
.Ltmp6:
0x3d2: {  	[tilespmem:s22+$0xC1A0] =	vst v8;
	v8 =	vadd.f32 v12, v4;
	v9 =	vld [tilespmem:s22+$0x10190];
	(pc) =	sbr.rel @p0 .LBB2_15-.Ltmp6, $4  }
0x3d3: {  	[tilespmem:s22+$0xC1B0] =	vst v10;
	v12 =	vadd.f32 v14, v5;
	v10 =	vld [tilespmem:s22+$0x101A0]  }
0x3d4: {  	[tilespmem:s22+$0xC1C0] =	vst v8;
	v14 =	vadd.f32 v15, v6;
	v11 =	vld [tilespmem:s22+$0x101B0]  }
0x3d5: {  	[tilespmem:s22+$0xC1D0] =	vst v12;
	v1 =	vadd.f32 v16, v1;
	v8 =	vld [tilespmem:s22+$0x101C0]  }
0x3d6: {  	s17 =	sadd.s32 $0x800, s17;
	[tilespmem:s22+$0xC1E0] =	vst v14;
	v13 =	vadd.f32 v17, v13;
	v12 =	vld [tilespmem:s22+$0x101D0]  }
0x3d7: {  	[tilespmem:s22+$0xC1F0] =	vst v1;
	v1 =	vadd.f32 v9, v7;
	v7 =	vld [tilespmem:s22+$0x101E0]  }
0x3d8: {  	[tilespmem:s22+$0x10180] =	vst v13;
	v2 =	vadd.f32 v10, v2  }
0x3d9: {  	[tilespmem:s22+$0x10190] =	vst v1;
	v1 =	vadd.f32 v11, v3  }
0x3da: {  	[tilespmem:s22+$0x101A0] =	vst v2;
	v2 =	vadd.f32 v8, v4  }
0x3db: {  	[tilespmem:s22+$0x101B0] =	vst v1;
	v1 =	vadd.f32 v12, v5  }
0x3dc: {  	[tilespmem:s22+$0x101C0] =	vst v2;
	v2 =	vadd.f32 v7, v6  }
0x3dd: {  	[tilespmem:s22+$0x101D0] =	vst v1  }
0x3de: {  	s3 =	sadd.s32 s5, s14;
	[tilespmem:s22+$0x101E0] =	vst v2  }
0x3df: {  	[hbm4b:s3+s18] =	stream.strided.scatter [tilespmem:s21], [sflag:$0x5], $0x4000, s20, s18, $0x38;
	[tilespmem:$0x1C080] =	vst v63  }
0x3e0: {  	p0 =	seq.s32 s16, $0x7;
	s3 =	sadd.s32 $0x100000, s3  }
0x3e1: {  	[hbm4b:s3+s18] =	stream.strided.scatter [tilespmem:s23], [sflag:$0x5], $0x4000, s20, s18, $0x38;
	[tilespmem:$0x1C080] =	vst v63  }
0x3e2: {  	s3 =	sadd.s32 @!p0 s8, s12  }
0x3e3: {  	s8 =	sshll.u32 @!p0 s3, $0xB  }
0x3e4: {  	s10 =	simm.s32 @!p0 $0x400;
	_ =	swait.ge [sflag:s29], $0x8000;
	s8 =	sor.u32 @!p0 s6, s8  }
0x3e5: {  	s14 =	simm.s32 @!p0 $0x4000;
	[sflag:s29] =	ssyncset.done $0x0;
	s8 =	sshrl.u32 @!p0 s8, $0x3  }
0x3e6: {  	s17 =	simm.s32 @!p0 $0x0;
	[sflag:s29] =	ssyncadd.s32 $0xFFFF8000;
	s8 =	sadd.s32 @!p0 s2, s8  }
0x3e7: {  	[tilespmem:s17], [sflag:$0x1] =	stream.strided.gather @!p0 [hbm4b:s8+s10], $0x4000, s14, s10, $0x38;
	[tilespmem:$0x1C080] =	vst v63  }
0x3e8: {  	s3 =	sadd.s32 @!p0 s3, s13;
	s8 =	simm.s32 @!p0 $0x8000;
	s14 =	simm.s32 @!p0 $0xC000  }
0x3e9: {  	[tilespmem:s14], [sflag:$0x3] =	stream.strided.gather @!p0 [hbm4b:s3+s10], $0x4000, s8, s10, $0x38;
	[tilespmem:$0x1C080] =	vst v63  }
0x3ea: {  	s3 =	sadd.s32 @!p0 $0x100000, s3;
	s14 =	simm.s32 @!p0 $0x10000  }
0x3eb: {  	[tilespmem:s14], [sflag:$0x3] =	stream.strided.gather @!p0 [hbm4b:s3+s10], $0x4000, s8, s10, $0x38;
	[tilespmem:$0x1C080] =	vst v63  }
0x3ec: {  	_ =	swait.ge [sflag:s30], $0x8000  }
0x3ed: {  	[sflag:s30] =	ssyncset.done $0x0  }
0x3ee: {  	s8 =	simm.s32 $0x0;
	[sflag:s30] =	ssyncadd.s32 $0xFFFF8000  }
0x3ef: {  	v5 =	vld [tilespmem:s8+$0x8000]  }
0x3f0: {  	v6 =	vld [tilespmem:s8+$0x8010]  }
0x3f1: {  	v7 =	vld [tilespmem:s8+$0x8020]  }
0x3f2: {  	v9 =	vld [tilespmem:s8+$0x8030]  }
0x3f3: {  	v10 =	vld [tilespmem:s8+$0x8040]  }
0x3f4: {  	v4 =	vld [tilespmem:s8+$0x8050]  }
0x3f5: {  	v2 =	vld [tilespmem:s8+$0x8060]  }
0x3f6: {  	v3 =	vld [tilespmem:s8+$0x8070]  }
0x3f7: {  	v1 =	vld [tilespmem:s8+$0x14000]  }
0x3f8: {  	v8 =	vld [tilespmem:s8+$0x14010]  }
0x3f9: {  	v11 =	vld [tilespmem:s8+$0x14020]  }
0x3fa: {  	v12 =	vld [tilespmem:s8+$0x14030]  }
0x3fb: {  	v13 =	vld [tilespmem:s8+$0x14040]  }
0x3fc: {  	v14 =	vld [tilespmem:s8+$0x14050]  }
0x3fd: {  	v15 =	vld [tilespmem:s8+$0x14060]  }
0x3fe: {  	v16 =	vld [tilespmem:s8+$0x14070]  }
0x3ff: {  	v17 =	vld [tilespmem:s8+$0x181F0]  }
0x400: {  	v18 =	vld [tilespmem:s8+$0x8080]  }
0x401: {  	v19 =	vld [tilespmem:s8+$0x8090]  }
0x402: {  	v20 =	vld [tilespmem:s8+$0x80A0]  }
0x403: {  	v21 =	vld [tilespmem:s8+$0x80B0]  }
0x404: {  	v22 =	vld [tilespmem:s8+$0x80C0]  }
0x405: {  	v23 =	vld [tilespmem:s8+$0x80D0]  }
0x406: {  	v24 =	vld [tilespmem:s8+$0x80E0]  }
0x407: {  	v25 =	vld [tilespmem:s8+$0x80F0]  }
0x408: {  	v26 =	vld [tilespmem:s8+$0x14080]  }
0x409: {  	v27 =	vld [tilespmem:s8+$0x14090]  }
0x40a: {  	v28 =	vld [tilespmem:s8+$0x140A0]  }
0x40b: {  	v29 =	vld [tilespmem:s8+$0x140B0]  }
0x40c: {  	v30 =	vld [tilespmem:s8+$0x140C0]  }
0x40d: {  	v54 =	vld [tilespmem:s8+$0x140D0]  }
0x40e: {  	v31 =	vld [tilespmem:s8+$0x18070]  }
0x40f: {  	v32 =	vld [tilespmem:s8+$0x140F0]  }
0x410: {  	v33 =	vld [tilespmem:s8+$0x8100]  }
0x411: {  	v34 =	vld [tilespmem:s8+$0x8110]  }
0x412: {  	v35 =	vld [tilespmem:s8+$0x8120]  }
0x413: {  	v36 =	vld [tilespmem:s8+$0x8130]  }
0x414: {  	v40 =	vld [tilespmem:s8+$0x14100];
	v1 =	vadd.f32 v1, v5  }
0x415: {  	v37 =	vld [tilespmem:s8+$0x8140];
	v8 =	vadd.f32 v8, v6  }
0x416: {  	v41 =	vld [tilespmem:s8+$0x14110];
	v15 =	vadd.f32 v15, v2;
	[tilespmem:s8+$0x14000] =	vst v1  }
0x417: {  	v38 =	vld [tilespmem:s8+$0x8150];
	v16 =	vadd.f32 v16, v3;
	[tilespmem:s8+$0x14010] =	vst v8  }
0x418: {  	v42 =	vld [tilespmem:s8+$0x14120];
	v27 =	vadd.f32 v27, v19;
	[tilespmem:s8+$0x14060] =	vst v15  }
0x419: {  	v39 =	vld [tilespmem:s8+$0x8160];
	v55 =	vadd.f32 v40, v33;
	[tilespmem:s8+$0x14070] =	vst v16  }
0x41a: {  	v43 =	vld [tilespmem:s8+$0x14130];
	v28 =	vadd.f32 v28, v20;
	[tilespmem:s8+$0x14090] =	vst v27  }
0x41b: {  	v44 =	vld [tilespmem:s8+$0x14140];
	v41 =	vadd.f32 v41, v34;
	[tilespmem:s8+$0x14100] =	vst v55  }
0x41c: {  	v56 =	vld [tilespmem:s8+$0x14150];
	v29 =	vadd.f32 v29, v21;
	[tilespmem:s8+$0x140A0] =	vst v28  }
0x41d: {  	v57 =	vld [tilespmem:s8+$0x14160];
	v42 =	vadd.f32 v42, v35;
	[tilespmem:s8+$0x14110] =	vst v41  }
0x41e: {  	v58 =	vld [tilespmem:s8+$0x18080];
	v30 =	vadd.f32 v30, v22;
	[tilespmem:s8+$0x140B0] =	vst v29  }
0x41f: {  	v59 =	vld [tilespmem:s8+$0x14170];
	v43 =	vadd.f32 v43, v36;
	[tilespmem:s8+$0x14120] =	vst v42  }
0x420: {  	v60 =	vld [tilespmem:s8+$0x18090];
	v44 =	vadd.f32 v44, v37;
	[tilespmem:s8+$0x140C0] =	vst v30  }
0x421: {  	v61 =	vld [tilespmem:s8+$0x18100];
	v40 =	vadd.f32 v56, v38;
	[tilespmem:s8+$0x14130] =	vst v43  }
0x422: {  	v32 =	vadd.f32 v32, v25;
	v8 =	vld [tilespmem:s8+$0x18000];
	[tilespmem:s8+$0x14140] =	vst v44  }
0x423: {  	v62 =	vld [tilespmem:s8+$0x180A0];
	v1 =	vadd.f32 v11, v7;
	[tilespmem:s8+$0x14150] =	vst v40  }
0x424: {  	v63 =	vld [tilespmem:s8+$0x18110];
	v11 =	vadd.f32 v12, v9;
	[tilespmem:s8+$0x140F0] =	vst v32  }
0x425: {  	v12 =	vld [tilespmem:s8+$0x18010];
	[tilespmem:s8+$0x14020] =	vst v1;
	v1 =	vadd.f32 v13, v10  }
0x426: {  	v15 =	vld [tilespmem:s8+$0x18050];
	[tilespmem:s8+$0x14030] =	vst v11;
	v13 =	vadd.f32 v14, v4  }
0x427: {  	v11 =	vld [tilespmem:s8+$0x18020];
	[tilespmem:s8+$0x14040] =	vst v1;
	v5 =	vadd.f32 v8, v5  }
0x428: {  	[tilespmem:s8+$0x14050] =	vst v13;
	v1 =	vld [tilespmem:s8+$0x81F0];
	v8 =	vadd.f32 v26, v18  }
0x429: {  	v13 =	vld [tilespmem:s8+$0x18040];
	v26 =	vadd.f32 v54, v23;
	[tilespmem:s8+$0x18000] =	vst v5  }
0x42a: {  	v48 =	vld [tilespmem:s8+$0x180B0];
	v6 =	vadd.f32 v12, v6;
	[tilespmem:s8+$0x14080] =	vst v8  }
0x42b: {  	v12 =	vld [tilespmem:s8+$0x18150];
	v4 =	vadd.f32 v15, v4;
	[tilespmem:s8+$0x140D0] =	vst v26  }
0x42c: {  	v49 =	vld [tilespmem:s8+$0x18120];
	v7 =	vadd.f32 v11, v7;
	[tilespmem:s8+$0x18010] =	vst v6  }
0x42d: {  	v50 =	vld [tilespmem:s8+$0x180C0];
	[tilespmem:s8+$0x18050] =	vst v4;
	v17 =	vadd.f32 v17, v1  }
0x42e: {  	v45 =	vld [tilespmem:s8+$0x18130];
	[tilespmem:s8+$0x18020] =	vst v7;
	v6 =	vadd.f32 v13, v10  }
0x42f: {  	v5 =	vld [tilespmem:s8+$0x140E0];
	v10 =	vadd.f32 v62, v20;
	[tilespmem:s8+$0x181F0] =	vst v17  }
0x430: {  	v53 =	vld [tilespmem:s8+$0x180E0];
	v12 =	vadd.f32 v12, v38;
	[tilespmem:s8+$0x18040] =	vst v6  }
0x431: {  	v51 =	vld [tilespmem:s8+$0x180D0];
	v17 =	vadd.f32 v58, v18;
	[tilespmem:s8+$0x180A0] =	vst v10  }
0x432: {  	v56 =	vld [tilespmem:s8+$0x141C0];
	v6 =	vadd.f32 v31, v3;
	[tilespmem:s8+$0x18150] =	vst v12  }
0x433: {  	v4 =	vld [tilespmem:s8+$0x81C0];
	v10 =	vadd.f32 v50, v22;
	[tilespmem:s8+$0x18080] =	vst v17  }
0x434: {  	v8 =	vld [tilespmem:s8+$0x8170];
	v5 =	vadd.f32 v5, v24;
	[tilespmem:s8+$0x18070] =	vst v6  }
0x435: {  	v52 =	vld [tilespmem:s8+$0x18140];
	[tilespmem:s8+$0x180C0] =	vst v10;
	v10 =	vadd.f32 v53, v24  }
0x436: {  	v14 =	vld [tilespmem:s8+$0x18030];
	[tilespmem:s8+$0x140E0] =	vst v5;
	v5 =	vadd.f32 v57, v39  }
0x437: {  	v16 =	vld [tilespmem:s8+$0x18060];
	v57 =	vadd.f32 v63, v34;
	[tilespmem:s8+$0x180E0] =	vst v10  }
0x438: {  	v55 =	vld [tilespmem:s8+$0x141A0];
	v63 =	vadd.f32 v56, v4;
	[tilespmem:s8+$0x14160] =	vst v5  }
0x439: {  	v15 =	vld [tilespmem:s8+$0x14180];
	v5 =	vadd.f32 v59, v8;
	[tilespmem:s8+$0x18110] =	vst v57  }
0x43a: {  	v54 =	vld [tilespmem:s8+$0x14190];
	v10 =	vadd.f32 v61, v33;
	[tilespmem:s8+$0x141C0] =	vst v63  }
0x43b: {  	v11 =	vld [tilespmem:s8+$0x180F0];
	[tilespmem:s8+$0x14170] =	vst v5;
	v5 =	vadd.f32 v14, v9;
	v9 =	vadd.f32 v60, v19  }
0x43c: {  	v13 =	vld [tilespmem:s8+$0x8180];
	v61 =	vadd.f32 v45, v36;
	[tilespmem:s8+$0x18100] =	vst v10  }
0x43d: {  	v7 =	vld [tilespmem:s8+$0x8190];
	[tilespmem:s8+$0x18090] =	vst v9;
	v9 =	vadd.f32 v48, v21  }
0x43e: {  	v58 =	vld [tilespmem:s8+$0x141E0];
	[tilespmem:s8+$0x18130] =	vst v61  }
0x43f: {  	v6 =	vld [tilespmem:s8+$0x81E0];
	[tilespmem:s8+$0x180B0] =	vst v9;
	v9 =	vadd.f32 v51, v23  }
0x440: {  	v3 =	vld [tilespmem:s8+$0x81B0];
	[tilespmem:s8+$0x18030] =	vst v5;
	v5 =	vadd.f32 v16, v2  }
0x441: {  	[tilespmem:s8+$0x180D0] =	vst v9;
	v9 =	vadd.f32 v11, v25;
	v11 =	vld [tilespmem:s8+$0x141B0]  }
0x442: {  	v10 =	vadd.f32 v49, v35;
	v2 =	vld [tilespmem:s8+$0x81A0];
	[tilespmem:s8+$0x18060] =	vst v5  }
0x443: {  	v5 =	vld [tilespmem:s8+$0x81D0];
	[tilespmem:s8+$0x180F0] =	vst v9;
	v9 =	vadd.f32 v15, v13  }
0x444: {  	v12 =	vadd.f32 v58, v6;
	[tilespmem:s8+$0x18120] =	vst v10;
	v15 =	vld [tilespmem:s8+$0x141D0]  }
0x445: {  	v14 =	vld [tilespmem:s8+$0x18160];
	[tilespmem:s8+$0x14180] =	vst v9;
	v9 =	vadd.f32 v54, v7  }
0x446: {  	v59 =	vld [tilespmem:s8+$0x18170];
	[tilespmem:s8+$0x141E0] =	vst v12;
	v10 =	vadd.f32 v11, v3  }
0x447: {  	v60 =	vld [tilespmem:s8+$0x141F0];
	[tilespmem:s8+$0x14190] =	vst v9;
	v9 =	vadd.f32 v55, v2  }
0x448: {  	v62 =	vld [tilespmem:s8+$0x18180];
	v11 =	vadd.f32 v52, v37;
	[tilespmem:s8+$0x141B0] =	vst v10  }
0x449: {  	v15 =	vadd.f32 v15, v5;
	[tilespmem:s8+$0x141A0] =	vst v9;
	v9 =	vld [tilespmem:s8+$0x18190]  }
0x44a: {  	v14 =	vadd.f32 v14, v39;
	[tilespmem:s8+$0x18140] =	vst v11;
	v10 =	vld [tilespmem:s8+$0x181A0]  }
0x44b: {  	v11 =	vld [tilespmem:s8+$0x181B0];
	[tilespmem:s8+$0x141D0] =	vst v15;
	v15 =	vadd.f32 v59, v8  }
0x44c: {  	v1 =	vadd.f32 v60, v1;
	[tilespmem:s8+$0x18160] =	vst v14;
	v8 =	vld [tilespmem:s8+$0x181C0]  }
0x44d: {  	s10 =	simm.s32 $0x0;
	s14 =	simm.s32 $0x800;
	v12 =	vld [tilespmem:s8+$0x181D0];
	v13 =	vadd.f32 v62, v13;
	[tilespmem:s8+$0x18170] =	vst v15  }
.LBB2_17:
0x44e: {  	s3 =	sshra.s32 s14, $0x2;
	[tilespmem:s8+$0x141F0] =	vst v1;
	v7 =	vadd.f32 v9, v7;
	v9 =	vld [tilespmem:s8+$0x181E0]  }
0x44f: {  	s10 =	sadd.s32 $0x4, s10;
	v1 =	vld [tilespmem:s3+$0x81F0];
	[tilespmem:s8+$0x18180] =	vst v13;
	v2 =	vadd.f32 v10, v2  }
0x450: {  	p0 =	slt.u32 s10, $0x7C;
	v10 =	vld [tilespmem:s3+$0x181F0];
	[tilespmem:s8+$0x18190] =	vst v7;
	v3 =	vadd.f32 v11, v3  }
0x451: {  	v7 =	vld [tilespmem:s3+$0x8000];
	[tilespmem:s8+$0x181A0] =	vst v2;
	v2 =	vadd.f32 v8, v4  }
0x452: {  	v4 =	vld [tilespmem:s3+$0x8010];
	[tilespmem:s8+$0x181B0] =	vst v3;
	v3 =	vadd.f32 v12, v5  }
0x453: {  	v5 =	vld [tilespmem:s3+$0x8020];
	[tilespmem:s8+$0x181C0] =	vst v2;
	v2 =	vadd.f32 v9, v6  }
0x454: {  	v6 =	vld [tilespmem:s3+$0x8030];
	[tilespmem:s8+$0x181D0] =	vst v3  }
0x455: {  	v3 =	vld [tilespmem:s3+$0x8040];
	v8 =	vadd.f32 v10, v1;
	[tilespmem:s8+$0x181E0] =	vst v2;
	s8 =	smov.u32 s3  }
0x456: {  	v2 =	vld [tilespmem:s8+$0x8050]  }
0x457: {  	v9 =	vld [tilespmem:s8+$0x8060];
	[tilespmem:s8+$0x181F0] =	vst v8  }
0x458: {  	v8 =	vld [tilespmem:s8+$0x8070]  }
0x459: {  	v10 =	vld [tilespmem:s8+$0x14000]  }
0x45a: {  	v11 =	vld [tilespmem:s8+$0x14010]  }
0x45b: {  	v12 =	vld [tilespmem:s8+$0x14020]  }
0x45c: {  	v13 =	vld [tilespmem:s8+$0x14030]  }
0x45d: {  	v14 =	vld [tilespmem:s8+$0x14040]  }
0x45e: {  	v10 =	vadd.f32 v10, v7;
	v15 =	vld [tilespmem:s8+$0x14050]  }
0x45f: {  	v11 =	vadd.f32 v11, v4;
	v16 =	vld [tilespmem:s8+$0x14060]  }
0x460: {  	[tilespmem:s8+$0x14000] =	vst v10;
	v10 =	vadd.f32 v12, v5;
	v12 =	vld [tilespmem:s8+$0x14070]  }
0x461: {  	[tilespmem:s8+$0x14010] =	vst v11;
	v11 =	vadd.f32 v13, v6;
	v13 =	vld [tilespmem:s8+$0x18000]  }
0x462: {  	[tilespmem:s8+$0x14020] =	vst v10;
	v10 =	vadd.f32 v14, v3;
	v14 =	vld [tilespmem:s8+$0x18010]  }
0x463: {  	[tilespmem:s8+$0x14030] =	vst v11;
	v11 =	vadd.f32 v15, v2;
	v15 =	vld [tilespmem:s8+$0x18020]  }
0x464: {  	[tilespmem:s8+$0x14040] =	vst v10;
	v10 =	vadd.f32 v16, v9;
	v16 =	vld [tilespmem:s8+$0x18030]  }
0x465: {  	[tilespmem:s8+$0x14050] =	vst v11;
	v11 =	vadd.f32 v12, v8;
	v12 =	vld [tilespmem:s8+$0x18040]  }
0x466: {  	[tilespmem:s8+$0x14060] =	vst v10;
	v7 =	vadd.f32 v13, v7;
	v10 =	vld [tilespmem:s8+$0x18050]  }
0x467: {  	[tilespmem:s8+$0x14070] =	vst v11;
	v4 =	vadd.f32 v14, v4;
	v11 =	vld [tilespmem:s8+$0x18060]  }
0x468: {  	[tilespmem:s8+$0x18000] =	vst v7;
	v5 =	vadd.f32 v15, v5;
	v7 =	vld [tilespmem:s8+$0x18070]  }
0x469: {  	[tilespmem:s8+$0x18010] =	vst v4;
	v4 =	vadd.f32 v16, v6;
	v6 =	vld [tilespmem:s8+$0x8080]  }
0x46a: {  	[tilespmem:s8+$0x18020] =	vst v5;
	v3 =	vadd.f32 v12, v3;
	v5 =	vld [tilespmem:s8+$0x8090]  }
0x46b: {  	[tilespmem:s8+$0x18030] =	vst v4;
	v2 =	vadd.f32 v10, v2;
	v4 =	vld [tilespmem:s8+$0x80A0]  }
0x46c: {  	[tilespmem:s8+$0x18040] =	vst v3;
	v3 =	vadd.f32 v11, v9;
	v9 =	vld [tilespmem:s8+$0x80B0]  }
0x46d: {  	[tilespmem:s8+$0x18050] =	vst v2;
	v2 =	vadd.f32 v7, v8;
	v7 =	vld [tilespmem:s8+$0x80C0]  }
0x46e: {  	[tilespmem:s8+$0x18060] =	vst v3;
	v3 =	vld [tilespmem:s8+$0x80D0]  }
0x46f: {  	[tilespmem:s8+$0x18070] =	vst v2;
	v2 =	vld [tilespmem:s8+$0x80E0]  }
0x470: {  	v8 =	vld [tilespmem:s8+$0x80F0]  }
0x471: {  	v10 =	vld [tilespmem:s8+$0x14080]  }
0x472: {  	v11 =	vld [tilespmem:s8+$0x14090]  }
0x473: {  	v12 =	vld [tilespmem:s8+$0x140A0]  }
0x474: {  	v13 =	vld [tilespmem:s8+$0x140B0]  }
0x475: {  	v14 =	vld [tilespmem:s8+$0x140C0]  }
0x476: {  	v10 =	vadd.f32 v10, v6;
	v15 =	vld [tilespmem:s8+$0x140D0]  }
0x477: {  	v11 =	vadd.f32 v11, v5;
	v16 =	vld [tilespmem:s8+$0x140E0]  }
0x478: {  	[tilespmem:s8+$0x14080] =	vst v10;
	v10 =	vadd.f32 v12, v4;
	v12 =	vld [tilespmem:s8+$0x140F0]  }
0x479: {  	[tilespmem:s8+$0x14090] =	vst v11;
	v11 =	vadd.f32 v13, v9;
	v13 =	vld [tilespmem:s8+$0x18080]  }
0x47a: {  	[tilespmem:s8+$0x140A0] =	vst v10;
	v10 =	vadd.f32 v14, v7;
	v14 =	vld [tilespmem:s8+$0x18090]  }
0x47b: {  	[tilespmem:s8+$0x140B0] =	vst v11;
	v11 =	vadd.f32 v15, v3;
	v15 =	vld [tilespmem:s8+$0x180A0]  }
0x47c: {  	[tilespmem:s8+$0x140C0] =	vst v10;
	v10 =	vadd.f32 v16, v2;
	v16 =	vld [tilespmem:s8+$0x180B0]  }
0x47d: {  	[tilespmem:s8+$0x140D0] =	vst v11;
	v11 =	vadd.f32 v12, v8;
	v12 =	vld [tilespmem:s8+$0x180C0]  }
0x47e: {  	[tilespmem:s8+$0x140E0] =	vst v10;
	v6 =	vadd.f32 v13, v6;
	v10 =	vld [tilespmem:s8+$0x180D0]  }
0x47f: {  	[tilespmem:s8+$0x140F0] =	vst v11;
	v5 =	vadd.f32 v14, v5;
	v11 =	vld [tilespmem:s8+$0x180E0]  }
0x480: {  	[tilespmem:s8+$0x18080] =	vst v6;
	v4 =	vadd.f32 v15, v4;
	v6 =	vld [tilespmem:s8+$0x180F0]  }
0x481: {  	[tilespmem:s8+$0x18090] =	vst v5;
	v5 =	vadd.f32 v16, v9;
	v9 =	vld [tilespmem:s8+$0x8100]  }
0x482: {  	[tilespmem:s8+$0x180A0] =	vst v4;
	v4 =	vadd.f32 v12, v7;
	v7 =	vld [tilespmem:s8+$0x8110]  }
0x483: {  	[tilespmem:s8+$0x180B0] =	vst v5;
	v3 =	vadd.f32 v10, v3;
	v5 =	vld [tilespmem:s8+$0x8120]  }
0x484: {  	[tilespmem:s8+$0x180C0] =	vst v4;
	v2 =	vadd.f32 v11, v2;
	v4 =	vld [tilespmem:s8+$0x8130]  }
0x485: {  	[tilespmem:s8+$0x180D0] =	vst v3;
	v3 =	vadd.f32 v6, v8;
	v6 =	vld [tilespmem:s8+$0x8140]  }
0x486: {  	[tilespmem:s8+$0x180E0] =	vst v2;
	v2 =	vld [tilespmem:s8+$0x8150]  }
0x487: {  	[tilespmem:s8+$0x180F0] =	vst v3;
	v3 =	vld [tilespmem:s8+$0x8160]  }
0x488: {  	v8 =	vld [tilespmem:s8+$0x8170]  }
0x489: {  	v10 =	vld [tilespmem:s8+$0x14100]  }
0x48a: {  	v11 =	vld [tilespmem:s8+$0x14110]  }
0x48b: {  	v12 =	vld [tilespmem:s8+$0x14120]  }
0x48c: {  	v13 =	vld [tilespmem:s8+$0x14130]  }
0x48d: {  	v14 =	vld [tilespmem:s8+$0x14140]  }
0x48e: {  	v10 =	vadd.f32 v10, v9;
	v15 =	vld [tilespmem:s8+$0x14150]  }
0x48f: {  	v11 =	vadd.f32 v11, v7;
	v16 =	vld [tilespmem:s8+$0x14160]  }
0x490: {  	[tilespmem:s8+$0x14100] =	vst v10;
	v10 =	vadd.f32 v12, v5;
	v12 =	vld [tilespmem:s8+$0x14170]  }
0x491: {  	[tilespmem:s8+$0x14110] =	vst v11;
	v11 =	vadd.f32 v13, v4;
	v13 =	vld [tilespmem:s8+$0x18100]  }
0x492: {  	[tilespmem:s8+$0x14120] =	vst v10;
	v10 =	vadd.f32 v14, v6;
	v14 =	vld [tilespmem:s8+$0x18110]  }
0x493: {  	[tilespmem:s8+$0x14130] =	vst v11;
	v11 =	vadd.f32 v15, v2;
	v15 =	vld [tilespmem:s8+$0x18120]  }
0x494: {  	[tilespmem:s8+$0x14140] =	vst v10;
	v10 =	vadd.f32 v16, v3;
	v16 =	vld [tilespmem:s8+$0x18130]  }
0x495: {  	[tilespmem:s8+$0x14150] =	vst v11;
	v11 =	vadd.f32 v12, v8;
	v12 =	vld [tilespmem:s8+$0x18140]  }
0x496: {  	[tilespmem:s8+$0x14160] =	vst v10;
	v9 =	vadd.f32 v13, v9;
	v10 =	vld [tilespmem:s8+$0x18150]  }
0x497: {  	[tilespmem:s8+$0x14170] =	vst v11;
	v7 =	vadd.f32 v14, v7;
	v11 =	vld [tilespmem:s8+$0x18160]  }
0x498: {  	[tilespmem:s8+$0x18100] =	vst v9;
	v5 =	vadd.f32 v15, v5;
	v9 =	vld [tilespmem:s8+$0x18170]  }
0x499: {  	[tilespmem:s8+$0x18110] =	vst v7;
	v4 =	vadd.f32 v16, v4;
	v13 =	vld [tilespmem:s8+$0x8180]  }
0x49a: {  	[tilespmem:s8+$0x18120] =	vst v5;
	v5 =	vadd.f32 v12, v6;
	v7 =	vld [tilespmem:s8+$0x8190]  }
0x49b: {  	[tilespmem:s8+$0x18130] =	vst v4;
	v4 =	vadd.f32 v10, v2;
	v2 =	vld [tilespmem:s8+$0x81A0]  }
0x49c: {  	[tilespmem:s8+$0x18140] =	vst v5;
	v5 =	vadd.f32 v11, v3;
	v3 =	vld [tilespmem:s8+$0x81B0]  }
0x49d: {  	[tilespmem:s8+$0x18150] =	vst v4;
	v6 =	vadd.f32 v9, v8;
	v4 =	vld [tilespmem:s8+$0x81C0]  }
0x49e: {  	[tilespmem:s8+$0x18160] =	vst v5;
	v5 =	vld [tilespmem:s8+$0x81D0]  }
0x49f: {  	[tilespmem:s8+$0x18170] =	vst v6;
	v6 =	vld [tilespmem:s8+$0x81E0]  }
0x4a0: {  	v8 =	vld [tilespmem:s8+$0x14180]  }
0x4a1: {  	v9 =	vld [tilespmem:s8+$0x14190]  }
0x4a2: {  	v10 =	vld [tilespmem:s8+$0x141A0]  }
0x4a3: {  	v11 =	vld [tilespmem:s8+$0x141B0]  }
0x4a4: {  	v12 =	vld [tilespmem:s8+$0x141C0]  }
0x4a5: {  	v8 =	vadd.f32 v8, v13;
	v14 =	vld [tilespmem:s8+$0x141D0]  }
0x4a6: {  	v9 =	vadd.f32 v9, v7;
	v15 =	vld [tilespmem:s8+$0x141E0]  }
0x4a7: {  	[tilespmem:s8+$0x14180] =	vst v8;
	v8 =	vadd.f32 v10, v2;
	v16 =	vld [tilespmem:s8+$0x141F0]  }
0x4a8: {  	[tilespmem:s8+$0x14190] =	vst v9;
	v10 =	vadd.f32 v11, v3;
	v17 =	vld [tilespmem:s8+$0x18180]  }
.Ltmp7:
0x4a9: {  	[tilespmem:s8+$0x141A0] =	vst v8;
	v8 =	vadd.f32 v12, v4;
	v9 =	vld [tilespmem:s8+$0x18190];
	(pc) =	sbr.rel @p0 .LBB2_17-.Ltmp7, $4  }
0x4aa: {  	[tilespmem:s8+$0x141B0] =	vst v10;
	v12 =	vadd.f32 v14, v5;
	v10 =	vld [tilespmem:s8+$0x181A0]  }
0x4ab: {  	[tilespmem:s8+$0x141C0] =	vst v8;
	v14 =	vadd.f32 v15, v6;
	v11 =	vld [tilespmem:s8+$0x181B0]  }
0x4ac: {  	[tilespmem:s8+$0x141D0] =	vst v12;
	v1 =	vadd.f32 v16, v1;
	v8 =	vld [tilespmem:s8+$0x181C0]  }
0x4ad: {  	s14 =	sadd.s32 $0x800, s14;
	[tilespmem:s8+$0x141E0] =	vst v14;
	v13 =	vadd.f32 v17, v13;
	v12 =	vld [tilespmem:s8+$0x181D0]  }
0x4ae: {  	[tilespmem:s8+$0x141F0] =	vst v1;
	v1 =	vadd.f32 v9, v7;
	v63 =	vld [tilespmem:s8+$0x181E0]  }
0x4af: {  	[tilespmem:s8+$0x18180] =	vst v13;
	v2 =	vadd.f32 v10, v2  }
0x4b0: {  	[tilespmem:s8+$0x18190] =	vst v1;
	v1 =	vadd.f32 v11, v3  }
0x4b1: {  	[tilespmem:s8+$0x181A0] =	vst v2;
	v2 =	vadd.f32 v8, v4  }
0x4b2: {  	s16 =	sadd.s32 $0x1, s16;
	[tilespmem:s8+$0x181B0] =	vst v1;
	v1 =	vadd.f32 v12, v5  }
0x4b3: {  	p0 =	sne.s32 s16, $0x8;
	[tilespmem:s8+$0x181C0] =	vst v2;
	v2 =	vadd.f32 v63, v6  }
.Ltmp8:
0x4b4: {  	[tilespmem:s8+$0x181D0] =	vst v1;
	(pc) =	sbr.rel @p0 .LBB2_2-.Ltmp8, $4  }
0x4b5: {  	s3 =	sadd.s32 s5, s9;
	[tilespmem:s8+$0x181E0] =	vst v2  }
0x4b6: {  	[hbm4b:s3+s18] =	stream.strided.scatter [tilespmem:s24], [sflag:$0x6], $0x4000, s20, s18, $0x38;
	[tilespmem:$0x1C080] =	vst v63  }
0x4b7: {  	s3 =	sadd.s32 $0x100000, s3  }
0x4b8: {  	[hbm4b:s3+s18] =	stream.strided.scatter [tilespmem:s25], [sflag:$0x6], $0x4000, s20, s18, $0x38;
	[tilespmem:$0x1C080] =	vst v63  }
0x4b9: {  	_ =	swait.ge [sflag:s31], $0x8000  }
0x4ba: {  	s8 =	rddreg [dreg:$0xa]  }
0x4bb: {  	s3 =	rddreg [dreg:$0x8];
	s8 =	sadd.s32 $0x1, s8  }
0x4bc: {  	p0 =	sne.s32 s8, s3  }
.Ltmp9:
0x4bd: {  	_ = 	snop;
	(pc) =	sbr.rel @p0 .LBB2_1-.Ltmp9, $3  }
0x4be: {  	_ =	sdelay $0x1  }
0x4bf: {  	[sflag:s31] =	ssyncset.done $0x0  }
0x4c0: {  	[sflag:s31] =	ssyncadd.s32 $0xFFFF8000  }
0x4c1: {  	_ =	sfence.sel $0x180000  }
0x4c2: {  	[bflag:$0x0] =	sbarrier.arrive $0xFFFF  }
0x4c3: {  	_ =	strace $0x9000004A  }
0x4c4: {  	s0 =	stileid.u32;
	[bflag:$0x2] =	sbarrier.arrive $0xFFFF  }
0x4c5: {  	p0 =	sne.s32 s0, $0x0;
	s0 =	rddreg [dreg:$0x4]  }
0x4c6: {  	s0 =	sadd.s32 @!p0 $0x100000, s0  }
0x4c7: {  	[sflag:s0] =	ssyncadd.tile.s32 @!p0 $0x1;
	_ =	shalt  }
.Lfunc_end2:
_tile_overlayer_lowered:
.L_overlay_start_2:
0x4c8: {  	(tag) =	ssettag $0x2  }
0x4c9: {  	s0 =	rddreg [dreg:$0x0];
	s2 =	stileid.u32  }
0x4ca: {  	s1 =	rddreg [dreg:$0x1];
	p0 =	sne.s32 s2, $0x0  }
0x4cb: {  	s3 =	rddreg [dreg:$0x2];
	[bflag:$0x3] =	sbarrier.arrive $0xFFFF;
	s2 =	simm.s32 @!p0 $0x1C07  }
0x4cc: {  	[timem:s3], [sflag:s2] =	dma.local @!p0 [hbm:s0], s1  }
0x4cd: {  	s0 =	simm.s32 @!p0 $0x7  }
0x4ce: {  	_ =	swait.ge @!p0 [sflag:s0], s1  }
0x4cf: {  	s1 =	ssub.s32 @!p0 $0x0, s1;
	[sflag:s0] =	ssyncset.done @!p0 $0x0  }
0x4d0: {  	[sflag:s0] =	ssyncadd.s32 @!p0 s1  }
0x4d1: {  	[bflag:$0x3] =	sbarrier.arrive $0xFFFF  }
0x4d2: {  	_ =	shalt  }

// kernel: sparse-core-data-format-call.1.cloned.1.call-start
scs
called_computation.1_lowered:
.L_overlay_start_0:
0x0: {  	s2 =	sld [smem:$0x3FD9]  }
0x1: {  	s3 =	sld [smem:$0x3FFE];
	_ =	sdelay $0x1  }
0x2: {  	s1 =	srdreg.scid  }
0x3: {  	s0 =	sand.u32 $0x1, s1  }
0x4: {  	s19 =	sshll.u32 s0, $0xA;
	s2 =	sadd.s32 s3, s2  }
0x5: {  	s2 =	sadd.s32 s2, s19  }
0x6: {  	[smem:$0x3FC5] =	sst s2  }
0x7: {  	_ = 	snop  }
0x8: {  	s2 =	sld [smem:$0x3FC9]  }
0x9: {  	s20 =	sld [smem:$0x3FD0];
	(tm) =	ssettm $0x1  }
0xa: {  	s4 =	sld [smem:$0x3FFB];
	_ =	sdelay $0x3  }
0xb: {  	_ =	strace s4  }
0xc: {  	s4 =	sld [smem:$0x3FFC];
	_ =	sdelay $0x3  }
0xd: {  	_ =	strace s4  }
0xe: {  	s4 =	sld [smem:$0x3FFD];
	_ =	sdelay $0x3  }
0xf: {  	_ =	strace s4  }
0x10: {  	_ =	strace $0x8FFFFFFF  }
0x11: {  	s21 =	sld [smem:$0x3FDB];
	_ =	sdelay $0x1  }
0x12: {  	s5 =	simm.s32 $_scs_section_size  }
0x13: {  	s6 =	simm.s32 $_size__tile_overlayer_lowered;
	s7 =	simm.s32 $_tile_overlayer_lowered  }
0x14: {  	s24 =	simm.s32 $0x1BFF;
	s23 =	sshll.u32 s7, $0x1;
	s4 =	sadd.s32 s5, s21  }
0x15: {  	s8 =	simm.s32 $0x0;
	s22 =	sshll.u32 s6, $0x1;
	s6 =	sadd.s32 s23, s4  }
0x16: {  	[timem:s8], [sflag:s24] =	dma.local [hbm:s6], s22  }
0x17: {  	_ =	swait.ge [sflag:s24], s22  }
0x18: {  	s5 =	ssub.s32 $0x0, s22;
	[sflag:s24] =	ssyncset.done $0x0  }
0x19: {  	[sflag:s24] =	ssyncadd.s32 s5;
	_ =	sdelay $0x1  }
0x1a: {  	s25 =	simm.s32 $0x1B8B  }
0x1b: {  	_ =	swait.ge [sflag:s25], $0x1  }
0x1c: {  	[sflag:s25] =	ssyncset.done $0x0  }
0x1d: {  	s26 =	simm.s32 $0x1B8E;
	[sflag:s25] =	ssyncadd.s32 $0xFFFFFFFF  }
0x1e: {  	s27 =	simm.s32 $execute0_lowered;
	[smem:$0x3FD2] =	sst s26  }
0x1f: {  	s5 =	sshll.u32 s27, $0x1;
	_ =	strace $0x80000046;
	[dreg:$0x1] =	wrdreg $0xFFFFFFFF  }
0x20: {  	s28 =	simm.s32 $_size_execute0_lowered;
	s4 =	sadd.s32 s4, s5;
	[dreg:$0x0] =	wrdreg $0x0  }
0x21: {  	s5 =	sshll.u32 s28, $0x1;
	[dreg:$0x2] =	wrdreg s4  }
0x22: {  	[dreg:$0x3] =	wrdreg s5  }
0x23: {  	[dreg:$0x4] =	wrdreg $0xC0  }
0x24: {  	_ =	task [dreg:s8], $0x5FFFF  }
0x25: {  	[dreg:$0x1] =	wrdreg $0xFFFFFFFF  }
0x26: {  	[dreg:$0x0] =	wrdreg $0x60  }
0x27: {  	[dreg:$0x2] =	wrdreg s2  }
0x28: {  	[dreg:$0x3] =	wrdreg s20  }
0x29: {  	[dreg:$0x4] =	wrdreg $0x9  }
0x2a: {  	_ =	task.clear_ibuf [dreg:s8], $0x5FFFF;
	_ =	strace $0x90000046  }
0x2b: {  	s29 =	simm.s32 $0x9;
	_ =	strace $0x80000048  }
0x2c: {  	_ =	swait.ge [sflag:s29], $0x1  }
0x2d: {  	[sflag:s29] =	ssyncadd.s32 $0xFFFFFFFF  }
0x2e: {  	_ =	strace $0x90000048  }
0x2f: {  	_ =	sfence  }
0x30: {  	s30 =	sld [smem:$0x0];
	_ =	sdelay $0x2  }
0x31: {  	s31 =	sshll.u32 s1, $0xD;
	s1 =	sshrl.u32 s1, $0x2  }
0x32: {  	s3 =	sand.u32 $0x4000, s31;
	s1 =	sadd.s32 s1, s30  }
0x33: {  	s0 =	sor.u32 s3, s0;
	s1 =	sshll.u32 s1, $0x11  }
0x34: {  	s0 =	sor.u32 s1, s0  }
0x35: {  	s0 =	sadd.s32 $0x8F2B, s0  }
0x36: {  	[sflag:s0] =	ssyncadd.remote.s32 $0x1  }
0x37: {  	_ =	sfence.sel $0xFFFF  }
0x38: {  	[dreg:$0x0] =	wrdreg $0xFFFFFFFF;
	(pc) =	sbr.abs _section_cstart, $3  }
0x39: {  	[dreg:$0x1] =	wrdreg $0xFFFFFFFF  }
0x3a: {  	_ =	task.clear_ibuf [dreg:s8], $0x2FFFF;
	_ =	strace $0x9FFFFFFF  }
0x3b: {  	(tm) =	ssettm $0x7FFFFFFF  }
tec
execute0_lowered:
.L_overlay_start_1:
0x0: {  	(tag) =	ssettag $0x1  }
0x1: {  	s0 =	stileid.u32  }
0x2: {  	s1 =	srdreg.scid;
	s2 =	rddreg [dreg:$0x0]  }
0x3: {  	s8 =	simm.s32 $0x1;
	s9 =	simm.s32 $0x2;
	s14 =	simm.s32 $0x0  }
0x4: {  	s16 =	simm.s32 $0x0;
	s3 =	sshll.u32 s0, $0x1;
	s1 =	sshll.u32 s1, $0x5  }
0x5: {  	s15 =	simm.s32 $0x0;
	s10 =	simm.s32 $0x0;
	s1 =	sor.u32 s3, s1  }
0x6: {  	s13 =	simm.s32 $0x0;
	s5 =	sand.u32 $0x3, s0;
	s4 =	sand.u32 $0x38, s1  }
0x7: {  	s3 =	rddreg [dreg:$0x1];
	s12 =	smov.u32 s5;
	s7 =	ssub.s32 $0x800, s4  }
.Ltmp0:
0x8: {  	s1 =	rddreg [dreg:$0x2];
	s6 =	sand.u32 $0x38, s7;
	(pc) =	sbr.rel .LBB1_1-.Ltmp0, $4  }
0x9: {  	_ =	strace $0x80000047;
	p0 =	sne.s32 s6, $0x0;
	s6 =	simm.s32 $0x1  }
0xa: {  	s7 =	sshrl.u32 s7, $0x6;
	s8 =	simm.s32 @!p0 $0x0;
	[sflag:s6] =	ssyncpa.u1 $0x0  }
0xb: {  	s11 =	smov.u32 s4;
	s8 =	sadd.s32 s8, s7;
	[sflag:s9] =	ssyncpa.u1 $0x0  }
0xc: {  	s9 =	simm.s32 $0x0;
	s7 =	sshll.u32 s8, $0x1;
	s8 =	sshllo.u32 s8, $0x1  }
.LBB1_7:
0xd: {  	s17 =	sadd.s32 $0x800, s10  }
0xe: {  	s14 =	sadd.s32 $0x40, s11;
	s18 =	smov.u32 s11;
	p1 =	sgt.s32 s17, $0xFFF  }
0xf: {  	s18 =	smov.u32 @p1 s14  }
0x10: {  	s20 =	smov.u32 s12;
	s14 =	sadd.s32 $0x4, s12;
	p2 =	sgt.s32 s18, $0x7FF  }
0x11: {  	s20 =	smov.u32 @p2 s14  }
0x12: {  	s17 =	simm.s32 @p1 $0x0;
	p1 =	sgt.s32 s20, $0x3  }
0x13: {  	p0 =	slt.u32 s13, $0x2;
	s20 =	smov.u32 @p1 s5;
	p1 =	sne.s32 s13, s8  }
.Ltmp1:
0x14: {  	s19 =	simm.s32 @!p0 $0x2;
	(pc) =	sbr.rel @!p1 .LBB1_8-.Ltmp1, $4  }
0x15: {  	s16 =	smov.u32 s11;
	s15 =	smov.u32 s12;
	_ =	swait.ge @!p0 [sflag:s19], $0x4000  }
0x16: {  	s9 =	sadd.s32 $0x4000, s9;
	[sflag:s19] =	ssyncset.done @!p0 $0x0;
	s18 =	smov.u32 @p2 s4  }
0x17: {  	s14 =	smov.u32 s10;
	[sflag:s19] =	ssyncadd.s32 @!p0 $0xFFFFC000;
	s10 =	smov.u32 s17  }
0x18: {  	s11 =	smov.u32 s18;
	s13 =	sadd.s32 $0x1, s13;
	s12 =	smov.u32 s20  }
.LBB1_1:
0x19: {  	p0 =	sge.u32 s13, s7  }
0x1a: {  	s31 =	sadd.s32 $0xFFFFFFFF, s13;
	s17 =	sxor.u32 @!p0 $0xFFFFFFFF, s13;
	s18 =	sshll.u32 @!p0 s12, $0x14  }
0x1b: {  	s19 =	sshll.u32 @!p0 s11, $0x9;
	s20 =	sshrl.u32 @!p0 s10, $0x3;
	s18 =	sadd.s32 @!p0 s2, s18  }
0x1c: {  	s17 =	sshll.u32 @!p0 s17, $0xE;
	s18 =	sadd.s32 @!p0 s19, s18;
	s19 =	sand.u32 @!p0 $0x7, s10  }
0x1d: {  	s20 =	sand.u32 @!p0 $0x1FF, s20;
	s17 =	sand.u32 @!p0 $0x4000, s17;
	s19 =	sshll.u32 @!p0 s19, $0x12  }
0x1e: {  	s18 =	sadd.s32 @!p0 s20, s18;
	s20 =	simm.s32 @!p0 $0x1000;
	s19 =	sor.u32 @!p0 $0x800, s19  }
0x1f: {  	[tilespmem:s17], [sflag:$0x1] =	stream.strided.gather @!p0 [hbm4b:s18+s19], $0x4000, s20, s19, $0x38;
	[tilespmem:$0x10000] =	vst v63  }
0x20: {  	p0 =	sge.u32 s31, s7  }
.Ltmp2:
0x21: {  	_ = 	snop;
	(pc) =	sbr.rel @p0 .LBB1_7-.Ltmp2, $1  }
0x22: {  	_ =	sdelay $0x3  }
0x23: {  	s17 =	sand.u32 $0x4000, s9  }
0x24: {  	_ =	swait.ge [sflag:s6], $0x4000;
	s20 =	sshll.u32 s13, $0xE;
	s18 =	sor.u32 $0x100, s17  }
0x25: {  	s19 =	sor.u32 $0x8800, s17;
	[sflag:s6] =	ssyncset.done $0x0;
	s31 =	sand.u32 $0x4000, s20  }
0x26: {  	s20 =	simm.s32 $0x0;
	[sflag:s6] =	ssyncadd.s32 $0xFFFFC000;
	s17 =	sor.u32 $0x8000, s31  }
.LBB1_3:
0x27: {  	v0 =	vld [tilespmem:s18+$0xF0]  }
0x28: {  	v1 =	vld [tilespmem:s18+$0xFFFFFF10]  }
0x29: {  	v2 =	vld [tilespmem:s18+$0xFFFFFF20]  }
0x2a: {  	v3 =	vld [tilespmem:s18+$0xFFFFFF30]  }
0x2b: {  	v4 =	vld [tilespmem:s18+$0xFFFFFF40]  }
0x2c: {  	v5 =	vld [tilespmem:s18+$0xFFFFFF50];
	[tilespmem:s19+$0x470] =	vst v0  }
0x2d: {  	[tilespmem:s19+$0xFFFFF810] =	vst v1;
	v0 =	vld [tilespmem:s18+$0xFFFFFF60]  }
0x2e: {  	[tilespmem:s19+$0xFFFFF820] =	vst v2;
	v1 =	vld [tilespmem:s18+$0xFFFFFF70]  }
0x2f: {  	[tilespmem:s19+$0xFFFFF830] =	vst v3;
	v2 =	vld [tilespmem:s18+$0xFFFFFF80]  }
0x30: {  	[tilespmem:s19+$0xFFFFF840] =	vst v4;
	v3 =	vld [tilespmem:s18+$0xFFFFFF90]  }
0x31: {  	[tilespmem:s19+$0xFFFFF850] =	vst v5;
	v4 =	vld [tilespmem:s18+$0xFFFFFFA0]  }
0x32: {  	v5 =	vld [tilespmem:s18+$0xA0];
	[tilespmem:s19+$0xFFFFF860] =	vst v0  }
0x33: {  	v0 =	vld [tilespmem:s18+$0xFFFFFFB0];
	[tilespmem:s19+$0xFFFFF870] =	vst v1  }
0x34: {  	v1 =	vld [tilespmem:s18+$0xFFFFFFC0];
	[tilespmem:s19+$0xFFFFFC00] =	vst v2  }
0x35: {  	[tilespmem:s19+$0xFFFFFC10] =	vst v3;
	v3 =	vld [tilespmem:s18+$0xFFFFFFE0]  }
0x36: {  	[tilespmem:s19+$0xFFFFFC20] =	vst v4;
	v4 =	vld [tilespmem:s18+$0xFFFFFFF0]  }
0x37: {  	v2 =	vld [tilespmem:s18+$0xFFFFFFD0];
	[tilespmem:s19+$0x420] =	vst v5  }
0x38: {  	[tilespmem:s19+$0xFFFFFC30] =	vst v0;
	v0 =	vld [tilespmem:s18+$0x0]  }
0x39: {  	[tilespmem:s19+$0xFFFFFC40] =	vst v1;
	v1 =	vld [tilespmem:s18+$0x10]  }
0x3a: {  	[tilespmem:s19+$0xFFFFFC60] =	vst v3;
	v3 =	vld [tilespmem:s18+$0x30]  }
0x3b: {  	[tilespmem:s19+$0xFFFFFC70] =	vst v4;
	v4 =	vld [tilespmem:s18+$0x40]  }
0x3c: {  	[tilespmem:s19+$0xFFFFFC50] =	vst v2;
	v2 =	vld [tilespmem:s18+$0x20]  }
0x3d: {  	[tilespmem:s19+$0x0] =	vst v0;
	v0 =	vld [tilespmem:s18+$0x50]  }
0x3e: {  	[tilespmem:s19+$0x10] =	vst v1;
	v1 =	vld [tilespmem:s18+$0x60]  }
0x3f: {  	[tilespmem:s19+$0x30] =	vst v3;
	v3 =	vld [tilespmem:s18+$0x80]  }
0x40: {  	[tilespmem:s19+$0x40] =	vst v4;
	v4 =	vld [tilespmem:s18+$0x90]  }
0x41: {  	[tilespmem:s19+$0x20] =	vst v2;
	v2 =	vld [tilespmem:s18+$0x70]  }
0x42: {  	[tilespmem:s19+$0x50] =	vst v0;
	v0 =	vld [tilespmem:s18+$0xB0]  }
0x43: {  	[tilespmem:s19+$0x60] =	vst v1;
	v1 =	vld [tilespmem:s18+$0xC0]  }
0x44: {  	[tilespmem:s19+$0x400] =	vst v3;
	v3 =	vld [tilespmem:s18+$0xD0]  }
0x45: {  	[tilespmem:s19+$0x410] =	vst v4;
	v4 =	vld [tilespmem:s18+$0xE0]  }
0x46: {  	s22 =	simm.s32 $0x0;
	s23 =	sadd.s32 $0x200, s18;
	s21 =	smov.u32 s19;
	[tilespmem:s19+$0x70] =	vst v2;
	v2 =	vld [tilespmem:s18+$0xFFFFFF00]  }
.LBB1_4:
0x47: {  	v5 =	vld [tilespmem:s23+$0xF0];
	s22 =	sadd.s32 $0x200, s22;
	[tilespmem:s21+$0x430] =	vst v0  }
0x48: {  	v0 =	vld [tilespmem:s23+$0xFFFFFF10];
	p0 =	slt.u32 s22, $0x600;
	[tilespmem:s21+$0x440] =	vst v1  }
0x49: {  	v1 =	vld [tilespmem:s23+$0xFFFFFF20];
	[tilespmem:s21+$0x450] =	vst v3  }
0x4a: {  	v3 =	vld [tilespmem:s23+$0xFFFFFF30];
	[tilespmem:s21+$0x460] =	vst v4  }
0x4b: {  	v4 =	vld [tilespmem:s23+$0xFFFFFF40];
	[tilespmem:s21+$0xFFFFF800] =	vst v2;
	s21 =	sadd.s32 $0x1000, s21  }
0x4c: {  	v2 =	vld [tilespmem:s23+$0xFFFFFF50];
	[tilespmem:s21+$0x470] =	vst v5  }
0x4d: {  	[tilespmem:s21+$0xFFFFF810] =	vst v0;
	v0 =	vld [tilespmem:s23+$0xFFFFFF60]  }
0x4e: {  	[tilespmem:s21+$0xFFFFF820] =	vst v1;
	v1 =	vld [tilespmem:s23+$0xFFFFFF70]  }
0x4f: {  	[tilespmem:s21+$0xFFFFF830] =	vst v3;
	v3 =	vld [tilespmem:s23+$0xFFFFFF80]  }
0x50: {  	[tilespmem:s21+$0xFFFFF840] =	vst v4;
	v4 =	vld [tilespmem:s23+$0xFFFFFF90]  }
0x51: {  	[tilespmem:s21+$0xFFFFF850] =	vst v2;
	v2 =	vld [tilespmem:s23+$0xFFFFFFA0]  }
0x52: {  	[tilespmem:s21+$0xFFFFF860] =	vst v0;
	v0 =	vld [tilespmem:s23+$0xFFFFFFB0]  }
0x53: {  	[tilespmem:s21+$0xFFFFF870] =	vst v1;
	v1 =	vld [tilespmem:s23+$0xFFFFFFC0]  }
0x54: {  	[tilespmem:s21+$0xFFFFFC00] =	vst v3;
	v3 =	vld [tilespmem:s23+$0xFFFFFFD0]  }
0x55: {  	[tilespmem:s21+$0xFFFFFC10] =	vst v4;
	v4 =	vld [tilespmem:s23+$0xFFFFFFE0]  }
0x56: {  	[tilespmem:s21+$0xFFFFFC20] =	vst v2;
	v2 =	vld [tilespmem:s23+$0xFFFFFFF0]  }
0x57: {  	[tilespmem:s21+$0xFFFFFC30] =	vst v0;
	v0 =	vld [tilespmem:s23+$0x0]  }
0x58: {  	[tilespmem:s21+$0xFFFFFC40] =	vst v1;
	v1 =	vld [tilespmem:s23+$0x10]  }
0x59: {  	[tilespmem:s21+$0xFFFFFC50] =	vst v3;
	v3 =	vld [tilespmem:s23+$0x20]  }
0x5a: {  	[tilespmem:s21+$0xFFFFFC60] =	vst v4;
	v4 =	vld [tilespmem:s23+$0x30]  }
0x5b: {  	[tilespmem:s21+$0xFFFFFC70] =	vst v2;
	v2 =	vld [tilespmem:s23+$0x40]  }
0x5c: {  	[tilespmem:s21+$0x0] =	vst v0;
	v0 =	vld [tilespmem:s23+$0x50]  }
0x5d: {  	[tilespmem:s21+$0x10] =	vst v1;
	v1 =	vld [tilespmem:s23+$0x60]  }
0x5e: {  	[tilespmem:s21+$0x20] =	vst v3;
	v3 =	vld [tilespmem:s23+$0x70]  }
0x5f: {  	[tilespmem:s21+$0x30] =	vst v4;
	v4 =	vld [tilespmem:s23+$0x80]  }
0x60: {  	[tilespmem:s21+$0x40] =	vst v2;
	v2 =	vld [tilespmem:s23+$0x90]  }
0x61: {  	[tilespmem:s21+$0x50] =	vst v0;
	v5 =	vld [tilespmem:s23+$0xA0]  }
.Ltmp3:
0x62: {  	[tilespmem:s21+$0x60] =	vst v1;
	v0 =	vld [tilespmem:s23+$0xB0];
	(pc) =	sbr.rel @p0 .LBB1_4-.Ltmp3, $4  }
0x63: {  	[tilespmem:s21+$0x70] =	vst v3;
	v1 =	vld [tilespmem:s23+$0xC0]  }
0x64: {  	[tilespmem:s21+$0x400] =	vst v4;
	v3 =	vld [tilespmem:s23+$0xD0]  }
0x65: {  	[tilespmem:s21+$0x410] =	vst v2;
	v4 =	vld [tilespmem:s23+$0xE0]  }
0x66: {  	v2 =	vld [tilespmem:s23+$0xFFFFFF00];
	[tilespmem:s21+$0x420] =	vst v5;
	s23 =	sadd.s32 $0x200, s23  }
0x67: {  	s20 =	sadd.s32 $0x1, s20  }
0x68: {  	p0 =	sne.s32 s20, $0x8  }
.Ltmp4:
0x69: {  	[tilespmem:s21+$0x430] =	vst v0;
	(pc) =	sbr.rel @p0 .LBB1_3-.Ltmp4, $4  }
0x6a: {  	[tilespmem:s21+$0x440] =	vst v1  }
0x6b: {  	[tilespmem:s21+$0x450] =	vst v3  }
0x6c: {  	[tilespmem:s21+$0x460] =	vst v4  }
0x6d: {  	s18 =	sadd.s32 $0x800, s18;
	s19 =	sadd.s32 $0x80, s19;
	[tilespmem:s21+$0xFFFFF800] =	vst v2  }
0x6e: {  	s18 =	sand.u32 $0x78, s14;
	s19 =	sshll.u32 s16, $0xC;
	s20 =	sshll.u32 s14, $0x3  }
0x6f: {  	s29 =	sshll.u32 s16, $0x7;
	s15 =	sshll.u32 s15, $0x14;
	s19 =	sand.u32 $0x7F8000, s19  }
0x70: {  	s16 =	sand.u32 $0x380, s29;
	s19 =	sadd.s32 s19, s20;
	s20 =	sand.u32 $0xC00, s20  }
.Ltmp5:
0x71: {  	s16 =	sor.u32 s16, s18;
	s30 =	sshrl.u32 s19, $0x3;
	(pc) =	sbr.rel .LBB1_7-.Ltmp5, $4  }
0x72: {  	s15 =	sadd.s32 s3, s15;
	s16 =	sor.u32 s20, s16;
	s18 =	sand.u32 $0xFFE00, s30  }
0x73: {  	s16 =	sshrl.u32 s16, $0x3;
	s15 =	sadd.s32 s18, s15  }
0x74: {  	s31 =	sand.u32 $0x7, s14;
	s15 =	sadd.s32 s16, s15  }
0x75: {  	[hbm4b:s15+s31] =	stream.linear.scatter [tilespmem:s17], [sflag:$0x2], $0x4000, $0x38;
	[tilespmem:$0x10000] =	vst v63  }
.LBB1_8:
0x76: {  	_ =	sfence.sel $0x180000  }
0x77: {  	s2 =	simm.s32 $0x1;
	[bflag:$0x0] =	sbarrier.arrive $0xFFFF  }
0x78: {  	s31 =	simm.s32 $0x2;
	[sflag:s2] =	ssyncpa.u1 $0x1  }
0x79: {  	[sflag:s31] =	ssyncpa.u1 $0x1  }
0x7a: {  	p0 =	sne.s32 s0, $0x0;
	_ =	strace $0x90000047  }
0x7b: {  	s0 =	sadd.s32 @!p0 $0x100000, s1;
	[bflag:$0x2] =	sbarrier.arrive $0xFFFF  }
0x7c: {  	[sflag:s0] =	ssyncadd.tile.s32 @!p0 $0x1;
	_ =	shalt  }
.Lfunc_end1:
_tile_overlayer_lowered:
.L_overlay_start_2:
0x7d: {  	(tag) =	ssettag $0x2  }
0x7e: {  	s0 =	rddreg [dreg:$0x0];
	s2 =	stileid.u32  }
0x7f: {  	s1 =	rddreg [dreg:$0x1];
	p0 =	sne.s32 s2, $0x0  }
0x80: {  	s3 =	rddreg [dreg:$0x2];
	[bflag:$0x3] =	sbarrier.arrive $0xFFFF;
	s2 =	simm.s32 @!p0 $0x1C01  }
0x81: {  	[timem:s3], [sflag:s2] =	dma.local @!p0 [hbm:s0], s1  }
0x82: {  	s0 =	simm.s32 @!p0 $0x1  }
0x83: {  	_ =	swait.ge @!p0 [sflag:s0], s1  }
0x84: {  	s1 =	ssub.s32 @!p0 $0x0, s1;
	[sflag:s0] =	ssyncset.done @!p0 $0x0  }
0x85: {  	[sflag:s0] =	ssyncadd.s32 @!p0 s1  }
0x86: {  	[bflag:$0x3] =	sbarrier.arrive $0xFFFF  }
0x87: {  	_ =	shalt  }

// kernel: sparse-core-data-format-call.cloned.1.call-start
scs
called_computation_lowered:
.L_overlay_start_0:
0x0: {  	s2 =	sld [smem:$0x3FD9]  }
0x1: {  	s3 =	sld [smem:$0x3FFE];
	_ =	sdelay $0x1  }
0x2: {  	s1 =	srdreg.scid  }
0x3: {  	s0 =	sand.u32 $0x1, s1  }
0x4: {  	s18 =	sshll.u32 s0, $0xA;
	s2 =	sadd.s32 s3, s2  }
0x5: {  	s2 =	sadd.s32 s2, s18  }
0x6: {  	[smem:$0x3FC5] =	sst s2  }
0x7: {  	_ = 	snop  }
0x8: {  	s2 =	sld [smem:$0x3FD0];
	(tm) =	ssettm $0x1  }
0x9: {  	s19 =	sld [smem:$0x3FFB];
	_ =	sdelay $0x3  }
0xa: {  	_ =	strace s19  }
0xb: {  	s3 =	sld [smem:$0x3FFC];
	_ =	sdelay $0x3  }
0xc: {  	_ =	strace s3  }
0xd: {  	s3 =	sld [smem:$0x3FFD];
	_ =	sdelay $0x3  }
0xe: {  	_ =	strace s3  }
0xf: {  	_ =	strace $0x8FFFFFFF  }
0x10: {  	s20 =	sld [smem:$0x3FDB];
	_ =	sdelay $0x1  }
0x11: {  	s4 =	simm.s32 $_scs_section_size  }
0x12: {  	s5 =	simm.s32 $_size__tile_overlayer_lowered;
	s6 =	simm.s32 $_tile_overlayer_lowered  }
0x13: {  	s23 =	simm.s32 $0x1BFF;
	s22 =	sshll.u32 s6, $0x1;
	s3 =	sadd.s32 s4, s20  }
0x14: {  	s7 =	simm.s32 $0x0;
	s21 =	sshll.u32 s5, $0x1;
	s5 =	sadd.s32 s22, s3  }
0x15: {  	[timem:s7], [sflag:s23] =	dma.local [hbm:s5], s21  }
0x16: {  	_ =	swait.ge [sflag:s23], s21  }
0x17: {  	s4 =	ssub.s32 $0x0, s21;
	[sflag:s23] =	ssyncset.done $0x0  }
0x18: {  	[sflag:s23] =	ssyncadd.s32 s4;
	_ =	sdelay $0x1  }
0x19: {  	s24 =	simm.s32 $0x1B8B  }
0x1a: {  	_ =	swait.ge [sflag:s24], $0x1  }
0x1b: {  	[sflag:s24] =	ssyncset.done $0x0  }
0x1c: {  	s26 =	simm.s32 $0x1B8E;
	s25 =	sld [smem:$0x3FFE];
	[sflag:s24] =	ssyncadd.s32 $0xFFFFFFFF  }
0x1d: {  	s27 =	simm.s32 $execute0_lowered;
	[smem:$0x3FD2] =	sst s26  }
0x1e: {  	s5 =	sshll.u32 s27, $0x1;
	_ =	strace $0x8000004C;
	[dreg:$0x1] =	wrdreg $0xFFFFFFFF  }
0x1f: {  	s28 =	simm.s32 $_size_execute0_lowered;
	s3 =	sadd.s32 s3, s5;
	[dreg:$0x0] =	wrdreg $0x0  }
0x20: {  	s5 =	sshll.u32 s28, $0x1;
	[dreg:$0x2] =	wrdreg s3  }
0x21: {  	[dreg:$0x3] =	wrdreg s5  }
0x22: {  	[dreg:$0x4] =	wrdreg $0xC0  }
0x23: {  	_ =	task [dreg:s7], $0x5FFFF  }
0x24: {  	[dreg:$0x1] =	wrdreg $0xFFFFFFFF  }
0x25: {  	[dreg:$0x0] =	wrdreg $0x60  }
0x26: {  	[dreg:$0x2] =	wrdreg s25  }
0x27: {  	[dreg:$0x3] =	wrdreg s2  }
0x28: {  	[dreg:$0x4] =	wrdreg $0x9  }
0x29: {  	_ =	task.clear_ibuf [dreg:s7], $0x5FFFF;
	_ =	strace $0x9000004C  }
0x2a: {  	s29 =	simm.s32 $0x9;
	_ =	strace $0x8000004E  }
0x2b: {  	_ =	swait.ge [sflag:s29], $0x1  }
0x2c: {  	[sflag:s29] =	ssyncadd.s32 $0xFFFFFFFF  }
0x2d: {  	_ =	strace $0x9000004E  }
0x2e: {  	_ =	sfence  }
0x2f: {  	s30 =	sld [smem:$0x0];
	_ =	sdelay $0x2  }
0x30: {  	s31 =	sshll.u32 s1, $0xD;
	s1 =	sshrl.u32 s1, $0x2  }
0x31: {  	s3 =	sand.u32 $0x4000, s31;
	s1 =	sadd.s32 s1, s30  }
0x32: {  	s0 =	sor.u32 s3, s0;
	s1 =	sshll.u32 s1, $0x11  }
0x33: {  	s0 =	sor.u32 s1, s0  }
0x34: {  	s0 =	sadd.s32 $0x8F2B, s0  }
0x35: {  	[sflag:s0] =	ssyncadd.remote.s32 $0x1  }
0x36: {  	_ =	sfence.sel $0xFFFF  }
0x37: {  	[dreg:$0x0] =	wrdreg $0xFFFFFFFF;
	(pc) =	sbr.abs _section_cstart, $3  }
0x38: {  	[dreg:$0x1] =	wrdreg $0xFFFFFFFF  }
0x39: {  	_ =	task.clear_ibuf [dreg:s7], $0x2FFFF;
	_ =	strace $0x9FFFFFFF  }
0x3a: {  	(tm) =	ssettm $0x7FFFFFFF  }
0x3b: {  	_ =	shalt  }
tec
execute0_lowered:
.L_overlay_start_1:
0x0: {  	(tag) =	ssettag $0x1  }
0x1: {  	s0 =	stileid.u32;
	s4 =	rddreg [dreg:$0x0]  }
0x2: {  	s1 =	srdreg.scid;
	s2 =	rddreg [dreg:$0x1];
	s5 =	simm.s32 $0x1  }
0x3: {  	s8 =	simm.s32 $0x2;
	s15 =	simm.s32 $0x0;
	s10 =	simm.s32 $0x0  }
0x4: {  	s16 =	simm.s32 $0x0;
	s3 =	sshll.u32 s0, $0x1;
	s1 =	sshll.u32 s1, $0x5  }
0x5: {  	s17 =	simm.s32 $0x0;
	s11 =	simm.s32 $0x0;
	s3 =	sor.u32 s3, s1  }
0x6: {  	s14 =	simm.s32 $0x0;
	s4 =	sadd.s32 $0xC00, s4;
	s3 =	sand.u32 $0x38, s3  }
0x7: {  	s1 =	rddreg [dreg:$0x2];
	_ =	strace $0x8000004D;
	s6 =	ssub.s32 $0x800, s3  }
.Ltmp0:
0x8: {  	[sflag:s5] =	ssyncpa.u1 $0x0;
	s7 =	sand.u32 $0x38, s6;
	(pc) =	sbr.rel .LBB1_1-.Ltmp0, $4  }
0x9: {  	[sflag:s8] =	ssyncpa.u1 $0x0;
	p0 =	sne.s32 s7, $0x0;
	s7 =	simm.s32 $0x1  }
0xa: {  	s9 =	sshrl.u32 s6, $0x6;
	s6 =	sand.u32 $0x3, s0;
	s7 =	simm.s32 @!p0 $0x0  }
0xb: {  	s12 =	smov.u32 s3;
	s13 =	smov.u32 s6;
	s31 =	sadd.s32 s7, s9  }
0xc: {  	s9 =	simm.s32 $0x1000;
	s7 =	sshll.u32 s31, $0x1;
	s8 =	sshllo.u32 s31, $0x1  }
.LBB1_7:
0xd: {  	s18 =	sadd.s32 $0x800, s11  }
0xe: {  	s15 =	sadd.s32 $0x40, s12;
	s19 =	smov.u32 s12;
	p1 =	sgt.s32 s18, $0xFFF  }
0xf: {  	s19 =	smov.u32 @p1 s15  }
0x10: {  	s21 =	smov.u32 s13;
	s15 =	sadd.s32 $0x4, s13;
	p2 =	sgt.s32 s19, $0x7FF  }
0x11: {  	s21 =	smov.u32 @p2 s15  }
0x12: {  	s18 =	simm.s32 @p1 $0x0;
	p1 =	sgt.s32 s21, $0x3  }
0x13: {  	p0 =	slt.u32 s14, $0x2;
	s21 =	smov.u32 @p1 s6;
	p1 =	sne.s32 s14, s8  }
.Ltmp1:
0x14: {  	s20 =	simm.s32 @!p0 $0x2;
	(pc) =	sbr.rel @!p1 .LBB1_8-.Ltmp1, $4  }
0x15: {  	s16 =	smov.u32 s12;
	s17 =	smov.u32 s13;
	_ =	swait.ge @!p0 [sflag:s20], $0x4000  }
0x16: {  	s10 =	sadd.s32 $0x4000, s10;
	[sflag:s20] =	ssyncset.done @!p0 $0x0;
	s19 =	smov.u32 @p2 s3  }
0x17: {  	s15 =	smov.u32 s11;
	[sflag:s20] =	ssyncadd.s32 @!p0 $0xFFFFC000;
	s11 =	smov.u32 s18  }
0x18: {  	s12 =	smov.u32 s19;
	s14 =	sadd.s32 $0x1, s14;
	s13 =	smov.u32 s21  }
.LBB1_1:
0x19: {  	p0 =	sge.u32 s14, s7;
	s31 =	sadd.s32 $0xFFFFFFFF, s14  }
0x1a: {  	s18 =	sxor.u32 @!p0 $0xFFFFFFFF, s14;
	s19 =	sand.u32 @!p0 $0x78, s11;
	s20 =	sshll.u32 @!p0 s12, $0xC  }
0x1b: {  	s21 =	sshll.u32 @!p0 s11, $0x3;
	s22 =	sshll.u32 @!p0 s12, $0x7;
	s20 =	sand.u32 @!p0 $0x7F8000, s20  }
0x1c: {  	s22 =	sand.u32 @!p0 $0x380, s22;
	s20 =	sadd.s32 @!p0 s20, s21;
	s21 =	sand.u32 @!p0 $0xC00, s21  }
0x1d: {  	s19 =	sor.u32 @!p0 s22, s19;
	s22 =	sshll.u32 @!p0 s13, $0x14;
	s20 =	sshrl.u32 @!p0 s20, $0x3  }
0x1e: {  	s19 =	sor.u32 @!p0 s21, s19;
	s21 =	sadd.s32 @!p0 s4, s22;
	s20 =	sand.u32 @!p0 $0xFFE00, s20  }
0x1f: {  	s18 =	sshll.u32 @!p0 s18, $0xE;
	s19 =	sshrl.u32 @!p0 s19, $0x3;
	s20 =	sadd.s32 @!p0 s20, s21  }
0x20: {  	s18 =	sand.u32 @!p0 $0x4000, s18;
	s19 =	sadd.s32 @!p0 s19, s20;
	s20 =	sand.u32 @!p0 $0x7, s11  }
0x21: {  	[tilespmem:s18], [sflag:$0x1] =	stream.linear.gather @!p0 [hbm4b:s19+s20], $0x4000, $0x38;
	[tilespmem:$0x10000] =	vst v63  }
0x22: {  	p0 =	sge.u32 s31, s7  }
.Ltmp2:
0x23: {  	_ = 	snop;
	(pc) =	sbr.rel @p0 .LBB1_7-.Ltmp2, $1  }
0x24: {  	_ =	sdelay $0x3  }
0x25: {  	s18 =	sand.u32 $0x4000, s10  }
0x26: {  	_ =	swait.ge [sflag:s5], $0x4000;
	s21 =	sshll.u32 s14, $0xE;
	s19 =	sor.u32 $0x8100, s18  }
0x27: {  	s20 =	sor.u32 $0x800, s18;
	[sflag:s5] =	ssyncset.done $0x0;
	s31 =	sand.u32 $0x4000, s21  }
0x28: {  	s21 =	simm.s32 $0x0;
	[sflag:s5] =	ssyncadd.s32 $0xFFFFC000;
	s18 =	sor.u32 $0x8000, s31  }
.LBB1_3:
0x29: {  	v0 =	vld [tilespmem:s20+$0x470]  }
0x2a: {  	v1 =	vld [tilespmem:s20+$0xFFFFF810]  }
0x2b: {  	v2 =	vld [tilespmem:s20+$0xFFFFF820]  }
0x2c: {  	v3 =	vld [tilespmem:s20+$0xFFFFF830]  }
0x2d: {  	v4 =	vld [tilespmem:s20+$0xFFFFF840]  }
0x2e: {  	v5 =	vld [tilespmem:s20+$0xFFFFF850];
	[tilespmem:s19+$0xF0] =	vst v0  }
0x2f: {  	[tilespmem:s19+$0xFFFFFF10] =	vst v1;
	v0 =	vld [tilespmem:s20+$0xFFFFF860]  }
0x30: {  	[tilespmem:s19+$0xFFFFFF20] =	vst v2;
	v1 =	vld [tilespmem:s20+$0xFFFFF870]  }
0x31: {  	[tilespmem:s19+$0xFFFFFF30] =	vst v3;
	v2 =	vld [tilespmem:s20+$0xFFFFFC00]  }
0x32: {  	[tilespmem:s19+$0xFFFFFF40] =	vst v4;
	v3 =	vld [tilespmem:s20+$0xFFFFFC10]  }
0x33: {  	[tilespmem:s19+$0xFFFFFF50] =	vst v5;
	v4 =	vld [tilespmem:s20+$0xFFFFFC20]  }
0x34: {  	v5 =	vld [tilespmem:s20+$0x420];
	[tilespmem:s19+$0xFFFFFF60] =	vst v0  }
0x35: {  	v0 =	vld [tilespmem:s20+$0xFFFFFC30];
	[tilespmem:s19+$0xFFFFFF70] =	vst v1  }
0x36: {  	v1 =	vld [tilespmem:s20+$0xFFFFFC40];
	[tilespmem:s19+$0xFFFFFF80] =	vst v2  }
0x37: {  	[tilespmem:s19+$0xFFFFFF90] =	vst v3;
	v3 =	vld [tilespmem:s20+$0xFFFFFC60]  }
0x38: {  	[tilespmem:s19+$0xFFFFFFA0] =	vst v4;
	v4 =	vld [tilespmem:s20+$0xFFFFFC70]  }
0x39: {  	v2 =	vld [tilespmem:s20+$0xFFFFFC50];
	[tilespmem:s19+$0xA0] =	vst v5  }
0x3a: {  	[tilespmem:s19+$0xFFFFFFB0] =	vst v0;
	v0 =	vld [tilespmem:s20+$0x0]  }
0x3b: {  	[tilespmem:s19+$0xFFFFFFC0] =	vst v1;
	v1 =	vld [tilespmem:s20+$0x10]  }
0x3c: {  	[tilespmem:s19+$0xFFFFFFE0] =	vst v3;
	v3 =	vld [tilespmem:s20+$0x30]  }
0x3d: {  	[tilespmem:s19+$0xFFFFFFF0] =	vst v4;
	v4 =	vld [tilespmem:s20+$0x40]  }
0x3e: {  	[tilespmem:s19+$0xFFFFFFD0] =	vst v2;
	v2 =	vld [tilespmem:s20+$0x20]  }
0x3f: {  	[tilespmem:s19+$0x0] =	vst v0;
	v0 =	vld [tilespmem:s20+$0x50]  }
0x40: {  	[tilespmem:s19+$0x10] =	vst v1;
	v1 =	vld [tilespmem:s20+$0x60]  }
0x41: {  	[tilespmem:s19+$0x30] =	vst v3;
	v3 =	vld [tilespmem:s20+$0x400]  }
0x42: {  	[tilespmem:s19+$0x40] =	vst v4;
	v4 =	vld [tilespmem:s20+$0x410]  }
0x43: {  	[tilespmem:s19+$0x20] =	vst v2;
	v2 =	vld [tilespmem:s20+$0x70]  }
0x44: {  	[tilespmem:s19+$0x50] =	vst v0;
	v0 =	vld [tilespmem:s20+$0x430]  }
0x45: {  	[tilespmem:s19+$0x60] =	vst v1;
	v1 =	vld [tilespmem:s20+$0x440]  }
0x46: {  	[tilespmem:s19+$0x80] =	vst v3;
	v3 =	vld [tilespmem:s20+$0x450]  }
0x47: {  	[tilespmem:s19+$0x90] =	vst v4;
	v4 =	vld [tilespmem:s20+$0x460]  }
0x48: {  	s23 =	simm.s32 $0x0;
	s24 =	sadd.s32 $0x1000, s20;
	s22 =	smov.u32 s19;
	[tilespmem:s19+$0x70] =	vst v2;
	v2 =	vld [tilespmem:s20+$0xFFFFF800]  }
.LBB1_4:
0x49: {  	v5 =	vld [tilespmem:s24+$0x470];
	s23 =	sadd.s32 $0x200, s23;
	[tilespmem:s22+$0xB0] =	vst v0  }
0x4a: {  	v0 =	vld [tilespmem:s24+$0xFFFFF810];
	p0 =	slt.u32 s23, $0x600;
	[tilespmem:s22+$0xC0] =	vst v1  }
0x4b: {  	v1 =	vld [tilespmem:s24+$0xFFFFF820];
	[tilespmem:s22+$0xD0] =	vst v3  }
0x4c: {  	v3 =	vld [tilespmem:s24+$0xFFFFF830];
	[tilespmem:s22+$0xE0] =	vst v4  }
0x4d: {  	v4 =	vld [tilespmem:s24+$0xFFFFF840];
	[tilespmem:s22+$0xFFFFFF00] =	vst v2;
	s22 =	sadd.s32 $0x200, s22  }
0x4e: {  	v2 =	vld [tilespmem:s24+$0xFFFFF850];
	[tilespmem:s22+$0xF0] =	vst v5  }
0x4f: {  	[tilespmem:s22+$0xFFFFFF10] =	vst v0;
	v0 =	vld [tilespmem:s24+$0xFFFFF860]  }
0x50: {  	[tilespmem:s22+$0xFFFFFF20] =	vst v1;
	v1 =	vld [tilespmem:s24+$0xFFFFF870]  }
0x51: {  	[tilespmem:s22+$0xFFFFFF30] =	vst v3;
	v3 =	vld [tilespmem:s24+$0xFFFFFC00]  }
0x52: {  	[tilespmem:s22+$0xFFFFFF40] =	vst v4;
	v4 =	vld [tilespmem:s24+$0xFFFFFC10]  }
0x53: {  	[tilespmem:s22+$0xFFFFFF50] =	vst v2;
	v2 =	vld [tilespmem:s24+$0xFFFFFC20]  }
0x54: {  	[tilespmem:s22+$0xFFFFFF60] =	vst v0;
	v0 =	vld [tilespmem:s24+$0xFFFFFC30]  }
0x55: {  	[tilespmem:s22+$0xFFFFFF70] =	vst v1;
	v1 =	vld [tilespmem:s24+$0xFFFFFC40]  }
0x56: {  	[tilespmem:s22+$0xFFFFFF80] =	vst v3;
	v3 =	vld [tilespmem:s24+$0xFFFFFC50]  }
0x57: {  	[tilespmem:s22+$0xFFFFFF90] =	vst v4;
	v4 =	vld [tilespmem:s24+$0xFFFFFC60]  }
0x58: {  	[tilespmem:s22+$0xFFFFFFA0] =	vst v2;
	v2 =	vld [tilespmem:s24+$0xFFFFFC70]  }
0x59: {  	[tilespmem:s22+$0xFFFFFFB0] =	vst v0;
	v0 =	vld [tilespmem:s24+$0x0]  }
0x5a: {  	[tilespmem:s22+$0xFFFFFFC0] =	vst v1;
	v1 =	vld [tilespmem:s24+$0x10]  }
0x5b: {  	[tilespmem:s22+$0xFFFFFFD0] =	vst v3;
	v3 =	vld [tilespmem:s24+$0x20]  }
0x5c: {  	[tilespmem:s22+$0xFFFFFFE0] =	vst v4;
	v4 =	vld [tilespmem:s24+$0x30]  }
0x5d: {  	[tilespmem:s22+$0xFFFFFFF0] =	vst v2;
	v2 =	vld [tilespmem:s24+$0x40]  }
0x5e: {  	[tilespmem:s22+$0x0] =	vst v0;
	v0 =	vld [tilespmem:s24+$0x50]  }
0x5f: {  	[tilespmem:s22+$0x10] =	vst v1;
	v1 =	vld [tilespmem:s24+$0x60]  }
0x60: {  	[tilespmem:s22+$0x20] =	vst v3;
	v3 =	vld [tilespmem:s24+$0x70]  }
0x61: {  	[tilespmem:s22+$0x30] =	vst v4;
	v4 =	vld [tilespmem:s24+$0x400]  }
0x62: {  	[tilespmem:s22+$0x40] =	vst v2;
	v2 =	vld [tilespmem:s24+$0x410]  }
0x63: {  	[tilespmem:s22+$0x50] =	vst v0;
	v5 =	vld [tilespmem:s24+$0x420]  }
.Ltmp3:
0x64: {  	[tilespmem:s22+$0x60] =	vst v1;
	v0 =	vld [tilespmem:s24+$0x430];
	(pc) =	sbr.rel @p0 .LBB1_4-.Ltmp3, $4  }
0x65: {  	[tilespmem:s22+$0x70] =	vst v3;
	v1 =	vld [tilespmem:s24+$0x440]  }
0x66: {  	[tilespmem:s22+$0x80] =	vst v4;
	v3 =	vld [tilespmem:s24+$0x450]  }
0x67: {  	[tilespmem:s22+$0x90] =	vst v2;
	v4 =	vld [tilespmem:s24+$0x460]  }
0x68: {  	v2 =	vld [tilespmem:s24+$0xFFFFF800];
	[tilespmem:s22+$0xA0] =	vst v5;
	s24 =	sadd.s32 $0x1000, s24  }
0x69: {  	s21 =	sadd.s32 $0x1, s21  }
0x6a: {  	p0 =	sne.s32 s21, $0x8  }
.Ltmp4:
0x6b: {  	[tilespmem:s22+$0xB0] =	vst v0;
	(pc) =	sbr.rel @p0 .LBB1_3-.Ltmp4, $4  }
0x6c: {  	[tilespmem:s22+$0xC0] =	vst v1  }
0x6d: {  	[tilespmem:s22+$0xD0] =	vst v3  }
0x6e: {  	[tilespmem:s22+$0xE0] =	vst v4  }
0x6f: {  	s19 =	sadd.s32 $0x800, s19;
	s20 =	sadd.s32 $0x80, s20;
	[tilespmem:s22+$0xFFFFFF00] =	vst v2  }
.Ltmp5:
0x70: {  	s17 =	sshll.u32 s17, $0x14;
	s16 =	sshll.u32 s16, $0x9;
	(pc) =	sbr.rel .LBB1_7-.Ltmp5, $4  }
0x71: {  	s19 =	sshrl.u32 s15, $0x3;
	s31 =	sand.u32 $0x7, s15;
	s17 =	sadd.s32 s2, s17  }
0x72: {  	s19 =	sand.u32 $0x1FF, s19;
	s15 =	sshll.u32 s31, $0x12;
	s16 =	sadd.s32 s16, s17  }
0x73: {  	s15 =	sor.u32 $0x800, s15;
	s16 =	sadd.s32 s19, s16  }
0x74: {  	[hbm4b:s16+s15] =	stream.strided.scatter [tilespmem:s18], [sflag:$0x2], $0x4000, s9, s15, $0x38;
	[tilespmem:$0x10000] =	vst v63  }
.LBB1_8:
0x75: {  	_ =	sfence.sel $0x180000  }
0x76: {  	s2 =	simm.s32 $0x1;
	[bflag:$0x0] =	sbarrier.arrive $0xFFFF  }
0x77: {  	s31 =	simm.s32 $0x2;
	[sflag:s2] =	ssyncpa.u1 $0x1  }
0x78: {  	[sflag:s31] =	ssyncpa.u1 $0x1  }
0x79: {  	p0 =	sne.s32 s0, $0x0;
	_ =	strace $0x9000004D  }
0x7a: {  	s0 =	sadd.s32 @!p0 $0x100000, s1;
	[bflag:$0x2] =	sbarrier.arrive $0xFFFF  }
0x7b: {  	[sflag:s0] =	ssyncadd.tile.s32 @!p0 $0x1;
	_ =	shalt  }
.Lfunc_end1:
_tile_overlayer_lowered:
.L_overlay_start_2:
0x7c: {  	(tag) =	ssettag $0x2  }
0x7d: {  	s0 =	rddreg [dreg:$0x0];
	s2 =	stileid.u32  }
0x7e: {  	s1 =	rddreg [dreg:$0x1];
	p0 =	sne.s32 s2, $0x0  }
0x7f: {  	s3 =	rddreg [dreg:$0x2];
	[bflag:$0x3] =	sbarrier.arrive $0xFFFF;
	s2 =	simm.s32 @!p0 $0x1C01  }
0x80: {  	[timem:s3], [sflag:s2] =	dma.local @!p0 [hbm:s0], s1  }
0x81: {  	s0 =	simm.s32 @!p0 $0x1  }
0x82: {  	_ =	swait.ge @!p0 [sflag:s0], s1  }
0x83: {  	s1 =	ssub.s32 @!p0 $0x0, s1;
	[sflag:s0] =	ssyncset.done @!p0 $0x0  }
0x84: {  	[sflag:s0] =	ssyncadd.s32 @!p0 s1  }
0x85: {  	[bflag:$0x3] =	sbarrier.arrive $0xFFFF  }
0x86: {  	_ =	shalt  }

</sc_bundles>
